<compile_context>
chip_gen: v7x
topology: tpu7x:2x2x1
jax: 0.10.2.dev20260603
libtpu: 0.0.44.dev20260713+nightly
codegen_flags: <defaults>
</compile_context>

<pallas_src>
import functools

import jax
import jax.numpy as jnp
from jax import lax
from jax.experimental import pallas as pl
from jax.experimental.pallas import tpu as pltpu
from jax.experimental.pallas import tpu_sc as plsc

N = 50000
E_RAW = 800000
E_TOT = E_RAW + N
E_PAD = 851968

EB = 2048
NB = 2000

NW = 32
GCB = 512



def _proj_body(x_ref, w_ref, b_ref, o_ref):
    o_ref[...] = (
        jnp.dot(x_ref[...], w_ref[...], preferred_element_type=jnp.float32)
        + b_ref[...]
    )


def _proj(x, w, b):
    n, din = x.shape
    d = w.shape[1]
    grid = n // NB
    return pl.pallas_call(
        _proj_body,
        grid=(grid,),
        in_specs=[
            pl.BlockSpec((NB, din), lambda i: (i, 0)),
            pl.BlockSpec((din, d), lambda i: (0, 0)),
            pl.BlockSpec((1, d), lambda i: (0, 0)),
        ],
        out_specs=pl.BlockSpec((NB, d), lambda i: (i, 0)),
        out_shape=jax.ShapeDtypeStruct((n, d), jnp.float32),
    )(x, w, b.reshape(1, d))


def _alpha_body(gl_ref, gr_ref, att_ref, a_ref, m_ref, *, h):
    e = gl_ref[...] + gr_ref[...]
    e = jnp.where(e > 0, e, 0.2 * e)
    eb = e.shape[0]
    a = (e.reshape(eb, h, 16) * att_ref[...]).sum(-1)
    if h < 8:
        a = jnp.pad(a, ((0, 0), (0, 8 - h)))
    a_ref[...] = a
    m_ref[...] = jnp.max(a, axis=0, keepdims=True)[None]


def _alpha(gl, gr, att):
    h = att.shape[0]
    d = gl.shape[1]
    grid = E_PAD // EB
    return pl.pallas_call(
        functools.partial(_alpha_body, h=h),
        grid=(grid,),
        in_specs=[
            pl.BlockSpec((EB, d), lambda i: (i, 0)),
            pl.BlockSpec((EB, d), lambda i: (i, 0)),
            pl.BlockSpec((h, 16), lambda i: (0, 0)),
        ],
        out_specs=[
            pl.BlockSpec((EB, 8), lambda i: (i, 0)),
            pl.BlockSpec((1, 1, 8), lambda i: (i, 0, 0)),
        ],
        out_shape=[
            jax.ShapeDtypeStruct((E_PAD, 8), jnp.float32),
            jax.ShapeDtypeStruct((grid, 1, 8), jnp.float32),
        ],
    )(gl, gr, att)


def _msg_body(gl_ref, a_ref, k_ref, msg_ref, s_ref, *, h):
    s = jnp.exp(a_ref[...] - k_ref[...])
    sexp = jnp.repeat(s[:, :h], 16, axis=1)
    msg_ref[...] = gl_ref[...] * sexp
    s_ref[...] = jnp.pad(s, ((0, 0), (0, 8)))


def _msg(gl, alpha, kmax, h):
    d = gl.shape[1]
    grid = E_PAD // EB
    return pl.pallas_call(
        functools.partial(_msg_body, h=h),
        grid=(grid,),
        in_specs=[
            pl.BlockSpec((EB, d), lambda i: (i, 0)),
            pl.BlockSpec((EB, 8), lambda i: (i, 0)),
            pl.BlockSpec((1, 1), lambda i: (0, 0)),
        ],
        out_specs=[
            pl.BlockSpec((EB, d), lambda i: (i, 0)),
            pl.BlockSpec((EB, 16), lambda i: (i, 0)),
        ],
        out_shape=[
            jax.ShapeDtypeStruct((E_PAD, d), jnp.float32),
            jax.ShapeDtypeStruct((E_PAD, 16), jnp.float32),
        ],
    )(gl, alpha, kmax.reshape(1, 1))


def _final_body(acc_ref, den_ref, b_ref, g_ref, bb_ref, o_ref, *, h, bn, elu):
    den = den_ref[...][:, :h]
    dexp = jnp.repeat(den, 16, axis=1) + 1e-35
    o = acc_ref[...] / dexp + b_ref[...]
    if bn:
        o = o / jnp.sqrt(jnp.float32(1.0 + 1e-5)) * g_ref[...] + bb_ref[...]
    if elu:
        o = jnp.where(o > 0, o, jnp.exp(jnp.minimum(o, 0.0)) - 1.0)
    o_ref[...] = o


def _final(acc, den, bias, g, bb, h, bn, elu):
    d = acc.shape[1]
    grid = N // NB
    return pl.pallas_call(
        functools.partial(_final_body, h=h, bn=bn, elu=elu),
        grid=(grid,),
        in_specs=[
            pl.BlockSpec((NB, d), lambda i: (i, 0)),
            pl.BlockSpec((NB, 16), lambda i: (i, 0)),
            pl.BlockSpec((1, d), lambda i: (0, 0)),
            pl.BlockSpec((1, d), lambda i: (0, 0)),
            pl.BlockSpec((1, d), lambda i: (0, 0)),
        ],
        out_specs=pl.BlockSpec((NB, d), lambda i: (i, 0)),
        out_shape=jax.ShapeDtypeStruct((N, d), jnp.float32),
    )(acc, den, bias.reshape(1, d), g.reshape(1, d), bb.reshape(1, d))



_SC_MESH = plsc.VectorSubcoreMesh(core_axis_name="c", subcore_axis_name="s")


def _gather_rows(table, idx):
    d = table.shape[1]
    b_per_w = E_PAD // NW
    gcb = 416 if d >= 128 else (832 if d == 64 else 1024)

    @functools.partial(
        pl.kernel,
        out_type=jax.ShapeDtypeStruct((E_PAD, d), jnp.float32),
        mesh=_SC_MESH,
        compiler_params=pltpu.CompilerParams(use_tc_tiling_on_sc=False),
        scratch_types=[
            pltpu.VMEM((gcb,), jnp.int32),
            pltpu.VMEM((gcb,), jnp.int32),
            pltpu.VMEM((gcb, d), jnp.float32),
            pltpu.VMEM((gcb, d), jnp.float32),
            pltpu.SemaphoreType.DMA,
            pltpu.SemaphoreType.DMA,
            pltpu.SemaphoreType.DMA,
            pltpu.SemaphoreType.DMA,
            pltpu.SemaphoreType.DMA,
            pltpu.SemaphoreType.DMA,
        ],
    )
    def k(table_hbm, idx_hbm, out_hbm, idx0, idx1, rows0, rows1,
          si0, si1, sg0, sg1, sw0, sw1):
        wid = lax.axis_index("s") * 2 + lax.axis_index("c")
        base = wid * b_per_w

        def body(i, carry):
            o0 = base + (2 * i) * gcb
            o1 = o0 + gcb
            hi0 = pltpu.async_copy(idx_hbm.at[pl.ds(o0, gcb)], idx0, si0)
            hi1 = pltpu.async_copy(idx_hbm.at[pl.ds(o1, gcb)], idx1, si1)
            hi0.wait()
            g0 = pltpu.async_copy(table_hbm.at[idx0], rows0, sg0)
            hi1.wait()
            g1 = pltpu.async_copy(table_hbm.at[idx1], rows1, sg1)
            g0.wait()
            w0 = pltpu.async_copy(rows0, out_hbm.at[pl.ds(o0, gcb)], sw0)
            g1.wait()
            w1 = pltpu.async_copy(rows1, out_hbm.at[pl.ds(o1, gcb)], sw1)
            w0.wait()
            w1.wait()
            return carry

        lax.fori_loop(0, b_per_w // (2 * gcb), body, 0)

    return k(table, idx)


def _scatter_add_rows(vals, idx, n):
    del n
    d = vals.shape[1]
    nchunk = 4 if d > 64 else 2
    ch = 50048 // nchunk
    acc_rows = ch + 16
    zpt = acc_rows // 16
    wpt = ch // 16
    ept = E_PAD // 16
    sb = 128 if d >= 128 else (256 if d == 64 else 512)
    zeros = jnp.zeros((acc_rows, d), jnp.float32)

    @functools.partial(
        pl.kernel,
        out_type=jax.ShapeDtypeStruct((50048, d), jnp.float32),
        mesh=_SC_MESH,
        compiler_params=pltpu.CompilerParams(use_tc_tiling_on_sc=False),
        scratch_types=[
            pltpu.VMEM_SHARED((acc_rows, d), jnp.float32),
            pltpu.VMEM((sb,), jnp.int32),
            pltpu.VMEM((sb,), jnp.int32),
            pltpu.VMEM((sb, d), jnp.float32),
        ],
    )
    def k(vals_hbm, dst_hbm, zeros_hbm, out_hbm, acc, dstv, lidxv, rowsv):
        cid = lax.axis_index("c")
        sid = lax.axis_index("s")
        for kk in range(nchunk // 2):
            base = (cid * (nchunk // 2) + kk) * ch
            pltpu.sync_copy(zeros_hbm.at[pl.ds(sid * zpt, zpt)],
                            acc.at[pl.ds(sid * zpt, zpt)])
            plsc.subcore_barrier()

            def body(j, carry):
                off = sid * ept + j * sb
                pltpu.sync_copy(dst_hbm.at[pl.ds(off, sb)], dstv)
                pltpu.sync_copy(vals_hbm.at[pl.ds(off, sb)], rowsv)

                def vb(i, c2):
                    v = dstv[pl.ds(i * 16, 16)]
                    m = (v >= base) & (v < base + ch)
                    lidxv[pl.ds(i * 16, 16)] = jnp.where(m, v - base, ch)
                    return c2

                lax.fori_loop(0, sb // 16, vb, 0)
                pltpu.sync_copy(rowsv, acc.at[lidxv], add=True)
                return carry

            lax.fori_loop(0, ept // sb, body, 0)
            plsc.subcore_barrier()
            pltpu.sync_copy(acc.at[pl.ds(sid * wpt, wpt)],
                            out_hbm.at[pl.ds(base + sid * wpt, wpt)])

    return k(vals, idx, zeros)



def _gat_layer(x, src, dst, wl, bl, wr, br, att, bias, h, bn_g, bn_b,
               use_bn, use_elu):
    d = wl.shape[1]
    xl = _proj(x, wl, bl)
    xr = _proj(x, wr, br)
    gl = _gather_rows(xl, src)
    gr = _gather_rows(xr, dst)
    alpha, bmax = _alpha(gl, gr, att)
    kmax = jnp.max(bmax)
    msg, spad = _msg(gl, alpha, kmax, h)
    acc = _scatter_add_rows(msg, dst, 50048)
    den = _scatter_add_rows(spad, dst, 50048)
    return _final(acc, den, bias, bn_g, bn_b, h, use_bn, use_elu)


def kernel(x, edge_index, W1l, b1l, W1r, b1r, att1, bias1, bn1_g, bn1_b,
           W2l, b2l, W2r, b2r, att2, bias2, bn2_g, bn2_b,
           W3l, b3l, W3r, b3r, att3, bias3):
    loop = jnp.arange(N, dtype=jnp.int32)
    srcpad = jnp.zeros((E_PAD - E_TOT,), jnp.int32)
    dstpad = jnp.full((E_PAD - E_TOT,), N, jnp.int32)
    src = jnp.concatenate([edge_index[0].astype(jnp.int32), loop, srcpad])
    dst = jnp.concatenate([edge_index[1].astype(jnp.int32), loop, dstpad])

    h1 = _gat_layer(x, src, dst, W1l, b1l, W1r, b1r, att1, bias1, 8,
                    bn1_g, bn1_b, True, True)
    h2 = _gat_layer(h1, src, dst, W2l, b2l, W2r, b2r, att2, bias2, 4,
                    bn2_g, bn2_b, True, True)

    w3l_p = jnp.pad(W3l, ((0, 0), (0, 14)))
    b3l_p = jnp.pad(b3l, (0, 14))
    w3r_p = jnp.pad(W3r, ((0, 0), (0, 14)))
    b3r_p = jnp.pad(b3r, (0, 14))
    att3_p = jnp.pad(att3, ((0, 0), (0, 14)))
    bias3_p = jnp.pad(bias3, (0, 14))
    zeros16 = jnp.zeros((16,), jnp.float32)
    h3 = _gat_layer(h2, src, dst, w3l_p, b3l_p, w3r_p, b3r_p, att3_p,
                    bias3_p, 1, zeros16, zeros16, False, False)
    return h3[:, :2]

# --- scband reference (transcript-rebuilt; emitter-appended) ---
"""Pipeline reference for scband-gatnet-17970143166801 (READ-ONLY COPY).

The authoritative reference and input builder live on the scoring server;
editing this copy changes nothing except your own understanding.
"""

import jax, jax.numpy as jnp
import numpy as np

N = 50000
E = 800000


def glorot(k, shape):
    lim = np.sqrt(6.0 / (shape[0] + shape[1]))
    return jax.random.uniform(k, shape, jnp.float32, -lim, lim)


def setup_inputs(seed: int = 0):
    key = jax.random.key(seed)
    ks = jax.random.split(key, 30)
    inp = {}
    inp['x'] = jax.random.normal(ks[0], (N, 2), jnp.float32)
    inp['edge_index'] = jax.random.randint(ks[1], (2, E), 0, N)
    # layer 1: in=2, heads=8, out=16 -> 128
    inp['W1l'] = glorot(ks[2], (2, 128)); inp['b1l'] = jnp.zeros((128,), jnp.float32)
    inp['W1r'] = glorot(ks[3], (2, 128)); inp['b1r'] = jnp.zeros((128,), jnp.float32)
    inp['att1'] = glorot(ks[4], (8, 16)); inp['bias1'] = jnp.zeros((128,), jnp.float32)
    inp['bn1_g'] = jnp.ones((128,), jnp.float32); inp['bn1_b'] = jnp.zeros((128,), jnp.float32)
    # layer 2: in=128, heads=4, out=16 -> 64
    inp['W2l'] = glorot(ks[5], (128, 64)); inp['b2l'] = jnp.zeros((64,), jnp.float32)
    inp['W2r'] = glorot(ks[6], (128, 64)); inp['b2r'] = jnp.zeros((64,), jnp.float32)
    inp['att2'] = glorot(ks[7], (4, 16)); inp['bias2'] = jnp.zeros((64,), jnp.float32)
    inp['bn2_g'] = jnp.ones((64,), jnp.float32); inp['bn2_b'] = jnp.zeros((64,), jnp.float32)
    # layer 3: in=64, heads=1, out=2, concat=False
    inp['W3l'] = glorot(ks[8], (64, 2)); inp['b3l'] = jnp.zeros((2,), jnp.float32)
    inp['W3r'] = glorot(ks[9], (64, 2)); inp['b3r'] = jnp.zeros((2,), jnp.float32)
    inp['att3'] = glorot(ks[10], (1, 2)); inp['bias3'] = jnp.zeros((2,), jnp.float32)
    return inp


def gatv2(x, src, dst, Wl, bl, Wr, br, att, bias, heads, out_ch, concat, n):
    xl = (x @ Wl + bl).reshape(n, heads, out_ch)
    xr = (x @ Wr + br).reshape(n, heads, out_ch)
    e = xl[src] + xr[dst]
    e = jax.nn.leaky_relu(e, 0.2)
    alpha = (e * att[None, :, :]).sum(-1)  # [E, H]
    amax = jax.ops.segment_max(alpha, dst, num_segments=n)
    amax = jax.lax.stop_gradient(jnp.where(jnp.isfinite(amax), amax, 0.0))
    alpha = jnp.exp(alpha - amax[dst])
    denom = jax.ops.segment_sum(alpha, dst, num_segments=n)
    alpha = alpha / (denom[dst] + 1e-16)
    msg = xl[src] * alpha[:, :, None]
    out = jax.ops.segment_sum(msg, dst, num_segments=n)
    if concat:
        out = out.reshape(n, heads * out_ch)
    else:
        out = out.mean(axis=1)
    return out + bias


def bn_eval(x, g, b):
    # BatchNorm1d in eval mode with default running stats (mean=0, var=1)
    return x / np.sqrt(1.0 + 1e-5) * g + b


def reference(x, edge_index, W1l, b1l, W1r, b1r, att1, bias1, bn1_g, bn1_b,
              W2l, b2l, W2r, b2r, att2, bias2, bn2_g, bn2_b,
              W3l, b3l, W3r, b3r, att3, bias3):
    n = x.shape[0]
    loop = jnp.arange(n, dtype=edge_index.dtype)
    src = jnp.concatenate([edge_index[0], loop])
    dst = jnp.concatenate([edge_index[1], loop])
    h = gatv2(x, src, dst, W1l, b1l, W1r, b1r, att1, bias1, 8, 16, True, n)
    h = bn_eval(h, bn1_g, bn1_b)
    h = jax.nn.elu(h)  # dropout = identity in eval
    h = gatv2(h, src, dst, W2l, b2l, W2r, b2r, att2, bias2, 4, 16, True, n)
    h = bn_eval(h, bn2_g, bn2_b)
    h = jax.nn.elu(h)
    h = gatv2(h, src, dst, W3l, b3l, W3r, b3r, att3, bias3, 1, 2, False, n)
    return h

if __name__ == "__main__":
    import jax
    _d = setup_inputs()
    print(jax.jit(kernel)(*tuple(_d.values())))

</pallas_src>

<mosaic_0001>
#map = affine_map<(d0, d1) -> (0, 0)>
#map1 = affine_map<(d0, d1) -> (0)>
module attributes {stable_mosaic.version = 14 : i64} {
  func.func @k(%arg0: i32, %arg1: i32, %arg2: memref<50000x128xf32, #tpu.memory_space<hbm>>, %arg3: memref<851968xi32, #tpu.memory_space<hbm>>, %arg4: memref<851968x128xf32, #tpu.memory_space<hbm>>, %arg5: memref<416xi32, #tpu.memory_space<vmem>>, %arg6: memref<416xi32, #tpu.memory_space<vmem>>, %arg7: memref<416x128xf32, #tpu.memory_space<vmem>>, %arg8: memref<416x128xf32, #tpu.memory_space<vmem>>, %arg9: memref<!tpu.dma_semaphore, #tpu.memory_space<semaphore_mem>>, %arg10: memref<!tpu.dma_semaphore, #tpu.memory_space<semaphore_mem>>, %arg11: memref<!tpu.dma_semaphore, #tpu.memory_space<semaphore_mem>>, %arg12: memref<!tpu.dma_semaphore, #tpu.memory_space<semaphore_mem>>, %arg13: memref<!tpu.dma_semaphore, #tpu.memory_space<semaphore_mem>>, %arg14: memref<!tpu.dma_semaphore, #tpu.memory_space<semaphore_mem>>) attributes {dimension_semantics = [#tpu.dimension_semantics<core_parallel>, #tpu.dimension_semantics<subcore_parallel>], iteration_bounds = array<i64: 2, 16>, scalar_prefetch = 0 : i64, scratch_operands = 10 : i64, tpu.core_type = #tpu.core_type<sc_vector_subcore>, window_params = [{transform_indices = #map}, {transform_indices = #map1}, {transform_indices = #map}]} {
    %mul3A = arith.constant 2 : i32
    %mul3A_0 = arith.muli %arg1, %mul3A : i32
    %add3A = arith.addi %mul3A_0, %arg0 : i32
    %mul3A_1 = arith.constant 26624 : i32
    %mul3A_2 = arith.muli %add3A, %mul3A_1 : i32
    %scan3A = arith.constant 0 : i32
    %scan3A_3 = arith.constant 0 : i32
    %scan3A_4 = arith.constant 32 : i32
    %scan3A_5 = arith.addi %scan3A_3, %scan3A_4 : i32
    %scan3A_6 = arith.constant 1 : i32
    scf.for %scan3A_8 = %scan3A_3 to %scan3A_5 step %scan3A_6  : i32 {
      %mul3A_9 = arith.constant 2 : i32
      %mul3A_10 = arith.muli %mul3A_9, %scan3A_8 : i32
      %mul3A_11 = arith.constant 416 : i32
      %mul3A_12 = arith.muli %mul3A_10, %mul3A_11 : i32
      %add3A_13 = arith.addi %mul3A_2, %mul3A_12 : i32
      %add3A_14 = arith.constant 416 : i32
      %add3A_15 = arith.addi %add3A_13, %add3A_14 : i32
      %dma_start3A = tpu.memref_slice %arg3[%add3A_13] : memref<851968xi32, #tpu.memory_space<hbm>> -> memref<416xi32, #tpu.memory_space<hbm>>
      %dma_start3A_16 = tpu.memref_slice %arg3[%add3A_13] : memref<851968xi32, #tpu.memory_space<hbm>> -> memref<416xi32, #tpu.memory_space<hbm>>
      tpu.enqueue_dma source(%dma_start3A_16 : memref<416xi32, #tpu.memory_space<hbm>>) target(%arg5 : memref<416xi32, #tpu.memory_space<vmem>>) target_semaphore(%arg9 : memref<!tpu.dma_semaphore, #tpu.memory_space<semaphore_mem>>)
      %dma_start3A_17 = tpu.memref_slice %arg3[%add3A_15] : memref<851968xi32, #tpu.memory_space<hbm>> -> memref<416xi32, #tpu.memory_space<hbm>>
      %dma_start3A_18 = tpu.memref_slice %arg3[%add3A_15] : memref<851968xi32, #tpu.memory_space<hbm>> -> memref<416xi32, #tpu.memory_space<hbm>>
      tpu.enqueue_dma source(%dma_start3A_18 : memref<416xi32, #tpu.memory_space<hbm>>) target(%arg6 : memref<416xi32, #tpu.memory_space<vmem>>) target_semaphore(%arg10 : memref<!tpu.dma_semaphore, #tpu.memory_space<semaphore_mem>>)
      %dma_wait3A = tpu.memref_slice %arg3[%add3A_13] : memref<851968xi32, #tpu.memory_space<hbm>> -> memref<416xi32, #tpu.memory_space<hbm>>
      %dma_wait3A_19 = tpu.memref_slice %arg3[%add3A_13] : memref<851968xi32, #tpu.memory_space<hbm>> -> memref<416xi32, #tpu.memory_space<hbm>>
      tpu.wait_dma2 semaphore(%arg9 : memref<!tpu.dma_semaphore, #tpu.memory_space<semaphore_mem>>) src(%dma_wait3A_19 : memref<416xi32, #tpu.memory_space<hbm>>) dst(%arg5 : memref<416xi32, #tpu.memory_space<vmem>>)
      %dma_start3A_20 = arith.constant 0 : i32
      %dma_start3A_21 = arith.constant 0 : i32
      %dma_start3A_22 = tpu.memref_slice %arg2[%dma_start3A_20, %dma_start3A_21] : memref<50000x128xf32, #tpu.memory_space<hbm>> -> memref<50000x128xf32, #tpu.memory_space<hbm>>
      tpu.enqueue_indirect_dma source(%dma_start3A_22 : memref<50000x128xf32, #tpu.memory_space<hbm>>) target(%arg7 : memref<416x128xf32, #tpu.memory_space<vmem>>) offsets(%arg5 : memref<416xi32, #tpu.memory_space<vmem>>) semaphore(%arg11 : memref<!tpu.dma_semaphore, #tpu.memory_space<semaphore_mem>>)
      %dma_wait3A_23 = tpu.memref_slice %arg3[%add3A_15] : memref<851968xi32, #tpu.memory_space<hbm>> -> memref<416xi32, #tpu.memory_space<hbm>>
      %dma_wait3A_24 = tpu.memref_slice %arg3[%add3A_15] : memref<851968xi32, #tpu.memory_space<hbm>> -> memref<416xi32, #tpu.memory_space<hbm>>
      tpu.wait_dma2 semaphore(%arg10 : memref<!tpu.dma_semaphore, #tpu.memory_space<semaphore_mem>>) src(%dma_wait3A_24 : memref<416xi32, #tpu.memory_space<hbm>>) dst(%arg6 : memref<416xi32, #tpu.memory_space<vmem>>)
      %dma_start3A_25 = arith.constant 0 : i32
      %dma_start3A_26 = arith.constant 0 : i32
      %dma_start3A_27 = tpu.memref_slice %arg2[%dma_start3A_25, %dma_start3A_26] : memref<50000x128xf32, #tpu.memory_space<hbm>> -> memref<50000x128xf32, #tpu.memory_space<hbm>>
      tpu.enqueue_indirect_dma source(%dma_start3A_27 : memref<50000x128xf32, #tpu.memory_space<hbm>>) target(%arg8 : memref<416x128xf32, #tpu.memory_space<vmem>>) offsets(%arg6 : memref<416xi32, #tpu.memory_space<vmem>>) semaphore(%arg12 : memref<!tpu.dma_semaphore, #tpu.memory_space<semaphore_mem>>)
      %dma_wait3A_28 = arith.constant 0 : i32
      %dma_wait3A_29 = arith.constant 0 : i32
      %dma_wait3A_30 = tpu.memref_slice %arg2[%dma_wait3A_28, %dma_wait3A_29] : memref<50000x128xf32, #tpu.memory_space<hbm>> -> memref<50000x128xf32, #tpu.memory_space<hbm>>
      tpu.wait_indirect_dma semaphore(%arg11 : memref<!tpu.dma_semaphore, #tpu.memory_space<semaphore_mem>>) src(%dma_wait3A_30 : memref<50000x128xf32, #tpu.memory_space<hbm>>) dst(%arg7 : memref<416x128xf32, #tpu.memory_space<vmem>>)
      %dma_start3A_31 = arith.constant 0 : i32
      %dma_start3A_32 = tpu.memref_slice %arg4[%add3A_13, %dma_start3A_31] : memref<851968x128xf32, #tpu.memory_space<hbm>> -> memref<416x128xf32, #tpu.memory_space<hbm>>
      %dma_start3A_33 = arith.constant 0 : i32
      %dma_start3A_34 = tpu.memref_slice %arg4[%add3A_13, %dma_start3A_33] : memref<851968x128xf32, #tpu.memory_space<hbm>> -> memref<416x128xf32, #tpu.memory_space<hbm>>
      tpu.enqueue_dma source(%arg7 : memref<416x128xf32, #tpu.memory_space<vmem>>) target(%dma_start3A_34 : memref<416x128xf32, #tpu.memory_space<hbm>>) target_semaphore(%arg13 : memref<!tpu.dma_semaphore, #tpu.memory_space<semaphore_mem>>)
      %dma_wait3A_35 = arith.constant 0 : i32
      %dma_wait3A_36 = arith.constant 0 : i32
      %dma_wait3A_37 = tpu.memref_slice %arg2[%dma_wait3A_35, %dma_wait3A_36] : memref<50000x128xf32, #tpu.memory_space<hbm>> -> memref<50000x128xf32, #tpu.memory_space<hbm>>
      tpu.wait_indirect_dma semaphore(%arg12 : memref<!tpu.dma_semaphore, #tpu.memory_space<semaphore_mem>>) src(%dma_wait3A_37 : memref<50000x128xf32, #tpu.memory_space<hbm>>) dst(%arg8 : memref<416x128xf32, #tpu.memory_space<vmem>>)
      %dma_start3A_38 = arith.constant 0 : i32
      %dma_start3A_39 = tpu.memref_slice %arg4[%add3A_15, %dma_start3A_38] : memref<851968x128xf32, #tpu.memory_space<hbm>> -> memref<416x128xf32, #tpu.memory_space<hbm>>
      %dma_start3A_40 = arith.constant 0 : i32
      %dma_start3A_41 = tpu.memref_slice %arg4[%add3A_15, %dma_start3A_40] : memref<851968x128xf32, #tpu.memory_space<hbm>> -> memref<416x128xf32, #tpu.memory_space<hbm>>
      tpu.enqueue_dma source(%arg8 : memref<416x128xf32, #tpu.memory_space<vmem>>) target(%dma_start3A_41 : memref<416x128xf32, #tpu.memory_space<hbm>>) target_semaphore(%arg14 : memref<!tpu.dma_semaphore, #tpu.memory_space<semaphore_mem>>)
      %dma_wait3A_42 = arith.constant 0 : i32
      %dma_wait3A_43 = tpu.memref_slice %arg4[%add3A_13, %dma_wait3A_42] : memref<851968x128xf32, #tpu.memory_space<hbm>> -> memref<416x128xf32, #tpu.memory_space<hbm>>
      %dma_wait3A_44 = arith.constant 0 : i32
      %dma_wait3A_45 = tpu.memref_slice %arg4[%add3A_13, %dma_wait3A_44] : memref<851968x128xf32, #tpu.memory_space<hbm>> -> memref<416x128xf32, #tpu.memory_space<hbm>>
      tpu.wait_dma2 semaphore(%arg13 : memref<!tpu.dma_semaphore, #tpu.memory_space<semaphore_mem>>) src(%arg7 : memref<416x128xf32, #tpu.memory_space<vmem>>) dst(%dma_wait3A_45 : memref<416x128xf32, #tpu.memory_space<hbm>>)
      %dma_wait3A_46 = arith.constant 0 : i32
      %dma_wait3A_47 = tpu.memref_slice %arg4[%add3A_15, %dma_wait3A_46] : memref<851968x128xf32, #tpu.memory_space<hbm>> -> memref<416x128xf32, #tpu.memory_space<hbm>>
      %dma_wait3A_48 = arith.constant 0 : i32
      %dma_wait3A_49 = tpu.memref_slice %arg4[%add3A_15, %dma_wait3A_48] : memref<851968x128xf32, #tpu.memory_space<hbm>> -> memref<416x128xf32, #tpu.memory_space<hbm>>
      tpu.wait_dma2 semaphore(%arg14 : memref<!tpu.dma_semaphore, #tpu.memory_space<semaphore_mem>>) src(%arg8 : memref<416x128xf32, #tpu.memory_space<vmem>>) dst(%dma_wait3A_49 : memref<416x128xf32, #tpu.memory_space<hbm>>)
    }
    %scan3A_7 = arith.constant 32 : i32
    return
  }
}

#map = affine_map<(d0, d1) -> (0, 0)>
#map1 = affine_map<(d0, d1) -> (0)>
module attributes {stable_mosaic.version = 14 : i64} {
  func.func @k(%arg0: i32, %arg1: i32, %arg2: memref<851968x16xf32, #tpu.memory_space<hbm>>, %arg3: memref<851968xi32, #tpu.memory_space<hbm>>, %arg4: memref<25040x16xf32, #tpu.memory_space<hbm>>, %arg5: memref<50048x16xf32, #tpu.memory_space<hbm>>, %arg6: memref<25040x16xf32, #tpu.memory_space<vmem_shared>>, %arg7: memref<512xi32, #tpu.memory_space<vmem>>, %arg8: memref<512xi32, #tpu.memory_space<vmem>>, %arg9: memref<512x16xf32, #tpu.memory_space<vmem>>) attributes {dimension_semantics = [#tpu.dimension_semantics<core_parallel>, #tpu.dimension_semantics<subcore_parallel>], iteration_bounds = array<i64: 2, 16>, scalar_prefetch = 0 : i64, scratch_operands = 4 : i64, tpu.core_type = #tpu.core_type<sc_vector_subcore>, window_params = [{transform_indices = #map}, {transform_indices = #map1}, {transform_indices = #map}, {transform_indices = #map}]} {
    %mul3A = arith.constant 1 : i32
    %mul3A_0 = arith.muli %arg0, %mul3A : i32
    %add3A = arith.constant 0 : i32
    %add3A_1 = arith.addi %mul3A_0, %add3A : i32
    %mul3A_2 = arith.constant 25024 : i32
    %mul3A_3 = arith.muli %add3A_1, %mul3A_2 : i32
    %mul3A_4 = arith.constant 1565 : i32
    %mul3A_5 = arith.muli %arg1, %mul3A_4 : i32
    %mul3A_6 = arith.constant 1565 : i32
    %mul3A_7 = arith.muli %arg1, %mul3A_6 : i32
    "tpu.region"() ({
      %run_scoped3A = tpu.sem_alloc : memref<!tpu.dma_semaphore, #tpu.memory_space<semaphore_mem>>
      %dma_start3A = arith.constant 0 : i32
      %dma_start3A_19 = tpu.memref_slice %arg6[%mul3A_7, %dma_start3A] : memref<25040x16xf32, #tpu.memory_space<vmem_shared>> -> memref<1565x16xf32, #tpu.memory_space<vmem_shared>>
      %dma_start3A_20 = arith.constant 0 : i32
      %dma_start3A_21 = tpu.memref_slice %arg4[%mul3A_5, %dma_start3A_20] : memref<25040x16xf32, #tpu.memory_space<hbm>> -> memref<1565x16xf32, #tpu.memory_space<hbm>>
      tpu.enqueue_dma source(%dma_start3A_21 : memref<1565x16xf32, #tpu.memory_space<hbm>>) target(%dma_start3A_19 : memref<1565x16xf32, #tpu.memory_space<vmem_shared>>) target_semaphore(%run_scoped3A : memref<!tpu.dma_semaphore, #tpu.memory_space<semaphore_mem>>)
      %dma_wait3A = arith.constant 0 : i32
      %dma_wait3A_22 = tpu.memref_slice %arg6[%mul3A_7, %dma_wait3A] : memref<25040x16xf32, #tpu.memory_space<vmem_shared>> -> memref<1565x16xf32, #tpu.memory_space<vmem_shared>>
      %dma_wait3A_23 = arith.constant 0 : i32
      %dma_wait3A_24 = tpu.memref_slice %arg4[%mul3A_5, %dma_wait3A_23] : memref<25040x16xf32, #tpu.memory_space<hbm>> -> memref<1565x16xf32, #tpu.memory_space<hbm>>
      tpu.wait_dma2 semaphore(%run_scoped3A : memref<!tpu.dma_semaphore, #tpu.memory_space<semaphore_mem>>) src(%dma_wait3A_24 : memref<1565x16xf32, #tpu.memory_space<hbm>>) dst(%dma_wait3A_22 : memref<1565x16xf32, #tpu.memory_space<vmem_shared>>)
      tpu.yield
    }) : () -> ()
    %barrier3A = arith.constant 0 : index
    tpu.barrier barrier_id(%barrier3A)
    %scan3A = arith.constant 0 : i32
    %scan3A_8 = arith.constant 0 : i32
    %scan3A_9 = arith.constant 104 : i32
    %scan3A_10 = arith.addi %scan3A_8, %scan3A_9 : i32
    %scan3A_11 = arith.constant 1 : i32
    scf.for %scan3A_19 = %scan3A_8 to %scan3A_10 step %scan3A_11  : i32 {
      %mul3A_20 = arith.constant 53248 : i32
      %mul3A_21 = arith.muli %arg1, %mul3A_20 : i32
      %mul3A_22 = arith.constant 512 : i32
      %mul3A_23 = arith.muli %scan3A_19, %mul3A_22 : i32
      %add3A_24 = arith.addi %mul3A_21, %mul3A_23 : i32
      "tpu.region"() ({
        %run_scoped3A = tpu.sem_alloc : memref<!tpu.dma_semaphore, #tpu.memory_space<semaphore_mem>>
        %dma_start3A = tpu.memref_slice %arg3[%add3A_24] : memref<851968xi32, #tpu.memory_space<hbm>> -> memref<512xi32, #tpu.memory_space<hbm>>
        %dma_start3A_31 = tpu.memref_slice %arg3[%add3A_24] : memref<851968xi32, #tpu.memory_space<hbm>> -> memref<512xi32, #tpu.memory_space<hbm>>
        tpu.enqueue_dma source(%dma_start3A_31 : memref<512xi32, #tpu.memory_space<hbm>>) target(%arg7 : memref<512xi32, #tpu.memory_space<vmem>>) target_semaphore(%run_scoped3A : memref<!tpu.dma_semaphore, #tpu.memory_space<semaphore_mem>>)
        %dma_wait3A = tpu.memref_slice %arg3[%add3A_24] : memref<851968xi32, #tpu.memory_space<hbm>> -> memref<512xi32, #tpu.memory_space<hbm>>
        %dma_wait3A_32 = tpu.memref_slice %arg3[%add3A_24] : memref<851968xi32, #tpu.memory_space<hbm>> -> memref<512xi32, #tpu.memory_space<hbm>>
        tpu.wait_dma2 semaphore(%run_scoped3A : memref<!tpu.dma_semaphore, #tpu.memory_space<semaphore_mem>>) src(%dma_wait3A_32 : memref<512xi32, #tpu.memory_space<hbm>>) dst(%arg7 : memref<512xi32, #tpu.memory_space<vmem>>)
        tpu.yield
      }) : () -> ()
      "tpu.region"() ({
        %run_scoped3A = tpu.sem_alloc : memref<!tpu.dma_semaphore, #tpu.memory_space<semaphore_mem>>
        %dma_start3A = arith.constant 0 : i32
        %dma_start3A_31 = tpu.memref_slice %arg2[%add3A_24, %dma_start3A] : memref<851968x16xf32, #tpu.memory_space<hbm>> -> memref<512x16xf32, #tpu.memory_space<hbm>>
        %dma_start3A_32 = arith.constant 0 : i32
        %dma_start3A_33 = tpu.memref_slice %arg2[%add3A_24, %dma_start3A_32] : memref<851968x16xf32, #tpu.memory_space<hbm>> -> memref<512x16xf32, #tpu.memory_space<hbm>>
        tpu.enqueue_dma source(%dma_start3A_33 : memref<512x16xf32, #tpu.memory_space<hbm>>) target(%arg9 : memref<512x16xf32, #tpu.memory_space<vmem>>) target_semaphore(%run_scoped3A : memref<!tpu.dma_semaphore, #tpu.memory_space<semaphore_mem>>)
        %dma_wait3A = arith.constant 0 : i32
        %dma_wait3A_34 = tpu.memref_slice %arg2[%add3A_24, %dma_wait3A] : memref<851968x16xf32, #tpu.memory_space<hbm>> -> memref<512x16xf32, #tpu.memory_space<hbm>>
        %dma_wait3A_35 = arith.constant 0 : i32
        %dma_wait3A_36 = tpu.memref_slice %arg2[%add3A_24, %dma_wait3A_35] : memref<851968x16xf32, #tpu.memory_space<hbm>> -> memref<512x16xf32, #tpu.memory_space<hbm>>
        tpu.wait_dma2 semaphore(%run_scoped3A : memref<!tpu.dma_semaphore, #tpu.memory_space<semaphore_mem>>) src(%dma_wait3A_36 : memref<512x16xf32, #tpu.memory_space<hbm>>) dst(%arg9 : memref<512x16xf32, #tpu.memory_space<vmem>>)
        tpu.yield
      }) : () -> ()
      %scan3A_25 = arith.constant 0 : i32
      %scan3A_26 = arith.constant 0 : i32
      %scan3A_27 = arith.constant 32 : i32
      %scan3A_28 = arith.addi %scan3A_26, %scan3A_27 : i32
      %scan3A_29 = arith.constant 1 : i32
      scf.for %scan3A_31 = %scan3A_26 to %scan3A_28 step %scan3A_29  : i32 {
        %mul3A_32 = arith.constant 16 : i32
        %mul3A_33 = arith.muli %scan3A_31, %mul3A_32 : i32
        %get3A = arith.index_cast %mul3A_33 : i32 to index
        %get3A_34 = tpu.vector_load %arg7[%get3A] {strides = array<i32>} : memref<512xi32, #tpu.memory_space<vmem>>, vector<16xi32>,
        %get3A_35 = vector.shape_cast %get3A_34 : vector<16xi32> to vector<16xi32>
        %ge3A = vector.broadcast %mul3A_3 : i32 to vector<16xi32>
        %ge3A_36 = arith.cmpi sge, %get3A_35, %ge3A : vector<16xi32>
        %add3A_37 = arith.constant 25024 : i32
        %add3A_38 = arith.addi %mul3A_3, %add3A_37 : i32
        %lt3A = vector.broadcast %add3A_38 : i32 to vector<16xi32>
        %lt3A_39 = arith.cmpi slt, %get3A_35, %lt3A : vector<16xi32>
        %and3A = arith.andi %ge3A_36, %lt3A_39 : vector<16xi1>
        %sub3A = vector.broadcast %mul3A_3 : i32 to vector<16xi32>
        %sub3A_40 = arith.subi %get3A_35, %sub3A : vector<16xi32>
        %jit3A = arith.constant 25024 : i32
        %broadcast_in_dim3A = vector.broadcast %jit3A : i32 to vector<16xi32>
        %select_n3A = arith.select %and3A, %sub3A_40, %broadcast_in_dim3A : vector<16xi1>, vector<16xi32>
        %mul3A_41 = arith.constant 16 : i32
        %mul3A_42 = arith.muli %scan3A_31, %mul3A_41 : i32
        %swap3A = arith.index_cast %mul3A_42 : i32 to index
        %swap3A_43 = tpu.vector_load %arg8[%swap3A] {strides = array<i32>} : memref<512xi32, #tpu.memory_space<vmem>>, vector<16xi32>,
        %swap3A_44 = vector.shape_cast %swap3A_43 : vector<16xi32> to vector<16xi32>
        %swap3A_45 = vector.shape_cast %select_n3A : vector<16xi32> to vector<16xi32>
        tpu.vector_store %arg8[%swap3A], %swap3A_45 {strides = array<i32>} : memref<512xi32, #tpu.memory_space<vmem>>, vector<16xi32>,
      }
      %scan3A_30 = arith.constant 32 : i32
      "tpu.region"() ({
        %run_scoped3A = tpu.sem_alloc : memref<!tpu.dma_semaphore, #tpu.memory_space<semaphore_mem>>
        %dma_start3A = arith.constant 0 : i32
        %dma_start3A_31 = arith.constant 0 : i32
        %dma_start3A_32 = tpu.memref_slice %arg6[%dma_start3A, %dma_start3A_31] : memref<25040x16xf32, #tpu.memory_space<vmem_shared>> -> memref<25040x16xf32, #tpu.memory_space<vmem_shared>>
        tpu.enqueue_indirect_dma source(%arg9 : memref<512x16xf32, #tpu.memory_space<vmem>>) target(%dma_start3A_32 : memref<25040x16xf32, #tpu.memory_space<vmem_shared>>) offsets(%arg8 : memref<512xi32, #tpu.memory_space<vmem>>) semaphore(%run_scoped3A : memref<!tpu.dma_semaphore, #tpu.memory_space<semaphore_mem>>) {add = true}
        %dma_wait3A = arith.constant 0 : i32
        %dma_wait3A_33 = arith.constant 0 : i32
        %dma_wait3A_34 = tpu.memref_slice %arg6[%dma_wait3A, %dma_wait3A_33] : memref<25040x16xf32, #tpu.memory_space<vmem_shared>> -> memref<25040x16xf32, #tpu.memory_space<vmem_shared>>
        tpu.wait_indirect_dma semaphore(%run_scoped3A : memref<!tpu.dma_semaphore, #tpu.memory_space<semaphore_mem>>) src(%arg9 : memref<512x16xf32, #tpu.memory_space<vmem>>) dst(%dma_wait3A_34 : memref<25040x16xf32, #tpu.memory_space<vmem_shared>>)
        tpu.yield
      }) : () -> ()
    }
    %scan3A_12 = arith.constant 104 : i32
    %barrier3A_13 = arith.constant 0 : index
    tpu.barrier barrier_id(%barrier3A_13)
    %mul3A_14 = arith.constant 1564 : i32
    %mul3A_15 = arith.muli %arg1, %mul3A_14 : i32
    %mul3A_16 = arith.constant 1564 : i32
    %mul3A_17 = arith.muli %arg1, %mul3A_16 : i32
    %add3A_18 = arith.addi %mul3A_3, %mul3A_17 : i32
    "tpu.region"() ({
      %run_scoped3A = tpu.sem_alloc : memref<!tpu.dma_semaphore, #tpu.memory_space<semaphore_mem>>
      %dma_start3A = arith.constant 0 : i32
      %dma_start3A_19 = tpu.memref_slice %arg5[%add3A_18, %dma_start3A] : memref<50048x16xf32, #tpu.memory_space<hbm>> -> memref<1564x16xf32, #tpu.memory_space<hbm>>
      %dma_start3A_20 = arith.constant 0 : i32
      %dma_start3A_21 = tpu.memref_slice %arg6[%mul3A_15, %dma_start3A_20] : memref<25040x16xf32, #tpu.memory_space<vmem_shared>> -> memref<1564x16xf32, #tpu.memory_space<vmem_shared>>
      tpu.enqueue_dma source(%dma_start3A_21 : memref<1564x16xf32, #tpu.memory_space<vmem_shared>>) target(%dma_start3A_19 : memref<1564x16xf32, #tpu.memory_space<hbm>>) target_semaphore(%run_scoped3A : memref<!tpu.dma_semaphore, #tpu.memory_space<semaphore_mem>>)
      %dma_wait3A = arith.constant 0 : i32
      %dma_wait3A_22 = tpu.memref_slice %arg5[%add3A_18, %dma_wait3A] : memref<50048x16xf32, #tpu.memory_space<hbm>> -> memref<1564x16xf32, #tpu.memory_space<hbm>>
      %dma_wait3A_23 = arith.constant 0 : i32
      %dma_wait3A_24 = tpu.memref_slice %arg6[%mul3A_15, %dma_wait3A_23] : memref<25040x16xf32, #tpu.memory_space<vmem_shared>> -> memref<1564x16xf32, #tpu.memory_space<vmem_shared>>
      tpu.wait_dma2 semaphore(%run_scoped3A : memref<!tpu.dma_semaphore, #tpu.memory_space<semaphore_mem>>) src(%dma_wait3A_24 : memref<1564x16xf32, #tpu.memory_space<vmem_shared>>) dst(%dma_wait3A_22 : memref<1564x16xf32, #tpu.memory_space<hbm>>)
      tpu.yield
    }) : () -> ()
    return
  }
}

#map = affine_map<(d0, d1) -> (0, 0)>
#map1 = affine_map<(d0, d1) -> (0)>
module attributes {stable_mosaic.version = 14 : i64} {
  func.func @k(%arg0: i32, %arg1: i32, %arg2: memref<50000x128xf32, #tpu.memory_space<hbm>>, %arg3: memref<851968xi32, #tpu.memory_space<hbm>>, %arg4: memref<851968x128xf32, #tpu.memory_space<hbm>>, %arg5: memref<416xi32, #tpu.memory_space<vmem>>, %arg6: memref<416xi32, #tpu.memory_space<vmem>>, %arg7: memref<416x128xf32, #tpu.memory_space<vmem>>, %arg8: memref<416x128xf32, #tpu.memory_space<vmem>>, %arg9: memref<!tpu.dma_semaphore, #tpu.memory_space<semaphore_mem>>, %arg10: memref<!tpu.dma_semaphore, #tpu.memory_space<semaphore_mem>>, %arg11: memref<!tpu.dma_semaphore, #tpu.memory_space<semaphore_mem>>, %arg12: memref<!tpu.dma_semaphore, #tpu.memory_space<semaphore_mem>>, %arg13: memref<!tpu.dma_semaphore, #tpu.memory_space<semaphore_mem>>, %arg14: memref<!tpu.dma_semaphore, #tpu.memory_space<semaphore_mem>>) attributes {dimension_semantics = [#tpu.dimension_semantics<core_parallel>, #tpu.dimension_semantics<subcore_parallel>], iteration_bounds = array<i64: 2, 16>, scalar_prefetch = 0 : i64, scratch_operands = 10 : i64, tpu.core_type = #tpu.core_type<sc_vector_subcore>, window_params = [{transform_indices = #map}, {transform_indices = #map1}, {transform_indices = #map}]} {
    %mul3A = arith.constant 2 : i32
    %mul3A_0 = arith.muli %arg1, %mul3A : i32
    %add3A = arith.addi %mul3A_0, %arg0 : i32
    %mul3A_1 = arith.constant 26624 : i32
    %mul3A_2 = arith.muli %add3A, %mul3A_1 : i32
    %scan3A = arith.constant 0 : i32
    %scan3A_3 = arith.constant 0 : i32
    %scan3A_4 = arith.constant 32 : i32
    %scan3A_5 = arith.addi %scan3A_3, %scan3A_4 : i32
    %scan3A_6 = arith.constant 1 : i32
    scf.for %scan3A_8 = %scan3A_3 to %scan3A_5 step %scan3A_6  : i32 {
      %mul3A_9 = arith.constant 2 : i32
      %mul3A_10 = arith.muli %mul3A_9, %scan3A_8 : i32
      %mul3A_11 = arith.constant 416 : i32
      %mul3A_12 = arith.muli %mul3A_10, %mul3A_11 : i32
      %add3A_13 = arith.addi %mul3A_2, %mul3A_12 : i32
      %add3A_14 = arith.constant 416 : i32
      %add3A_15 = arith.addi %add3A_13, %add3A_14 : i32
      %dma_start3A = tpu.memref_slice %arg3[%add3A_13] : memref<851968xi32, #tpu.memory_space<hbm>> -> memref<416xi32, #tpu.memory_space<hbm>>
      %dma_start3A_16 = tpu.memref_slice %arg3[%add3A_13] : memref<851968xi32, #tpu.memory_space<hbm>> -> memref<416xi32, #tpu.memory_space<hbm>>
      tpu.enqueue_dma source(%dma_start3A_16 : memref<416xi32, #tpu.memory_space<hbm>>) target(%arg5 : memref<416xi32, #tpu.memory_space<vmem>>) target_semaphore(%arg9 : memref<!tpu.dma_semaphore, #tpu.memory_space<semaphore_mem>>)
      %dma_start3A_17 = tpu.memref_slice %arg3[%add3A_15] : memref<851968xi32, #tpu.memory_space<hbm>> -> memref<416xi32, #tpu.memory_space<hbm>>
      %dma_start3A_18 = tpu.memref_slice %arg3[%add3A_15] : memref<851968xi32, #tpu.memory_space<hbm>> -> memref<416xi32, #tpu.memory_space<hbm>>
      tpu.enqueue_dma source(%dma_start3A_18 : memref<416xi32, #tpu.memory_space<hbm>>) target(%arg6 : memref<416xi32, #tpu.memory_space<vmem>>) target_semaphore(%arg10 : memref<!tpu.dma_semaphore, #tpu.memory_space<semaphore_mem>>)
      %dma_wait3A = tpu.memref_slice %arg3[%add3A_13] : memref<851968xi32, #tpu.memory_space<hbm>> -> memref<416xi32, #tpu.memory_space<hbm>>
      %dma_wait3A_19 = tpu.memref_slice %arg3[%add3A_13] : memref<851968xi32, #tpu.memory_space<hbm>> -> memref<416xi32, #tpu.memory_space<hbm>>
      tpu.wait_dma2 semaphore(%arg9 : memref<!tpu.dma_semaphore, #tpu.memory_space<semaphore_mem>>) src(%dma_wait3A_19 : memref<416xi32, #tpu.memory_space<hbm>>) dst(%arg5 : memref<416xi32, #tpu.memory_space<vmem>>)
      %dma_start3A_20 = arith.constant 0 : i32
      %dma_start3A_21 = arith.constant 0 : i32
      %dma_start3A_22 = tpu.memref_slice %arg2[%dma_start3A_20, %dma_start3A_21] : memref<50000x128xf32, #tpu.memory_space<hbm>> -> memref<50000x128xf32, #tpu.memory_space<hbm>>
      tpu.enqueue_indirect_dma source(%dma_start3A_22 : memref<50000x128xf32, #tpu.memory_space<hbm>>) target(%arg7 : memref<416x128xf32, #tpu.memory_space<vmem>>) offsets(%arg5 : memref<416xi32, #tpu.memory_space<vmem>>) semaphore(%arg11 : memref<!tpu.dma_semaphore, #tpu.memory_space<semaphore_mem>>)
      %dma_wait3A_23 = tpu.memref_slice %arg3[%add3A_15] : memref<851968xi32, #tpu.memory_space<hbm>> -> memref<416xi32, #tpu.memory_space<hbm>>
      %dma_wait3A_24 = tpu.memref_slice %arg3[%add3A_15] : memref<851968xi32, #tpu.memory_space<hbm>> -> memref<416xi32, #tpu.memory_space<hbm>>
      tpu.wait_dma2 semaphore(%arg10 : memref<!tpu.dma_semaphore, #tpu.memory_space<semaphore_mem>>) src(%dma_wait3A_24 : memref<416xi32, #tpu.memory_space<hbm>>) dst(%arg6 : memref<416xi32, #tpu.memory_space<vmem>>)
      %dma_start3A_25 = arith.constant 0 : i32
      %dma_start3A_26 = arith.constant 0 : i32
      %dma_start3A_27 = tpu.memref_slice %arg2[%dma_start3A_25, %dma_start3A_26] : memref<50000x128xf32, #tpu.memory_space<hbm>> -> memref<50000x128xf32, #tpu.memory_space<hbm>>
      tpu.enqueue_indirect_dma source(%dma_start3A_27 : memref<50000x128xf32, #tpu.memory_space<hbm>>) target(%arg8 : memref<416x128xf32, #tpu.memory_space<vmem>>) offsets(%arg6 : memref<416xi32, #tpu.memory_space<vmem>>) semaphore(%arg12 : memref<!tpu.dma_semaphore, #tpu.memory_space<semaphore_mem>>)
      %dma_wait3A_28 = arith.constant 0 : i32
      %dma_wait3A_29 = arith.constant 0 : i32
      %dma_wait3A_30 = tpu.memref_slice %arg2[%dma_wait3A_28, %dma_wait3A_29] : memref<50000x128xf32, #tpu.memory_space<hbm>> -> memref<50000x128xf32, #tpu.memory_space<hbm>>
      tpu.wait_indirect_dma semaphore(%arg11 : memref<!tpu.dma_semaphore, #tpu.memory_space<semaphore_mem>>) src(%dma_wait3A_30 : memref<50000x128xf32, #tpu.memory_space<hbm>>) dst(%arg7 : memref<416x128xf32, #tpu.memory_space<vmem>>)
      %dma_start3A_31 = arith.constant 0 : i32
      %dma_start3A_32 = tpu.memref_slice %arg4[%add3A_13, %dma_start3A_31] : memref<851968x128xf32, #tpu.memory_space<hbm>> -> memref<416x128xf32, #tpu.memory_space<hbm>>
      %dma_start3A_33 = arith.constant 0 : i32
      %dma_start3A_34 = tpu.memref_slice %arg4[%add3A_13, %dma_start3A_33] : memref<851968x128xf32, #tpu.memory_space<hbm>> -> memref<416x128xf32, #tpu.memory_space<hbm>>
      tpu.enqueue_dma source(%arg7 : memref<416x128xf32, #tpu.memory_space<vmem>>) target(%dma_start3A_34 : memref<416x128xf32, #tpu.memory_space<hbm>>) target_semaphore(%arg13 : memref<!tpu.dma_semaphore, #tpu.memory_space<semaphore_mem>>)
      %dma_wait3A_35 = arith.constant 0 : i32
      %dma_wait3A_36 = arith.constant 0 : i32
      %dma_wait3A_37 = tpu.memref_slice %arg2[%dma_wait3A_35, %dma_wait3A_36] : memref<50000x128xf32, #tpu.memory_space<hbm>> -> memref<50000x128xf32, #tpu.memory_space<hbm>>
      tpu.wait_indirect_dma semaphore(%arg12 : memref<!tpu.dma_semaphore, #tpu.memory_space<semaphore_mem>>) src(%dma_wait3A_37 : memref<50000x128xf32, #tpu.memory_space<hbm>>) dst(%arg8 : memref<416x128xf32, #tpu.memory_space<vmem>>)
      %dma_start3A_38 = arith.constant 0 : i32
      %dma_start3A_39 = tpu.memref_slice %arg4[%add3A_15, %dma_start3A_38] : memref<851968x128xf32, #tpu.memory_space<hbm>> -> memref<416x128xf32, #tpu.memory_space<hbm>>
      %dma_start3A_40 = arith.constant 0 : i32
      %dma_start3A_41 = tpu.memref_slice %arg4[%add3A_15, %dma_start3A_40] : memref<851968x128xf32, #tpu.memory_space<hbm>> -> memref<416x128xf32, #tpu.memory_space<hbm>>
      tpu.enqueue_dma source(%arg8 : memref<416x128xf32, #tpu.memory_space<vmem>>) target(%dma_start3A_41 : memref<416x128xf32, #tpu.memory_space<hbm>>) target_semaphore(%arg14 : memref<!tpu.dma_semaphore, #tpu.memory_space<semaphore_mem>>)
      %dma_wait3A_42 = arith.constant 0 : i32
      %dma_wait3A_43 = tpu.memref_slice %arg4[%add3A_13, %dma_wait3A_42] : memref<851968x128xf32, #tpu.memory_space<hbm>> -> memref<416x128xf32, #tpu.memory_space<hbm>>
      %dma_wait3A_44 = arith.constant 0 : i32
      %dma_wait3A_45 = tpu.memref_slice %arg4[%add3A_13, %dma_wait3A_44] : memref<851968x128xf32, #tpu.memory_space<hbm>> -> memref<416x128xf32, #tpu.memory_space<hbm>>
      tpu.wait_dma2 semaphore(%arg13 : memref<!tpu.dma_semaphore, #tpu.memory_space<semaphore_mem>>) src(%arg7 : memref<416x128xf32, #tpu.memory_space<vmem>>) dst(%dma_wait3A_45 : memref<416x128xf32, #tpu.memory_space<hbm>>)
      %dma_wait3A_46 = arith.constant 0 : i32
      %dma_wait3A_47 = tpu.memref_slice %arg4[%add3A_15, %dma_wait3A_46] : memref<851968x128xf32, #tpu.memory_space<hbm>> -> memref<416x128xf32, #tpu.memory_space<hbm>>
      %dma_wait3A_48 = arith.constant 0 : i32
      %dma_wait3A_49 = tpu.memref_slice %arg4[%add3A_15, %dma_wait3A_48] : memref<851968x128xf32, #tpu.memory_space<hbm>> -> memref<416x128xf32, #tpu.memory_space<hbm>>
      tpu.wait_dma2 semaphore(%arg14 : memref<!tpu.dma_semaphore, #tpu.memory_space<semaphore_mem>>) src(%arg8 : memref<416x128xf32, #tpu.memory_space<vmem>>) dst(%dma_wait3A_49 : memref<416x128xf32, #tpu.memory_space<hbm>>)
    }
    %scan3A_7 = arith.constant 32 : i32
    return
  }
}

#map = affine_map<(d0, d1) -> (0, 0)>
#map1 = affine_map<(d0, d1) -> (0)>
module attributes {stable_mosaic.version = 14 : i64} {
  func.func @k(%arg0: i32, %arg1: i32, %arg2: memref<851968x128xf32, #tpu.memory_space<hbm>>, %arg3: memref<851968xi32, #tpu.memory_space<hbm>>, %arg4: memref<12528x128xf32, #tpu.memory_space<hbm>>, %arg5: memref<50048x128xf32, #tpu.memory_space<hbm>>, %arg6: memref<12528x128xf32, #tpu.memory_space<vmem_shared>>, %arg7: memref<128xi32, #tpu.memory_space<vmem>>, %arg8: memref<128xi32, #tpu.memory_space<vmem>>, %arg9: memref<128x128xf32, #tpu.memory_space<vmem>>) attributes {dimension_semantics = [#tpu.dimension_semantics<core_parallel>, #tpu.dimension_semantics<subcore_parallel>], iteration_bounds = array<i64: 2, 16>, scalar_prefetch = 0 : i64, scratch_operands = 4 : i64, tpu.core_type = #tpu.core_type<sc_vector_subcore>, window_params = [{transform_indices = #map}, {transform_indices = #map1}, {transform_indices = #map}, {transform_indices = #map}]} {
    %mul3A = arith.constant 2 : i32
    %mul3A_0 = arith.muli %arg0, %mul3A : i32
    %add3A = arith.constant 0 : i32
    %add3A_1 = arith.addi %mul3A_0, %add3A : i32
    %mul3A_2 = arith.constant 12512 : i32
    %mul3A_3 = arith.muli %add3A_1, %mul3A_2 : i32
    %mul3A_4 = arith.constant 783 : i32
    %mul3A_5 = arith.muli %arg1, %mul3A_4 : i32
    %mul3A_6 = arith.constant 783 : i32
    %mul3A_7 = arith.muli %arg1, %mul3A_6 : i32
    "tpu.region"() ({
      %run_scoped3A = tpu.sem_alloc : memref<!tpu.dma_semaphore, #tpu.memory_space<semaphore_mem>>
      %dma_start3A = arith.constant 0 : i32
      %dma_start3A_42 = tpu.memref_slice %arg6[%mul3A_7, %dma_start3A] : memref<12528x128xf32, #tpu.memory_space<vmem_shared>> -> memref<783x128xf32, #tpu.memory_space<vmem_shared>>
      %dma_start3A_43 = arith.constant 0 : i32
      %dma_start3A_44 = tpu.memref_slice %arg4[%mul3A_5, %dma_start3A_43] : memref<12528x128xf32, #tpu.memory_space<hbm>> -> memref<783x128xf32, #tpu.memory_space<hbm>>
      tpu.enqueue_dma source(%dma_start3A_44 : memref<783x128xf32, #tpu.memory_space<hbm>>) target(%dma_start3A_42 : memref<783x128xf32, #tpu.memory_space<vmem_shared>>) target_semaphore(%run_scoped3A : memref<!tpu.dma_semaphore, #tpu.memory_space<semaphore_mem>>)
      %dma_wait3A = arith.constant 0 : i32
      %dma_wait3A_45 = tpu.memref_slice %arg6[%mul3A_7, %dma_wait3A] : memref<12528x128xf32, #tpu.memory_space<vmem_shared>> -> memref<783x128xf32, #tpu.memory_space<vmem_shared>>
      %dma_wait3A_46 = arith.constant 0 : i32
      %dma_wait3A_47 = tpu.memref_slice %arg4[%mul3A_5, %dma_wait3A_46] : memref<12528x128xf32, #tpu.memory_space<hbm>> -> memref<783x128xf32, #tpu.memory_space<hbm>>
      tpu.wait_dma2 semaphore(%run_scoped3A : memref<!tpu.dma_semaphore, #tpu.memory_space<semaphore_mem>>) src(%dma_wait3A_47 : memref<783x128xf32, #tpu.memory_space<hbm>>) dst(%dma_wait3A_45 : memref<783x128xf32, #tpu.memory_space<vmem_shared>>)
      tpu.yield
    }) : () -> ()
    %barrier3A = arith.constant 0 : index
    tpu.barrier barrier_id(%barrier3A)
    %scan3A = arith.constant 0 : i32
    %scan3A_8 = arith.constant 0 : i32
    %scan3A_9 = arith.constant 416 : i32
    %scan3A_10 = arith.addi %scan3A_8, %scan3A_9 : i32
    %scan3A_11 = arith.constant 1 : i32
    scf.for %scan3A_42 = %scan3A_8 to %scan3A_10 step %scan3A_11  : i32 {
      %mul3A_43 = arith.constant 53248 : i32
      %mul3A_44 = arith.muli %arg1, %mul3A_43 : i32
      %mul3A_45 = arith.constant 128 : i32
      %mul3A_46 = arith.muli %scan3A_42, %mul3A_45 : i32
      %add3A_47 = arith.addi %mul3A_44, %mul3A_46 : i32
      "tpu.region"() ({
        %run_scoped3A = tpu.sem_alloc : memref<!tpu.dma_semaphore, #tpu.memory_space<semaphore_mem>>
        %dma_start3A = tpu.memref_slice %arg3[%add3A_47] : memref<851968xi32, #tpu.memory_space<hbm>> -> memref<128xi32, #tpu.memory_space<hbm>>
        %dma_start3A_54 = tpu.memref_slice %arg3[%add3A_47] : memref<851968xi32, #tpu.memory_space<hbm>> -> memref<128xi32, #tpu.memory_space<hbm>>
        tpu.enqueue_dma source(%dma_start3A_54 : memref<128xi32, #tpu.memory_space<hbm>>) target(%arg7 : memref<128xi32, #tpu.memory_space<vmem>>) target_semaphore(%run_scoped3A : memref<!tpu.dma_semaphore, #tpu.memory_space<semaphore_mem>>)
        %dma_wait3A = tpu.memref_slice %arg3[%add3A_47] : memref<851968xi32, #tpu.memory_space<hbm>> -> memref<128xi32, #tpu.memory_space<hbm>>
        %dma_wait3A_55 = tpu.memref_slice %arg3[%add3A_47] : memref<851968xi32, #tpu.memory_space<hbm>> -> memref<128xi32, #tpu.memory_space<hbm>>
        tpu.wait_dma2 semaphore(%run_scoped3A : memref<!tpu.dma_semaphore, #tpu.memory_space<semaphore_mem>>) src(%dma_wait3A_55 : memref<128xi32, #tpu.memory_space<hbm>>) dst(%arg7 : memref<128xi32, #tpu.memory_space<vmem>>)
        tpu.yield
      }) : () -> ()
      "tpu.region"() ({
        %run_scoped3A = tpu.sem_alloc : memref<!tpu.dma_semaphore, #tpu.memory_space<semaphore_mem>>
        %dma_start3A = arith.constant 0 : i32
        %dma_start3A_54 = tpu.memref_slice %arg2[%add3A_47, %dma_start3A] : memref<851968x128xf32, #tpu.memory_space<hbm>> -> memref<128x128xf32, #tpu.memory_space<hbm>>
        %dma_start3A_55 = arith.constant 0 : i32
        %dma_start3A_56 = tpu.memref_slice %arg2[%add3A_47, %dma_start3A_55] : memref<851968x128xf32, #tpu.memory_space<hbm>> -> memref<128x128xf32, #tpu.memory_space<hbm>>
        tpu.enqueue_dma source(%dma_start3A_56 : memref<128x128xf32, #tpu.memory_space<hbm>>) target(%arg9 : memref<128x128xf32, #tpu.memory_space<vmem>>) target_semaphore(%run_scoped3A : memref<!tpu.dma_semaphore, #tpu.memory_space<semaphore_mem>>)
        %dma_wait3A = arith.constant 0 : i32
        %dma_wait3A_57 = tpu.memref_slice %arg2[%add3A_47, %dma_wait3A] : memref<851968x128xf32, #tpu.memory_space<hbm>> -> memref<128x128xf32, #tpu.memory_space<hbm>>
        %dma_wait3A_58 = arith.constant 0 : i32
        %dma_wait3A_59 = tpu.memref_slice %arg2[%add3A_47, %dma_wait3A_58] : memref<851968x128xf32, #tpu.memory_space<hbm>> -> memref<128x128xf32, #tpu.memory_space<hbm>>
        tpu.wait_dma2 semaphore(%run_scoped3A : memref<!tpu.dma_semaphore, #tpu.memory_space<semaphore_mem>>) src(%dma_wait3A_59 : memref<128x128xf32, #tpu.memory_space<hbm>>) dst(%arg9 : memref<128x128xf32, #tpu.memory_space<vmem>>)
        tpu.yield
      }) : () -> ()
      %scan3A_48 = arith.constant 0 : i32
      %scan3A_49 = arith.constant 0 : i32
      %scan3A_50 = arith.constant 8 : i32
      %scan3A_51 = arith.addi %scan3A_49, %scan3A_50 : i32
      %scan3A_52 = arith.constant 1 : i32
      scf.for %scan3A_54 = %scan3A_49 to %scan3A_51 step %scan3A_52  : i32 {
        %mul3A_55 = arith.constant 16 : i32
        %mul3A_56 = arith.muli %scan3A_54, %mul3A_55 : i32
        %get3A = arith.index_cast %mul3A_56 : i32 to index
        %get3A_57 = tpu.vector_load %arg7[%get3A] {strides = array<i32>} : memref<128xi32, #tpu.memory_space<vmem>>, vector<16xi32>,
        %get3A_58 = vector.shape_cast %get3A_57 : vector<16xi32> to vector<16xi32>
        %ge3A = vector.broadcast %mul3A_3 : i32 to vector<16xi32>
        %ge3A_59 = arith.cmpi sge, %get3A_58, %ge3A : vector<16xi32>
        %add3A_60 = arith.constant 12512 : i32
        %add3A_61 = arith.addi %mul3A_3, %add3A_60 : i32
        %lt3A = vector.broadcast %add3A_61 : i32 to vector<16xi32>
        %lt3A_62 = arith.cmpi slt, %get3A_58, %lt3A : vector<16xi32>
        %and3A = arith.andi %ge3A_59, %lt3A_62 : vector<16xi1>
        %sub3A = vector.broadcast %mul3A_3 : i32 to vector<16xi32>
        %sub3A_63 = arith.subi %get3A_58, %sub3A : vector<16xi32>
        %jit3A = arith.constant 12512 : i32
        %broadcast_in_dim3A = vector.broadcast %jit3A : i32 to vector<16xi32>
        %select_n3A = arith.select %and3A, %sub3A_63, %broadcast_in_dim3A : vector<16xi1>, vector<16xi32>
        %mul3A_64 = arith.constant 16 : i32
        %mul3A_65 = arith.muli %scan3A_54, %mul3A_64 : i32
        %swap3A = arith.index_cast %mul3A_65 : i32 to index
        %swap3A_66 = tpu.vector_load %arg8[%swap3A] {strides = array<i32>} : memref<128xi32, #tpu.memory_space<vmem>>, vector<16xi32>,
        %swap3A_67 = vector.shape_cast %swap3A_66 : vector<16xi32> to vector<16xi32>
        %swap3A_68 = vector.shape_cast %select_n3A : vector<16xi32> to vector<16xi32>
        tpu.vector_store %arg8[%swap3A], %swap3A_68 {strides = array<i32>} : memref<128xi32, #tpu.memory_space<vmem>>, vector<16xi32>,
      }
      %scan3A_53 = arith.constant 8 : i32
      "tpu.region"() ({
        %run_scoped3A = tpu.sem_alloc : memref<!tpu.dma_semaphore, #tpu.memory_space<semaphore_mem>>
        %dma_start3A = arith.constant 0 : i32
        %dma_start3A_54 = arith.constant 0 : i32
        %dma_start3A_55 = tpu.memref_slice %arg6[%dma_start3A, %dma_start3A_54] : memref<12528x128xf32, #tpu.memory_space<vmem_shared>> -> memref<12528x128xf32, #tpu.memory_space<vmem_shared>>
        tpu.enqueue_indirect_dma source(%arg9 : memref<128x128xf32, #tpu.memory_space<vmem>>) target(%dma_start3A_55 : memref<12528x128xf32, #tpu.memory_space<vmem_shared>>) offsets(%arg8 : memref<128xi32, #tpu.memory_space<vmem>>) semaphore(%run_scoped3A : memref<!tpu.dma_semaphore, #tpu.memory_space<semaphore_mem>>) {add = true}
        %dma_wait3A = arith.constant 0 : i32
        %dma_wait3A_56 = arith.constant 0 : i32
        %dma_wait3A_57 = tpu.memref_slice %arg6[%dma_wait3A, %dma_wait3A_56] : memref<12528x128xf32, #tpu.memory_space<vmem_shared>> -> memref<12528x128xf32, #tpu.memory_space<vmem_shared>>
        tpu.wait_indirect_dma semaphore(%run_scoped3A : memref<!tpu.dma_semaphore, #tpu.memory_space<semaphore_mem>>) src(%arg9 : memref<128x128xf32, #tpu.memory_space<vmem>>) dst(%dma_wait3A_57 : memref<12528x128xf32, #tpu.memory_space<vmem_shared>>)
        tpu.yield
      }) : () -> ()
    }
    %scan3A_12 = arith.constant 416 : i32
    %barrier3A_13 = arith.constant 0 : index
    tpu.barrier barrier_id(%barrier3A_13)
    %mul3A_14 = arith.constant 782 : i32
    %mul3A_15 = arith.muli %arg1, %mul3A_14 : i32
    %mul3A_16 = arith.constant 782 : i32
    %mul3A_17 = arith.muli %arg1, %mul3A_16 : i32
    %add3A_18 = arith.addi %mul3A_3, %mul3A_17 : i32
    "tpu.region"() ({
      %run_scoped3A = tpu.sem_alloc : memref<!tpu.dma_semaphore, #tpu.memory_space<semaphore_mem>>
      %dma_start3A = arith.constant 0 : i32
      %dma_start3A_42 = tpu.memref_slice %arg5[%add3A_18, %dma_start3A] : memref<50048x128xf32, #tpu.memory_space<hbm>> -> memref<782x128xf32, #tpu.memory_space<hbm>>
      %dma_start3A_43 = arith.constant 0 : i32
      %dma_start3A_44 = tpu.memref_slice %arg6[%mul3A_15, %dma_start3A_43] : memref<12528x128xf32, #tpu.memory_space<vmem_shared>> -> memref<782x128xf32, #tpu.memory_space<vmem_shared>>
      tpu.enqueue_dma source(%dma_start3A_44 : memref<782x128xf32, #tpu.memory_space<vmem_shared>>) target(%dma_start3A_42 : memref<782x128xf32, #tpu.memory_space<hbm>>) target_semaphore(%run_scoped3A : memref<!tpu.dma_semaphore, #tpu.memory_space<semaphore_mem>>)
      %dma_wait3A = arith.constant 0 : i32
      %dma_wait3A_45 = tpu.memref_slice %arg5[%add3A_18, %dma_wait3A] : memref<50048x128xf32, #tpu.memory_space<hbm>> -> memref<782x128xf32, #tpu.memory_space<hbm>>
      %dma_wait3A_46 = arith.constant 0 : i32
      %dma_wait3A_47 = tpu.memref_slice %arg6[%mul3A_15, %dma_wait3A_46] : memref<12528x128xf32, #tpu.memory_space<vmem_shared>> -> memref<782x128xf32, #tpu.memory_space<vmem_shared>>
      tpu.wait_dma2 semaphore(%run_scoped3A : memref<!tpu.dma_semaphore, #tpu.memory_space<semaphore_mem>>) src(%dma_wait3A_47 : memref<782x128xf32, #tpu.memory_space<vmem_shared>>) dst(%dma_wait3A_45 : memref<782x128xf32, #tpu.memory_space<hbm>>)
      tpu.yield
    }) : () -> ()
    %mul3A_19 = arith.constant 2 : i32
    %mul3A_20 = arith.muli %arg0, %mul3A_19 : i32
    %add3A_21 = arith.constant 1 : i32
    %add3A_22 = arith.addi %mul3A_20, %add3A_21 : i32
    %mul3A_23 = arith.constant 12512 : i32
    %mul3A_24 = arith.muli %add3A_22, %mul3A_23 : i32
    %mul3A_25 = arith.constant 783 : i32
    %mul3A_26 = arith.muli %arg1, %mul3A_25 : i32
    %mul3A_27 = arith.constant 783 : i32
    %mul3A_28 = arith.muli %arg1, %mul3A_27 : i32
    "tpu.region"() ({
      %run_scoped3A = tpu.sem_alloc : memref<!tpu.dma_semaphore, #tpu.memory_space<semaphore_mem>>
      %dma_start3A = arith.constant 0 : i32
      %dma_start3A_42 = tpu.memref_slice %arg6[%mul3A_28, %dma_start3A] : memref<12528x128xf32, #tpu.memory_space<vmem_shared>> -> memref<783x128xf32, #tpu.memory_space<vmem_shared>>
      %dma_start3A_43 = arith.constant 0 : i32
      %dma_start3A_44 = tpu.memref_slice %arg4[%mul3A_26, %dma_start3A_43] : memref<12528x128xf32, #tpu.memory_space<hbm>> -> memref<783x128xf32, #tpu.memory_space<hbm>>
      tpu.enqueue_dma source(%dma_start3A_44 : memref<783x128xf32, #tpu.memory_space<hbm>>) target(%dma_start3A_42 : memref<783x128xf32, #tpu.memory_space<vmem_shared>>) target_semaphore(%run_scoped3A : memref<!tpu.dma_semaphore, #tpu.memory_space<semaphore_mem>>)
      %dma_wait3A = arith.constant 0 : i32
      %dma_wait3A_45 = tpu.memref_slice %arg6[%mul3A_28, %dma_wait3A] : memref<12528x128xf32, #tpu.memory_space<vmem_shared>> -> memref<783x128xf32, #tpu.memory_space<vmem_shared>>
      %dma_wait3A_46 = arith.constant 0 : i32
      %dma_wait3A_47 = tpu.memref_slice %arg4[%mul3A_26, %dma_wait3A_46] : memref<12528x128xf32, #tpu.memory_space<hbm>> -> memref<783x128xf32, #tpu.memory_space<hbm>>
      tpu.wait_dma2 semaphore(%run_scoped3A : memref<!tpu.dma_semaphore, #tpu.memory_space<semaphore_mem>>) src(%dma_wait3A_47 : memref<783x128xf32, #tpu.memory_space<hbm>>) dst(%dma_wait3A_45 : memref<783x128xf32, #tpu.memory_space<vmem_shared>>)
      tpu.yield
    }) : () -> ()
    %barrier3A_29 = arith.constant 0 : index
    tpu.barrier barrier_id(%barrier3A_29)
    %scan3A_30 = arith.constant 0 : i32
    %scan3A_31 = arith.constant 0 : i32
    %scan3A_32 = arith.constant 416 : i32
    %scan3A_33 = arith.addi %scan3A_31, %scan3A_32 : i32
    %scan3A_34 = arith.constant 1 : i32
    scf.for %scan3A_42 = %scan3A_31 to %scan3A_33 step %scan3A_34  : i32 {
      %mul3A_43 = arith.constant 53248 : i32
      %mul3A_44 = arith.muli %arg1, %mul3A_43 : i32
      %mul3A_45 = arith.constant 128 : i32
      %mul3A_46 = arith.muli %scan3A_42, %mul3A_45 : i32
      %add3A_47 = arith.addi %mul3A_44, %mul3A_46 : i32
      "tpu.region"() ({
        %run_scoped3A = tpu.sem_alloc : memref<!tpu.dma_semaphore, #tpu.memory_space<semaphore_mem>>
        %dma_start3A = tpu.memref_slice %arg3[%add3A_47] : memref<851968xi32, #tpu.memory_space<hbm>> -> memref<128xi32, #tpu.memory_space<hbm>>
        %dma_start3A_54 = tpu.memref_slice %arg3[%add3A_47] : memref<851968xi32, #tpu.memory_space<hbm>> -> memref<128xi32, #tpu.memory_space<hbm>>
        tpu.enqueue_dma source(%dma_start3A_54 : memref<128xi32, #tpu.memory_space<hbm>>) target(%arg7 : memref<128xi32, #tpu.memory_space<vmem>>) target_semaphore(%run_scoped3A : memref<!tpu.dma_semaphore, #tpu.memory_space<semaphore_mem>>)
        %dma_wait3A = tpu.memref_slice %arg3[%add3A_47] : memref<851968xi32, #tpu.memory_space<hbm>> -> memref<128xi32, #tpu.memory_space<hbm>>
        %dma_wait3A_55 = tpu.memref_slice %arg3[%add3A_47] : memref<851968xi32, #tpu.memory_space<hbm>> -> memref<128xi32, #tpu.memory_space<hbm>>
        tpu.wait_dma2 semaphore(%run_scoped3A : memref<!tpu.dma_semaphore, #tpu.memory_space<semaphore_mem>>) src(%dma_wait3A_55 : memref<128xi32, #tpu.memory_space<hbm>>) dst(%arg7 : memref<128xi32, #tpu.memory_space<vmem>>)
        tpu.yield
      }) : () -> ()
      "tpu.region"() ({
        %run_scoped3A = tpu.sem_alloc : memref<!tpu.dma_semaphore, #tpu.memory_space<semaphore_mem>>
        %dma_start3A = arith.constant 0 : i32
        %dma_start3A_54 = tpu.memref_slice %arg2[%add3A_47, %dma_start3A] : memref<851968x128xf32, #tpu.memory_space<hbm>> -> memref<128x128xf32, #tpu.memory_space<hbm>>
        %dma_start3A_55 = arith.constant 0 : i32
        %dma_start3A_56 = tpu.memref_slice %arg2[%add3A_47, %dma_start3A_55] : memref<851968x128xf32, #tpu.memory_space<hbm>> -> memref<128x128xf32, #tpu.memory_space<hbm>>
        tpu.enqueue_dma source(%dma_start3A_56 : memref<128x128xf32, #tpu.memory_space<hbm>>) target(%arg9 : memref<128x128xf32, #tpu.memory_space<vmem>>) target_semaphore(%run_scoped3A : memref<!tpu.dma_semaphore, #tpu.memory_space<semaphore_mem>>)
        %dma_wait3A = arith.constant 0 : i32
        %dma_wait3A_57 = tpu.memref_slice %arg2[%add3A_47, %dma_wait3A] : memref<851968x128xf32, #tpu.memory_space<hbm>> -> memref<128x128xf32, #tpu.memory_space<hbm>>
        %dma_wait3A_58 = arith.constant 0 : i32
        %dma_wait3A_59 = tpu.memref_slice %arg2[%add3A_47, %dma_wait3A_58] : memref<851968x128xf32, #tpu.memory_space<hbm>> -> memref<128x128xf32, #tpu.memory_space<hbm>>
        tpu.wait_dma2 semaphore(%run_scoped3A : memref<!tpu.dma_semaphore, #tpu.memory_space<semaphore_mem>>) src(%dma_wait3A_59 : memref<128x128xf32, #tpu.memory_space<hbm>>) dst(%arg9 : memref<128x128xf32, #tpu.memory_space<vmem>>)
        tpu.yield
      }) : () -> ()
      %scan3A_48 = arith.constant 0 : i32
      %scan3A_49 = arith.constant 0 : i32
      %scan3A_50 = arith.constant 8 : i32
      %scan3A_51 = arith.addi %scan3A_49, %scan3A_50 : i32
      %scan3A_52 = arith.constant 1 : i32
      scf.for %scan3A_54 = %scan3A_49 to %scan3A_51 step %scan3A_52  : i32 {
        %mul3A_55 = arith.constant 16 : i32
        %mul3A_56 = arith.muli %scan3A_54, %mul3A_55 : i32
        %get3A = arith.index_cast %mul3A_56 : i32 to index
        %get3A_57 = tpu.vector_load %arg7[%get3A] {strides = array<i32>} : memref<128xi32, #tpu.memory_space<vmem>>, vector<16xi32>,
        %get3A_58 = vector.shape_cast %get3A_57 : vector<16xi32> to vector<16xi32>
        %ge3A = vector.broadcast %mul3A_24 : i32 to vector<16xi32>
        %ge3A_59 = arith.cmpi sge, %get3A_58, %ge3A : vector<16xi32>
        %add3A_60 = arith.constant 12512 : i32
        %add3A_61 = arith.addi %mul3A_24, %add3A_60 : i32
        %lt3A = vector.broadcast %add3A_61 : i32 to vector<16xi32>
        %lt3A_62 = arith.cmpi slt, %get3A_58, %lt3A : vector<16xi32>
        %and3A = arith.andi %ge3A_59, %lt3A_62 : vector<16xi1>
        %sub3A = vector.broadcast %mul3A_24 : i32 to vector<16xi32>
        %sub3A_63 = arith.subi %get3A_58, %sub3A : vector<16xi32>
        %jit3A = arith.constant 12512 : i32
        %broadcast_in_dim3A = vector.broadcast %jit3A : i32 to vector<16xi32>
        %select_n3A = arith.select %and3A, %sub3A_63, %broadcast_in_dim3A : vector<16xi1>, vector<16xi32>
        %mul3A_64 = arith.constant 16 : i32
        %mul3A_65 = arith.muli %scan3A_54, %mul3A_64 : i32
        %swap3A = arith.index_cast %mul3A_65 : i32 to index
        %swap3A_66 = tpu.vector_load %arg8[%swap3A] {strides = array<i32>} : memref<128xi32, #tpu.memory_space<vmem>>, vector<16xi32>,
        %swap3A_67 = vector.shape_cast %swap3A_66 : vector<16xi32> to vector<16xi32>
        %swap3A_68 = vector.shape_cast %select_n3A : vector<16xi32> to vector<16xi32>
        tpu.vector_store %arg8[%swap3A], %swap3A_68 {strides = array<i32>} : memref<128xi32, #tpu.memory_space<vmem>>, vector<16xi32>,
      }
      %scan3A_53 = arith.constant 8 : i32
      "tpu.region"() ({
        %run_scoped3A = tpu.sem_alloc : memref<!tpu.dma_semaphore, #tpu.memory_space<semaphore_mem>>
        %dma_start3A = arith.constant 0 : i32
        %dma_start3A_54 = arith.constant 0 : i32
        %dma_start3A_55 = tpu.memref_slice %arg6[%dma_start3A, %dma_start3A_54] : memref<12528x128xf32, #tpu.memory_space<vmem_shared>> -> memref<12528x128xf32, #tpu.memory_space<vmem_shared>>
        tpu.enqueue_indirect_dma source(%arg9 : memref<128x128xf32, #tpu.memory_space<vmem>>) target(%dma_start3A_55 : memref<12528x128xf32, #tpu.memory_space<vmem_shared>>) offsets(%arg8 : memref<128xi32, #tpu.memory_space<vmem>>) semaphore(%run_scoped3A : memref<!tpu.dma_semaphore, #tpu.memory_space<semaphore_mem>>) {add = true}
        %dma_wait3A = arith.constant 0 : i32
        %dma_wait3A_56 = arith.constant 0 : i32
        %dma_wait3A_57 = tpu.memref_slice %arg6[%dma_wait3A, %dma_wait3A_56] : memref<12528x128xf32, #tpu.memory_space<vmem_shared>> -> memref<12528x128xf32, #tpu.memory_space<vmem_shared>>
        tpu.wait_indirect_dma semaphore(%run_scoped3A : memref<!tpu.dma_semaphore, #tpu.memory_space<semaphore_mem>>) src(%arg9 : memref<128x128xf32, #tpu.memory_space<vmem>>) dst(%dma_wait3A_57 : memref<12528x128xf32, #tpu.memory_space<vmem_shared>>)
        tpu.yield
      }) : () -> ()
    }
    %scan3A_35 = arith.constant 416 : i32
    %barrier3A_36 = arith.constant 0 : index
    tpu.barrier barrier_id(%barrier3A_36)
    %mul3A_37 = arith.constant 782 : i32
    %mul3A_38 = arith.muli %arg1, %mul3A_37 : i32
    %mul3A_39 = arith.constant 782 : i32
    %mul3A_40 = arith.muli %arg1, %mul3A_39 : i32
    %add3A_41 = arith.addi %mul3A_24, %mul3A_40 : i32
    "tpu.region"() ({
      %run_scoped3A = tpu.sem_alloc : memref<!tpu.dma_semaphore, #tpu.memory_space<semaphore_mem>>
      %dma_start3A = arith.constant 0 : i32
      %dma_start3A_42 = tpu.memref_slice %arg5[%add3A_41, %dma_start3A] : memref<50048x128xf32, #tpu.memory_space<hbm>> -> memref<782x128xf32, #tpu.memory_space<hbm>>
      %dma_start3A_43 = arith.constant 0 : i32
      %dma_start3A_44 = tpu.memref_slice %arg6[%mul3A_38, %dma_start3A_43] : memref<12528x128xf32, #tpu.memory_space<vmem_shared>> -> memref<782x128xf32, #tpu.memory_space<vmem_shared>>
      tpu.enqueue_dma source(%dma_start3A_44 : memref<782x128xf32, #tpu.memory_space<vmem_shared>>) target(%dma_start3A_42 : memref<782x128xf32, #tpu.memory_space<hbm>>) target_semaphore(%run_scoped3A : memref<!tpu.dma_semaphore, #tpu.memory_space<semaphore_mem>>)
      %dma_wait3A = arith.constant 0 : i32
      %dma_wait3A_45 = tpu.memref_slice %arg5[%add3A_41, %dma_wait3A] : memref<50048x128xf32, #tpu.memory_space<hbm>> -> memref<782x128xf32, #tpu.memory_space<hbm>>
      %dma_wait3A_46 = arith.constant 0 : i32
      %dma_wait3A_47 = tpu.memref_slice %arg6[%mul3A_38, %dma_wait3A_46] : memref<12528x128xf32, #tpu.memory_space<vmem_shared>> -> memref<782x128xf32, #tpu.memory_space<vmem_shared>>
      tpu.wait_dma2 semaphore(%run_scoped3A : memref<!tpu.dma_semaphore, #tpu.memory_space<semaphore_mem>>) src(%dma_wait3A_47 : memref<782x128xf32, #tpu.memory_space<vmem_shared>>) dst(%dma_wait3A_45 : memref<782x128xf32, #tpu.memory_space<hbm>>)
      tpu.yield
    }) : () -> ()
    return
  }
}

#map = affine_map<(d0, d1) -> (0, 0)>
#map1 = affine_map<(d0, d1) -> (0)>
module attributes {stable_mosaic.version = 14 : i64} {
  func.func @k(%arg0: i32, %arg1: i32, %arg2: memref<50000x64xf32, #tpu.memory_space<hbm>>, %arg3: memref<851968xi32, #tpu.memory_space<hbm>>, %arg4: memref<851968x64xf32, #tpu.memory_space<hbm>>, %arg5: memref<832xi32, #tpu.memory_space<vmem>>, %arg6: memref<832xi32, #tpu.memory_space<vmem>>, %arg7: memref<832x64xf32, #tpu.memory_space<vmem>>, %arg8: memref<832x64xf32, #tpu.memory_space<vmem>>, %arg9: memref<!tpu.dma_semaphore, #tpu.memory_space<semaphore_mem>>, %arg10: memref<!tpu.dma_semaphore, #tpu.memory_space<semaphore_mem>>, %arg11: memref<!tpu.dma_semaphore, #tpu.memory_space<semaphore_mem>>, %arg12: memref<!tpu.dma_semaphore, #tpu.memory_space<semaphore_mem>>, %arg13: memref<!tpu.dma_semaphore, #tpu.memory_space<semaphore_mem>>, %arg14: memref<!tpu.dma_semaphore, #tpu.memory_space<semaphore_mem>>) attributes {dimension_semantics = [#tpu.dimension_semantics<core_parallel>, #tpu.dimension_semantics<subcore_parallel>], iteration_bounds = array<i64: 2, 16>, scalar_prefetch = 0 : i64, scratch_operands = 10 : i64, tpu.core_type = #tpu.core_type<sc_vector_subcore>, window_params = [{transform_indices = #map}, {transform_indices = #map1}, {transform_indices = #map}]} {
    %mul3A = arith.constant 2 : i32
    %mul3A_0 = arith.muli %arg1, %mul3A : i32
    %add3A = arith.addi %mul3A_0, %arg0 : i32
    %mul3A_1 = arith.constant 26624 : i32
    %mul3A_2 = arith.muli %add3A, %mul3A_1 : i32
    %scan3A = arith.constant 0 : i32
    %scan3A_3 = arith.constant 0 : i32
    %scan3A_4 = arith.constant 16 : i32
    %scan3A_5 = arith.addi %scan3A_3, %scan3A_4 : i32
    %scan3A_6 = arith.constant 1 : i32
    scf.for %scan3A_8 = %scan3A_3 to %scan3A_5 step %scan3A_6  : i32 {
      %mul3A_9 = arith.constant 2 : i32
      %mul3A_10 = arith.muli %mul3A_9, %scan3A_8 : i32
      %mul3A_11 = arith.constant 832 : i32
      %mul3A_12 = arith.muli %mul3A_10, %mul3A_11 : i32
      %add3A_13 = arith.addi %mul3A_2, %mul3A_12 : i32
      %add3A_14 = arith.constant 832 : i32
      %add3A_15 = arith.addi %add3A_13, %add3A_14 : i32
      %dma_start3A = tpu.memref_slice %arg3[%add3A_13] : memref<851968xi32, #tpu.memory_space<hbm>> -> memref<832xi32, #tpu.memory_space<hbm>>
      %dma_start3A_16 = tpu.memref_slice %arg3[%add3A_13] : memref<851968xi32, #tpu.memory_space<hbm>> -> memref<832xi32, #tpu.memory_space<hbm>>
      tpu.enqueue_dma source(%dma_start3A_16 : memref<832xi32, #tpu.memory_space<hbm>>) target(%arg5 : memref<832xi32, #tpu.memory_space<vmem>>) target_semaphore(%arg9 : memref<!tpu.dma_semaphore, #tpu.memory_space<semaphore_mem>>)
      %dma_start3A_17 = tpu.memref_slice %arg3[%add3A_15] : memref<851968xi32, #tpu.memory_space<hbm>> -> memref<832xi32, #tpu.memory_space<hbm>>
      %dma_start3A_18 = tpu.memref_slice %arg3[%add3A_15] : memref<851968xi32, #tpu.memory_space<hbm>> -> memref<832xi32, #tpu.memory_space<hbm>>
      tpu.enqueue_dma source(%dma_start3A_18 : memref<832xi32, #tpu.memory_space<hbm>>) target(%arg6 : memref<832xi32, #tpu.memory_space<vmem>>) target_semaphore(%arg10 : memref<!tpu.dma_semaphore, #tpu.memory_space<semaphore_mem>>)
      %dma_wait3A = tpu.memref_slice %arg3[%add3A_13] : memref<851968xi32, #tpu.memory_space<hbm>> -> memref<832xi32, #tpu.memory_space<hbm>>
      %dma_wait3A_19 = tpu.memref_slice %arg3[%add3A_13] : memref<851968xi32, #tpu.memory_space<hbm>> -> memref<832xi32, #tpu.memory_space<hbm>>
      tpu.wait_dma2 semaphore(%arg9 : memref<!tpu.dma_semaphore, #tpu.memory_space<semaphore_mem>>) src(%dma_wait3A_19 : memref<832xi32, #tpu.memory_space<hbm>>) dst(%arg5 : memref<832xi32, #tpu.memory_space<vmem>>)
      %dma_start3A_20 = arith.constant 0 : i32
      %dma_start3A_21 = arith.constant 0 : i32
      %dma_start3A_22 = tpu.memref_slice %arg2[%dma_start3A_20, %dma_start3A_21] : memref<50000x64xf32, #tpu.memory_space<hbm>> -> memref<50000x64xf32, #tpu.memory_space<hbm>>
      tpu.enqueue_indirect_dma source(%dma_start3A_22 : memref<50000x64xf32, #tpu.memory_space<hbm>>) target(%arg7 : memref<832x64xf32, #tpu.memory_space<vmem>>) offsets(%arg5 : memref<832xi32, #tpu.memory_space<vmem>>) semaphore(%arg11 : memref<!tpu.dma_semaphore, #tpu.memory_space<semaphore_mem>>)
      %dma_wait3A_23 = tpu.memref_slice %arg3[%add3A_15] : memref<851968xi32, #tpu.memory_space<hbm>> -> memref<832xi32, #tpu.memory_space<hbm>>
      %dma_wait3A_24 = tpu.memref_slice %arg3[%add3A_15] : memref<851968xi32, #tpu.memory_space<hbm>> -> memref<832xi32, #tpu.memory_space<hbm>>
      tpu.wait_dma2 semaphore(%arg10 : memref<!tpu.dma_semaphore, #tpu.memory_space<semaphore_mem>>) src(%dma_wait3A_24 : memref<832xi32, #tpu.memory_space<hbm>>) dst(%arg6 : memref<832xi32, #tpu.memory_space<vmem>>)
      %dma_start3A_25 = arith.constant 0 : i32
      %dma_start3A_26 = arith.constant 0 : i32
      %dma_start3A_27 = tpu.memref_slice %arg2[%dma_start3A_25, %dma_start3A_26] : memref<50000x64xf32, #tpu.memory_space<hbm>> -> memref<50000x64xf32, #tpu.memory_space<hbm>>
      tpu.enqueue_indirect_dma source(%dma_start3A_27 : memref<50000x64xf32, #tpu.memory_space<hbm>>) target(%arg8 : memref<832x64xf32, #tpu.memory_space<vmem>>) offsets(%arg6 : memref<832xi32, #tpu.memory_space<vmem>>) semaphore(%arg12 : memref<!tpu.dma_semaphore, #tpu.memory_space<semaphore_mem>>)
      %dma_wait3A_28 = arith.constant 0 : i32
      %dma_wait3A_29 = arith.constant 0 : i32
      %dma_wait3A_30 = tpu.memref_slice %arg2[%dma_wait3A_28, %dma_wait3A_29] : memref<50000x64xf32, #tpu.memory_space<hbm>> -> memref<50000x64xf32, #tpu.memory_space<hbm>>
      tpu.wait_indirect_dma semaphore(%arg11 : memref<!tpu.dma_semaphore, #tpu.memory_space<semaphore_mem>>) src(%dma_wait3A_30 : memref<50000x64xf32, #tpu.memory_space<hbm>>) dst(%arg7 : memref<832x64xf32, #tpu.memory_space<vmem>>)
      %dma_start3A_31 = arith.constant 0 : i32
      %dma_start3A_32 = tpu.memref_slice %arg4[%add3A_13, %dma_start3A_31] : memref<851968x64xf32, #tpu.memory_space<hbm>> -> memref<832x64xf32, #tpu.memory_space<hbm>>
      %dma_start3A_33 = arith.constant 0 : i32
      %dma_start3A_34 = tpu.memref_slice %arg4[%add3A_13, %dma_start3A_33] : memref<851968x64xf32, #tpu.memory_space<hbm>> -> memref<832x64xf32, #tpu.memory_space<hbm>>
      tpu.enqueue_dma source(%arg7 : memref<832x64xf32, #tpu.memory_space<vmem>>) target(%dma_start3A_34 : memref<832x64xf32, #tpu.memory_space<hbm>>) target_semaphore(%arg13 : memref<!tpu.dma_semaphore, #tpu.memory_space<semaphore_mem>>)
      %dma_wait3A_35 = arith.constant 0 : i32
      %dma_wait3A_36 = arith.constant 0 : i32
      %dma_wait3A_37 = tpu.memref_slice %arg2[%dma_wait3A_35, %dma_wait3A_36] : memref<50000x64xf32, #tpu.memory_space<hbm>> -> memref<50000x64xf32, #tpu.memory_space<hbm>>
      tpu.wait_indirect_dma semaphore(%arg12 : memref<!tpu.dma_semaphore, #tpu.memory_space<semaphore_mem>>) src(%dma_wait3A_37 : memref<50000x64xf32, #tpu.memory_space<hbm>>) dst(%arg8 : memref<832x64xf32, #tpu.memory_space<vmem>>)
      %dma_start3A_38 = arith.constant 0 : i32
      %dma_start3A_39 = tpu.memref_slice %arg4[%add3A_15, %dma_start3A_38] : memref<851968x64xf32, #tpu.memory_space<hbm>> -> memref<832x64xf32, #tpu.memory_space<hbm>>
      %dma_start3A_40 = arith.constant 0 : i32
      %dma_start3A_41 = tpu.memref_slice %arg4[%add3A_15, %dma_start3A_40] : memref<851968x64xf32, #tpu.memory_space<hbm>> -> memref<832x64xf32, #tpu.memory_space<hbm>>
      tpu.enqueue_dma source(%arg8 : memref<832x64xf32, #tpu.memory_space<vmem>>) target(%dma_start3A_41 : memref<832x64xf32, #tpu.memory_space<hbm>>) target_semaphore(%arg14 : memref<!tpu.dma_semaphore, #tpu.memory_space<semaphore_mem>>)
      %dma_wait3A_42 = arith.constant 0 : i32
      %dma_wait3A_43 = tpu.memref_slice %arg4[%add3A_13, %dma_wait3A_42] : memref<851968x64xf32, #tpu.memory_space<hbm>> -> memref<832x64xf32, #tpu.memory_space<hbm>>
      %dma_wait3A_44 = arith.constant 0 : i32
      %dma_wait3A_45 = tpu.memref_slice %arg4[%add3A_13, %dma_wait3A_44] : memref<851968x64xf32, #tpu.memory_space<hbm>> -> memref<832x64xf32, #tpu.memory_space<hbm>>
      tpu.wait_dma2 semaphore(%arg13 : memref<!tpu.dma_semaphore, #tpu.memory_space<semaphore_mem>>) src(%arg7 : memref<832x64xf32, #tpu.memory_space<vmem>>) dst(%dma_wait3A_45 : memref<832x64xf32, #tpu.memory_space<hbm>>)
      %dma_wait3A_46 = arith.constant 0 : i32
      %dma_wait3A_47 = tpu.memref_slice %arg4[%add3A_15, %dma_wait3A_46] : memref<851968x64xf32, #tpu.memory_space<hbm>> -> memref<832x64xf32, #tpu.memory_space<hbm>>
      %dma_wait3A_48 = arith.constant 0 : i32
      %dma_wait3A_49 = tpu.memref_slice %arg4[%add3A_15, %dma_wait3A_48] : memref<851968x64xf32, #tpu.memory_space<hbm>> -> memref<832x64xf32, #tpu.memory_space<hbm>>
      tpu.wait_dma2 semaphore(%arg14 : memref<!tpu.dma_semaphore, #tpu.memory_space<semaphore_mem>>) src(%arg8 : memref<832x64xf32, #tpu.memory_space<vmem>>) dst(%dma_wait3A_49 : memref<832x64xf32, #tpu.memory_space<hbm>>)
    }
    %scan3A_7 = arith.constant 16 : i32
    return
  }
}

#map = affine_map<(d0, d1) -> (0, 0)>
#map1 = affine_map<(d0, d1) -> (0)>
module attributes {stable_mosaic.version = 14 : i64} {
  func.func @k(%arg0: i32, %arg1: i32, %arg2: memref<50000x64xf32, #tpu.memory_space<hbm>>, %arg3: memref<851968xi32, #tpu.memory_space<hbm>>, %arg4: memref<851968x64xf32, #tpu.memory_space<hbm>>, %arg5: memref<832xi32, #tpu.memory_space<vmem>>, %arg6: memref<832xi32, #tpu.memory_space<vmem>>, %arg7: memref<832x64xf32, #tpu.memory_space<vmem>>, %arg8: memref<832x64xf32, #tpu.memory_space<vmem>>, %arg9: memref<!tpu.dma_semaphore, #tpu.memory_space<semaphore_mem>>, %arg10: memref<!tpu.dma_semaphore, #tpu.memory_space<semaphore_mem>>, %arg11: memref<!tpu.dma_semaphore, #tpu.memory_space<semaphore_mem>>, %arg12: memref<!tpu.dma_semaphore, #tpu.memory_space<semaphore_mem>>, %arg13: memref<!tpu.dma_semaphore, #tpu.memory_space<semaphore_mem>>, %arg14: memref<!tpu.dma_semaphore, #tpu.memory_space<semaphore_mem>>) attributes {dimension_semantics = [#tpu.dimension_semantics<core_parallel>, #tpu.dimension_semantics<subcore_parallel>], iteration_bounds = array<i64: 2, 16>, scalar_prefetch = 0 : i64, scratch_operands = 10 : i64, tpu.core_type = #tpu.core_type<sc_vector_subcore>, window_params = [{transform_indices = #map}, {transform_indices = #map1}, {transform_indices = #map}]} {
    %mul3A = arith.constant 2 : i32
    %mul3A_0 = arith.muli %arg1, %mul3A : i32
    %add3A = arith.addi %mul3A_0, %arg0 : i32
    %mul3A_1 = arith.constant 26624 : i32
    %mul3A_2 = arith.muli %add3A, %mul3A_1 : i32
    %scan3A = arith.constant 0 : i32
    %scan3A_3 = arith.constant 0 : i32
    %scan3A_4 = arith.constant 16 : i32
    %scan3A_5 = arith.addi %scan3A_3, %scan3A_4 : i32
    %scan3A_6 = arith.constant 1 : i32
    scf.for %scan3A_8 = %scan3A_3 to %scan3A_5 step %scan3A_6  : i32 {
      %mul3A_9 = arith.constant 2 : i32
      %mul3A_10 = arith.muli %mul3A_9, %scan3A_8 : i32
      %mul3A_11 = arith.constant 832 : i32
      %mul3A_12 = arith.muli %mul3A_10, %mul3A_11 : i32
      %add3A_13 = arith.addi %mul3A_2, %mul3A_12 : i32
      %add3A_14 = arith.constant 832 : i32
      %add3A_15 = arith.addi %add3A_13, %add3A_14 : i32
      %dma_start3A = tpu.memref_slice %arg3[%add3A_13] : memref<851968xi32, #tpu.memory_space<hbm>> -> memref<832xi32, #tpu.memory_space<hbm>>
      %dma_start3A_16 = tpu.memref_slice %arg3[%add3A_13] : memref<851968xi32, #tpu.memory_space<hbm>> -> memref<832xi32, #tpu.memory_space<hbm>>
      tpu.enqueue_dma source(%dma_start3A_16 : memref<832xi32, #tpu.memory_space<hbm>>) target(%arg5 : memref<832xi32, #tpu.memory_space<vmem>>) target_semaphore(%arg9 : memref<!tpu.dma_semaphore, #tpu.memory_space<semaphore_mem>>)
      %dma_start3A_17 = tpu.memref_slice %arg3[%add3A_15] : memref<851968xi32, #tpu.memory_space<hbm>> -> memref<832xi32, #tpu.memory_space<hbm>>
      %dma_start3A_18 = tpu.memref_slice %arg3[%add3A_15] : memref<851968xi32, #tpu.memory_space<hbm>> -> memref<832xi32, #tpu.memory_space<hbm>>
      tpu.enqueue_dma source(%dma_start3A_18 : memref<832xi32, #tpu.memory_space<hbm>>) target(%arg6 : memref<832xi32, #tpu.memory_space<vmem>>) target_semaphore(%arg10 : memref<!tpu.dma_semaphore, #tpu.memory_space<semaphore_mem>>)
      %dma_wait3A = tpu.memref_slice %arg3[%add3A_13] : memref<851968xi32, #tpu.memory_space<hbm>> -> memref<832xi32, #tpu.memory_space<hbm>>
      %dma_wait3A_19 = tpu.memref_slice %arg3[%add3A_13] : memref<851968xi32, #tpu.memory_space<hbm>> -> memref<832xi32, #tpu.memory_space<hbm>>
      tpu.wait_dma2 semaphore(%arg9 : memref<!tpu.dma_semaphore, #tpu.memory_space<semaphore_mem>>) src(%dma_wait3A_19 : memref<832xi32, #tpu.memory_space<hbm>>) dst(%arg5 : memref<832xi32, #tpu.memory_space<vmem>>)
      %dma_start3A_20 = arith.constant 0 : i32
      %dma_start3A_21 = arith.constant 0 : i32
      %dma_start3A_22 = tpu.memref_slice %arg2[%dma_start3A_20, %dma_start3A_21] : memref<50000x64xf32, #tpu.memory_space<hbm>> -> memref<50000x64xf32, #tpu.memory_space<hbm>>
      tpu.enqueue_indirect_dma source(%dma_start3A_22 : memref<50000x64xf32, #tpu.memory_space<hbm>>) target(%arg7 : memref<832x64xf32, #tpu.memory_space<vmem>>) offsets(%arg5 : memref<832xi32, #tpu.memory_space<vmem>>) semaphore(%arg11 : memref<!tpu.dma_semaphore, #tpu.memory_space<semaphore_mem>>)
      %dma_wait3A_23 = tpu.memref_slice %arg3[%add3A_15] : memref<851968xi32, #tpu.memory_space<hbm>> -> memref<832xi32, #tpu.memory_space<hbm>>
      %dma_wait3A_24 = tpu.memref_slice %arg3[%add3A_15] : memref<851968xi32, #tpu.memory_space<hbm>> -> memref<832xi32, #tpu.memory_space<hbm>>
      tpu.wait_dma2 semaphore(%arg10 : memref<!tpu.dma_semaphore, #tpu.memory_space<semaphore_mem>>) src(%dma_wait3A_24 : memref<832xi32, #tpu.memory_space<hbm>>) dst(%arg6 : memref<832xi32, #tpu.memory_space<vmem>>)
      %dma_start3A_25 = arith.constant 0 : i32
      %dma_start3A_26 = arith.constant 0 : i32
      %dma_start3A_27 = tpu.memref_slice %arg2[%dma_start3A_25, %dma_start3A_26] : memref<50000x64xf32, #tpu.memory_space<hbm>> -> memref<50000x64xf32, #tpu.memory_space<hbm>>
      tpu.enqueue_indirect_dma source(%dma_start3A_27 : memref<50000x64xf32, #tpu.memory_space<hbm>>) target(%arg8 : memref<832x64xf32, #tpu.memory_space<vmem>>) offsets(%arg6 : memref<832xi32, #tpu.memory_space<vmem>>) semaphore(%arg12 : memref<!tpu.dma_semaphore, #tpu.memory_space<semaphore_mem>>)
      %dma_wait3A_28 = arith.constant 0 : i32
      %dma_wait3A_29 = arith.constant 0 : i32
      %dma_wait3A_30 = tpu.memref_slice %arg2[%dma_wait3A_28, %dma_wait3A_29] : memref<50000x64xf32, #tpu.memory_space<hbm>> -> memref<50000x64xf32, #tpu.memory_space<hbm>>
      tpu.wait_indirect_dma semaphore(%arg11 : memref<!tpu.dma_semaphore, #tpu.memory_space<semaphore_mem>>) src(%dma_wait3A_30 : memref<50000x64xf32, #tpu.memory_space<hbm>>) dst(%arg7 : memref<832x64xf32, #tpu.memory_space<vmem>>)
      %dma_start3A_31 = arith.constant 0 : i32
      %dma_start3A_32 = tpu.memref_slice %arg4[%add3A_13, %dma_start3A_31] : memref<851968x64xf32, #tpu.memory_space<hbm>> -> memref<832x64xf32, #tpu.memory_space<hbm>>
      %dma_start3A_33 = arith.constant 0 : i32
      %dma_start3A_34 = tpu.memref_slice %arg4[%add3A_13, %dma_start3A_33] : memref<851968x64xf32, #tpu.memory_space<hbm>> -> memref<832x64xf32, #tpu.memory_space<hbm>>
      tpu.enqueue_dma source(%arg7 : memref<832x64xf32, #tpu.memory_space<vmem>>) target(%dma_start3A_34 : memref<832x64xf32, #tpu.memory_space<hbm>>) target_semaphore(%arg13 : memref<!tpu.dma_semaphore, #tpu.memory_space<semaphore_mem>>)
      %dma_wait3A_35 = arith.constant 0 : i32
      %dma_wait3A_36 = arith.constant 0 : i32
      %dma_wait3A_37 = tpu.memref_slice %arg2[%dma_wait3A_35, %dma_wait3A_36] : memref<50000x64xf32, #tpu.memory_space<hbm>> -> memref<50000x64xf32, #tpu.memory_space<hbm>>
      tpu.wait_indirect_dma semaphore(%arg12 : memref<!tpu.dma_semaphore, #tpu.memory_space<semaphore_mem>>) src(%dma_wait3A_37 : memref<50000x64xf32, #tpu.memory_space<hbm>>) dst(%arg8 : memref<832x64xf32, #tpu.memory_space<vmem>>)
      %dma_start3A_38 = arith.constant 0 : i32
      %dma_start3A_39 = tpu.memref_slice %arg4[%add3A_15, %dma_start3A_38] : memref<851968x64xf32, #tpu.memory_space<hbm>> -> memref<832x64xf32, #tpu.memory_space<hbm>>
      %dma_start3A_40 = arith.constant 0 : i32
      %dma_start3A_41 = tpu.memref_slice %arg4[%add3A_15, %dma_start3A_40] : memref<851968x64xf32, #tpu.memory_space<hbm>> -> memref<832x64xf32, #tpu.memory_space<hbm>>
      tpu.enqueue_dma source(%arg8 : memref<832x64xf32, #tpu.memory_space<vmem>>) target(%dma_start3A_41 : memref<832x64xf32, #tpu.memory_space<hbm>>) target_semaphore(%arg14 : memref<!tpu.dma_semaphore, #tpu.memory_space<semaphore_mem>>)
      %dma_wait3A_42 = arith.constant 0 : i32
      %dma_wait3A_43 = tpu.memref_slice %arg4[%add3A_13, %dma_wait3A_42] : memref<851968x64xf32, #tpu.memory_space<hbm>> -> memref<832x64xf32, #tpu.memory_space<hbm>>
      %dma_wait3A_44 = arith.constant 0 : i32
      %dma_wait3A_45 = tpu.memref_slice %arg4[%add3A_13, %dma_wait3A_44] : memref<851968x64xf32, #tpu.memory_space<hbm>> -> memref<832x64xf32, #tpu.memory_space<hbm>>
      tpu.wait_dma2 semaphore(%arg13 : memref<!tpu.dma_semaphore, #tpu.memory_space<semaphore_mem>>) src(%arg7 : memref<832x64xf32, #tpu.memory_space<vmem>>) dst(%dma_wait3A_45 : memref<832x64xf32, #tpu.memory_space<hbm>>)
      %dma_wait3A_46 = arith.constant 0 : i32
      %dma_wait3A_47 = tpu.memref_slice %arg4[%add3A_15, %dma_wait3A_46] : memref<851968x64xf32, #tpu.memory_space<hbm>> -> memref<832x64xf32, #tpu.memory_space<hbm>>
      %dma_wait3A_48 = arith.constant 0 : i32
      %dma_wait3A_49 = tpu.memref_slice %arg4[%add3A_15, %dma_wait3A_48] : memref<851968x64xf32, #tpu.memory_space<hbm>> -> memref<832x64xf32, #tpu.memory_space<hbm>>
      tpu.wait_dma2 semaphore(%arg14 : memref<!tpu.dma_semaphore, #tpu.memory_space<semaphore_mem>>) src(%arg8 : memref<832x64xf32, #tpu.memory_space<vmem>>) dst(%dma_wait3A_49 : memref<832x64xf32, #tpu.memory_space<hbm>>)
    }
    %scan3A_7 = arith.constant 16 : i32
    return
  }
}

#map = affine_map<(d0, d1) -> (0, 0)>
#map1 = affine_map<(d0, d1) -> (0)>
module attributes {stable_mosaic.version = 14 : i64} {
  func.func @k(%arg0: i32, %arg1: i32, %arg2: memref<851968x64xf32, #tpu.memory_space<hbm>>, %arg3: memref<851968xi32, #tpu.memory_space<hbm>>, %arg4: memref<25040x64xf32, #tpu.memory_space<hbm>>, %arg5: memref<50048x64xf32, #tpu.memory_space<hbm>>, %arg6: memref<25040x64xf32, #tpu.memory_space<vmem_shared>>, %arg7: memref<256xi32, #tpu.memory_space<vmem>>, %arg8: memref<256xi32, #tpu.memory_space<vmem>>, %arg9: memref<256x64xf32, #tpu.memory_space<vmem>>) attributes {dimension_semantics = [#tpu.dimension_semantics<core_parallel>, #tpu.dimension_semantics<subcore_parallel>], iteration_bounds = array<i64: 2, 16>, scalar_prefetch = 0 : i64, scratch_operands = 4 : i64, tpu.core_type = #tpu.core_type<sc_vector_subcore>, window_params = [{transform_indices = #map}, {transform_indices = #map1}, {transform_indices = #map}, {transform_indices = #map}]} {
    %mul3A = arith.constant 1 : i32
    %mul3A_0 = arith.muli %arg0, %mul3A : i32
    %add3A = arith.constant 0 : i32
    %add3A_1 = arith.addi %mul3A_0, %add3A : i32
    %mul3A_2 = arith.constant 25024 : i32
    %mul3A_3 = arith.muli %add3A_1, %mul3A_2 : i32
    %mul3A_4 = arith.constant 1565 : i32
    %mul3A_5 = arith.muli %arg1, %mul3A_4 : i32
    %mul3A_6 = arith.constant 1565 : i32
    %mul3A_7 = arith.muli %arg1, %mul3A_6 : i32
    "tpu.region"() ({
      %run_scoped3A = tpu.sem_alloc : memref<!tpu.dma_semaphore, #tpu.memory_space<semaphore_mem>>
      %dma_start3A = arith.constant 0 : i32
      %dma_start3A_19 = tpu.memref_slice %arg6[%mul3A_7, %dma_start3A] : memref<25040x64xf32, #tpu.memory_space<vmem_shared>> -> memref<1565x64xf32, #tpu.memory_space<vmem_shared>>
      %dma_start3A_20 = arith.constant 0 : i32
      %dma_start3A_21 = tpu.memref_slice %arg4[%mul3A_5, %dma_start3A_20] : memref<25040x64xf32, #tpu.memory_space<hbm>> -> memref<1565x64xf32, #tpu.memory_space<hbm>>
      tpu.enqueue_dma source(%dma_start3A_21 : memref<1565x64xf32, #tpu.memory_space<hbm>>) target(%dma_start3A_19 : memref<1565x64xf32, #tpu.memory_space<vmem_shared>>) target_semaphore(%run_scoped3A : memref<!tpu.dma_semaphore, #tpu.memory_space<semaphore_mem>>)
      %dma_wait3A = arith.constant 0 : i32
      %dma_wait3A_22 = tpu.memref_slice %arg6[%mul3A_7, %dma_wait3A] : memref<25040x64xf32, #tpu.memory_space<vmem_shared>> -> memref<1565x64xf32, #tpu.memory_space<vmem_shared>>
      %dma_wait3A_23 = arith.constant 0 : i32
      %dma_wait3A_24 = tpu.memref_slice %arg4[%mul3A_5, %dma_wait3A_23] : memref<25040x64xf32, #tpu.memory_space<hbm>> -> memref<1565x64xf32, #tpu.memory_space<hbm>>
      tpu.wait_dma2 semaphore(%run_scoped3A : memref<!tpu.dma_semaphore, #tpu.memory_space<semaphore_mem>>) src(%dma_wait3A_24 : memref<1565x64xf32, #tpu.memory_space<hbm>>) dst(%dma_wait3A_22 : memref<1565x64xf32, #tpu.memory_space<vmem_shared>>)
      tpu.yield
    }) : () -> ()
    %barrier3A = arith.constant 0 : index
    tpu.barrier barrier_id(%barrier3A)
    %scan3A = arith.constant 0 : i32
    %scan3A_8 = arith.constant 0 : i32
    %scan3A_9 = arith.constant 208 : i32
    %scan3A_10 = arith.addi %scan3A_8, %scan3A_9 : i32
    %scan3A_11 = arith.constant 1 : i32
    scf.for %scan3A_19 = %scan3A_8 to %scan3A_10 step %scan3A_11  : i32 {
      %mul3A_20 = arith.constant 53248 : i32
      %mul3A_21 = arith.muli %arg1, %mul3A_20 : i32
      %mul3A_22 = arith.constant 256 : i32
      %mul3A_23 = arith.muli %scan3A_19, %mul3A_22 : i32
      %add3A_24 = arith.addi %mul3A_21, %mul3A_23 : i32
      "tpu.region"() ({
        %run_scoped3A = tpu.sem_alloc : memref<!tpu.dma_semaphore, #tpu.memory_space<semaphore_mem>>
        %dma_start3A = tpu.memref_slice %arg3[%add3A_24] : memref<851968xi32, #tpu.memory_space<hbm>> -> memref<256xi32, #tpu.memory_space<hbm>>
        %dma_start3A_31 = tpu.memref_slice %arg3[%add3A_24] : memref<851968xi32, #tpu.memory_space<hbm>> -> memref<256xi32, #tpu.memory_space<hbm>>
        tpu.enqueue_dma source(%dma_start3A_31 : memref<256xi32, #tpu.memory_space<hbm>>) target(%arg7 : memref<256xi32, #tpu.memory_space<vmem>>) target_semaphore(%run_scoped3A : memref<!tpu.dma_semaphore, #tpu.memory_space<semaphore_mem>>)
        %dma_wait3A = tpu.memref_slice %arg3[%add3A_24] : memref<851968xi32, #tpu.memory_space<hbm>> -> memref<256xi32, #tpu.memory_space<hbm>>
        %dma_wait3A_32 = tpu.memref_slice %arg3[%add3A_24] : memref<851968xi32, #tpu.memory_space<hbm>> -> memref<256xi32, #tpu.memory_space<hbm>>
        tpu.wait_dma2 semaphore(%run_scoped3A : memref<!tpu.dma_semaphore, #tpu.memory_space<semaphore_mem>>) src(%dma_wait3A_32 : memref<256xi32, #tpu.memory_space<hbm>>) dst(%arg7 : memref<256xi32, #tpu.memory_space<vmem>>)
        tpu.yield
      }) : () -> ()
      "tpu.region"() ({
        %run_scoped3A = tpu.sem_alloc : memref<!tpu.dma_semaphore, #tpu.memory_space<semaphore_mem>>
        %dma_start3A = arith.constant 0 : i32
        %dma_start3A_31 = tpu.memref_slice %arg2[%add3A_24, %dma_start3A] : memref<851968x64xf32, #tpu.memory_space<hbm>> -> memref<256x64xf32, #tpu.memory_space<hbm>>
        %dma_start3A_32 = arith.constant 0 : i32
        %dma_start3A_33 = tpu.memref_slice %arg2[%add3A_24, %dma_start3A_32] : memref<851968x64xf32, #tpu.memory_space<hbm>> -> memref<256x64xf32, #tpu.memory_space<hbm>>
        tpu.enqueue_dma source(%dma_start3A_33 : memref<256x64xf32, #tpu.memory_space<hbm>>) target(%arg9 : memref<256x64xf32, #tpu.memory_space<vmem>>) target_semaphore(%run_scoped3A : memref<!tpu.dma_semaphore, #tpu.memory_space<semaphore_mem>>)
        %dma_wait3A = arith.constant 0 : i32
        %dma_wait3A_34 = tpu.memref_slice %arg2[%add3A_24, %dma_wait3A] : memref<851968x64xf32, #tpu.memory_space<hbm>> -> memref<256x64xf32, #tpu.memory_space<hbm>>
        %dma_wait3A_35 = arith.constant 0 : i32
        %dma_wait3A_36 = tpu.memref_slice %arg2[%add3A_24, %dma_wait3A_35] : memref<851968x64xf32, #tpu.memory_space<hbm>> -> memref<256x64xf32, #tpu.memory_space<hbm>>
        tpu.wait_dma2 semaphore(%run_scoped3A : memref<!tpu.dma_semaphore, #tpu.memory_space<semaphore_mem>>) src(%dma_wait3A_36 : memref<256x64xf32, #tpu.memory_space<hbm>>) dst(%arg9 : memref<256x64xf32, #tpu.memory_space<vmem>>)
        tpu.yield
      }) : () -> ()
      %scan3A_25 = arith.constant 0 : i32
      %scan3A_26 = arith.constant 0 : i32
      %scan3A_27 = arith.constant 16 : i32
      %scan3A_28 = arith.addi %scan3A_26, %scan3A_27 : i32
      %scan3A_29 = arith.constant 1 : i32
      scf.for %scan3A_31 = %scan3A_26 to %scan3A_28 step %scan3A_29  : i32 {
        %mul3A_32 = arith.constant 16 : i32
        %mul3A_33 = arith.muli %scan3A_31, %mul3A_32 : i32
        %get3A = arith.index_cast %mul3A_33 : i32 to index
        %get3A_34 = tpu.vector_load %arg7[%get3A] {strides = array<i32>} : memref<256xi32, #tpu.memory_space<vmem>>, vector<16xi32>,
        %get3A_35 = vector.shape_cast %get3A_34 : vector<16xi32> to vector<16xi32>
        %ge3A = vector.broadcast %mul3A_3 : i32 to vector<16xi32>
        %ge3A_36 = arith.cmpi sge, %get3A_35, %ge3A : vector<16xi32>
        %add3A_37 = arith.constant 25024 : i32
        %add3A_38 = arith.addi %mul3A_3, %add3A_37 : i32
        %lt3A = vector.broadcast %add3A_38 : i32 to vector<16xi32>
        %lt3A_39 = arith.cmpi slt, %get3A_35, %lt3A : vector<16xi32>
        %and3A = arith.andi %ge3A_36, %lt3A_39 : vector<16xi1>
        %sub3A = vector.broadcast %mul3A_3 : i32 to vector<16xi32>
        %sub3A_40 = arith.subi %get3A_35, %sub3A : vector<16xi32>
        %jit3A = arith.constant 25024 : i32
        %broadcast_in_dim3A = vector.broadcast %jit3A : i32 to vector<16xi32>
        %select_n3A = arith.select %and3A, %sub3A_40, %broadcast_in_dim3A : vector<16xi1>, vector<16xi32>
        %mul3A_41 = arith.constant 16 : i32
        %mul3A_42 = arith.muli %scan3A_31, %mul3A_41 : i32
        %swap3A = arith.index_cast %mul3A_42 : i32 to index
        %swap3A_43 = tpu.vector_load %arg8[%swap3A] {strides = array<i32>} : memref<256xi32, #tpu.memory_space<vmem>>, vector<16xi32>,
        %swap3A_44 = vector.shape_cast %swap3A_43 : vector<16xi32> to vector<16xi32>
        %swap3A_45 = vector.shape_cast %select_n3A : vector<16xi32> to vector<16xi32>
        tpu.vector_store %arg8[%swap3A], %swap3A_45 {strides = array<i32>} : memref<256xi32, #tpu.memory_space<vmem>>, vector<16xi32>,
      }
      %scan3A_30 = arith.constant 16 : i32
      "tpu.region"() ({
        %run_scoped3A = tpu.sem_alloc : memref<!tpu.dma_semaphore, #tpu.memory_space<semaphore_mem>>
        %dma_start3A = arith.constant 0 : i32
        %dma_start3A_31 = arith.constant 0 : i32
        %dma_start3A_32 = tpu.memref_slice %arg6[%dma_start3A, %dma_start3A_31] : memref<25040x64xf32, #tpu.memory_space<vmem_shared>> -> memref<25040x64xf32, #tpu.memory_space<vmem_shared>>
        tpu.enqueue_indirect_dma source(%arg9 : memref<256x64xf32, #tpu.memory_space<vmem>>) target(%dma_start3A_32 : memref<25040x64xf32, #tpu.memory_space<vmem_shared>>) offsets(%arg8 : memref<256xi32, #tpu.memory_space<vmem>>) semaphore(%run_scoped3A : memref<!tpu.dma_semaphore, #tpu.memory_space<semaphore_mem>>) {add = true}
        %dma_wait3A = arith.constant 0 : i32
        %dma_wait3A_33 = arith.constant 0 : i32
        %dma_wait3A_34 = tpu.memref_slice %arg6[%dma_wait3A, %dma_wait3A_33] : memref<25040x64xf32, #tpu.memory_space<vmem_shared>> -> memref<25040x64xf32, #tpu.memory_space<vmem_shared>>
        tpu.wait_indirect_dma semaphore(%run_scoped3A : memref<!tpu.dma_semaphore, #tpu.memory_space<semaphore_mem>>) src(%arg9 : memref<256x64xf32, #tpu.memory_space<vmem>>) dst(%dma_wait3A_34 : memref<25040x64xf32, #tpu.memory_space<vmem_shared>>)
        tpu.yield
      }) : () -> ()
    }
    %scan3A_12 = arith.constant 208 : i32
    %barrier3A_13 = arith.constant 0 : index
    tpu.barrier barrier_id(%barrier3A_13)
    %mul3A_14 = arith.constant 1564 : i32
    %mul3A_15 = arith.muli %arg1, %mul3A_14 : i32
    %mul3A_16 = arith.constant 1564 : i32
    %mul3A_17 = arith.muli %arg1, %mul3A_16 : i32
    %add3A_18 = arith.addi %mul3A_3, %mul3A_17 : i32
    "tpu.region"() ({
      %run_scoped3A = tpu.sem_alloc : memref<!tpu.dma_semaphore, #tpu.memory_space<semaphore_mem>>
      %dma_start3A = arith.constant 0 : i32
      %dma_start3A_19 = tpu.memref_slice %arg5[%add3A_18, %dma_start3A] : memref<50048x64xf32, #tpu.memory_space<hbm>> -> memref<1564x64xf32, #tpu.memory_space<hbm>>
      %dma_start3A_20 = arith.constant 0 : i32
      %dma_start3A_21 = tpu.memref_slice %arg6[%mul3A_15, %dma_start3A_20] : memref<25040x64xf32, #tpu.memory_space<vmem_shared>> -> memref<1564x64xf32, #tpu.memory_space<vmem_shared>>
      tpu.enqueue_dma source(%dma_start3A_21 : memref<1564x64xf32, #tpu.memory_space<vmem_shared>>) target(%dma_start3A_19 : memref<1564x64xf32, #tpu.memory_space<hbm>>) target_semaphore(%run_scoped3A : memref<!tpu.dma_semaphore, #tpu.memory_space<semaphore_mem>>)
      %dma_wait3A = arith.constant 0 : i32
      %dma_wait3A_22 = tpu.memref_slice %arg5[%add3A_18, %dma_wait3A] : memref<50048x64xf32, #tpu.memory_space<hbm>> -> memref<1564x64xf32, #tpu.memory_space<hbm>>
      %dma_wait3A_23 = arith.constant 0 : i32
      %dma_wait3A_24 = tpu.memref_slice %arg6[%mul3A_15, %dma_wait3A_23] : memref<25040x64xf32, #tpu.memory_space<vmem_shared>> -> memref<1564x64xf32, #tpu.memory_space<vmem_shared>>
      tpu.wait_dma2 semaphore(%run_scoped3A : memref<!tpu.dma_semaphore, #tpu.memory_space<semaphore_mem>>) src(%dma_wait3A_24 : memref<1564x64xf32, #tpu.memory_space<vmem_shared>>) dst(%dma_wait3A_22 : memref<1564x64xf32, #tpu.memory_space<hbm>>)
      tpu.yield
    }) : () -> ()
    return
  }
}

#map = affine_map<(d0, d1) -> (0, 0)>
#map1 = affine_map<(d0, d1) -> (0)>
module attributes {stable_mosaic.version = 14 : i64} {
  func.func @k(%arg0: i32, %arg1: i32, %arg2: memref<851968x16xf32, #tpu.memory_space<hbm>>, %arg3: memref<851968xi32, #tpu.memory_space<hbm>>, %arg4: memref<25040x16xf32, #tpu.memory_space<hbm>>, %arg5: memref<50048x16xf32, #tpu.memory_space<hbm>>, %arg6: memref<25040x16xf32, #tpu.memory_space<vmem_shared>>, %arg7: memref<512xi32, #tpu.memory_space<vmem>>, %arg8: memref<512xi32, #tpu.memory_space<vmem>>, %arg9: memref<512x16xf32, #tpu.memory_space<vmem>>) attributes {dimension_semantics = [#tpu.dimension_semantics<core_parallel>, #tpu.dimension_semantics<subcore_parallel>], iteration_bounds = array<i64: 2, 16>, scalar_prefetch = 0 : i64, scratch_operands = 4 : i64, tpu.core_type = #tpu.core_type<sc_vector_subcore>, window_params = [{transform_indices = #map}, {transform_indices = #map1}, {transform_indices = #map}, {transform_indices = #map}]} {
    %mul3A = arith.constant 1 : i32
    %mul3A_0 = arith.muli %arg0, %mul3A : i32
    %add3A = arith.constant 0 : i32
    %add3A_1 = arith.addi %mul3A_0, %add3A : i32
    %mul3A_2 = arith.constant 25024 : i32
    %mul3A_3 = arith.muli %add3A_1, %mul3A_2 : i32
    %mul3A_4 = arith.constant 1565 : i32
    %mul3A_5 = arith.muli %arg1, %mul3A_4 : i32
    %mul3A_6 = arith.constant 1565 : i32
    %mul3A_7 = arith.muli %arg1, %mul3A_6 : i32
    "tpu.region"() ({
      %run_scoped3A = tpu.sem_alloc : memref<!tpu.dma_semaphore, #tpu.memory_space<semaphore_mem>>
      %dma_start3A = arith.constant 0 : i32
      %dma_start3A_19 = tpu.memref_slice %arg6[%mul3A_7, %dma_start3A] : memref<25040x16xf32, #tpu.memory_space<vmem_shared>> -> memref<1565x16xf32, #tpu.memory_space<vmem_shared>>
      %dma_start3A_20 = arith.constant 0 : i32
      %dma_start3A_21 = tpu.memref_slice %arg4[%mul3A_5, %dma_start3A_20] : memref<25040x16xf32, #tpu.memory_space<hbm>> -> memref<1565x16xf32, #tpu.memory_space<hbm>>
      tpu.enqueue_dma source(%dma_start3A_21 : memref<1565x16xf32, #tpu.memory_space<hbm>>) target(%dma_start3A_19 : memref<1565x16xf32, #tpu.memory_space<vmem_shared>>) target_semaphore(%run_scoped3A : memref<!tpu.dma_semaphore, #tpu.memory_space<semaphore_mem>>)
      %dma_wait3A = arith.constant 0 : i32
      %dma_wait3A_22 = tpu.memref_slice %arg6[%mul3A_7, %dma_wait3A] : memref<25040x16xf32, #tpu.memory_space<vmem_shared>> -> memref<1565x16xf32, #tpu.memory_space<vmem_shared>>
      %dma_wait3A_23 = arith.constant 0 : i32
      %dma_wait3A_24 = tpu.memref_slice %arg4[%mul3A_5, %dma_wait3A_23] : memref<25040x16xf32, #tpu.memory_space<hbm>> -> memref<1565x16xf32, #tpu.memory_space<hbm>>
      tpu.wait_dma2 semaphore(%run_scoped3A : memref<!tpu.dma_semaphore, #tpu.memory_space<semaphore_mem>>) src(%dma_wait3A_24 : memref<1565x16xf32, #tpu.memory_space<hbm>>) dst(%dma_wait3A_22 : memref<1565x16xf32, #tpu.memory_space<vmem_shared>>)
      tpu.yield
    }) : () -> ()
    %barrier3A = arith.constant 0 : index
    tpu.barrier barrier_id(%barrier3A)
    %scan3A = arith.constant 0 : i32
    %scan3A_8 = arith.constant 0 : i32
    %scan3A_9 = arith.constant 104 : i32
    %scan3A_10 = arith.addi %scan3A_8, %scan3A_9 : i32
    %scan3A_11 = arith.constant 1 : i32
    scf.for %scan3A_19 = %scan3A_8 to %scan3A_10 step %scan3A_11  : i32 {
      %mul3A_20 = arith.constant 53248 : i32
      %mul3A_21 = arith.muli %arg1, %mul3A_20 : i32
      %mul3A_22 = arith.constant 512 : i32
      %mul3A_23 = arith.muli %scan3A_19, %mul3A_22 : i32
      %add3A_24 = arith.addi %mul3A_21, %mul3A_23 : i32
      "tpu.region"() ({
        %run_scoped3A = tpu.sem_alloc : memref<!tpu.dma_semaphore, #tpu.memory_space<semaphore_mem>>
        %dma_start3A = tpu.memref_slice %arg3[%add3A_24] : memref<851968xi32, #tpu.memory_space<hbm>> -> memref<512xi32, #tpu.memory_space<hbm>>
        %dma_start3A_31 = tpu.memref_slice %arg3[%add3A_24] : memref<851968xi32, #tpu.memory_space<hbm>> -> memref<512xi32, #tpu.memory_space<hbm>>
        tpu.enqueue_dma source(%dma_start3A_31 : memref<512xi32, #tpu.memory_space<hbm>>) target(%arg7 : memref<512xi32, #tpu.memory_space<vmem>>) target_semaphore(%run_scoped3A : memref<!tpu.dma_semaphore, #tpu.memory_space<semaphore_mem>>)
        %dma_wait3A = tpu.memref_slice %arg3[%add3A_24] : memref<851968xi32, #tpu.memory_space<hbm>> -> memref<512xi32, #tpu.memory_space<hbm>>
        %dma_wait3A_32 = tpu.memref_slice %arg3[%add3A_24] : memref<851968xi32, #tpu.memory_space<hbm>> -> memref<512xi32, #tpu.memory_space<hbm>>
        tpu.wait_dma2 semaphore(%run_scoped3A : memref<!tpu.dma_semaphore, #tpu.memory_space<semaphore_mem>>) src(%dma_wait3A_32 : memref<512xi32, #tpu.memory_space<hbm>>) dst(%arg7 : memref<512xi32, #tpu.memory_space<vmem>>)
        tpu.yield
      }) : () -> ()
      "tpu.region"() ({
        %run_scoped3A = tpu.sem_alloc : memref<!tpu.dma_semaphore, #tpu.memory_space<semaphore_mem>>
        %dma_start3A = arith.constant 0 : i32
        %dma_start3A_31 = tpu.memref_slice %arg2[%add3A_24, %dma_start3A] : memref<851968x16xf32, #tpu.memory_space<hbm>> -> memref<512x16xf32, #tpu.memory_space<hbm>>
        %dma_start3A_32 = arith.constant 0 : i32
        %dma_start3A_33 = tpu.memref_slice %arg2[%add3A_24, %dma_start3A_32] : memref<851968x16xf32, #tpu.memory_space<hbm>> -> memref<512x16xf32, #tpu.memory_space<hbm>>
        tpu.enqueue_dma source(%dma_start3A_33 : memref<512x16xf32, #tpu.memory_space<hbm>>) target(%arg9 : memref<512x16xf32, #tpu.memory_space<vmem>>) target_semaphore(%run_scoped3A : memref<!tpu.dma_semaphore, #tpu.memory_space<semaphore_mem>>)
        %dma_wait3A = arith.constant 0 : i32
        %dma_wait3A_34 = tpu.memref_slice %arg2[%add3A_24, %dma_wait3A] : memref<851968x16xf32, #tpu.memory_space<hbm>> -> memref<512x16xf32, #tpu.memory_space<hbm>>
        %dma_wait3A_35 = arith.constant 0 : i32
        %dma_wait3A_36 = tpu.memref_slice %arg2[%add3A_24, %dma_wait3A_35] : memref<851968x16xf32, #tpu.memory_space<hbm>> -> memref<512x16xf32, #tpu.memory_space<hbm>>
        tpu.wait_dma2 semaphore(%run_scoped3A : memref<!tpu.dma_semaphore, #tpu.memory_space<semaphore_mem>>) src(%dma_wait3A_36 : memref<512x16xf32, #tpu.memory_space<hbm>>) dst(%arg9 : memref<512x16xf32, #tpu.memory_space<vmem>>)
        tpu.yield
      }) : () -> ()
      %scan3A_25 = arith.constant 0 : i32
      %scan3A_26 = arith.constant 0 : i32
      %scan3A_27 = arith.constant 32 : i32
      %scan3A_28 = arith.addi %scan3A_26, %scan3A_27 : i32
      %scan3A_29 = arith.constant 1 : i32
      scf.for %scan3A_31 = %scan3A_26 to %scan3A_28 step %scan3A_29  : i32 {
        %mul3A_32 = arith.constant 16 : i32
        %mul3A_33 = arith.muli %scan3A_31, %mul3A_32 : i32
        %get3A = arith.index_cast %mul3A_33 : i32 to index
        %get3A_34 = tpu.vector_load %arg7[%get3A] {strides = array<i32>} : memref<512xi32, #tpu.memory_space<vmem>>, vector<16xi32>,
        %get3A_35 = vector.shape_cast %get3A_34 : vector<16xi32> to vector<16xi32>
        %ge3A = vector.broadcast %mul3A_3 : i32 to vector<16xi32>
        %ge3A_36 = arith.cmpi sge, %get3A_35, %ge3A : vector<16xi32>
        %add3A_37 = arith.constant 25024 : i32
        %add3A_38 = arith.addi %mul3A_3, %add3A_37 : i32
        %lt3A = vector.broadcast %add3A_38 : i32 to vector<16xi32>
        %lt3A_39 = arith.cmpi slt, %get3A_35, %lt3A : vector<16xi32>
        %and3A = arith.andi %ge3A_36, %lt3A_39 : vector<16xi1>
        %sub3A = vector.broadcast %mul3A_3 : i32 to vector<16xi32>
        %sub3A_40 = arith.subi %get3A_35, %sub3A : vector<16xi32>
        %jit3A = arith.constant 25024 : i32
        %broadcast_in_dim3A = vector.broadcast %jit3A : i32 to vector<16xi32>
        %select_n3A = arith.select %and3A, %sub3A_40, %broadcast_in_dim3A : vector<16xi1>, vector<16xi32>
        %mul3A_41 = arith.constant 16 : i32
        %mul3A_42 = arith.muli %scan3A_31, %mul3A_41 : i32
        %swap3A = arith.index_cast %mul3A_42 : i32 to index
        %swap3A_43 = tpu.vector_load %arg8[%swap3A] {strides = array<i32>} : memref<512xi32, #tpu.memory_space<vmem>>, vector<16xi32>,
        %swap3A_44 = vector.shape_cast %swap3A_43 : vector<16xi32> to vector<16xi32>
        %swap3A_45 = vector.shape_cast %select_n3A : vector<16xi32> to vector<16xi32>
        tpu.vector_store %arg8[%swap3A], %swap3A_45 {strides = array<i32>} : memref<512xi32, #tpu.memory_space<vmem>>, vector<16xi32>,
      }
      %scan3A_30 = arith.constant 32 : i32
      "tpu.region"() ({
        %run_scoped3A = tpu.sem_alloc : memref<!tpu.dma_semaphore, #tpu.memory_space<semaphore_mem>>
        %dma_start3A = arith.constant 0 : i32
        %dma_start3A_31 = arith.constant 0 : i32
        %dma_start3A_32 = tpu.memref_slice %arg6[%dma_start3A, %dma_start3A_31] : memref<25040x16xf32, #tpu.memory_space<vmem_shared>> -> memref<25040x16xf32, #tpu.memory_space<vmem_shared>>
        tpu.enqueue_indirect_dma source(%arg9 : memref<512x16xf32, #tpu.memory_space<vmem>>) target(%dma_start3A_32 : memref<25040x16xf32, #tpu.memory_space<vmem_shared>>) offsets(%arg8 : memref<512xi32, #tpu.memory_space<vmem>>) semaphore(%run_scoped3A : memref<!tpu.dma_semaphore, #tpu.memory_space<semaphore_mem>>) {add = true}
        %dma_wait3A = arith.constant 0 : i32
        %dma_wait3A_33 = arith.constant 0 : i32
        %dma_wait3A_34 = tpu.memref_slice %arg6[%dma_wait3A, %dma_wait3A_33] : memref<25040x16xf32, #tpu.memory_space<vmem_shared>> -> memref<25040x16xf32, #tpu.memory_space<vmem_shared>>
        tpu.wait_indirect_dma semaphore(%run_scoped3A : memref<!tpu.dma_semaphore, #tpu.memory_space<semaphore_mem>>) src(%arg9 : memref<512x16xf32, #tpu.memory_space<vmem>>) dst(%dma_wait3A_34 : memref<25040x16xf32, #tpu.memory_space<vmem_shared>>)
        tpu.yield
      }) : () -> ()
    }
    %scan3A_12 = arith.constant 104 : i32
    %barrier3A_13 = arith.constant 0 : index
    tpu.barrier barrier_id(%barrier3A_13)
    %mul3A_14 = arith.constant 1564 : i32
    %mul3A_15 = arith.muli %arg1, %mul3A_14 : i32
    %mul3A_16 = arith.constant 1564 : i32
    %mul3A_17 = arith.muli %arg1, %mul3A_16 : i32
    %add3A_18 = arith.addi %mul3A_3, %mul3A_17 : i32
    "tpu.region"() ({
      %run_scoped3A = tpu.sem_alloc : memref<!tpu.dma_semaphore, #tpu.memory_space<semaphore_mem>>
      %dma_start3A = arith.constant 0 : i32
      %dma_start3A_19 = tpu.memref_slice %arg5[%add3A_18, %dma_start3A] : memref<50048x16xf32, #tpu.memory_space<hbm>> -> memref<1564x16xf32, #tpu.memory_space<hbm>>
      %dma_start3A_20 = arith.constant 0 : i32
      %dma_start3A_21 = tpu.memref_slice %arg6[%mul3A_15, %dma_start3A_20] : memref<25040x16xf32, #tpu.memory_space<vmem_shared>> -> memref<1564x16xf32, #tpu.memory_space<vmem_shared>>
      tpu.enqueue_dma source(%dma_start3A_21 : memref<1564x16xf32, #tpu.memory_space<vmem_shared>>) target(%dma_start3A_19 : memref<1564x16xf32, #tpu.memory_space<hbm>>) target_semaphore(%run_scoped3A : memref<!tpu.dma_semaphore, #tpu.memory_space<semaphore_mem>>)
      %dma_wait3A = arith.constant 0 : i32
      %dma_wait3A_22 = tpu.memref_slice %arg5[%add3A_18, %dma_wait3A] : memref<50048x16xf32, #tpu.memory_space<hbm>> -> memref<1564x16xf32, #tpu.memory_space<hbm>>
      %dma_wait3A_23 = arith.constant 0 : i32
      %dma_wait3A_24 = tpu.memref_slice %arg6[%mul3A_15, %dma_wait3A_23] : memref<25040x16xf32, #tpu.memory_space<vmem_shared>> -> memref<1564x16xf32, #tpu.memory_space<vmem_shared>>
      tpu.wait_dma2 semaphore(%run_scoped3A : memref<!tpu.dma_semaphore, #tpu.memory_space<semaphore_mem>>) src(%dma_wait3A_24 : memref<1564x16xf32, #tpu.memory_space<vmem_shared>>) dst(%dma_wait3A_22 : memref<1564x16xf32, #tpu.memory_space<hbm>>)
      tpu.yield
    }) : () -> ()
    return
  }
}

#map = affine_map<(d0, d1) -> (0, 0)>
#map1 = affine_map<(d0, d1) -> (0)>
module attributes {stable_mosaic.version = 14 : i64} {
  func.func @k(%arg0: i32, %arg1: i32, %arg2: memref<50000x16xf32, #tpu.memory_space<hbm>>, %arg3: memref<851968xi32, #tpu.memory_space<hbm>>, %arg4: memref<851968x16xf32, #tpu.memory_space<hbm>>, %arg5: memref<1024xi32, #tpu.memory_space<vmem>>, %arg6: memref<1024xi32, #tpu.memory_space<vmem>>, %arg7: memref<1024x16xf32, #tpu.memory_space<vmem>>, %arg8: memref<1024x16xf32, #tpu.memory_space<vmem>>, %arg9: memref<!tpu.dma_semaphore, #tpu.memory_space<semaphore_mem>>, %arg10: memref<!tpu.dma_semaphore, #tpu.memory_space<semaphore_mem>>, %arg11: memref<!tpu.dma_semaphore, #tpu.memory_space<semaphore_mem>>, %arg12: memref<!tpu.dma_semaphore, #tpu.memory_space<semaphore_mem>>, %arg13: memref<!tpu.dma_semaphore, #tpu.memory_space<semaphore_mem>>, %arg14: memref<!tpu.dma_semaphore, #tpu.memory_space<semaphore_mem>>) attributes {dimension_semantics = [#tpu.dimension_semantics<core_parallel>, #tpu.dimension_semantics<subcore_parallel>], iteration_bounds = array<i64: 2, 16>, scalar_prefetch = 0 : i64, scratch_operands = 10 : i64, tpu.core_type = #tpu.core_type<sc_vector_subcore>, window_params = [{transform_indices = #map}, {transform_indices = #map1}, {transform_indices = #map}]} {
    %mul3A = arith.constant 2 : i32
    %mul3A_0 = arith.muli %arg1, %mul3A : i32
    %add3A = arith.addi %mul3A_0, %arg0 : i32
    %mul3A_1 = arith.constant 26624 : i32
    %mul3A_2 = arith.muli %add3A, %mul3A_1 : i32
    %scan3A = arith.constant 0 : i32
    %scan3A_3 = arith.constant 0 : i32
    %scan3A_4 = arith.constant 13 : i32
    %scan3A_5 = arith.addi %scan3A_3, %scan3A_4 : i32
    %scan3A_6 = arith.constant 1 : i32
    scf.for %scan3A_8 = %scan3A_3 to %scan3A_5 step %scan3A_6  : i32 {
      %mul3A_9 = arith.constant 2 : i32
      %mul3A_10 = arith.muli %mul3A_9, %scan3A_8 : i32
      %mul3A_11 = arith.constant 1024 : i32
      %mul3A_12 = arith.muli %mul3A_10, %mul3A_11 : i32
      %add3A_13 = arith.addi %mul3A_2, %mul3A_12 : i32
      %add3A_14 = arith.constant 1024 : i32
      %add3A_15 = arith.addi %add3A_13, %add3A_14 : i32
      %dma_start3A = tpu.memref_slice %arg3[%add3A_13] : memref<851968xi32, #tpu.memory_space<hbm>> -> memref<1024xi32, #tpu.memory_space<hbm>>
      %dma_start3A_16 = tpu.memref_slice %arg3[%add3A_13] : memref<851968xi32, #tpu.memory_space<hbm>> -> memref<1024xi32, #tpu.memory_space<hbm>>
      tpu.enqueue_dma source(%dma_start3A_16 : memref<1024xi32, #tpu.memory_space<hbm>>) target(%arg5 : memref<1024xi32, #tpu.memory_space<vmem>>) target_semaphore(%arg9 : memref<!tpu.dma_semaphore, #tpu.memory_space<semaphore_mem>>)
      %dma_start3A_17 = tpu.memref_slice %arg3[%add3A_15] : memref<851968xi32, #tpu.memory_space<hbm>> -> memref<1024xi32, #tpu.memory_space<hbm>>
      %dma_start3A_18 = tpu.memref_slice %arg3[%add3A_15] : memref<851968xi32, #tpu.memory_space<hbm>> -> memref<1024xi32, #tpu.memory_space<hbm>>
      tpu.enqueue_dma source(%dma_start3A_18 : memref<1024xi32, #tpu.memory_space<hbm>>) target(%arg6 : memref<1024xi32, #tpu.memory_space<vmem>>) target_semaphore(%arg10 : memref<!tpu.dma_semaphore, #tpu.memory_space<semaphore_mem>>)
      %dma_wait3A = tpu.memref_slice %arg3[%add3A_13] : memref<851968xi32, #tpu.memory_space<hbm>> -> memref<1024xi32, #tpu.memory_space<hbm>>
      %dma_wait3A_19 = tpu.memref_slice %arg3[%add3A_13] : memref<851968xi32, #tpu.memory_space<hbm>> -> memref<1024xi32, #tpu.memory_space<hbm>>
      tpu.wait_dma2 semaphore(%arg9 : memref<!tpu.dma_semaphore, #tpu.memory_space<semaphore_mem>>) src(%dma_wait3A_19 : memref<1024xi32, #tpu.memory_space<hbm>>) dst(%arg5 : memref<1024xi32, #tpu.memory_space<vmem>>)
      %dma_start3A_20 = arith.constant 0 : i32
      %dma_start3A_21 = arith.constant 0 : i32
      %dma_start3A_22 = tpu.memref_slice %arg2[%dma_start3A_20, %dma_start3A_21] : memref<50000x16xf32, #tpu.memory_space<hbm>> -> memref<50000x16xf32, #tpu.memory_space<hbm>>
      tpu.enqueue_indirect_dma source(%dma_start3A_22 : memref<50000x16xf32, #tpu.memory_space<hbm>>) target(%arg7 : memref<1024x16xf32, #tpu.memory_space<vmem>>) offsets(%arg5 : memref<1024xi32, #tpu.memory_space<vmem>>) semaphore(%arg11 : memref<!tpu.dma_semaphore, #tpu.memory_space<semaphore_mem>>)
      %dma_wait3A_23 = tpu.memref_slice %arg3[%add3A_15] : memref<851968xi32, #tpu.memory_space<hbm>> -> memref<1024xi32, #tpu.memory_space<hbm>>
      %dma_wait3A_24 = tpu.memref_slice %arg3[%add3A_15] : memref<851968xi32, #tpu.memory_space<hbm>> -> memref<1024xi32, #tpu.memory_space<hbm>>
      tpu.wait_dma2 semaphore(%arg10 : memref<!tpu.dma_semaphore, #tpu.memory_space<semaphore_mem>>) src(%dma_wait3A_24 : memref<1024xi32, #tpu.memory_space<hbm>>) dst(%arg6 : memref<1024xi32, #tpu.memory_space<vmem>>)
      %dma_start3A_25 = arith.constant 0 : i32
      %dma_start3A_26 = arith.constant 0 : i32
      %dma_start3A_27 = tpu.memref_slice %arg2[%dma_start3A_25, %dma_start3A_26] : memref<50000x16xf32, #tpu.memory_space<hbm>> -> memref<50000x16xf32, #tpu.memory_space<hbm>>
      tpu.enqueue_indirect_dma source(%dma_start3A_27 : memref<50000x16xf32, #tpu.memory_space<hbm>>) target(%arg8 : memref<1024x16xf32, #tpu.memory_space<vmem>>) offsets(%arg6 : memref<1024xi32, #tpu.memory_space<vmem>>) semaphore(%arg12 : memref<!tpu.dma_semaphore, #tpu.memory_space<semaphore_mem>>)
      %dma_wait3A_28 = arith.constant 0 : i32
      %dma_wait3A_29 = arith.constant 0 : i32
      %dma_wait3A_30 = tpu.memref_slice %arg2[%dma_wait3A_28, %dma_wait3A_29] : memref<50000x16xf32, #tpu.memory_space<hbm>> -> memref<50000x16xf32, #tpu.memory_space<hbm>>
      tpu.wait_indirect_dma semaphore(%arg11 : memref<!tpu.dma_semaphore, #tpu.memory_space<semaphore_mem>>) src(%dma_wait3A_30 : memref<50000x16xf32, #tpu.memory_space<hbm>>) dst(%arg7 : memref<1024x16xf32, #tpu.memory_space<vmem>>)
      %dma_start3A_31 = arith.constant 0 : i32
      %dma_start3A_32 = tpu.memref_slice %arg4[%add3A_13, %dma_start3A_31] : memref<851968x16xf32, #tpu.memory_space<hbm>> -> memref<1024x16xf32, #tpu.memory_space<hbm>>
      %dma_start3A_33 = arith.constant 0 : i32
      %dma_start3A_34 = tpu.memref_slice %arg4[%add3A_13, %dma_start3A_33] : memref<851968x16xf32, #tpu.memory_space<hbm>> -> memref<1024x16xf32, #tpu.memory_space<hbm>>
      tpu.enqueue_dma source(%arg7 : memref<1024x16xf32, #tpu.memory_space<vmem>>) target(%dma_start3A_34 : memref<1024x16xf32, #tpu.memory_space<hbm>>) target_semaphore(%arg13 : memref<!tpu.dma_semaphore, #tpu.memory_space<semaphore_mem>>)
      %dma_wait3A_35 = arith.constant 0 : i32
      %dma_wait3A_36 = arith.constant 0 : i32
      %dma_wait3A_37 = tpu.memref_slice %arg2[%dma_wait3A_35, %dma_wait3A_36] : memref<50000x16xf32, #tpu.memory_space<hbm>> -> memref<50000x16xf32, #tpu.memory_space<hbm>>
      tpu.wait_indirect_dma semaphore(%arg12 : memref<!tpu.dma_semaphore, #tpu.memory_space<semaphore_mem>>) src(%dma_wait3A_37 : memref<50000x16xf32, #tpu.memory_space<hbm>>) dst(%arg8 : memref<1024x16xf32, #tpu.memory_space<vmem>>)
      %dma_start3A_38 = arith.constant 0 : i32
      %dma_start3A_39 = tpu.memref_slice %arg4[%add3A_15, %dma_start3A_38] : memref<851968x16xf32, #tpu.memory_space<hbm>> -> memref<1024x16xf32, #tpu.memory_space<hbm>>
      %dma_start3A_40 = arith.constant 0 : i32
      %dma_start3A_41 = tpu.memref_slice %arg4[%add3A_15, %dma_start3A_40] : memref<851968x16xf32, #tpu.memory_space<hbm>> -> memref<1024x16xf32, #tpu.memory_space<hbm>>
      tpu.enqueue_dma source(%arg8 : memref<1024x16xf32, #tpu.memory_space<vmem>>) target(%dma_start3A_41 : memref<1024x16xf32, #tpu.memory_space<hbm>>) target_semaphore(%arg14 : memref<!tpu.dma_semaphore, #tpu.memory_space<semaphore_mem>>)
      %dma_wait3A_42 = arith.constant 0 : i32
      %dma_wait3A_43 = tpu.memref_slice %arg4[%add3A_13, %dma_wait3A_42] : memref<851968x16xf32, #tpu.memory_space<hbm>> -> memref<1024x16xf32, #tpu.memory_space<hbm>>
      %dma_wait3A_44 = arith.constant 0 : i32
      %dma_wait3A_45 = tpu.memref_slice %arg4[%add3A_13, %dma_wait3A_44] : memref<851968x16xf32, #tpu.memory_space<hbm>> -> memref<1024x16xf32, #tpu.memory_space<hbm>>
      tpu.wait_dma2 semaphore(%arg13 : memref<!tpu.dma_semaphore, #tpu.memory_space<semaphore_mem>>) src(%arg7 : memref<1024x16xf32, #tpu.memory_space<vmem>>) dst(%dma_wait3A_45 : memref<1024x16xf32, #tpu.memory_space<hbm>>)
      %dma_wait3A_46 = arith.constant 0 : i32
      %dma_wait3A_47 = tpu.memref_slice %arg4[%add3A_15, %dma_wait3A_46] : memref<851968x16xf32, #tpu.memory_space<hbm>> -> memref<1024x16xf32, #tpu.memory_space<hbm>>
      %dma_wait3A_48 = arith.constant 0 : i32
      %dma_wait3A_49 = tpu.memref_slice %arg4[%add3A_15, %dma_wait3A_48] : memref<851968x16xf32, #tpu.memory_space<hbm>> -> memref<1024x16xf32, #tpu.memory_space<hbm>>
      tpu.wait_dma2 semaphore(%arg14 : memref<!tpu.dma_semaphore, #tpu.memory_space<semaphore_mem>>) src(%arg8 : memref<1024x16xf32, #tpu.memory_space<vmem>>) dst(%dma_wait3A_49 : memref<1024x16xf32, #tpu.memory_space<hbm>>)
    }
    %scan3A_7 = arith.constant 13 : i32
    return
  }
}

#map = affine_map<(d0, d1) -> (0, 0)>
#map1 = affine_map<(d0, d1) -> (0)>
module attributes {stable_mosaic.version = 14 : i64} {
  func.func @k(%arg0: i32, %arg1: i32, %arg2: memref<50000x16xf32, #tpu.memory_space<hbm>>, %arg3: memref<851968xi32, #tpu.memory_space<hbm>>, %arg4: memref<851968x16xf32, #tpu.memory_space<hbm>>, %arg5: memref<1024xi32, #tpu.memory_space<vmem>>, %arg6: memref<1024xi32, #tpu.memory_space<vmem>>, %arg7: memref<1024x16xf32, #tpu.memory_space<vmem>>, %arg8: memref<1024x16xf32, #tpu.memory_space<vmem>>, %arg9: memref<!tpu.dma_semaphore, #tpu.memory_space<semaphore_mem>>, %arg10: memref<!tpu.dma_semaphore, #tpu.memory_space<semaphore_mem>>, %arg11: memref<!tpu.dma_semaphore, #tpu.memory_space<semaphore_mem>>, %arg12: memref<!tpu.dma_semaphore, #tpu.memory_space<semaphore_mem>>, %arg13: memref<!tpu.dma_semaphore, #tpu.memory_space<semaphore_mem>>, %arg14: memref<!tpu.dma_semaphore, #tpu.memory_space<semaphore_mem>>) attributes {dimension_semantics = [#tpu.dimension_semantics<core_parallel>, #tpu.dimension_semantics<subcore_parallel>], iteration_bounds = array<i64: 2, 16>, scalar_prefetch = 0 : i64, scratch_operands = 10 : i64, tpu.core_type = #tpu.core_type<sc_vector_subcore>, window_params = [{transform_indices = #map}, {transform_indices = #map1}, {transform_indices = #map}]} {
    %mul3A = arith.constant 2 : i32
    %mul3A_0 = arith.muli %arg1, %mul3A : i32
    %add3A = arith.addi %mul3A_0, %arg0 : i32
    %mul3A_1 = arith.constant 26624 : i32
    %mul3A_2 = arith.muli %add3A, %mul3A_1 : i32
    %scan3A = arith.constant 0 : i32
    %scan3A_3 = arith.constant 0 : i32
    %scan3A_4 = arith.constant 13 : i32
    %scan3A_5 = arith.addi %scan3A_3, %scan3A_4 : i32
    %scan3A_6 = arith.constant 1 : i32
    scf.for %scan3A_8 = %scan3A_3 to %scan3A_5 step %scan3A_6  : i32 {
      %mul3A_9 = arith.constant 2 : i32
      %mul3A_10 = arith.muli %mul3A_9, %scan3A_8 : i32
      %mul3A_11 = arith.constant 1024 : i32
      %mul3A_12 = arith.muli %mul3A_10, %mul3A_11 : i32
      %add3A_13 = arith.addi %mul3A_2, %mul3A_12 : i32
      %add3A_14 = arith.constant 1024 : i32
      %add3A_15 = arith.addi %add3A_13, %add3A_14 : i32
      %dma_start3A = tpu.memref_slice %arg3[%add3A_13] : memref<851968xi32, #tpu.memory_space<hbm>> -> memref<1024xi32, #tpu.memory_space<hbm>>
      %dma_start3A_16 = tpu.memref_slice %arg3[%add3A_13] : memref<851968xi32, #tpu.memory_space<hbm>> -> memref<1024xi32, #tpu.memory_space<hbm>>
      tpu.enqueue_dma source(%dma_start3A_16 : memref<1024xi32, #tpu.memory_space<hbm>>) target(%arg5 : memref<1024xi32, #tpu.memory_space<vmem>>) target_semaphore(%arg9 : memref<!tpu.dma_semaphore, #tpu.memory_space<semaphore_mem>>)
      %dma_start3A_17 = tpu.memref_slice %arg3[%add3A_15] : memref<851968xi32, #tpu.memory_space<hbm>> -> memref<1024xi32, #tpu.memory_space<hbm>>
      %dma_start3A_18 = tpu.memref_slice %arg3[%add3A_15] : memref<851968xi32, #tpu.memory_space<hbm>> -> memref<1024xi32, #tpu.memory_space<hbm>>
      tpu.enqueue_dma source(%dma_start3A_18 : memref<1024xi32, #tpu.memory_space<hbm>>) target(%arg6 : memref<1024xi32, #tpu.memory_space<vmem>>) target_semaphore(%arg10 : memref<!tpu.dma_semaphore, #tpu.memory_space<semaphore_mem>>)
      %dma_wait3A = tpu.memref_slice %arg3[%add3A_13] : memref<851968xi32, #tpu.memory_space<hbm>> -> memref<1024xi32, #tpu.memory_space<hbm>>
      %dma_wait3A_19 = tpu.memref_slice %arg3[%add3A_13] : memref<851968xi32, #tpu.memory_space<hbm>> -> memref<1024xi32, #tpu.memory_space<hbm>>
      tpu.wait_dma2 semaphore(%arg9 : memref<!tpu.dma_semaphore, #tpu.memory_space<semaphore_mem>>) src(%dma_wait3A_19 : memref<1024xi32, #tpu.memory_space<hbm>>) dst(%arg5 : memref<1024xi32, #tpu.memory_space<vmem>>)
      %dma_start3A_20 = arith.constant 0 : i32
      %dma_start3A_21 = arith.constant 0 : i32
      %dma_start3A_22 = tpu.memref_slice %arg2[%dma_start3A_20, %dma_start3A_21] : memref<50000x16xf32, #tpu.memory_space<hbm>> -> memref<50000x16xf32, #tpu.memory_space<hbm>>
      tpu.enqueue_indirect_dma source(%dma_start3A_22 : memref<50000x16xf32, #tpu.memory_space<hbm>>) target(%arg7 : memref<1024x16xf32, #tpu.memory_space<vmem>>) offsets(%arg5 : memref<1024xi32, #tpu.memory_space<vmem>>) semaphore(%arg11 : memref<!tpu.dma_semaphore, #tpu.memory_space<semaphore_mem>>)
      %dma_wait3A_23 = tpu.memref_slice %arg3[%add3A_15] : memref<851968xi32, #tpu.memory_space<hbm>> -> memref<1024xi32, #tpu.memory_space<hbm>>
      %dma_wait3A_24 = tpu.memref_slice %arg3[%add3A_15] : memref<851968xi32, #tpu.memory_space<hbm>> -> memref<1024xi32, #tpu.memory_space<hbm>>
      tpu.wait_dma2 semaphore(%arg10 : memref<!tpu.dma_semaphore, #tpu.memory_space<semaphore_mem>>) src(%dma_wait3A_24 : memref<1024xi32, #tpu.memory_space<hbm>>) dst(%arg6 : memref<1024xi32, #tpu.memory_space<vmem>>)
      %dma_start3A_25 = arith.constant 0 : i32
      %dma_start3A_26 = arith.constant 0 : i32
      %dma_start3A_27 = tpu.memref_slice %arg2[%dma_start3A_25, %dma_start3A_26] : memref<50000x16xf32, #tpu.memory_space<hbm>> -> memref<50000x16xf32, #tpu.memory_space<hbm>>
      tpu.enqueue_indirect_dma source(%dma_start3A_27 : memref<50000x16xf32, #tpu.memory_space<hbm>>) target(%arg8 : memref<1024x16xf32, #tpu.memory_space<vmem>>) offsets(%arg6 : memref<1024xi32, #tpu.memory_space<vmem>>) semaphore(%arg12 : memref<!tpu.dma_semaphore, #tpu.memory_space<semaphore_mem>>)
      %dma_wait3A_28 = arith.constant 0 : i32
      %dma_wait3A_29 = arith.constant 0 : i32
      %dma_wait3A_30 = tpu.memref_slice %arg2[%dma_wait3A_28, %dma_wait3A_29] : memref<50000x16xf32, #tpu.memory_space<hbm>> -> memref<50000x16xf32, #tpu.memory_space<hbm>>
      tpu.wait_indirect_dma semaphore(%arg11 : memref<!tpu.dma_semaphore, #tpu.memory_space<semaphore_mem>>) src(%dma_wait3A_30 : memref<50000x16xf32, #tpu.memory_space<hbm>>) dst(%arg7 : memref<1024x16xf32, #tpu.memory_space<vmem>>)
      %dma_start3A_31 = arith.constant 0 : i32
      %dma_start3A_32 = tpu.memref_slice %arg4[%add3A_13, %dma_start3A_31] : memref<851968x16xf32, #tpu.memory_space<hbm>> -> memref<1024x16xf32, #tpu.memory_space<hbm>>
      %dma_start3A_33 = arith.constant 0 : i32
      %dma_start3A_34 = tpu.memref_slice %arg4[%add3A_13, %dma_start3A_33] : memref<851968x16xf32, #tpu.memory_space<hbm>> -> memref<1024x16xf32, #tpu.memory_space<hbm>>
      tpu.enqueue_dma source(%arg7 : memref<1024x16xf32, #tpu.memory_space<vmem>>) target(%dma_start3A_34 : memref<1024x16xf32, #tpu.memory_space<hbm>>) target_semaphore(%arg13 : memref<!tpu.dma_semaphore, #tpu.memory_space<semaphore_mem>>)
      %dma_wait3A_35 = arith.constant 0 : i32
      %dma_wait3A_36 = arith.constant 0 : i32
      %dma_wait3A_37 = tpu.memref_slice %arg2[%dma_wait3A_35, %dma_wait3A_36] : memref<50000x16xf32, #tpu.memory_space<hbm>> -> memref<50000x16xf32, #tpu.memory_space<hbm>>
      tpu.wait_indirect_dma semaphore(%arg12 : memref<!tpu.dma_semaphore, #tpu.memory_space<semaphore_mem>>) src(%dma_wait3A_37 : memref<50000x16xf32, #tpu.memory_space<hbm>>) dst(%arg8 : memref<1024x16xf32, #tpu.memory_space<vmem>>)
      %dma_start3A_38 = arith.constant 0 : i32
      %dma_start3A_39 = tpu.memref_slice %arg4[%add3A_15, %dma_start3A_38] : memref<851968x16xf32, #tpu.memory_space<hbm>> -> memref<1024x16xf32, #tpu.memory_space<hbm>>
      %dma_start3A_40 = arith.constant 0 : i32
      %dma_start3A_41 = tpu.memref_slice %arg4[%add3A_15, %dma_start3A_40] : memref<851968x16xf32, #tpu.memory_space<hbm>> -> memref<1024x16xf32, #tpu.memory_space<hbm>>
      tpu.enqueue_dma source(%arg8 : memref<1024x16xf32, #tpu.memory_space<vmem>>) target(%dma_start3A_41 : memref<1024x16xf32, #tpu.memory_space<hbm>>) target_semaphore(%arg14 : memref<!tpu.dma_semaphore, #tpu.memory_space<semaphore_mem>>)
      %dma_wait3A_42 = arith.constant 0 : i32
      %dma_wait3A_43 = tpu.memref_slice %arg4[%add3A_13, %dma_wait3A_42] : memref<851968x16xf32, #tpu.memory_space<hbm>> -> memref<1024x16xf32, #tpu.memory_space<hbm>>
      %dma_wait3A_44 = arith.constant 0 : i32
      %dma_wait3A_45 = tpu.memref_slice %arg4[%add3A_13, %dma_wait3A_44] : memref<851968x16xf32, #tpu.memory_space<hbm>> -> memref<1024x16xf32, #tpu.memory_space<hbm>>
      tpu.wait_dma2 semaphore(%arg13 : memref<!tpu.dma_semaphore, #tpu.memory_space<semaphore_mem>>) src(%arg7 : memref<1024x16xf32, #tpu.memory_space<vmem>>) dst(%dma_wait3A_45 : memref<1024x16xf32, #tpu.memory_space<hbm>>)
      %dma_wait3A_46 = arith.constant 0 : i32
      %dma_wait3A_47 = tpu.memref_slice %arg4[%add3A_15, %dma_wait3A_46] : memref<851968x16xf32, #tpu.memory_space<hbm>> -> memref<1024x16xf32, #tpu.memory_space<hbm>>
      %dma_wait3A_48 = arith.constant 0 : i32
      %dma_wait3A_49 = tpu.memref_slice %arg4[%add3A_15, %dma_wait3A_48] : memref<851968x16xf32, #tpu.memory_space<hbm>> -> memref<1024x16xf32, #tpu.memory_space<hbm>>
      tpu.wait_dma2 semaphore(%arg14 : memref<!tpu.dma_semaphore, #tpu.memory_space<semaphore_mem>>) src(%arg8 : memref<1024x16xf32, #tpu.memory_space<vmem>>) dst(%dma_wait3A_49 : memref<1024x16xf32, #tpu.memory_space<hbm>>)
    }
    %scan3A_7 = arith.constant 13 : i32
    return
  }
}

#map = affine_map<(d0, d1) -> (0, 0)>
#map1 = affine_map<(d0, d1) -> (0)>
module attributes {stable_mosaic.version = 14 : i64} {
  func.func @k(%arg0: i32, %arg1: i32, %arg2: memref<851968x16xf32, #tpu.memory_space<hbm>>, %arg3: memref<851968xi32, #tpu.memory_space<hbm>>, %arg4: memref<25040x16xf32, #tpu.memory_space<hbm>>, %arg5: memref<50048x16xf32, #tpu.memory_space<hbm>>, %arg6: memref<25040x16xf32, #tpu.memory_space<vmem_shared>>, %arg7: memref<512xi32, #tpu.memory_space<vmem>>, %arg8: memref<512xi32, #tpu.memory_space<vmem>>, %arg9: memref<512x16xf32, #tpu.memory_space<vmem>>) attributes {dimension_semantics = [#tpu.dimension_semantics<core_parallel>, #tpu.dimension_semantics<subcore_parallel>], iteration_bounds = array<i64: 2, 16>, scalar_prefetch = 0 : i64, scratch_operands = 4 : i64, tpu.core_type = #tpu.core_type<sc_vector_subcore>, window_params = [{transform_indices = #map}, {transform_indices = #map1}, {transform_indices = #map}, {transform_indices = #map}]} {
    %mul3A = arith.constant 1 : i32
    %mul3A_0 = arith.muli %arg0, %mul3A : i32
    %add3A = arith.constant 0 : i32
    %add3A_1 = arith.addi %mul3A_0, %add3A : i32
    %mul3A_2 = arith.constant 25024 : i32
    %mul3A_3 = arith.muli %add3A_1, %mul3A_2 : i32
    %mul3A_4 = arith.constant 1565 : i32
    %mul3A_5 = arith.muli %arg1, %mul3A_4 : i32
    %mul3A_6 = arith.constant 1565 : i32
    %mul3A_7 = arith.muli %arg1, %mul3A_6 : i32
    "tpu.region"() ({
      %run_scoped3A = tpu.sem_alloc : memref<!tpu.dma_semaphore, #tpu.memory_space<semaphore_mem>>
      %dma_start3A = arith.constant 0 : i32
      %dma_start3A_19 = tpu.memref_slice %arg6[%mul3A_7, %dma_start3A] : memref<25040x16xf32, #tpu.memory_space<vmem_shared>> -> memref<1565x16xf32, #tpu.memory_space<vmem_shared>>
      %dma_start3A_20 = arith.constant 0 : i32
      %dma_start3A_21 = tpu.memref_slice %arg4[%mul3A_5, %dma_start3A_20] : memref<25040x16xf32, #tpu.memory_space<hbm>> -> memref<1565x16xf32, #tpu.memory_space<hbm>>
      tpu.enqueue_dma source(%dma_start3A_21 : memref<1565x16xf32, #tpu.memory_space<hbm>>) target(%dma_start3A_19 : memref<1565x16xf32, #tpu.memory_space<vmem_shared>>) target_semaphore(%run_scoped3A : memref<!tpu.dma_semaphore, #tpu.memory_space<semaphore_mem>>)
      %dma_wait3A = arith.constant 0 : i32
      %dma_wait3A_22 = tpu.memref_slice %arg6[%mul3A_7, %dma_wait3A] : memref<25040x16xf32, #tpu.memory_space<vmem_shared>> -> memref<1565x16xf32, #tpu.memory_space<vmem_shared>>
      %dma_wait3A_23 = arith.constant 0 : i32
      %dma_wait3A_24 = tpu.memref_slice %arg4[%mul3A_5, %dma_wait3A_23] : memref<25040x16xf32, #tpu.memory_space<hbm>> -> memref<1565x16xf32, #tpu.memory_space<hbm>>
      tpu.wait_dma2 semaphore(%run_scoped3A : memref<!tpu.dma_semaphore, #tpu.memory_space<semaphore_mem>>) src(%dma_wait3A_24 : memref<1565x16xf32, #tpu.memory_space<hbm>>) dst(%dma_wait3A_22 : memref<1565x16xf32, #tpu.memory_space<vmem_shared>>)
      tpu.yield
    }) : () -> ()
    %barrier3A = arith.constant 0 : index
    tpu.barrier barrier_id(%barrier3A)
    %scan3A = arith.constant 0 : i32
    %scan3A_8 = arith.constant 0 : i32
    %scan3A_9 = arith.constant 104 : i32
    %scan3A_10 = arith.addi %scan3A_8, %scan3A_9 : i32
    %scan3A_11 = arith.constant 1 : i32
    scf.for %scan3A_19 = %scan3A_8 to %scan3A_10 step %scan3A_11  : i32 {
      %mul3A_20 = arith.constant 53248 : i32
      %mul3A_21 = arith.muli %arg1, %mul3A_20 : i32
      %mul3A_22 = arith.constant 512 : i32
      %mul3A_23 = arith.muli %scan3A_19, %mul3A_22 : i32
      %add3A_24 = arith.addi %mul3A_21, %mul3A_23 : i32
      "tpu.region"() ({
        %run_scoped3A = tpu.sem_alloc : memref<!tpu.dma_semaphore, #tpu.memory_space<semaphore_mem>>
        %dma_start3A = tpu.memref_slice %arg3[%add3A_24] : memref<851968xi32, #tpu.memory_space<hbm>> -> memref<512xi32, #tpu.memory_space<hbm>>
        %dma_start3A_31 = tpu.memref_slice %arg3[%add3A_24] : memref<851968xi32, #tpu.memory_space<hbm>> -> memref<512xi32, #tpu.memory_space<hbm>>
        tpu.enqueue_dma source(%dma_start3A_31 : memref<512xi32, #tpu.memory_space<hbm>>) target(%arg7 : memref<512xi32, #tpu.memory_space<vmem>>) target_semaphore(%run_scoped3A : memref<!tpu.dma_semaphore, #tpu.memory_space<semaphore_mem>>)
        %dma_wait3A = tpu.memref_slice %arg3[%add3A_24] : memref<851968xi32, #tpu.memory_space<hbm>> -> memref<512xi32, #tpu.memory_space<hbm>>
        %dma_wait3A_32 = tpu.memref_slice %arg3[%add3A_24] : memref<851968xi32, #tpu.memory_space<hbm>> -> memref<512xi32, #tpu.memory_space<hbm>>
        tpu.wait_dma2 semaphore(%run_scoped3A : memref<!tpu.dma_semaphore, #tpu.memory_space<semaphore_mem>>) src(%dma_wait3A_32 : memref<512xi32, #tpu.memory_space<hbm>>) dst(%arg7 : memref<512xi32, #tpu.memory_space<vmem>>)
        tpu.yield
      }) : () -> ()
      "tpu.region"() ({
        %run_scoped3A = tpu.sem_alloc : memref<!tpu.dma_semaphore, #tpu.memory_space<semaphore_mem>>
        %dma_start3A = arith.constant 0 : i32
        %dma_start3A_31 = tpu.memref_slice %arg2[%add3A_24, %dma_start3A] : memref<851968x16xf32, #tpu.memory_space<hbm>> -> memref<512x16xf32, #tpu.memory_space<hbm>>
        %dma_start3A_32 = arith.constant 0 : i32
        %dma_start3A_33 = tpu.memref_slice %arg2[%add3A_24, %dma_start3A_32] : memref<851968x16xf32, #tpu.memory_space<hbm>> -> memref<512x16xf32, #tpu.memory_space<hbm>>
        tpu.enqueue_dma source(%dma_start3A_33 : memref<512x16xf32, #tpu.memory_space<hbm>>) target(%arg9 : memref<512x16xf32, #tpu.memory_space<vmem>>) target_semaphore(%run_scoped3A : memref<!tpu.dma_semaphore, #tpu.memory_space<semaphore_mem>>)
        %dma_wait3A = arith.constant 0 : i32
        %dma_wait3A_34 = tpu.memref_slice %arg2[%add3A_24, %dma_wait3A] : memref<851968x16xf32, #tpu.memory_space<hbm>> -> memref<512x16xf32, #tpu.memory_space<hbm>>
        %dma_wait3A_35 = arith.constant 0 : i32
        %dma_wait3A_36 = tpu.memref_slice %arg2[%add3A_24, %dma_wait3A_35] : memref<851968x16xf32, #tpu.memory_space<hbm>> -> memref<512x16xf32, #tpu.memory_space<hbm>>
        tpu.wait_dma2 semaphore(%run_scoped3A : memref<!tpu.dma_semaphore, #tpu.memory_space<semaphore_mem>>) src(%dma_wait3A_36 : memref<512x16xf32, #tpu.memory_space<hbm>>) dst(%arg9 : memref<512x16xf32, #tpu.memory_space<vmem>>)
        tpu.yield
      }) : () -> ()
      %scan3A_25 = arith.constant 0 : i32
      %scan3A_26 = arith.constant 0 : i32
      %scan3A_27 = arith.constant 32 : i32
      %scan3A_28 = arith.addi %scan3A_26, %scan3A_27 : i32
      %scan3A_29 = arith.constant 1 : i32
      scf.for %scan3A_31 = %scan3A_26 to %scan3A_28 step %scan3A_29  : i32 {
        %mul3A_32 = arith.constant 16 : i32
        %mul3A_33 = arith.muli %scan3A_31, %mul3A_32 : i32
        %get3A = arith.index_cast %mul3A_33 : i32 to index
        %get3A_34 = tpu.vector_load %arg7[%get3A] {strides = array<i32>} : memref<512xi32, #tpu.memory_space<vmem>>, vector<16xi32>,
        %get3A_35 = vector.shape_cast %get3A_34 : vector<16xi32> to vector<16xi32>
        %ge3A = vector.broadcast %mul3A_3 : i32 to vector<16xi32>
        %ge3A_36 = arith.cmpi sge, %get3A_35, %ge3A : vector<16xi32>
        %add3A_37 = arith.constant 25024 : i32
        %add3A_38 = arith.addi %mul3A_3, %add3A_37 : i32
        %lt3A = vector.broadcast %add3A_38 : i32 to vector<16xi32>
        %lt3A_39 = arith.cmpi slt, %get3A_35, %lt3A : vector<16xi32>
        %and3A = arith.andi %ge3A_36, %lt3A_39 : vector<16xi1>
        %sub3A = vector.broadcast %mul3A_3 : i32 to vector<16xi32>
        %sub3A_40 = arith.subi %get3A_35, %sub3A : vector<16xi32>
        %jit3A = arith.constant 25024 : i32
        %broadcast_in_dim3A = vector.broadcast %jit3A : i32 to vector<16xi32>
        %select_n3A = arith.select %and3A, %sub3A_40, %broadcast_in_dim3A : vector<16xi1>, vector<16xi32>
        %mul3A_41 = arith.constant 16 : i32
        %mul3A_42 = arith.muli %scan3A_31, %mul3A_41 : i32
        %swap3A = arith.index_cast %mul3A_42 : i32 to index
        %swap3A_43 = tpu.vector_load %arg8[%swap3A] {strides = array<i32>} : memref<512xi32, #tpu.memory_space<vmem>>, vector<16xi32>,
        %swap3A_44 = vector.shape_cast %swap3A_43 : vector<16xi32> to vector<16xi32>
        %swap3A_45 = vector.shape_cast %select_n3A : vector<16xi32> to vector<16xi32>
        tpu.vector_store %arg8[%swap3A], %swap3A_45 {strides = array<i32>} : memref<512xi32, #tpu.memory_space<vmem>>, vector<16xi32>,
      }
      %scan3A_30 = arith.constant 32 : i32
      "tpu.region"() ({
        %run_scoped3A = tpu.sem_alloc : memref<!tpu.dma_semaphore, #tpu.memory_space<semaphore_mem>>
        %dma_start3A = arith.constant 0 : i32
        %dma_start3A_31 = arith.constant 0 : i32
        %dma_start3A_32 = tpu.memref_slice %arg6[%dma_start3A, %dma_start3A_31] : memref<25040x16xf32, #tpu.memory_space<vmem_shared>> -> memref<25040x16xf32, #tpu.memory_space<vmem_shared>>
        tpu.enqueue_indirect_dma source(%arg9 : memref<512x16xf32, #tpu.memory_space<vmem>>) target(%dma_start3A_32 : memref<25040x16xf32, #tpu.memory_space<vmem_shared>>) offsets(%arg8 : memref<512xi32, #tpu.memory_space<vmem>>) semaphore(%run_scoped3A : memref<!tpu.dma_semaphore, #tpu.memory_space<semaphore_mem>>) {add = true}
        %dma_wait3A = arith.constant 0 : i32
        %dma_wait3A_33 = arith.constant 0 : i32
        %dma_wait3A_34 = tpu.memref_slice %arg6[%dma_wait3A, %dma_wait3A_33] : memref<25040x16xf32, #tpu.memory_space<vmem_shared>> -> memref<25040x16xf32, #tpu.memory_space<vmem_shared>>
        tpu.wait_indirect_dma semaphore(%run_scoped3A : memref<!tpu.dma_semaphore, #tpu.memory_space<semaphore_mem>>) src(%arg9 : memref<512x16xf32, #tpu.memory_space<vmem>>) dst(%dma_wait3A_34 : memref<25040x16xf32, #tpu.memory_space<vmem_shared>>)
        tpu.yield
      }) : () -> ()
    }
    %scan3A_12 = arith.constant 104 : i32
    %barrier3A_13 = arith.constant 0 : index
    tpu.barrier barrier_id(%barrier3A_13)
    %mul3A_14 = arith.constant 1564 : i32
    %mul3A_15 = arith.muli %arg1, %mul3A_14 : i32
    %mul3A_16 = arith.constant 1564 : i32
    %mul3A_17 = arith.muli %arg1, %mul3A_16 : i32
    %add3A_18 = arith.addi %mul3A_3, %mul3A_17 : i32
    "tpu.region"() ({
      %run_scoped3A = tpu.sem_alloc : memref<!tpu.dma_semaphore, #tpu.memory_space<semaphore_mem>>
      %dma_start3A = arith.constant 0 : i32
      %dma_start3A_19 = tpu.memref_slice %arg5[%add3A_18, %dma_start3A] : memref<50048x16xf32, #tpu.memory_space<hbm>> -> memref<1564x16xf32, #tpu.memory_space<hbm>>
      %dma_start3A_20 = arith.constant 0 : i32
      %dma_start3A_21 = tpu.memref_slice %arg6[%mul3A_15, %dma_start3A_20] : memref<25040x16xf32, #tpu.memory_space<vmem_shared>> -> memref<1564x16xf32, #tpu.memory_space<vmem_shared>>
      tpu.enqueue_dma source(%dma_start3A_21 : memref<1564x16xf32, #tpu.memory_space<vmem_shared>>) target(%dma_start3A_19 : memref<1564x16xf32, #tpu.memory_space<hbm>>) target_semaphore(%run_scoped3A : memref<!tpu.dma_semaphore, #tpu.memory_space<semaphore_mem>>)
      %dma_wait3A = arith.constant 0 : i32
      %dma_wait3A_22 = tpu.memref_slice %arg5[%add3A_18, %dma_wait3A] : memref<50048x16xf32, #tpu.memory_space<hbm>> -> memref<1564x16xf32, #tpu.memory_space<hbm>>
      %dma_wait3A_23 = arith.constant 0 : i32
      %dma_wait3A_24 = tpu.memref_slice %arg6[%mul3A_15, %dma_wait3A_23] : memref<25040x16xf32, #tpu.memory_space<vmem_shared>> -> memref<1564x16xf32, #tpu.memory_space<vmem_shared>>
      tpu.wait_dma2 semaphore(%run_scoped3A : memref<!tpu.dma_semaphore, #tpu.memory_space<semaphore_mem>>) src(%dma_wait3A_24 : memref<1564x16xf32, #tpu.memory_space<vmem_shared>>) dst(%dma_wait3A_22 : memref<1564x16xf32, #tpu.memory_space<hbm>>)
      tpu.yield
    }) : () -> ()
    return
  }
}

#map = affine_map<(d0, d1) -> (0, 0)>
#map1 = affine_map<(d0, d1) -> (0)>
module attributes {stable_mosaic.version = 14 : i64} {
  func.func @k(%arg0: i32, %arg1: i32, %arg2: memref<851968x16xf32, #tpu.memory_space<hbm>>, %arg3: memref<851968xi32, #tpu.memory_space<hbm>>, %arg4: memref<25040x16xf32, #tpu.memory_space<hbm>>, %arg5: memref<50048x16xf32, #tpu.memory_space<hbm>>, %arg6: memref<25040x16xf32, #tpu.memory_space<vmem_shared>>, %arg7: memref<512xi32, #tpu.memory_space<vmem>>, %arg8: memref<512xi32, #tpu.memory_space<vmem>>, %arg9: memref<512x16xf32, #tpu.memory_space<vmem>>) attributes {dimension_semantics = [#tpu.dimension_semantics<core_parallel>, #tpu.dimension_semantics<subcore_parallel>], iteration_bounds = array<i64: 2, 16>, scalar_prefetch = 0 : i64, scratch_operands = 4 : i64, tpu.core_type = #tpu.core_type<sc_vector_subcore>, window_params = [{transform_indices = #map}, {transform_indices = #map1}, {transform_indices = #map}, {transform_indices = #map}]} {
    %mul3A = arith.constant 1 : i32
    %mul3A_0 = arith.muli %arg0, %mul3A : i32
    %add3A = arith.constant 0 : i32
    %add3A_1 = arith.addi %mul3A_0, %add3A : i32
    %mul3A_2 = arith.constant 25024 : i32
    %mul3A_3 = arith.muli %add3A_1, %mul3A_2 : i32
    %mul3A_4 = arith.constant 1565 : i32
    %mul3A_5 = arith.muli %arg1, %mul3A_4 : i32
    %mul3A_6 = arith.constant 1565 : i32
    %mul3A_7 = arith.muli %arg1, %mul3A_6 : i32
    "tpu.region"() ({
      %run_scoped3A = tpu.sem_alloc : memref<!tpu.dma_semaphore, #tpu.memory_space<semaphore_mem>>
      %dma_start3A = arith.constant 0 : i32
      %dma_start3A_19 = tpu.memref_slice %arg6[%mul3A_7, %dma_start3A] : memref<25040x16xf32, #tpu.memory_space<vmem_shared>> -> memref<1565x16xf32, #tpu.memory_space<vmem_shared>>
      %dma_start3A_20 = arith.constant 0 : i32
      %dma_start3A_21 = tpu.memref_slice %arg4[%mul3A_5, %dma_start3A_20] : memref<25040x16xf32, #tpu.memory_space<hbm>> -> memref<1565x16xf32, #tpu.memory_space<hbm>>
      tpu.enqueue_dma source(%dma_start3A_21 : memref<1565x16xf32, #tpu.memory_space<hbm>>) target(%dma_start3A_19 : memref<1565x16xf32, #tpu.memory_space<vmem_shared>>) target_semaphore(%run_scoped3A : memref<!tpu.dma_semaphore, #tpu.memory_space<semaphore_mem>>)
      %dma_wait3A = arith.constant 0 : i32
      %dma_wait3A_22 = tpu.memref_slice %arg6[%mul3A_7, %dma_wait3A] : memref<25040x16xf32, #tpu.memory_space<vmem_shared>> -> memref<1565x16xf32, #tpu.memory_space<vmem_shared>>
      %dma_wait3A_23 = arith.constant 0 : i32
      %dma_wait3A_24 = tpu.memref_slice %arg4[%mul3A_5, %dma_wait3A_23] : memref<25040x16xf32, #tpu.memory_space<hbm>> -> memref<1565x16xf32, #tpu.memory_space<hbm>>
      tpu.wait_dma2 semaphore(%run_scoped3A : memref<!tpu.dma_semaphore, #tpu.memory_space<semaphore_mem>>) src(%dma_wait3A_24 : memref<1565x16xf32, #tpu.memory_space<hbm>>) dst(%dma_wait3A_22 : memref<1565x16xf32, #tpu.memory_space<vmem_shared>>)
      tpu.yield
    }) : () -> ()
    %barrier3A = arith.constant 0 : index
    tpu.barrier barrier_id(%barrier3A)
    %scan3A = arith.constant 0 : i32
    %scan3A_8 = arith.constant 0 : i32
    %scan3A_9 = arith.constant 104 : i32
    %scan3A_10 = arith.addi %scan3A_8, %scan3A_9 : i32
    %scan3A_11 = arith.constant 1 : i32
    scf.for %scan3A_19 = %scan3A_8 to %scan3A_10 step %scan3A_11  : i32 {
      %mul3A_20 = arith.constant 53248 : i32
      %mul3A_21 = arith.muli %arg1, %mul3A_20 : i32
      %mul3A_22 = arith.constant 512 : i32
      %mul3A_23 = arith.muli %scan3A_19, %mul3A_22 : i32
      %add3A_24 = arith.addi %mul3A_21, %mul3A_23 : i32
      "tpu.region"() ({
        %run_scoped3A = tpu.sem_alloc : memref<!tpu.dma_semaphore, #tpu.memory_space<semaphore_mem>>
        %dma_start3A = tpu.memref_slice %arg3[%add3A_24] : memref<851968xi32, #tpu.memory_space<hbm>> -> memref<512xi32, #tpu.memory_space<hbm>>
        %dma_start3A_31 = tpu.memref_slice %arg3[%add3A_24] : memref<851968xi32, #tpu.memory_space<hbm>> -> memref<512xi32, #tpu.memory_space<hbm>>
        tpu.enqueue_dma source(%dma_start3A_31 : memref<512xi32, #tpu.memory_space<hbm>>) target(%arg7 : memref<512xi32, #tpu.memory_space<vmem>>) target_semaphore(%run_scoped3A : memref<!tpu.dma_semaphore, #tpu.memory_space<semaphore_mem>>)
        %dma_wait3A = tpu.memref_slice %arg3[%add3A_24] : memref<851968xi32, #tpu.memory_space<hbm>> -> memref<512xi32, #tpu.memory_space<hbm>>
        %dma_wait3A_32 = tpu.memref_slice %arg3[%add3A_24] : memref<851968xi32, #tpu.memory_space<hbm>> -> memref<512xi32, #tpu.memory_space<hbm>>
        tpu.wait_dma2 semaphore(%run_scoped3A : memref<!tpu.dma_semaphore, #tpu.memory_space<semaphore_mem>>) src(%dma_wait3A_32 : memref<512xi32, #tpu.memory_space<hbm>>) dst(%arg7 : memref<512xi32, #tpu.memory_space<vmem>>)
        tpu.yield
      }) : () -> ()
      "tpu.region"() ({
        %run_scoped3A = tpu.sem_alloc : memref<!tpu.dma_semaphore, #tpu.memory_space<semaphore_mem>>
        %dma_start3A = arith.constant 0 : i32
        %dma_start3A_31 = tpu.memref_slice %arg2[%add3A_24, %dma_start3A] : memref<851968x16xf32, #tpu.memory_space<hbm>> -> memref<512x16xf32, #tpu.memory_space<hbm>>
        %dma_start3A_32 = arith.constant 0 : i32
        %dma_start3A_33 = tpu.memref_slice %arg2[%add3A_24, %dma_start3A_32] : memref<851968x16xf32, #tpu.memory_space<hbm>> -> memref<512x16xf32, #tpu.memory_space<hbm>>
        tpu.enqueue_dma source(%dma_start3A_33 : memref<512x16xf32, #tpu.memory_space<hbm>>) target(%arg9 : memref<512x16xf32, #tpu.memory_space<vmem>>) target_semaphore(%run_scoped3A : memref<!tpu.dma_semaphore, #tpu.memory_space<semaphore_mem>>)
        %dma_wait3A = arith.constant 0 : i32
        %dma_wait3A_34 = tpu.memref_slice %arg2[%add3A_24, %dma_wait3A] : memref<851968x16xf32, #tpu.memory_space<hbm>> -> memref<512x16xf32, #tpu.memory_space<hbm>>
        %dma_wait3A_35 = arith.constant 0 : i32
        %dma_wait3A_36 = tpu.memref_slice %arg2[%add3A_24, %dma_wait3A_35] : memref<851968x16xf32, #tpu.memory_space<hbm>> -> memref<512x16xf32, #tpu.memory_space<hbm>>
        tpu.wait_dma2 semaphore(%run_scoped3A : memref<!tpu.dma_semaphore, #tpu.memory_space<semaphore_mem>>) src(%dma_wait3A_36 : memref<512x16xf32, #tpu.memory_space<hbm>>) dst(%arg9 : memref<512x16xf32, #tpu.memory_space<vmem>>)
        tpu.yield
      }) : () -> ()
      %scan3A_25 = arith.constant 0 : i32
      %scan3A_26 = arith.constant 0 : i32
      %scan3A_27 = arith.constant 32 : i32
      %scan3A_28 = arith.addi %scan3A_26, %scan3A_27 : i32
      %scan3A_29 = arith.constant 1 : i32
      scf.for %scan3A_31 = %scan3A_26 to %scan3A_28 step %scan3A_29  : i32 {
        %mul3A_32 = arith.constant 16 : i32
        %mul3A_33 = arith.muli %scan3A_31, %mul3A_32 : i32
        %get3A = arith.index_cast %mul3A_33 : i32 to index
        %get3A_34 = tpu.vector_load %arg7[%get3A] {strides = array<i32>} : memref<512xi32, #tpu.memory_space<vmem>>, vector<16xi32>,
        %get3A_35 = vector.shape_cast %get3A_34 : vector<16xi32> to vector<16xi32>
        %ge3A = vector.broadcast %mul3A_3 : i32 to vector<16xi32>
        %ge3A_36 = arith.cmpi sge, %get3A_35, %ge3A : vector<16xi32>
        %add3A_37 = arith.constant 25024 : i32
        %add3A_38 = arith.addi %mul3A_3, %add3A_37 : i32
        %lt3A = vector.broadcast %add3A_38 : i32 to vector<16xi32>
        %lt3A_39 = arith.cmpi slt, %get3A_35, %lt3A : vector<16xi32>
        %and3A = arith.andi %ge3A_36, %lt3A_39 : vector<16xi1>
        %sub3A = vector.broadcast %mul3A_3 : i32 to vector<16xi32>
        %sub3A_40 = arith.subi %get3A_35, %sub3A : vector<16xi32>
        %jit3A = arith.constant 25024 : i32
        %broadcast_in_dim3A = vector.broadcast %jit3A : i32 to vector<16xi32>
        %select_n3A = arith.select %and3A, %sub3A_40, %broadcast_in_dim3A : vector<16xi1>, vector<16xi32>
        %mul3A_41 = arith.constant 16 : i32
        %mul3A_42 = arith.muli %scan3A_31, %mul3A_41 : i32
        %swap3A = arith.index_cast %mul3A_42 : i32 to index
        %swap3A_43 = tpu.vector_load %arg8[%swap3A] {strides = array<i32>} : memref<512xi32, #tpu.memory_space<vmem>>, vector<16xi32>,
        %swap3A_44 = vector.shape_cast %swap3A_43 : vector<16xi32> to vector<16xi32>
        %swap3A_45 = vector.shape_cast %select_n3A : vector<16xi32> to vector<16xi32>
        tpu.vector_store %arg8[%swap3A], %swap3A_45 {strides = array<i32>} : memref<512xi32, #tpu.memory_space<vmem>>, vector<16xi32>,
      }
      %scan3A_30 = arith.constant 32 : i32
      "tpu.region"() ({
        %run_scoped3A = tpu.sem_alloc : memref<!tpu.dma_semaphore, #tpu.memory_space<semaphore_mem>>
        %dma_start3A = arith.constant 0 : i32
        %dma_start3A_31 = arith.constant 0 : i32
        %dma_start3A_32 = tpu.memref_slice %arg6[%dma_start3A, %dma_start3A_31] : memref<25040x16xf32, #tpu.memory_space<vmem_shared>> -> memref<25040x16xf32, #tpu.memory_space<vmem_shared>>
        tpu.enqueue_indirect_dma source(%arg9 : memref<512x16xf32, #tpu.memory_space<vmem>>) target(%dma_start3A_32 : memref<25040x16xf32, #tpu.memory_space<vmem_shared>>) offsets(%arg8 : memref<512xi32, #tpu.memory_space<vmem>>) semaphore(%run_scoped3A : memref<!tpu.dma_semaphore, #tpu.memory_space<semaphore_mem>>) {add = true}
        %dma_wait3A = arith.constant 0 : i32
        %dma_wait3A_33 = arith.constant 0 : i32
        %dma_wait3A_34 = tpu.memref_slice %arg6[%dma_wait3A, %dma_wait3A_33] : memref<25040x16xf32, #tpu.memory_space<vmem_shared>> -> memref<25040x16xf32, #tpu.memory_space<vmem_shared>>
        tpu.wait_indirect_dma semaphore(%run_scoped3A : memref<!tpu.dma_semaphore, #tpu.memory_space<semaphore_mem>>) src(%arg9 : memref<512x16xf32, #tpu.memory_space<vmem>>) dst(%dma_wait3A_34 : memref<25040x16xf32, #tpu.memory_space<vmem_shared>>)
        tpu.yield
      }) : () -> ()
    }
    %scan3A_12 = arith.constant 104 : i32
    %barrier3A_13 = arith.constant 0 : index
    tpu.barrier barrier_id(%barrier3A_13)
    %mul3A_14 = arith.constant 1564 : i32
    %mul3A_15 = arith.muli %arg1, %mul3A_14 : i32
    %mul3A_16 = arith.constant 1564 : i32
    %mul3A_17 = arith.muli %arg1, %mul3A_16 : i32
    %add3A_18 = arith.addi %mul3A_3, %mul3A_17 : i32
    "tpu.region"() ({
      %run_scoped3A = tpu.sem_alloc : memref<!tpu.dma_semaphore, #tpu.memory_space<semaphore_mem>>
      %dma_start3A = arith.constant 0 : i32
      %dma_start3A_19 = tpu.memref_slice %arg5[%add3A_18, %dma_start3A] : memref<50048x16xf32, #tpu.memory_space<hbm>> -> memref<1564x16xf32, #tpu.memory_space<hbm>>
      %dma_start3A_20 = arith.constant 0 : i32
      %dma_start3A_21 = tpu.memref_slice %arg6[%mul3A_15, %dma_start3A_20] : memref<25040x16xf32, #tpu.memory_space<vmem_shared>> -> memref<1564x16xf32, #tpu.memory_space<vmem_shared>>
      tpu.enqueue_dma source(%dma_start3A_21 : memref<1564x16xf32, #tpu.memory_space<vmem_shared>>) target(%dma_start3A_19 : memref<1564x16xf32, #tpu.memory_space<hbm>>) target_semaphore(%run_scoped3A : memref<!tpu.dma_semaphore, #tpu.memory_space<semaphore_mem>>)
      %dma_wait3A = arith.constant 0 : i32
      %dma_wait3A_22 = tpu.memref_slice %arg5[%add3A_18, %dma_wait3A] : memref<50048x16xf32, #tpu.memory_space<hbm>> -> memref<1564x16xf32, #tpu.memory_space<hbm>>
      %dma_wait3A_23 = arith.constant 0 : i32
      %dma_wait3A_24 = tpu.memref_slice %arg6[%mul3A_15, %dma_wait3A_23] : memref<25040x16xf32, #tpu.memory_space<vmem_shared>> -> memref<1564x16xf32, #tpu.memory_space<vmem_shared>>
      tpu.wait_dma2 semaphore(%run_scoped3A : memref<!tpu.dma_semaphore, #tpu.memory_space<semaphore_mem>>) src(%dma_wait3A_24 : memref<1564x16xf32, #tpu.memory_space<vmem_shared>>) dst(%dma_wait3A_22 : memref<1564x16xf32, #tpu.memory_space<hbm>>)
      tpu.yield
    }) : () -> ()
    return
  }
}

module attributes {stable_mosaic.version = 14 : i64} {
  func.func @_proj_body(%arg0: i32, %arg1: memref<2000x2xf32, #tpu.memory_space<vmem>>, %arg2: memref<2x128xf32, #tpu.memory_space<vmem>>, %arg3: memref<1x128xf32, #tpu.memory_space<vmem>>, %arg4: memref<2000x128xf32, #tpu.memory_space<vmem>>) attributes {dimension_semantics = [#tpu.dimension_semantics<arbitrary>], iteration_bounds = array<i64: 25>, scalar_prefetch = 0 : i64, scratch_operands = 0 : i64, tpu.core_type = #tpu.core_type<tc>, window_params = [{transform_indices = @transform_0, window_bounds = array<i64: 2000, 2>}, {pipeline_mode = #tpu.pipeline_mode<synchronous>, transform_indices = @transform_1, window_bounds = array<i64: 2, 128>}, {pipeline_mode = #tpu.pipeline_mode<synchronous>, transform_indices = @transform_2, window_bounds = array<i64: 1, 128>}, {transform_indices = @transform_3, window_bounds = array<i64: 2000, 128>}]} {
    %get3A = arith.constant 0 : index
    %get3A_0 = arith.constant 0 : index
    %get3A_1 = vector.load %arg1[%get3A, %get3A_0] : memref<2000x2xf32, #tpu.memory_space<vmem>>, vector<2000x2xf32>
    %get3A_2 = arith.constant 0 : index
    %get3A_3 = arith.constant 0 : index
    %get3A_4 = vector.load %arg2[%get3A_2, %get3A_3] : memref<2x128xf32, #tpu.memory_space<vmem>>, vector<2x128xf32>
    %dot_general3A = arith.constant dense<0.000000e+00> : vector<2000x128xf32>
    %dot_general3A_5 = tpu.matmul %get3A_1, %get3A_4, %dot_general3A {dimension_numbers = #tpu.dot_dimension_numbers<[1], [0], [0], [1], [0, 0, 1, 1], [], []>, transpose_lhs_hint = false} : vector<2000x2xf32>, vector<2x128xf32>, vector<2000x128xf32> -> vector<2000x128xf32>
    %get3A_6 = arith.constant 0 : index
    %get3A_7 = arith.constant 0 : index
    %get3A_8 = vector.load %arg3[%get3A_6, %get3A_7] : memref<1x128xf32, #tpu.memory_space<vmem>>, vector<1x128xf32>
    %add3A = vector.broadcast %get3A_8 : vector<1x128xf32> to vector<2000x128xf32>
    %add3A_9 = arith.addf %dot_general3A_5, %add3A : vector<2000x128xf32>
    %swap3A = arith.constant 0 : index
    %swap3A_10 = arith.constant 0 : index
    %swap3A_11 = vector.load %arg4[%swap3A, %swap3A_10] : memref<2000x128xf32, #tpu.memory_space<vmem>>, vector<2000x128xf32>
    tpu.vector_store %arg4[%swap3A, %swap3A_10], %add3A_9 {strides = array<i32>} : memref<2000x128xf32, #tpu.memory_space<vmem>>, vector<2000x128xf32>,
    return
  }
  func.func @transform_0(%arg0: i32) -> (i32, i32) {
    %c0_i32 = arith.constant 0 : i32
    %c0_i32_0 = arith.constant 0 : i32
    return %arg0, %c0_i32 : i32, i32
  }
  func.func @transform_1(%arg0: i32) -> (i32, i32) {
    %c0_i32 = arith.constant 0 : i32
    %c0_i32_0 = arith.constant 0 : i32
    %c0_i32_1 = arith.constant 0 : i32
    return %c0_i32, %c0_i32_0 : i32, i32
  }
  func.func @transform_2(%arg0: i32) -> (i32, i32) {
    %c0_i32 = arith.constant 0 : i32
    %c0_i32_0 = arith.constant 0 : i32
    %c0_i32_1 = arith.constant 0 : i32
    return %c0_i32, %c0_i32_0 : i32, i32
  }
  func.func @transform_3(%arg0: i32) -> (i32, i32) {
    %c0_i32 = arith.constant 0 : i32
    %c0_i32_0 = arith.constant 0 : i32
    return %arg0, %c0_i32 : i32, i32
  }
}

module attributes {stable_mosaic.version = 14 : i64} {
  func.func @_alpha_body(%arg0: i32, %arg1: memref<2048x128xf32, #tpu.memory_space<vmem>>, %arg2: memref<2048x128xf32, #tpu.memory_space<vmem>>, %arg3: memref<8x16xf32, #tpu.memory_space<vmem>>, %arg4: memref<2048x8xf32, #tpu.memory_space<vmem>>, %arg5: memref<1x1x8xf32, #tpu.memory_space<vmem>>) attributes {dimension_semantics = [#tpu.dimension_semantics<arbitrary>], iteration_bounds = array<i64: 416>, scalar_prefetch = 0 : i64, scratch_operands = 0 : i64, tpu.core_type = #tpu.core_type<tc>, window_params = [{transform_indices = @transform_0, window_bounds = array<i64: 2048, 128>}, {transform_indices = @transform_1, window_bounds = array<i64: 2048, 128>}, {pipeline_mode = #tpu.pipeline_mode<synchronous>, transform_indices = @transform_2, window_bounds = array<i64: 8, 16>}, {transform_indices = @transform_3, window_bounds = array<i64: 2048, 8>}, {transform_indices = @transform_4, window_bounds = array<i64: 1, 1, 8>}]} {
    %get3A = arith.constant 0 : index
    %get3A_0 = arith.constant 0 : index
    %get3A_1 = vector.load %arg1[%get3A, %get3A_0] : memref<2048x128xf32, #tpu.memory_space<vmem>>, vector<2048x128xf32>
    %get3A_2 = arith.constant 0 : index
    %get3A_3 = arith.constant 0 : index
    %get3A_4 = vector.load %arg2[%get3A_2, %get3A_3] : memref<2048x128xf32, #tpu.memory_space<vmem>>, vector<2048x128xf32>
    %add3A = arith.addf %get3A_1, %get3A_4 : vector<2048x128xf32>
    %gt3A = arith.constant 0.000000e+00 : f32
    %gt3A_5 = vector.broadcast %gt3A : f32 to vector<2048x128xf32>
    %gt3A_6 = arith.cmpf ogt, %add3A, %gt3A_5 : vector<2048x128xf32>
    %mul3A = arith.constant 2.000000e-01 : f32
    %mul3A_7 = vector.broadcast %mul3A : f32 to vector<2048x128xf32>
    %mul3A_8 = arith.mulf %mul3A_7, %add3A : vector<2048x128xf32>
    %select_n3A = arith.select %gt3A_6, %add3A, %mul3A_8 : vector<2048x128xi1>, vector<2048x128xf32>
    %reshape3A = vector.shape_cast %select_n3A : vector<2048x128xf32> to vector<2048x8x16xf32>
    %get3A_9 = arith.constant 0 : index
    %get3A_10 = arith.constant 0 : index
    %get3A_11 = vector.load %arg3[%get3A_9, %get3A_10] : memref<8x16xf32, #tpu.memory_space<vmem>>, vector<8x16xf32>
    %broadcast_in_dim3A = vector.shape_cast %get3A_11 : vector<8x16xf32> to vector<1x8x16xf32>
    %mul3A_12 = vector.broadcast %broadcast_in_dim3A : vector<1x8x16xf32> to vector<2048x8x16xf32>
    %mul3A_13 = arith.mulf %reshape3A, %mul3A_12 : vector<2048x8x16xf32>
    %reduce_sum3A = arith.constant dense<0.000000e+00> : vector<2048x8xf32>
    %reduce_sum3A_14 = vector.multi_reduction <add>, %mul3A_13, %reduce_sum3A [2] : vector<2048x8x16xf32> to vector<2048x8xf32>
    %swap3A = arith.constant 0 : index
    %swap3A_15 = arith.constant 0 : index
    %swap3A_16 = vector.load %arg4[%swap3A, %swap3A_15] : memref<2048x8xf32, #tpu.memory_space<vmem>>, vector<2048x8xf32>
    tpu.vector_store %arg4[%swap3A, %swap3A_15], %reduce_sum3A_14 {strides = array<i32>} : memref<2048x8xf32, #tpu.memory_space<vmem>>, vector<2048x8xf32>,
    %reduce_max3A = arith.constant dense<0xFF800000> : vector<8xf32>
    %reduce_max3A_17 = vector.multi_reduction <maximumf>, %reduce_sum3A_14, %reduce_max3A [0] : vector<2048x8xf32> to vector<8xf32>
    %broadcast_in_dim3A_18 = vector.shape_cast %reduce_max3A_17 : vector<8xf32> to vector<1x8xf32>
    %broadcast_in_dim3A_19 = vector.shape_cast %broadcast_in_dim3A_18 : vector<1x8xf32> to vector<1x1x8xf32>
    %swap3A_20 = arith.constant 0 : index
    %swap3A_21 = arith.constant 0 : index
    %swap3A_22 = arith.constant 0 : index
    %swap3A_23 = vector.load %arg5[%swap3A_20, %swap3A_21, %swap3A_22] : memref<1x1x8xf32, #tpu.memory_space<vmem>>, vector<1x1x8xf32>
    tpu.vector_store %arg5[%swap3A_20, %swap3A_21, %swap3A_22], %broadcast_in_dim3A_19 {strides = array<i32>} : memref<1x1x8xf32, #tpu.memory_space<vmem>>, vector<1x1x8xf32>,
    return
  }
  func.func @transform_0(%arg0: i32) -> (i32, i32) {
    %c0_i32 = arith.constant 0 : i32
    %c0_i32_0 = arith.constant 0 : i32
    return %arg0, %c0_i32 : i32, i32
  }
  func.func @transform_1(%arg0: i32) -> (i32, i32) {
    %c0_i32 = arith.constant 0 : i32
    %c0_i32_0 = arith.constant 0 : i32
    return %arg0, %c0_i32 : i32, i32
  }
  func.func @transform_2(%arg0: i32) -> (i32, i32) {
    %c0_i32 = arith.constant 0 : i32
    %c0_i32_0 = arith.constant 0 : i32
    %c0_i32_1 = arith.constant 0 : i32
    return %c0_i32, %c0_i32_0 : i32, i32
  }
  func.func @transform_3(%arg0: i32) -> (i32, i32) {
    %c0_i32 = arith.constant 0 : i32
    %c0_i32_0 = arith.constant 0 : i32
    return %arg0, %c0_i32 : i32, i32
  }
  func.func @transform_4(%arg0: i32) -> (i32, i32, i32) {
    %c0_i32 = arith.constant 0 : i32
    %c0_i32_0 = arith.constant 0 : i32
    %c0_i32_1 = arith.constant 0 : i32
    return %arg0, %c0_i32, %c0_i32_0 : i32, i32, i32
  }
}

module attributes {stable_mosaic.version = 14 : i64} {
  func.func @_msg_body(%arg0: i32, %arg1: memref<2048x128xf32, #tpu.memory_space<vmem>>, %arg2: memref<2048x8xf32, #tpu.memory_space<vmem>>, %arg3: memref<1x1xf32, #tpu.memory_space<vmem>>, %arg4: memref<2048x128xf32, #tpu.memory_space<vmem>>, %arg5: memref<2048x16xf32, #tpu.memory_space<vmem>>) attributes {dimension_semantics = [#tpu.dimension_semantics<arbitrary>], iteration_bounds = array<i64: 416>, scalar_prefetch = 0 : i64, scratch_operands = 0 : i64, tpu.core_type = #tpu.core_type<tc>, window_params = [{transform_indices = @transform_0, window_bounds = array<i64: 2048, 128>}, {transform_indices = @transform_1, window_bounds = array<i64: 2048, 8>}, {pipeline_mode = #tpu.pipeline_mode<synchronous>, transform_indices = @transform_2, window_bounds = array<i64: 1, 1>}, {transform_indices = @transform_3, window_bounds = array<i64: 2048, 128>}, {transform_indices = @transform_4, window_bounds = array<i64: 2048, 16>}]} {
    %get3A = arith.constant 0 : index
    %get3A_0 = arith.constant 0 : index
    %get3A_1 = vector.load %arg2[%get3A, %get3A_0] : memref<2048x8xf32, #tpu.memory_space<vmem>>, vector<2048x8xf32>
    %get3A_2 = arith.constant 0 : index
    %get3A_3 = arith.constant 0 : index
    %get3A_4 = vector.load %arg3[%get3A_2, %get3A_3] : memref<1x1xf32, #tpu.memory_space<vmem>>, vector<1x1xf32>
    %sub3A = vector.broadcast %get3A_4 : vector<1x1xf32> to vector<2048x8xf32>
    %sub3A_5 = arith.subf %get3A_1, %sub3A : vector<2048x8xf32>
    %exp3A = math.exp %sub3A_5 : vector<2048x8xf32>
    %broadcast_in_dim3A = vector.shape_cast %exp3A : vector<2048x8xf32> to vector<2048x8x1xf32>
    %broadcast_in_dim3A_6 = vector.broadcast %broadcast_in_dim3A : vector<2048x8x1xf32> to vector<2048x8x16xf32>
    %reshape3A = vector.shape_cast %broadcast_in_dim3A_6 : vector<2048x8x16xf32> to vector<2048x128xf32>
    %get3A_7 = arith.constant 0 : index
    %get3A_8 = arith.constant 0 : index
    %get3A_9 = vector.load %arg1[%get3A_7, %get3A_8] : memref<2048x128xf32, #tpu.memory_space<vmem>>, vector<2048x128xf32>
    %mul3A = arith.mulf %get3A_9, %reshape3A : vector<2048x128xf32>
    %swap3A = arith.constant 0 : index
    %swap3A_10 = arith.constant 0 : index
    %swap3A_11 = vector.load %arg4[%swap3A, %swap3A_10] : memref<2048x128xf32, #tpu.memory_space<vmem>>, vector<2048x128xf32>
    tpu.vector_store %arg4[%swap3A, %swap3A_10], %mul3A {strides = array<i32>} : memref<2048x128xf32, #tpu.memory_space<vmem>>, vector<2048x128xf32>,
    %jit3A = arith.constant 0 : i32
    %convert_element_type3A = arith.sitofp %jit3A : i32 to f32
    %pad3A = vector.broadcast %convert_element_type3A : f32 to vector<2048x8xf32>
    %pad3A_12 = tpu.concatenate %exp3A, %pad3A in 1 : vector<2048x8xf32>, vector<2048x8xf32> -> vector<2048x16xf32>
    %swap3A_13 = arith.constant 0 : index
    %swap3A_14 = arith.constant 0 : index
    %swap3A_15 = vector.load %arg5[%swap3A_13, %swap3A_14] : memref<2048x16xf32, #tpu.memory_space<vmem>>, vector<2048x16xf32>
    tpu.vector_store %arg5[%swap3A_13, %swap3A_14], %pad3A_12 {strides = array<i32>} : memref<2048x16xf32, #tpu.memory_space<vmem>>, vector<2048x16xf32>,
    return
  }
  func.func @transform_0(%arg0: i32) -> (i32, i32) {
    %c0_i32 = arith.constant 0 : i32
    %c0_i32_0 = arith.constant 0 : i32
    return %arg0, %c0_i32 : i32, i32
  }
  func.func @transform_1(%arg0: i32) -> (i32, i32) {
    %c0_i32 = arith.constant 0 : i32
    %c0_i32_0 = arith.constant 0 : i32
    return %arg0, %c0_i32 : i32, i32
  }
  func.func @transform_2(%arg0: i32) -> (i32, i32) {
    %c0_i32 = arith.constant 0 : i32
    %c0_i32_0 = arith.constant 0 : i32
    %c0_i32_1 = arith.constant 0 : i32
    return %c0_i32, %c0_i32_0 : i32, i32
  }
  func.func @transform_3(%arg0: i32) -> (i32, i32) {
    %c0_i32 = arith.constant 0 : i32
    %c0_i32_0 = arith.constant 0 : i32
    return %arg0, %c0_i32 : i32, i32
  }
  func.func @transform_4(%arg0: i32) -> (i32, i32) {
    %c0_i32 = arith.constant 0 : i32
    %c0_i32_0 = arith.constant 0 : i32
    return %arg0, %c0_i32 : i32, i32
  }
}

module attributes {stable_mosaic.version = 14 : i64} {
  func.func @_final_body(%arg0: i32, %arg1: memref<2000x128xf32, #tpu.memory_space<vmem>>, %arg2: memref<2000x16xf32, #tpu.memory_space<vmem>>, %arg3: memref<1x128xf32, #tpu.memory_space<vmem>>, %arg4: memref<1x128xf32, #tpu.memory_space<vmem>>, %arg5: memref<1x128xf32, #tpu.memory_space<vmem>>, %arg6: memref<2000x128xf32, #tpu.memory_space<vmem>>) attributes {dimension_semantics = [#tpu.dimension_semantics<arbitrary>], iteration_bounds = array<i64: 25>, scalar_prefetch = 0 : i64, scratch_operands = 0 : i64, tpu.core_type = #tpu.core_type<tc>, window_params = [{transform_indices = @transform_0, window_bounds = array<i64: 2000, 128>}, {transform_indices = @transform_1, window_bounds = array<i64: 2000, 16>}, {pipeline_mode = #tpu.pipeline_mode<synchronous>, transform_indices = @transform_2, window_bounds = array<i64: 1, 128>}, {pipeline_mode = #tpu.pipeline_mode<synchronous>, transform_indices = @transform_3, window_bounds = array<i64: 1, 128>}, {pipeline_mode = #tpu.pipeline_mode<synchronous>, transform_indices = @transform_4, window_bounds = array<i64: 1, 128>}, {transform_indices = @transform_5, window_bounds = array<i64: 2000, 128>}]} {
    %get3A = arith.constant 0 : index
    %get3A_0 = arith.constant 0 : index
    %get3A_1 = vector.load %arg2[%get3A, %get3A_0] : memref<2000x16xf32, #tpu.memory_space<vmem>>, vector<2000x16xf32>
    %slice3A = vector.extract_strided_slice %get3A_1 {offsets = [0, 0], sizes = [2000, 8], strides = [1, 1]} : vector<2000x16xf32> to vector<2000x8xf32>
    %broadcast_in_dim3A = vector.shape_cast %slice3A : vector<2000x8xf32> to vector<2000x8x1xf32>
    %broadcast_in_dim3A_2 = vector.broadcast %broadcast_in_dim3A : vector<2000x8x1xf32> to vector<2000x8x16xf32>
    %reshape3A = vector.shape_cast %broadcast_in_dim3A_2 : vector<2000x8x16xf32> to vector<2000x128xf32>
    %add3A = arith.constant 1.000000e-35 : f32
    %add3A_3 = vector.broadcast %add3A : f32 to vector<2000x128xf32>
    %add3A_4 = arith.addf %reshape3A, %add3A_3 : vector<2000x128xf32>
    %get3A_5 = arith.constant 0 : index
    %get3A_6 = arith.constant 0 : index
    %get3A_7 = vector.load %arg1[%get3A_5, %get3A_6] : memref<2000x128xf32, #tpu.memory_space<vmem>>, vector<2000x128xf32>
    %div3A = arith.divf %get3A_7, %add3A_4 : vector<2000x128xf32>
    %get3A_8 = arith.constant 0 : index
    %get3A_9 = arith.constant 0 : index
    %get3A_10 = vector.load %arg3[%get3A_8, %get3A_9] : memref<1x128xf32, #tpu.memory_space<vmem>>, vector<1x128xf32>
    %add3A_11 = vector.broadcast %get3A_10 : vector<1x128xf32> to vector<2000x128xf32>
    %add3A_12 = arith.addf %div3A, %add3A_11 : vector<2000x128xf32>
    %sqrt3A = arith.constant 1.000010e+00 : f32
    %sqrt3A_13 = math.sqrt %sqrt3A : f32
    %div3A_14 = vector.broadcast %sqrt3A_13 : f32 to vector<2000x128xf32>
    %div3A_15 = arith.divf %add3A_12, %div3A_14 : vector<2000x128xf32>
    %get3A_16 = arith.constant 0 : index
    %get3A_17 = arith.constant 0 : index
    %get3A_18 = vector.load %arg4[%get3A_16, %get3A_17] : memref<1x128xf32, #tpu.memory_space<vmem>>, vector<1x128xf32>
    %mul3A = vector.broadcast %get3A_18 : vector<1x128xf32> to vector<2000x128xf32>
    %mul3A_19 = arith.mulf %div3A_15, %mul3A : vector<2000x128xf32>
    %get3A_20 = arith.constant 0 : index
    %get3A_21 = arith.constant 0 : index
    %get3A_22 = vector.load %arg5[%get3A_20, %get3A_21] : memref<1x128xf32, #tpu.memory_space<vmem>>, vector<1x128xf32>
    %add3A_23 = vector.broadcast %get3A_22 : vector<1x128xf32> to vector<2000x128xf32>
    %add3A_24 = arith.addf %mul3A_19, %add3A_23 : vector<2000x128xf32>
    %gt3A = arith.constant 0.000000e+00 : f32
    %gt3A_25 = vector.broadcast %gt3A : f32 to vector<2000x128xf32>
    %gt3A_26 = arith.cmpf ogt, %add3A_24, %gt3A_25 : vector<2000x128xf32>
    %min3A = arith.constant 0.000000e+00 : f32
    %min3A_27 = vector.broadcast %min3A : f32 to vector<2000x128xf32>
    %min3A_28 = arith.minimumf %add3A_24, %min3A_27 : vector<2000x128xf32>
    %exp3A = math.exp %min3A_28 : vector<2000x128xf32>
    %sub3A = arith.constant 1.000000e+00 : f32
    %sub3A_29 = vector.broadcast %sub3A : f32 to vector<2000x128xf32>
    %sub3A_30 = arith.subf %exp3A, %sub3A_29 : vector<2000x128xf32>
    %select_n3A = arith.select %gt3A_26, %add3A_24, %sub3A_30 : vector<2000x128xi1>, vector<2000x128xf32>
    %swap3A = arith.constant 0 : index
    %swap3A_31 = arith.constant 0 : index
    %swap3A_32 = vector.load %arg6[%swap3A, %swap3A_31] : memref<2000x128xf32, #tpu.memory_space<vmem>>, vector<2000x128xf32>
    tpu.vector_store %arg6[%swap3A, %swap3A_31], %select_n3A {strides = array<i32>} : memref<2000x128xf32, #tpu.memory_space<vmem>>, vector<2000x128xf32>,
    return
  }
  func.func @transform_0(%arg0: i32) -> (i32, i32) {
    %c0_i32 = arith.constant 0 : i32
    %c0_i32_0 = arith.constant 0 : i32
    return %arg0, %c0_i32 : i32, i32
  }
  func.func @transform_1(%arg0: i32) -> (i32, i32) {
    %c0_i32 = arith.constant 0 : i32
    %c0_i32_0 = arith.constant 0 : i32
    return %arg0, %c0_i32 : i32, i32
  }
  func.func @transform_2(%arg0: i32) -> (i32, i32) {
    %c0_i32 = arith.constant 0 : i32
    %c0_i32_0 = arith.constant 0 : i32
    %c0_i32_1 = arith.constant 0 : i32
    return %c0_i32, %c0_i32_0 : i32, i32
  }
  func.func @transform_3(%arg0: i32) -> (i32, i32) {
    %c0_i32 = arith.constant 0 : i32
    %c0_i32_0 = arith.constant 0 : i32
    %c0_i32_1 = arith.constant 0 : i32
    return %c0_i32, %c0_i32_0 : i32, i32
  }
  func.func @transform_4(%arg0: i32) -> (i32, i32) {
    %c0_i32 = arith.constant 0 : i32
    %c0_i32_0 = arith.constant 0 : i32
    %c0_i32_1 = arith.constant 0 : i32
    return %c0_i32, %c0_i32_0 : i32, i32
  }
  func.func @transform_5(%arg0: i32) -> (i32, i32) {
    %c0_i32 = arith.constant 0 : i32
    %c0_i32_0 = arith.constant 0 : i32
    return %arg0, %c0_i32 : i32, i32
  }
}

module attributes {stable_mosaic.version = 14 : i64} {
  func.func @_proj_body(%arg0: i32, %arg1: memref<2000x128xf32, #tpu.memory_space<vmem>>, %arg2: memref<128x64xf32, #tpu.memory_space<vmem>>, %arg3: memref<1x64xf32, #tpu.memory_space<vmem>>, %arg4: memref<2000x64xf32, #tpu.memory_space<vmem>>) attributes {dimension_semantics = [#tpu.dimension_semantics<arbitrary>], iteration_bounds = array<i64: 25>, scalar_prefetch = 0 : i64, scratch_operands = 0 : i64, tpu.core_type = #tpu.core_type<tc>, window_params = [{transform_indices = @transform_0, window_bounds = array<i64: 2000, 128>}, {pipeline_mode = #tpu.pipeline_mode<synchronous>, transform_indices = @transform_1, window_bounds = array<i64: 128, 64>}, {pipeline_mode = #tpu.pipeline_mode<synchronous>, transform_indices = @transform_2, window_bounds = array<i64: 1, 64>}, {transform_indices = @transform_3, window_bounds = array<i64: 2000, 64>}]} {
    %get3A = arith.constant 0 : index
    %get3A_0 = arith.constant 0 : index
    %get3A_1 = vector.load %arg1[%get3A, %get3A_0] : memref<2000x128xf32, #tpu.memory_space<vmem>>, vector<2000x128xf32>
    %get3A_2 = arith.constant 0 : index
    %get3A_3 = arith.constant 0 : index
    %get3A_4 = vector.load %arg2[%get3A_2, %get3A_3] : memref<128x64xf32, #tpu.memory_space<vmem>>, vector<128x64xf32>
    %dot_general3A = arith.constant dense<0.000000e+00> : vector<2000x64xf32>
    %dot_general3A_5 = tpu.matmul %get3A_1, %get3A_4, %dot_general3A {dimension_numbers = #tpu.dot_dimension_numbers<[1], [0], [0], [1], [0, 0, 1, 1], [], []>, transpose_lhs_hint = false} : vector<2000x128xf32>, vector<128x64xf32>, vector<2000x64xf32> -> vector<2000x64xf32>
    %get3A_6 = arith.constant 0 : index
    %get3A_7 = arith.constant 0 : index
    %get3A_8 = vector.load %arg3[%get3A_6, %get3A_7] : memref<1x64xf32, #tpu.memory_space<vmem>>, vector<1x64xf32>
    %add3A = vector.broadcast %get3A_8 : vector<1x64xf32> to vector<2000x64xf32>
    %add3A_9 = arith.addf %dot_general3A_5, %add3A : vector<2000x64xf32>
    %swap3A = arith.constant 0 : index
    %swap3A_10 = arith.constant 0 : index
    %swap3A_11 = vector.load %arg4[%swap3A, %swap3A_10] : memref<2000x64xf32, #tpu.memory_space<vmem>>, vector<2000x64xf32>
    tpu.vector_store %arg4[%swap3A, %swap3A_10], %add3A_9 {strides = array<i32>} : memref<2000x64xf32, #tpu.memory_space<vmem>>, vector<2000x64xf32>,
    return
  }
  func.func @transform_0(%arg0: i32) -> (i32, i32) {
    %c0_i32 = arith.constant 0 : i32
    %c0_i32_0 = arith.constant 0 : i32
    return %arg0, %c0_i32 : i32, i32
  }
  func.func @transform_1(%arg0: i32) -> (i32, i32) {
    %c0_i32 = arith.constant 0 : i32
    %c0_i32_0 = arith.constant 0 : i32
    %c0_i32_1 = arith.constant 0 : i32
    return %c0_i32, %c0_i32_0 : i32, i32
  }
  func.func @transform_2(%arg0: i32) -> (i32, i32) {
    %c0_i32 = arith.constant 0 : i32
    %c0_i32_0 = arith.constant 0 : i32
    %c0_i32_1 = arith.constant 0 : i32
    return %c0_i32, %c0_i32_0 : i32, i32
  }
  func.func @transform_3(%arg0: i32) -> (i32, i32) {
    %c0_i32 = arith.constant 0 : i32
    %c0_i32_0 = arith.constant 0 : i32
    return %arg0, %c0_i32 : i32, i32
  }
}

module attributes {stable_mosaic.version = 14 : i64} {
  func.func @_alpha_body(%arg0: i32, %arg1: memref<2048x64xf32, #tpu.memory_space<vmem>>, %arg2: memref<2048x64xf32, #tpu.memory_space<vmem>>, %arg3: memref<4x16xf32, #tpu.memory_space<vmem>>, %arg4: memref<2048x8xf32, #tpu.memory_space<vmem>>, %arg5: memref<1x1x8xf32, #tpu.memory_space<vmem>>) attributes {dimension_semantics = [#tpu.dimension_semantics<arbitrary>], iteration_bounds = array<i64: 416>, scalar_prefetch = 0 : i64, scratch_operands = 0 : i64, tpu.core_type = #tpu.core_type<tc>, window_params = [{transform_indices = @transform_0, window_bounds = array<i64: 2048, 64>}, {transform_indices = @transform_1, window_bounds = array<i64: 2048, 64>}, {pipeline_mode = #tpu.pipeline_mode<synchronous>, transform_indices = @transform_2, window_bounds = array<i64: 4, 16>}, {transform_indices = @transform_3, window_bounds = array<i64: 2048, 8>}, {transform_indices = @transform_4, window_bounds = array<i64: 1, 1, 8>}]} {
    %get3A = arith.constant 0 : index
    %get3A_0 = arith.constant 0 : index
    %get3A_1 = vector.load %arg1[%get3A, %get3A_0] : memref<2048x64xf32, #tpu.memory_space<vmem>>, vector<2048x64xf32>
    %get3A_2 = arith.constant 0 : index
    %get3A_3 = arith.constant 0 : index
    %get3A_4 = vector.load %arg2[%get3A_2, %get3A_3] : memref<2048x64xf32, #tpu.memory_space<vmem>>, vector<2048x64xf32>
    %add3A = arith.addf %get3A_1, %get3A_4 : vector<2048x64xf32>
    %gt3A = arith.constant 0.000000e+00 : f32
    %gt3A_5 = vector.broadcast %gt3A : f32 to vector<2048x64xf32>
    %gt3A_6 = arith.cmpf ogt, %add3A, %gt3A_5 : vector<2048x64xf32>
    %mul3A = arith.constant 2.000000e-01 : f32
    %mul3A_7 = vector.broadcast %mul3A : f32 to vector<2048x64xf32>
    %mul3A_8 = arith.mulf %mul3A_7, %add3A : vector<2048x64xf32>
    %select_n3A = arith.select %gt3A_6, %add3A, %mul3A_8 : vector<2048x64xi1>, vector<2048x64xf32>
    %reshape3A = vector.shape_cast %select_n3A : vector<2048x64xf32> to vector<2048x4x16xf32>
    %get3A_9 = arith.constant 0 : index
    %get3A_10 = arith.constant 0 : index
    %get3A_11 = vector.load %arg3[%get3A_9, %get3A_10] : memref<4x16xf32, #tpu.memory_space<vmem>>, vector<4x16xf32>
    %broadcast_in_dim3A = vector.shape_cast %get3A_11 : vector<4x16xf32> to vector<1x4x16xf32>
    %mul3A_12 = vector.broadcast %broadcast_in_dim3A : vector<1x4x16xf32> to vector<2048x4x16xf32>
    %mul3A_13 = arith.mulf %reshape3A, %mul3A_12 : vector<2048x4x16xf32>
    %reduce_sum3A = arith.constant dense<0.000000e+00> : vector<2048x4xf32>
    %reduce_sum3A_14 = vector.multi_reduction <add>, %mul3A_13, %reduce_sum3A [2] : vector<2048x4x16xf32> to vector<2048x4xf32>
    %jit3A = arith.constant 0 : i32
    %convert_element_type3A = arith.sitofp %jit3A : i32 to f32
    %pad3A = vector.broadcast %convert_element_type3A : f32 to vector<2048x4xf32>
    %pad3A_15 = tpu.concatenate %reduce_sum3A_14, %pad3A in 1 : vector<2048x4xf32>, vector<2048x4xf32> -> vector<2048x8xf32>
    %swap3A = arith.constant 0 : index
    %swap3A_16 = arith.constant 0 : index
    %swap3A_17 = vector.load %arg4[%swap3A, %swap3A_16] : memref<2048x8xf32, #tpu.memory_space<vmem>>, vector<2048x8xf32>
    tpu.vector_store %arg4[%swap3A, %swap3A_16], %pad3A_15 {strides = array<i32>} : memref<2048x8xf32, #tpu.memory_space<vmem>>, vector<2048x8xf32>,
    %reduce_max3A = arith.constant dense<0xFF800000> : vector<8xf32>
    %reduce_max3A_18 = vector.multi_reduction <maximumf>, %pad3A_15, %reduce_max3A [0] : vector<2048x8xf32> to vector<8xf32>
    %broadcast_in_dim3A_19 = vector.shape_cast %reduce_max3A_18 : vector<8xf32> to vector<1x8xf32>
    %broadcast_in_dim3A_20 = vector.shape_cast %broadcast_in_dim3A_19 : vector<1x8xf32> to vector<1x1x8xf32>
    %swap3A_21 = arith.constant 0 : index
    %swap3A_22 = arith.constant 0 : index
    %swap3A_23 = arith.constant 0 : index
    %swap3A_24 = vector.load %arg5[%swap3A_21, %swap3A_22, %swap3A_23] : memref<1x1x8xf32, #tpu.memory_space<vmem>>, vector<1x1x8xf32>
    tpu.vector_store %arg5[%swap3A_21, %swap3A_22, %swap3A_23], %broadcast_in_dim3A_20 {strides = array<i32>} : memref<1x1x8xf32, #tpu.memory_space<vmem>>, vector<1x1x8xf32>,
    return
  }
  func.func @transform_0(%arg0: i32) -> (i32, i32) {
    %c0_i32 = arith.constant 0 : i32
    %c0_i32_0 = arith.constant 0 : i32
    return %arg0, %c0_i32 : i32, i32
  }
  func.func @transform_1(%arg0: i32) -> (i32, i32) {
    %c0_i32 = arith.constant 0 : i32
    %c0_i32_0 = arith.constant 0 : i32
    return %arg0, %c0_i32 : i32, i32
  }
  func.func @transform_2(%arg0: i32) -> (i32, i32) {
    %c0_i32 = arith.constant 0 : i32
    %c0_i32_0 = arith.constant 0 : i32
    %c0_i32_1 = arith.constant 0 : i32
    return %c0_i32, %c0_i32_0 : i32, i32
  }
  func.func @transform_3(%arg0: i32) -> (i32, i32) {
    %c0_i32 = arith.constant 0 : i32
    %c0_i32_0 = arith.constant 0 : i32
    return %arg0, %c0_i32 : i32, i32
  }
  func.func @transform_4(%arg0: i32) -> (i32, i32, i32) {
    %c0_i32 = arith.constant 0 : i32
    %c0_i32_0 = arith.constant 0 : i32
    %c0_i32_1 = arith.constant 0 : i32
    return %arg0, %c0_i32, %c0_i32_0 : i32, i32, i32
  }
}

module attributes {stable_mosaic.version = 14 : i64} {
  func.func @_msg_body(%arg0: i32, %arg1: memref<2048x64xf32, #tpu.memory_space<vmem>>, %arg2: memref<2048x8xf32, #tpu.memory_space<vmem>>, %arg3: memref<1x1xf32, #tpu.memory_space<vmem>>, %arg4: memref<2048x64xf32, #tpu.memory_space<vmem>>, %arg5: memref<2048x16xf32, #tpu.memory_space<vmem>>) attributes {dimension_semantics = [#tpu.dimension_semantics<arbitrary>], iteration_bounds = array<i64: 416>, scalar_prefetch = 0 : i64, scratch_operands = 0 : i64, tpu.core_type = #tpu.core_type<tc>, window_params = [{transform_indices = @transform_0, window_bounds = array<i64: 2048, 64>}, {transform_indices = @transform_1, window_bounds = array<i64: 2048, 8>}, {pipeline_mode = #tpu.pipeline_mode<synchronous>, transform_indices = @transform_2, window_bounds = array<i64: 1, 1>}, {transform_indices = @transform_3, window_bounds = array<i64: 2048, 64>}, {transform_indices = @transform_4, window_bounds = array<i64: 2048, 16>}]} {
    %get3A = arith.constant 0 : index
    %get3A_0 = arith.constant 0 : index
    %get3A_1 = vector.load %arg2[%get3A, %get3A_0] : memref<2048x8xf32, #tpu.memory_space<vmem>>, vector<2048x8xf32>
    %get3A_2 = arith.constant 0 : index
    %get3A_3 = arith.constant 0 : index
    %get3A_4 = vector.load %arg3[%get3A_2, %get3A_3] : memref<1x1xf32, #tpu.memory_space<vmem>>, vector<1x1xf32>
    %sub3A = vector.broadcast %get3A_4 : vector<1x1xf32> to vector<2048x8xf32>
    %sub3A_5 = arith.subf %get3A_1, %sub3A : vector<2048x8xf32>
    %exp3A = math.exp %sub3A_5 : vector<2048x8xf32>
    %slice3A = vector.extract_strided_slice %exp3A {offsets = [0, 0], sizes = [2048, 4], strides = [1, 1]} : vector<2048x8xf32> to vector<2048x4xf32>
    %broadcast_in_dim3A = vector.shape_cast %slice3A : vector<2048x4xf32> to vector<2048x4x1xf32>
    %broadcast_in_dim3A_6 = vector.broadcast %broadcast_in_dim3A : vector<2048x4x1xf32> to vector<2048x4x16xf32>
    %reshape3A = vector.shape_cast %broadcast_in_dim3A_6 : vector<2048x4x16xf32> to vector<2048x64xf32>
    %get3A_7 = arith.constant 0 : index
    %get3A_8 = arith.constant 0 : index
    %get3A_9 = vector.load %arg1[%get3A_7, %get3A_8] : memref<2048x64xf32, #tpu.memory_space<vmem>>, vector<2048x64xf32>
    %mul3A = arith.mulf %get3A_9, %reshape3A : vector<2048x64xf32>
    %swap3A = arith.constant 0 : index
    %swap3A_10 = arith.constant 0 : index
    %swap3A_11 = vector.load %arg4[%swap3A, %swap3A_10] : memref<2048x64xf32, #tpu.memory_space<vmem>>, vector<2048x64xf32>
    tpu.vector_store %arg4[%swap3A, %swap3A_10], %mul3A {strides = array<i32>} : memref<2048x64xf32, #tpu.memory_space<vmem>>, vector<2048x64xf32>,
    %jit3A = arith.constant 0 : i32
    %convert_element_type3A = arith.sitofp %jit3A : i32 to f32
    %pad3A = vector.broadcast %convert_element_type3A : f32 to vector<2048x8xf32>
    %pad3A_12 = tpu.concatenate %exp3A, %pad3A in 1 : vector<2048x8xf32>, vector<2048x8xf32> -> vector<2048x16xf32>
    %swap3A_13 = arith.constant 0 : index
    %swap3A_14 = arith.constant 0 : index
    %swap3A_15 = vector.load %arg5[%swap3A_13, %swap3A_14] : memref<2048x16xf32, #tpu.memory_space<vmem>>, vector<2048x16xf32>
    tpu.vector_store %arg5[%swap3A_13, %swap3A_14], %pad3A_12 {strides = array<i32>} : memref<2048x16xf32, #tpu.memory_space<vmem>>, vector<2048x16xf32>,
    return
  }
  func.func @transform_0(%arg0: i32) -> (i32, i32) {
    %c0_i32 = arith.constant 0 : i32
    %c0_i32_0 = arith.constant 0 : i32
    return %arg0, %c0_i32 : i32, i32
  }
  func.func @transform_1(%arg0: i32) -> (i32, i32) {
    %c0_i32 = arith.constant 0 : i32
    %c0_i32_0 = arith.constant 0 : i32
    return %arg0, %c0_i32 : i32, i32
  }
  func.func @transform_2(%arg0: i32) -> (i32, i32) {
    %c0_i32 = arith.constant 0 : i32
    %c0_i32_0 = arith.constant 0 : i32
    %c0_i32_1 = arith.constant 0 : i32
    return %c0_i32, %c0_i32_0 : i32, i32
  }
  func.func @transform_3(%arg0: i32) -> (i32, i32) {
    %c0_i32 = arith.constant 0 : i32
    %c0_i32_0 = arith.constant 0 : i32
    return %arg0, %c0_i32 : i32, i32
  }
  func.func @transform_4(%arg0: i32) -> (i32, i32) {
    %c0_i32 = arith.constant 0 : i32
    %c0_i32_0 = arith.constant 0 : i32
    return %arg0, %c0_i32 : i32, i32
  }
}

module attributes {stable_mosaic.version = 14 : i64} {
  func.func @_final_body(%arg0: i32, %arg1: memref<2000x64xf32, #tpu.memory_space<vmem>>, %arg2: memref<2000x16xf32, #tpu.memory_space<vmem>>, %arg3: memref<1x64xf32, #tpu.memory_space<vmem>>, %arg4: memref<1x64xf32, #tpu.memory_space<vmem>>, %arg5: memref<1x64xf32, #tpu.memory_space<vmem>>, %arg6: memref<2000x64xf32, #tpu.memory_space<vmem>>) attributes {dimension_semantics = [#tpu.dimension_semantics<arbitrary>], iteration_bounds = array<i64: 25>, scalar_prefetch = 0 : i64, scratch_operands = 0 : i64, tpu.core_type = #tpu.core_type<tc>, window_params = [{transform_indices = @transform_0, window_bounds = array<i64: 2000, 64>}, {transform_indices = @transform_1, window_bounds = array<i64: 2000, 16>}, {pipeline_mode = #tpu.pipeline_mode<synchronous>, transform_indices = @transform_2, window_bounds = array<i64: 1, 64>}, {pipeline_mode = #tpu.pipeline_mode<synchronous>, transform_indices = @transform_3, window_bounds = array<i64: 1, 64>}, {pipeline_mode = #tpu.pipeline_mode<synchronous>, transform_indices = @transform_4, window_bounds = array<i64: 1, 64>}, {transform_indices = @transform_5, window_bounds = array<i64: 2000, 64>}]} {
    %get3A = arith.constant 0 : index
    %get3A_0 = arith.constant 0 : index
    %get3A_1 = vector.load %arg2[%get3A, %get3A_0] : memref<2000x16xf32, #tpu.memory_space<vmem>>, vector<2000x16xf32>
    %slice3A = vector.extract_strided_slice %get3A_1 {offsets = [0, 0], sizes = [2000, 4], strides = [1, 1]} : vector<2000x16xf32> to vector<2000x4xf32>
    %broadcast_in_dim3A = vector.shape_cast %slice3A : vector<2000x4xf32> to vector<2000x4x1xf32>
    %broadcast_in_dim3A_2 = vector.broadcast %broadcast_in_dim3A : vector<2000x4x1xf32> to vector<2000x4x16xf32>
    %reshape3A = vector.shape_cast %broadcast_in_dim3A_2 : vector<2000x4x16xf32> to vector<2000x64xf32>
    %add3A = arith.constant 1.000000e-35 : f32
    %add3A_3 = vector.broadcast %add3A : f32 to vector<2000x64xf32>
    %add3A_4 = arith.addf %reshape3A, %add3A_3 : vector<2000x64xf32>
    %get3A_5 = arith.constant 0 : index
    %get3A_6 = arith.constant 0 : index
    %get3A_7 = vector.load %arg1[%get3A_5, %get3A_6] : memref<2000x64xf32, #tpu.memory_space<vmem>>, vector<2000x64xf32>
    %div3A = arith.divf %get3A_7, %add3A_4 : vector<2000x64xf32>
    %get3A_8 = arith.constant 0 : index
    %get3A_9 = arith.constant 0 : index
    %get3A_10 = vector.load %arg3[%get3A_8, %get3A_9] : memref<1x64xf32, #tpu.memory_space<vmem>>, vector<1x64xf32>
    %add3A_11 = vector.broadcast %get3A_10 : vector<1x64xf32> to vector<2000x64xf32>
    %add3A_12 = arith.addf %div3A, %add3A_11 : vector<2000x64xf32>
    %sqrt3A = arith.constant 1.000010e+00 : f32
    %sqrt3A_13 = math.sqrt %sqrt3A : f32
    %div3A_14 = vector.broadcast %sqrt3A_13 : f32 to vector<2000x64xf32>
    %div3A_15 = arith.divf %add3A_12, %div3A_14 : vector<2000x64xf32>
    %get3A_16 = arith.constant 0 : index
    %get3A_17 = arith.constant 0 : index
    %get3A_18 = vector.load %arg4[%get3A_16, %get3A_17] : memref<1x64xf32, #tpu.memory_space<vmem>>, vector<1x64xf32>
    %mul3A = vector.broadcast %get3A_18 : vector<1x64xf32> to vector<2000x64xf32>
    %mul3A_19 = arith.mulf %div3A_15, %mul3A : vector<2000x64xf32>
    %get3A_20 = arith.constant 0 : index
    %get3A_21 = arith.constant 0 : index
    %get3A_22 = vector.load %arg5[%get3A_20, %get3A_21] : memref<1x64xf32, #tpu.memory_space<vmem>>, vector<1x64xf32>
    %add3A_23 = vector.broadcast %get3A_22 : vector<1x64xf32> to vector<2000x64xf32>
    %add3A_24 = arith.addf %mul3A_19, %add3A_23 : vector<2000x64xf32>
    %gt3A = arith.constant 0.000000e+00 : f32
    %gt3A_25 = vector.broadcast %gt3A : f32 to vector<2000x64xf32>
    %gt3A_26 = arith.cmpf ogt, %add3A_24, %gt3A_25 : vector<2000x64xf32>
    %min3A = arith.constant 0.000000e+00 : f32
    %min3A_27 = vector.broadcast %min3A : f32 to vector<2000x64xf32>
    %min3A_28 = arith.minimumf %add3A_24, %min3A_27 : vector<2000x64xf32>
    %exp3A = math.exp %min3A_28 : vector<2000x64xf32>
    %sub3A = arith.constant 1.000000e+00 : f32
    %sub3A_29 = vector.broadcast %sub3A : f32 to vector<2000x64xf32>
    %sub3A_30 = arith.subf %exp3A, %sub3A_29 : vector<2000x64xf32>
    %select_n3A = arith.select %gt3A_26, %add3A_24, %sub3A_30 : vector<2000x64xi1>, vector<2000x64xf32>
    %swap3A = arith.constant 0 : index
    %swap3A_31 = arith.constant 0 : index
    %swap3A_32 = vector.load %arg6[%swap3A, %swap3A_31] : memref<2000x64xf32, #tpu.memory_space<vmem>>, vector<2000x64xf32>
    tpu.vector_store %arg6[%swap3A, %swap3A_31], %select_n3A {strides = array<i32>} : memref<2000x64xf32, #tpu.memory_space<vmem>>, vector<2000x64xf32>,
    return
  }
  func.func @transform_0(%arg0: i32) -> (i32, i32) {
    %c0_i32 = arith.constant 0 : i32
    %c0_i32_0 = arith.constant 0 : i32
    return %arg0, %c0_i32 : i32, i32
  }
  func.func @transform_1(%arg0: i32) -> (i32, i32) {
    %c0_i32 = arith.constant 0 : i32
    %c0_i32_0 = arith.constant 0 : i32
    return %arg0, %c0_i32 : i32, i32
  }
  func.func @transform_2(%arg0: i32) -> (i32, i32) {
    %c0_i32 = arith.constant 0 : i32
    %c0_i32_0 = arith.constant 0 : i32
    %c0_i32_1 = arith.constant 0 : i32
    return %c0_i32, %c0_i32_0 : i32, i32
  }
  func.func @transform_3(%arg0: i32) -> (i32, i32) {
    %c0_i32 = arith.constant 0 : i32
    %c0_i32_0 = arith.constant 0 : i32
    %c0_i32_1 = arith.constant 0 : i32
    return %c0_i32, %c0_i32_0 : i32, i32
  }
  func.func @transform_4(%arg0: i32) -> (i32, i32) {
    %c0_i32 = arith.constant 0 : i32
    %c0_i32_0 = arith.constant 0 : i32
    %c0_i32_1 = arith.constant 0 : i32
    return %c0_i32, %c0_i32_0 : i32, i32
  }
  func.func @transform_5(%arg0: i32) -> (i32, i32) {
    %c0_i32 = arith.constant 0 : i32
    %c0_i32_0 = arith.constant 0 : i32
    return %arg0, %c0_i32 : i32, i32
  }
}

module attributes {stable_mosaic.version = 14 : i64} {
  func.func @_proj_body(%arg0: i32, %arg1: memref<2000x64xf32, #tpu.memory_space<vmem>>, %arg2: memref<64x16xf32, #tpu.memory_space<vmem>>, %arg3: memref<1x16xf32, #tpu.memory_space<vmem>>, %arg4: memref<2000x16xf32, #tpu.memory_space<vmem>>) attributes {dimension_semantics = [#tpu.dimension_semantics<arbitrary>], iteration_bounds = array<i64: 25>, scalar_prefetch = 0 : i64, scratch_operands = 0 : i64, tpu.core_type = #tpu.core_type<tc>, window_params = [{transform_indices = @transform_0, window_bounds = array<i64: 2000, 64>}, {pipeline_mode = #tpu.pipeline_mode<synchronous>, transform_indices = @transform_1, window_bounds = array<i64: 64, 16>}, {pipeline_mode = #tpu.pipeline_mode<synchronous>, transform_indices = @transform_2, window_bounds = array<i64: 1, 16>}, {transform_indices = @transform_3, window_bounds = array<i64: 2000, 16>}]} {
    %get3A = arith.constant 0 : index
    %get3A_0 = arith.constant 0 : index
    %get3A_1 = vector.load %arg1[%get3A, %get3A_0] : memref<2000x64xf32, #tpu.memory_space<vmem>>, vector<2000x64xf32>
    %get3A_2 = arith.constant 0 : index
    %get3A_3 = arith.constant 0 : index
    %get3A_4 = vector.load %arg2[%get3A_2, %get3A_3] : memref<64x16xf32, #tpu.memory_space<vmem>>, vector<64x16xf32>
    %dot_general3A = arith.constant dense<0.000000e+00> : vector<2000x16xf32>
    %dot_general3A_5 = tpu.matmul %get3A_1, %get3A_4, %dot_general3A {dimension_numbers = #tpu.dot_dimension_numbers<[1], [0], [0], [1], [0, 0, 1, 1], [], []>, transpose_lhs_hint = false} : vector<2000x64xf32>, vector<64x16xf32>, vector<2000x16xf32> -> vector<2000x16xf32>
    %get3A_6 = arith.constant 0 : index
    %get3A_7 = arith.constant 0 : index
    %get3A_8 = vector.load %arg3[%get3A_6, %get3A_7] : memref<1x16xf32, #tpu.memory_space<vmem>>, vector<1x16xf32>
    %add3A = vector.broadcast %get3A_8 : vector<1x16xf32> to vector<2000x16xf32>
    %add3A_9 = arith.addf %dot_general3A_5, %add3A : vector<2000x16xf32>
    %swap3A = arith.constant 0 : index
    %swap3A_10 = arith.constant 0 : index
    %swap3A_11 = vector.load %arg4[%swap3A, %swap3A_10] : memref<2000x16xf32, #tpu.memory_space<vmem>>, vector<2000x16xf32>
    tpu.vector_store %arg4[%swap3A, %swap3A_10], %add3A_9 {strides = array<i32>} : memref<2000x16xf32, #tpu.memory_space<vmem>>, vector<2000x16xf32>,
    return
  }
  func.func @transform_0(%arg0: i32) -> (i32, i32) {
    %c0_i32 = arith.constant 0 : i32
    %c0_i32_0 = arith.constant 0 : i32
    return %arg0, %c0_i32 : i32, i32
  }
  func.func @transform_1(%arg0: i32) -> (i32, i32) {
    %c0_i32 = arith.constant 0 : i32
    %c0_i32_0 = arith.constant 0 : i32
    %c0_i32_1 = arith.constant 0 : i32
    return %c0_i32, %c0_i32_0 : i32, i32
  }
  func.func @transform_2(%arg0: i32) -> (i32, i32) {
    %c0_i32 = arith.constant 0 : i32
    %c0_i32_0 = arith.constant 0 : i32
    %c0_i32_1 = arith.constant 0 : i32
    return %c0_i32, %c0_i32_0 : i32, i32
  }
  func.func @transform_3(%arg0: i32) -> (i32, i32) {
    %c0_i32 = arith.constant 0 : i32
    %c0_i32_0 = arith.constant 0 : i32
    return %arg0, %c0_i32 : i32, i32
  }
}

module attributes {stable_mosaic.version = 14 : i64} {
  func.func @_alpha_body(%arg0: i32, %arg1: memref<2048x16xf32, #tpu.memory_space<vmem>>, %arg2: memref<2048x16xf32, #tpu.memory_space<vmem>>, %arg3: memref<1x16xf32, #tpu.memory_space<vmem>>, %arg4: memref<2048x8xf32, #tpu.memory_space<vmem>>, %arg5: memref<1x1x8xf32, #tpu.memory_space<vmem>>) attributes {dimension_semantics = [#tpu.dimension_semantics<arbitrary>], iteration_bounds = array<i64: 416>, scalar_prefetch = 0 : i64, scratch_operands = 0 : i64, tpu.core_type = #tpu.core_type<tc>, window_params = [{transform_indices = @transform_0, window_bounds = array<i64: 2048, 16>}, {transform_indices = @transform_1, window_bounds = array<i64: 2048, 16>}, {pipeline_mode = #tpu.pipeline_mode<synchronous>, transform_indices = @transform_2, window_bounds = array<i64: 1, 16>}, {transform_indices = @transform_3, window_bounds = array<i64: 2048, 8>}, {transform_indices = @transform_4, window_bounds = array<i64: 1, 1, 8>}]} {
    %get3A = arith.constant 0 : index
    %get3A_0 = arith.constant 0 : index
    %get3A_1 = vector.load %arg1[%get3A, %get3A_0] : memref<2048x16xf32, #tpu.memory_space<vmem>>, vector<2048x16xf32>
    %get3A_2 = arith.constant 0 : index
    %get3A_3 = arith.constant 0 : index
    %get3A_4 = vector.load %arg2[%get3A_2, %get3A_3] : memref<2048x16xf32, #tpu.memory_space<vmem>>, vector<2048x16xf32>
    %add3A = arith.addf %get3A_1, %get3A_4 : vector<2048x16xf32>
    %gt3A = arith.constant 0.000000e+00 : f32
    %gt3A_5 = vector.broadcast %gt3A : f32 to vector<2048x16xf32>
    %gt3A_6 = arith.cmpf ogt, %add3A, %gt3A_5 : vector<2048x16xf32>
    %mul3A = arith.constant 2.000000e-01 : f32
    %mul3A_7 = vector.broadcast %mul3A : f32 to vector<2048x16xf32>
    %mul3A_8 = arith.mulf %mul3A_7, %add3A : vector<2048x16xf32>
    %select_n3A = arith.select %gt3A_6, %add3A, %mul3A_8 : vector<2048x16xi1>, vector<2048x16xf32>
    %reshape3A = vector.shape_cast %select_n3A : vector<2048x16xf32> to vector<2048x1x16xf32>
    %get3A_9 = arith.constant 0 : index
    %get3A_10 = arith.constant 0 : index
    %get3A_11 = vector.load %arg3[%get3A_9, %get3A_10] : memref<1x16xf32, #tpu.memory_space<vmem>>, vector<1x16xf32>
    %broadcast_in_dim3A = vector.shape_cast %get3A_11 : vector<1x16xf32> to vector<1x1x16xf32>
    %mul3A_12 = vector.broadcast %broadcast_in_dim3A : vector<1x1x16xf32> to vector<2048x1x16xf32>
    %mul3A_13 = arith.mulf %reshape3A, %mul3A_12 : vector<2048x1x16xf32>
    %reduce_sum3A = arith.constant dense<0.000000e+00> : vector<2048x1xf32>
    %reduce_sum3A_14 = vector.multi_reduction <add>, %mul3A_13, %reduce_sum3A [2] : vector<2048x1x16xf32> to vector<2048x1xf32>
    %jit3A = arith.constant 0 : i32
    %convert_element_type3A = arith.sitofp %jit3A : i32 to f32
    %pad3A = vector.broadcast %convert_element_type3A : f32 to vector<2048x7xf32>
    %pad3A_15 = tpu.concatenate %reduce_sum3A_14, %pad3A in 1 : vector<2048x1xf32>, vector<2048x7xf32> -> vector<2048x8xf32>
    %swap3A = arith.constant 0 : index
    %swap3A_16 = arith.constant 0 : index
    %swap3A_17 = vector.load %arg4[%swap3A, %swap3A_16] : memref<2048x8xf32, #tpu.memory_space<vmem>>, vector<2048x8xf32>
    tpu.vector_store %arg4[%swap3A, %swap3A_16], %pad3A_15 {strides = array<i32>} : memref<2048x8xf32, #tpu.memory_space<vmem>>, vector<2048x8xf32>,
    %reduce_max3A = arith.constant dense<0xFF800000> : vector<8xf32>
    %reduce_max3A_18 = vector.multi_reduction <maximumf>, %pad3A_15, %reduce_max3A [0] : vector<2048x8xf32> to vector<8xf32>
    %broadcast_in_dim3A_19 = vector.shape_cast %reduce_max3A_18 : vector<8xf32> to vector<1x8xf32>
    %broadcast_in_dim3A_20 = vector.shape_cast %broadcast_in_dim3A_19 : vector<1x8xf32> to vector<1x1x8xf32>
    %swap3A_21 = arith.constant 0 : index
    %swap3A_22 = arith.constant 0 : index
    %swap3A_23 = arith.constant 0 : index
    %swap3A_24 = vector.load %arg5[%swap3A_21, %swap3A_22, %swap3A_23] : memref<1x1x8xf32, #tpu.memory_space<vmem>>, vector<1x1x8xf32>
    tpu.vector_store %arg5[%swap3A_21, %swap3A_22, %swap3A_23], %broadcast_in_dim3A_20 {strides = array<i32>} : memref<1x1x8xf32, #tpu.memory_space<vmem>>, vector<1x1x8xf32>,
    return
  }
  func.func @transform_0(%arg0: i32) -> (i32, i32) {
    %c0_i32 = arith.constant 0 : i32
    %c0_i32_0 = arith.constant 0 : i32
    return %arg0, %c0_i32 : i32, i32
  }
  func.func @transform_1(%arg0: i32) -> (i32, i32) {
    %c0_i32 = arith.constant 0 : i32
    %c0_i32_0 = arith.constant 0 : i32
    return %arg0, %c0_i32 : i32, i32
  }
  func.func @transform_2(%arg0: i32) -> (i32, i32) {
    %c0_i32 = arith.constant 0 : i32
    %c0_i32_0 = arith.constant 0 : i32
    %c0_i32_1 = arith.constant 0 : i32
    return %c0_i32, %c0_i32_0 : i32, i32
  }
  func.func @transform_3(%arg0: i32) -> (i32, i32) {
    %c0_i32 = arith.constant 0 : i32
    %c0_i32_0 = arith.constant 0 : i32
    return %arg0, %c0_i32 : i32, i32
  }
  func.func @transform_4(%arg0: i32) -> (i32, i32, i32) {
    %c0_i32 = arith.constant 0 : i32
    %c0_i32_0 = arith.constant 0 : i32
    %c0_i32_1 = arith.constant 0 : i32
    return %arg0, %c0_i32, %c0_i32_0 : i32, i32, i32
  }
}

module attributes {stable_mosaic.version = 14 : i64} {
  func.func @_msg_body(%arg0: i32, %arg1: memref<2048x16xf32, #tpu.memory_space<vmem>>, %arg2: memref<2048x8xf32, #tpu.memory_space<vmem>>, %arg3: memref<1x1xf32, #tpu.memory_space<vmem>>, %arg4: memref<2048x16xf32, #tpu.memory_space<vmem>>, %arg5: memref<2048x16xf32, #tpu.memory_space<vmem>>) attributes {dimension_semantics = [#tpu.dimension_semantics<arbitrary>], iteration_bounds = array<i64: 416>, scalar_prefetch = 0 : i64, scratch_operands = 0 : i64, tpu.core_type = #tpu.core_type<tc>, window_params = [{transform_indices = @transform_0, window_bounds = array<i64: 2048, 16>}, {transform_indices = @transform_1, window_bounds = array<i64: 2048, 8>}, {pipeline_mode = #tpu.pipeline_mode<synchronous>, transform_indices = @transform_2, window_bounds = array<i64: 1, 1>}, {transform_indices = @transform_3, window_bounds = array<i64: 2048, 16>}, {transform_indices = @transform_4, window_bounds = array<i64: 2048, 16>}]} {
    %get3A = arith.constant 0 : index
    %get3A_0 = arith.constant 0 : index
    %get3A_1 = vector.load %arg2[%get3A, %get3A_0] : memref<2048x8xf32, #tpu.memory_space<vmem>>, vector<2048x8xf32>
    %get3A_2 = arith.constant 0 : index
    %get3A_3 = arith.constant 0 : index
    %get3A_4 = vector.load %arg3[%get3A_2, %get3A_3] : memref<1x1xf32, #tpu.memory_space<vmem>>, vector<1x1xf32>
    %sub3A = vector.broadcast %get3A_4 : vector<1x1xf32> to vector<2048x8xf32>
    %sub3A_5 = arith.subf %get3A_1, %sub3A : vector<2048x8xf32>
    %exp3A = math.exp %sub3A_5 : vector<2048x8xf32>
    %slice3A = vector.extract_strided_slice %exp3A {offsets = [0, 0], sizes = [2048, 1], strides = [1, 1]} : vector<2048x8xf32> to vector<2048x1xf32>
    %broadcast_in_dim3A = vector.shape_cast %slice3A : vector<2048x1xf32> to vector<2048x1x1xf32>
    %broadcast_in_dim3A_6 = vector.broadcast %broadcast_in_dim3A : vector<2048x1x1xf32> to vector<2048x1x16xf32>
    %reshape3A = vector.shape_cast %broadcast_in_dim3A_6 : vector<2048x1x16xf32> to vector<2048x16xf32>
    %get3A_7 = arith.constant 0 : index
    %get3A_8 = arith.constant 0 : index
    %get3A_9 = vector.load %arg1[%get3A_7, %get3A_8] : memref<2048x16xf32, #tpu.memory_space<vmem>>, vector<2048x16xf32>
    %mul3A = arith.mulf %get3A_9, %reshape3A : vector<2048x16xf32>
    %swap3A = arith.constant 0 : index
    %swap3A_10 = arith.constant 0 : index
    %swap3A_11 = vector.load %arg4[%swap3A, %swap3A_10] : memref<2048x16xf32, #tpu.memory_space<vmem>>, vector<2048x16xf32>
    tpu.vector_store %arg4[%swap3A, %swap3A_10], %mul3A {strides = array<i32>} : memref<2048x16xf32, #tpu.memory_space<vmem>>, vector<2048x16xf32>,
    %jit3A = arith.constant 0 : i32
    %convert_element_type3A = arith.sitofp %jit3A : i32 to f32
    %pad3A = vector.broadcast %convert_element_type3A : f32 to vector<2048x8xf32>
    %pad3A_12 = tpu.concatenate %exp3A, %pad3A in 1 : vector<2048x8xf32>, vector<2048x8xf32> -> vector<2048x16xf32>
    %swap3A_13 = arith.constant 0 : index
    %swap3A_14 = arith.constant 0 : index
    %swap3A_15 = vector.load %arg5[%swap3A_13, %swap3A_14] : memref<2048x16xf32, #tpu.memory_space<vmem>>, vector<2048x16xf32>
    tpu.vector_store %arg5[%swap3A_13, %swap3A_14], %pad3A_12 {strides = array<i32>} : memref<2048x16xf32, #tpu.memory_space<vmem>>, vector<2048x16xf32>,
    return
  }
  func.func @transform_0(%arg0: i32) -> (i32, i32) {
    %c0_i32 = arith.constant 0 : i32
    %c0_i32_0 = arith.constant 0 : i32
    return %arg0, %c0_i32 : i32, i32
  }
  func.func @transform_1(%arg0: i32) -> (i32, i32) {
    %c0_i32 = arith.constant 0 : i32
    %c0_i32_0 = arith.constant 0 : i32
    return %arg0, %c0_i32 : i32, i32
  }
  func.func @transform_2(%arg0: i32) -> (i32, i32) {
    %c0_i32 = arith.constant 0 : i32
    %c0_i32_0 = arith.constant 0 : i32
    %c0_i32_1 = arith.constant 0 : i32
    return %c0_i32, %c0_i32_0 : i32, i32
  }
  func.func @transform_3(%arg0: i32) -> (i32, i32) {
    %c0_i32 = arith.constant 0 : i32
    %c0_i32_0 = arith.constant 0 : i32
    return %arg0, %c0_i32 : i32, i32
  }
  func.func @transform_4(%arg0: i32) -> (i32, i32) {
    %c0_i32 = arith.constant 0 : i32
    %c0_i32_0 = arith.constant 0 : i32
    return %arg0, %c0_i32 : i32, i32
  }
}

module attributes {stable_mosaic.version = 14 : i64} {
  func.func @_final_body(%arg0: i32, %arg1: memref<2000x16xf32, #tpu.memory_space<vmem>>, %arg2: memref<2000x16xf32, #tpu.memory_space<vmem>>, %arg3: memref<1x16xf32, #tpu.memory_space<vmem>>, %arg4: memref<1x16xf32, #tpu.memory_space<vmem>>, %arg5: memref<1x16xf32, #tpu.memory_space<vmem>>, %arg6: memref<2000x16xf32, #tpu.memory_space<vmem>>) attributes {dimension_semantics = [#tpu.dimension_semantics<arbitrary>], iteration_bounds = array<i64: 25>, scalar_prefetch = 0 : i64, scratch_operands = 0 : i64, tpu.core_type = #tpu.core_type<tc>, window_params = [{transform_indices = @transform_0, window_bounds = array<i64: 2000, 16>}, {transform_indices = @transform_1, window_bounds = array<i64: 2000, 16>}, {pipeline_mode = #tpu.pipeline_mode<synchronous>, transform_indices = @transform_2, window_bounds = array<i64: 1, 16>}, {pipeline_mode = #tpu.pipeline_mode<synchronous>, transform_indices = @transform_3, window_bounds = array<i64: 1, 16>}, {pipeline_mode = #tpu.pipeline_mode<synchronous>, transform_indices = @transform_4, window_bounds = array<i64: 1, 16>}, {transform_indices = @transform_5, window_bounds = array<i64: 2000, 16>}]} {
    %get3A = arith.constant 0 : index
    %get3A_0 = arith.constant 0 : index
    %get3A_1 = vector.load %arg2[%get3A, %get3A_0] : memref<2000x16xf32, #tpu.memory_space<vmem>>, vector<2000x16xf32>
    %slice3A = vector.extract_strided_slice %get3A_1 {offsets = [0, 0], sizes = [2000, 1], strides = [1, 1]} : vector<2000x16xf32> to vector<2000x1xf32>
    %broadcast_in_dim3A = vector.shape_cast %slice3A : vector<2000x1xf32> to vector<2000x1x1xf32>
    %broadcast_in_dim3A_2 = vector.broadcast %broadcast_in_dim3A : vector<2000x1x1xf32> to vector<2000x1x16xf32>
    %reshape3A = vector.shape_cast %broadcast_in_dim3A_2 : vector<2000x1x16xf32> to vector<2000x16xf32>
    %add3A = arith.constant 1.000000e-35 : f32
    %add3A_3 = vector.broadcast %add3A : f32 to vector<2000x16xf32>
    %add3A_4 = arith.addf %reshape3A, %add3A_3 : vector<2000x16xf32>
    %get3A_5 = arith.constant 0 : index
    %get3A_6 = arith.constant 0 : index
    %get3A_7 = vector.load %arg1[%get3A_5, %get3A_6] : memref<2000x16xf32, #tpu.memory_space<vmem>>, vector<2000x16xf32>
    %div3A = arith.divf %get3A_7, %add3A_4 : vector<2000x16xf32>
    %get3A_8 = arith.constant 0 : index
    %get3A_9 = arith.constant 0 : index
    %get3A_10 = vector.load %arg3[%get3A_8, %get3A_9] : memref<1x16xf32, #tpu.memory_space<vmem>>, vector<1x16xf32>
    %add3A_11 = vector.broadcast %get3A_10 : vector<1x16xf32> to vector<2000x16xf32>
    %add3A_12 = arith.addf %div3A, %add3A_11 : vector<2000x16xf32>
    %swap3A = arith.constant 0 : index
    %swap3A_13 = arith.constant 0 : index
    %swap3A_14 = vector.load %arg6[%swap3A, %swap3A_13] : memref<2000x16xf32, #tpu.memory_space<vmem>>, vector<2000x16xf32>
    tpu.vector_store %arg6[%swap3A, %swap3A_13], %add3A_12 {strides = array<i32>} : memref<2000x16xf32, #tpu.memory_space<vmem>>, vector<2000x16xf32>,
    return
  }
  func.func @transform_0(%arg0: i32) -> (i32, i32) {
    %c0_i32 = arith.constant 0 : i32
    %c0_i32_0 = arith.constant 0 : i32
    return %arg0, %c0_i32 : i32, i32
  }
  func.func @transform_1(%arg0: i32) -> (i32, i32) {
    %c0_i32 = arith.constant 0 : i32
    %c0_i32_0 = arith.constant 0 : i32
    return %arg0, %c0_i32 : i32, i32
  }
  func.func @transform_2(%arg0: i32) -> (i32, i32) {
    %c0_i32 = arith.constant 0 : i32
    %c0_i32_0 = arith.constant 0 : i32
    %c0_i32_1 = arith.constant 0 : i32
    return %c0_i32, %c0_i32_0 : i32, i32
  }
  func.func @transform_3(%arg0: i32) -> (i32, i32) {
    %c0_i32 = arith.constant 0 : i32
    %c0_i32_0 = arith.constant 0 : i32
    %c0_i32_1 = arith.constant 0 : i32
    return %c0_i32, %c0_i32_0 : i32, i32
  }
  func.func @transform_4(%arg0: i32) -> (i32, i32) {
    %c0_i32 = arith.constant 0 : i32
    %c0_i32_0 = arith.constant 0 : i32
    %c0_i32_1 = arith.constant 0 : i32
    return %c0_i32, %c0_i32_0 : i32, i32
  }
  func.func @transform_5(%arg0: i32) -> (i32, i32) {
    %c0_i32 = arith.constant 0 : i32
    %c0_i32_0 = arith.constant 0 : i32
    return %arg0, %c0_i32 : i32, i32
  }
}

</mosaic_0001>

<sc_bundles>
// kernel: kernel.29.cloned.1.call-start
scs
__scs_entry_jumppad:
0x0: {  	(pc) =	sbr.rel $0x88, $3  }
0x1: {  	(tag) =	ssettag $0x0;
	lr =	simm.s32 $0x1  }
0x2: {  	[smem:$0x3F89] =	sst lr;
	_ =	strace $0xD0000000  }
0x3: {  	_ = 	snop  }
0x4: {  	_ = 	snop  }
0x5: {  	_ = 	snop  }
0x6: {  	_ = 	snop  }
0x7: {  	_ = 	snop  }
__scs_overlays_trampoline_lowered:
0x8: {  	[smem:$0x3F98] =	sst s0  }
0x9: {  	[smem:$0x3F99] =	sst s1  }
0xa: {  	[smem:$0x3F9A] =	sst s2  }
0xb: {  	[smem:$0x3F9B] =	sst s3  }
0xc: {  	[smem:$0x3F9C] =	sst s4  }
0xd: {  	[smem:$0x3F9D] =	sst s5  }
0xe: {  	[smem:$0x3F9E] =	sst s6  }
0xf: {  	[smem:$0x3F9F] =	sst s7  }
0x10: {  	[smem:$0x3FA0] =	sst s8  }
0x11: {  	[smem:$0x3FA1] =	sst s9;
	s0 =	simm.s32 @!p0 $0x0  }
0x12: {  	s1 =	sld [smem:$0x3F87];
	s0 =	simm.s32 @p0 $0x1  }
0x13: {  	[smem:$0x3FA2] =	sst s0;
	s0 =	simm.s32 @!p1 $0x0  }
0x14: {  	s2 =	sld [smem:$0x3F86];
	s0 =	simm.s32 @p1 $0x1  }
0x15: {  	[smem:$0x3FA3] =	sst s0;
	s0 =	simm.s32 @!p2 $0x0  }
0x16: {  	s3 =	sld [smem:$0x3FDB];
	s0 =	simm.s32 @p2 $0x1  }
0x17: {  	s4 =	simm.s32 $0x1BF5;
	[smem:$0x3FA5] =	sst s0  }
0x18: {  	s0 =	sld [smem:$0x3F88];
	_ =	swait.ge [sflag:s4], $0x0  }
0x19: {  	s7 =	sld [smem:$0x3F89]  }
0x1a: {  	s8 =	sadd.s32 $0xFFFFE003, lr  }
0x1b: {  	s9 =	sadd.s32 $0xFFFFFEF7, lr;
	s5 =	simm.s32 $0xFFFFFFFF;
	p2 =	slt.u32 s8, $0xFFFFF086  }
0x1c: {  	p1 =	slt.u32 s9, $0xF7A;
	s5 =	simm.s32 @!p2 $0x0  }
0x1d: {  	s5 =	simm.s32 @p1 $0x1;
	p0 =	seq.s32 s7, s2  }
0x1e: {  	s7 =	smul.u32 @!p0 $0xF7A, s2;
	p2 =	seq.s32 @!p0 s5, $0x0  }
0x1f: {  	s9 =	smul.u32 $0xF7A, s1;
	s8 =	simm.s32 @!p0 $0x1BF5;
	p2 =	por !p2, p0  }
0x20: {  	[sflag:s8] =	ssyncset.s32 @!p0 $0xFFFFF086;
	s6 =	sadd.s32 @!p0 s3, s7;
	s7 =	simm.s32 @!p0 $0x108  }
0x21: {  	s3 =	sadd.s32 s3, s9;
	s6 =	sadd.s32 @!p0 $0x88, s6;
	s7 =	simm.s32 @p2 $0x1082  }
0x22: {  	[simem:s7], [sflag:s8] =	dma.local @!p0 [hbm:s6], $0xF7A  }
0x23: {  	s9 =	sor.u32 $0xD0000000, s2;
	s6 =	simm.s32 $0x108;
	_ =	swait.ge @!p0 [sflag:s8], $0x0  }
0x24: {  	s3 =	sadd.s32 $0x88, s3;
	s6 =	simm.s32 @!p1 $0x1082;
	[sflag:s4] =	ssyncset.s32 $0xFFFFF086  }
0x25: {  	[simem:s6], [sflag:s4] =	dma.local [hbm:s3], $0xF7A  }
0x26: {  	[smem:$0x3F89] =	sst s1;
	(tag) =	ssettag s2;
	_ =	strace s9  }
0x27: {  	s1 =	sld [smem:$0x3F99]  }
0x28: {  	s2 =	sld [smem:$0x3F9A]  }
0x29: {  	s4 =	sld [smem:$0x3F9C]  }
0x2a: {  	p0 =	seq.s32 s5, $0x0;
	s5 =	sld [smem:$0x3F9D]  }
0x2b: {  	s6 =	sld [smem:$0x3F9E]  }
0x2c: {  	s7 =	sld [smem:$0x3F9F]  }
0x2d: {  	s3 =	simm.s32 $0x108;
	s8 =	sld [smem:$0x3FA0]  }
0x2e: {  	s3 =	simm.s32 @!p0 $0x1082;
	s9 =	sld [smem:$0x3FA1]  }
0x2f: {  	lr =	sadd.s32 s0, s3;
	s0 =	sld [smem:$0x3F98]  }
0x30: {  	s3 =	sld [smem:$0x3F9B]  }
0x31: {  	[smem:$0x3FA4] =	sst s10  }
0x32: {  	s10 =	sld [smem:$0x3FA2];
	_ =	sdelay $0x3  }
0x33: {  	p0 =	seq.s32 s10, $0x1;
	s10 =	sld [smem:$0x3FA4];
	_ =	sdelay $0x3  }
0x34: {  	[smem:$0x3FA4] =	sst s10  }
0x35: {  	s10 =	sld [smem:$0x3FA3];
	_ =	sdelay $0x3  }
0x36: {  	p1 =	seq.s32 s10, $0x1;
	s10 =	sld [smem:$0x3FA4];
	_ =	sdelay $0x3  }
0x37: {  	[smem:$0x3FA4] =	sst s10  }
0x38: {  	s10 =	sld [smem:$0x3FA5]  }
0x39: {  	_ = 	snop;
	(pc) =	sbr.ind lr, $3  }
0x3a: {  	_ = 	snop  }
0x3b: {  	_ = 	snop  }
0x3c: {  	p2 =	seq.s32 s10, $0x1;
	s10 =	sld [smem:$0x3FA4]  }
0x3d: {  	_ =	shalt  }
0x3e: {  	_ =	shalt  }
0x3f: {  	_ =	shalt  }
0x40: {  	_ =	shalt  }
0x41: {  	_ =	shalt  }
0x42: {  	_ =	shalt  }
0x43: {  	_ =	shalt  }
0x44: {  	_ =	shalt  }
0x45: {  	_ =	shalt  }
0x46: {  	_ =	shalt  }
0x47: {  	_ =	shalt  }
0x48: {  	_ =	shalt  }
0x49: {  	_ =	shalt  }
0x4a: {  	_ =	shalt  }
0x4b: {  	_ =	shalt  }
0x4c: {  	_ =	shalt  }
0x4d: {  	_ =	shalt  }
0x4e: {  	_ =	shalt  }
0x4f: {  	_ =	shalt  }
0x50: {  	_ =	shalt  }
0x51: {  	_ =	shalt  }
0x52: {  	_ =	shalt  }
0x53: {  	_ =	shalt  }
0x54: {  	_ =	shalt  }
0x55: {  	_ =	shalt  }
0x56: {  	_ =	shalt  }
0x57: {  	_ =	shalt  }
0x58: {  	_ =	shalt  }
0x59: {  	_ =	shalt  }
0x5a: {  	_ =	shalt  }
0x5b: {  	_ =	shalt  }
0x5c: {  	_ =	shalt  }
0x5d: {  	_ =	shalt  }
0x5e: {  	_ =	shalt  }
0x5f: {  	_ =	shalt  }
0x60: {  	_ =	shalt  }
0x61: {  	_ =	shalt  }
0x62: {  	_ =	shalt  }
0x63: {  	_ =	shalt  }
0x64: {  	_ =	shalt  }
0x65: {  	_ =	shalt  }
0x66: {  	_ =	shalt  }
0x67: {  	_ =	shalt  }
0x68: {  	_ =	shalt  }
0x69: {  	_ =	shalt  }
0x6a: {  	_ =	shalt  }
0x6b: {  	_ =	shalt  }
0x6c: {  	_ =	shalt  }
0x6d: {  	_ =	shalt  }
0x6e: {  	_ =	shalt  }
0x6f: {  	_ =	shalt  }
0x70: {  	_ =	shalt  }
0x71: {  	_ =	shalt  }
0x72: {  	_ =	shalt  }
0x73: {  	_ =	shalt  }
0x74: {  	_ =	shalt  }
0x75: {  	_ =	shalt  }
0x76: {  	_ =	shalt  }
0x77: {  	_ =	shalt  }
0x78: {  	_ =	shalt  }
0x79: {  	_ =	shalt  }
0x7a: {  	_ =	shalt  }
0x7b: {  	_ =	shalt  }
0x7c: {  	_ =	shalt  }
0x7d: {  	_ =	shalt  }
0x7e: {  	_ =	shalt  }
0x7f: {  	_ =	shalt  }
0x80: {  	_ =	shalt  }
0x81: {  	_ =	shalt  }
0x82: {  	_ =	shalt  }
0x83: {  	_ =	shalt  }
0x84: {  	_ =	shalt  }
0x85: {  	_ =	shalt  }
0x86: {  	_ =	shalt  }
0x87: {  	_ =	shalt  }
.Lfunc_end0:
.L_simem_size_0:
called_computation_lowered:
.L_overlay_start_0:
0x88: {  	s2 =	sld [smem:$0x3FD9]  }
0x89: {  	s3 =	sld [smem:$0x3FFE];
	_ =	sdelay $0x1  }
0x8a: {  	s1 =	srdreg.scid  }
0x8b: {  	s0 =	sand.u32 $0x1, s1  }
0x8c: {  	s17 =	sshll.u32 s0, $0xA;
	s2 =	sadd.s32 s3, s2  }
0x8d: {  	s2 =	sadd.s32 s2, s17  }
0x8e: {  	[smem:$0x3FB0] =	sst s2  }
0x8f: {  	_ = 	snop  }
0x90: {  	(tm) =	ssettm $0x1  }
0x91: {  	s18 =	sld [smem:$0x3FFB];
	_ =	sdelay $0x3  }
0x92: {  	_ =	strace s18  }
0x93: {  	s2 =	sld [smem:$0x3FFC];
	_ =	sdelay $0x3  }
0x94: {  	_ =	strace s2  }
0x95: {  	s2 =	sld [smem:$0x3FFD];
	_ =	sdelay $0x3  }
0x96: {  	_ =	strace s2  }
0x97: {  	_ =	strace $0x8FFFFFFF  }
0x98: {  	s19 =	sld [smem:$0x3FDB];
	_ =	sdelay $0x1  }
0x99: {  	s20 =	simm.s32 $_scs_section_size  }
0x9a: {  	s4 =	simm.s32 $_size__tile_overlayer_lowered;
	s5 =	simm.s32 $_tile_overlayer_lowered  }
0x9b: {  	s6 =	simm.s32 $0x1BFF;
	s21 =	sshll.u32 s5, $0x1;
	s3 =	sadd.s32 s20, s19  }
0x9c: {  	s22 =	simm.s32 $0x0;
	s4 =	sshll.u32 s4, $0x1;
	s5 =	sadd.s32 s21, s3  }
0x9d: {  	[timem:s22], [sflag:s6] =	dma.local [hbm:s5], s4  }
0x9e: {  	_ =	swait.ge [sflag:s6], s4  }
0x9f: {  	s4 =	ssub.s32 $0x0, s4;
	[sflag:s6] =	ssyncset.done $0x0  }
0xa0: {  	[sflag:s6] =	ssyncadd.s32 s4;
	_ =	sdelay $0x1  }
0xa1: {  	s23 =	simm.s32 $0x1B8B  }
0xa2: {  	_ =	swait.ge [sflag:s23], $0x1  }
0xa3: {  	[sflag:s23] =	ssyncset.done $0x0  }
0xa4: {  	[sflag:s23] =	ssyncadd.s32 $0xFFFFFFFF  }
0xa5: {  	s4 =	sld [smem:$0x0]  }
0xa6: {  	s5 =	sand.u32 $0xFFFFFFFE, s1  }
0xa7: {  	p0 =	sne.s32 s1, s5  }
0xa8: {  	s5 =	sshll.u32 @p0 s5, $0xE  }
0xa9: {  	s5 =	sadd.s32 @p0 $0x11B8D, s5;
	s6 =	sshll.u32 @p0 s4, $0x11  }
0xaa: {  	s5 =	sor.u32 @p0 s6, s5  }
0xab: {  	[sflag:s5] =	ssyncadd.remote.s32 @p0 $0x1;
	_ =	sdelay $0x1  }
0xac: {  	s5 =	simm.s32 @p0 $0x1B8D  }
0xad: {  	_ =	swait.eq @p0 [sflag:s5], $0x1  }
0xae: {  	[sflag:s5] =	ssyncadd.s32 @p0 $0xFFFFFFFF  }
0xaf: {  	s6 =	sshll.u32 @!p0 s1, $0xE  }
0xb0: {  	s6 =	sor.u32 @!p0 $0x4000, s6;
	s5 =	simm.s32 @!p0 $0x1B8D  }
0xb1: {  	s4 =	sshll.u32 @!p0 s4, $0x11;
	s6 =	sadd.s32 @!p0 $0x11B8D, s6;
	_ =	swait.eq @!p0 [sflag:s5], $0x1  }
0xb2: {  	s4 =	sor.u32 @!p0 s4, s6;
	[sflag:s5] =	ssyncadd.s32 @!p0 $0xFFFFFFFF  }
0xb3: {  	s25 =	simm.s32 $0x1B8E;
	s24 =	sld [smem:$0x3FFE];
	[sflag:s4] =	ssyncadd.remote.s32 @!p0 $0x1  }
0xb4: {  	s26 =	simm.s32 $execute0_lowered;
	[smem:$0x3FD2] =	sst s25  }
0xb5: {  	s5 =	sshll.u32 s26, $0x1;
	_ =	strace $0x80000049;
	[dreg:$0x1] =	wrdreg $0xFFFFFFFF  }
0xb6: {  	s28 =	simm.s32 $_size_execute0_lowered;
	s3 =	sadd.s32 s3, s5;
	[dreg:$0x0] =	wrdreg $0x0  }
0xb7: {  	s5 =	sshll.u32 s28, $0x1;
	[dreg:$0x2] =	wrdreg s3  }
0xb8: {  	[dreg:$0x3] =	wrdreg s5  }
0xb9: {  	[dreg:$0x4] =	wrdreg $0xC0  }
0xba: {  	_ =	task [dreg:s22], $0x5FFFF  }
0xbb: {  	[dreg:$0x1] =	wrdreg $0xFFFFFFFF  }
0xbc: {  	[dreg:$0x0] =	wrdreg $0x60  }
0xbd: {  	[dreg:$0x2] =	wrdreg s24  }
0xbe: {  	[dreg:$0x3] =	wrdreg $0x9  }
0xbf: {  	_ =	task.clear_ibuf [dreg:s22], $0x4FFFF;
	_ =	strace $0x90000049  }
0xc0: {  	s29 =	simm.s32 $0x9;
	_ =	strace $0x8000004B  }
0xc1: {  	_ =	swait.ge [sflag:s29], $0x1  }
0xc2: {  	[sflag:s29] =	ssyncadd.s32 $0xFFFFFFFF  }
0xc3: {  	_ =	strace $0x9000004B  }
0xc4: {  	_ =	sfence  }
0xc5: {  	s30 =	sld [smem:$0x0];
	_ =	sdelay $0x2  }
0xc6: {  	s31 =	sshll.u32 s1, $0xD;
	s1 =	sshrl.u32 s1, $0x2  }
0xc7: {  	s4 =	sand.u32 $0x4000, s31;
	s1 =	sadd.s32 s1, s30  }
0xc8: {  	s0 =	sor.u32 s4, s0;
	s1 =	sshll.u32 s1, $0x11  }
0xc9: {  	s0 =	sor.u32 s1, s0  }
0xca: {  	s0 =	sadd.s32 $0x8F2B, s0  }
0xcb: {  	[sflag:s0] =	ssyncadd.remote.s32 $0x1  }
0xcc: {  	_ =	sfence.sel $0xFFFF  }
0xcd: {  	[dreg:$0x0] =	wrdreg $0xFFFFFFFF;
	(pc) =	sbr.abs _section_cstart, $3  }
0xce: {  	[dreg:$0x1] =	wrdreg $0xFFFFFFFF  }
0xcf: {  	_ =	task.clear_ibuf [dreg:s22], $0x2FFFF;
	_ =	strace $0x9FFFFFFF  }
0xd0: {  	(tm) =	ssettm $0x7FFFFFFF  }
0xd1: {  	_ =	shalt  }
tec
execute0_lowered:
.L_overlay_start_1:
0x0: {  	(tag) =	ssettag $0x1  }
0x1: {  	s4 =	rddreg [dreg:$0x0]  }
0x2: {  	s0 =	rddreg [dreg:$0x1];
	s2 =	simm.s32 $0x0  }
0x3: {  	s3 =	srdreg.scid;
	s1 =	stileid.u32;
	s13 =	simm.s32 $0xD340  }
0x4: {  	s14 =	simm.s32 $0x3;
	s15 =	simm.s32 $0x4;
	s16 =	simm.s32 $0x5  }
0x5: {  	s17 =	simm.s32 $0x6;
	s18 =	simm.s32 $0x0;
	s6 =	smul.u32 $0xD0000, s1  }
0x6: {  	s5 =	sand.u32 $0x1, s3;
	s3 =	sadd.s32 $0xED8A00, s4;
	s8 =	smul.u32 $0xD000, s1  }
0x7: {  	[smem:$0x7FF] =	sst s2;
	s9 =	sadd.s32 $0xEBEA00, s4;
	s11 =	smul.u32 $0x6800, s5  }
0x8: {  	s12 =	sadd.s32 $0xF9C000, s4;
	s7 =	ssub.s32 $0x2, s5;
	s5 =	smul.u32 $0x68000, s5  }
0x9: {  	_ =	strace $0x8000004A;
	s10 =	sshrl.u32 s7, $0x1;
	s6 =	sadd.s32 s6, s12  }
0xa: {  	s26 =	ssub.s32 s7, s10;
	s28 =	sadd.s32 s11, s8;
	s5 =	sadd.s32 s5, s6  }
0xb: {  	s10 =	simm.s32 $0x1;
	s11 =	simm.s32 $0x340;
	s7 =	sor.u32 $0x1A0, s28  }
0xc: {  	s4 =	smax.u32 s26, $0x1;
	s29 =	sshrl.u32 s28, $0x3;
	s30 =	sshll.u32 s7, $0x4  }
0xd: {  	s6 =	sadd.s32 s29, s9;
	s31 =	sshrl.u32 s7, $0x3;
	s7 =	sadd.s32 s30, s12  }
0xe: {  	s8 =	sadd.s32 s31, s9;
	s9 =	simm.s32 $0x1A0;
	s12 =	simm.s32 $0x2  }
.LBB2_1:
0xf: {  	s19 =	sadd.s32 $0x0, s6  }
0x10: {  	[tilespmem:s2], [sflag:$0x1] =	stream.linear.gather [hbm4b:s19+s2], $0x1A0, $0x38;
	[tilespmem:$0x1A340] =	vst v63  }
0x11: {  	s31 =	sadd.s32 $0x0, s8  }
0x12: {  	[tilespmem:s9], [sflag:$0x2] =	stream.linear.gather [hbm4b:s31+s2], $0x1A0, $0x38;
	[tilespmem:$0x1A340] =	vst v63  }
0x13: {  	_ =	swait.ge [sflag:s10], $0x1A0  }
0x14: {  	[sflag:s10] =	ssyncset.done $0x0  }
0x15: {  	[sflag:s10] =	ssyncadd.s32 $0xFFFFFE60  }
0x16: {  	[tilespmem:s11], [sflag:$0x3] =	stream.indirect.gather [hbm4b:s3+s9], $0x80, s2, s9, $0xb8;
	[tilespmem:$0x1A340] =	vst v63  }
0x17: {  	_ =	swait.ge [sflag:s12], $0x1A0  }
0x18: {  	[sflag:s12] =	ssyncset.done $0x0  }
0x19: {  	[sflag:s12] =	ssyncadd.s32 $0xFFFFFE60  }
0x1a: {  	[tilespmem:s13], [sflag:$0x4] =	stream.indirect.gather [hbm4b:s3+s9], $0x80, s9, s9, $0xb8;
	[tilespmem:$0x1A340] =	vst v63  }
0x1b: {  	_ =	swait.ge [sflag:s14], $0xD000  }
0x1c: {  	[sflag:s14] =	ssyncset.done $0x0  }
0x1d: {  	[sflag:s14] =	ssyncadd.s32 $0xFFFF3000  }
0x1e: {  	[hbm4b:s5+s2] =	stream.linear.scatter [tilespmem:s11], [sflag:$0x5], $0xD000, $0x38;
	[tilespmem:$0x1A340] =	vst v63  }
0x1f: {  	_ =	swait.ge [sflag:s15], $0xD000  }
0x20: {  	[sflag:s15] =	ssyncset.done $0x0  }
0x21: {  	[sflag:s15] =	ssyncadd.s32 $0xFFFF3000  }
0x22: {  	[hbm4b:s7+s2] =	stream.linear.scatter [tilespmem:s13], [sflag:$0x6], $0xD000, $0x38;
	[tilespmem:$0x1A340] =	vst v63  }
0x23: {  	_ =	swait.ge [sflag:s16], $0xD000  }
0x24: {  	[sflag:s16] =	ssyncset.done $0x0  }
0x25: {  	[sflag:s16] =	ssyncadd.s32 $0xFFFF3000  }
0x26: {  	s21 =	simm.s32 $0x68;
	s22 =	simm.s32 $0xD0;
	_ =	swait.ge [sflag:s17], $0xD000  }
0x27: {  	s20 =	sadd.s32 $0x3400, s5;
	s19 =	sadd.s32 $0x3400, s7;
	[sflag:s17] =	ssyncset.done $0x0  }
.LBB2_2:
0x28: {  	s23 =	sadd.s32 s21, s6  }
0x29: {  	[sflag:s17] =	ssyncadd.s32 $0xFFFF3000;
	s24 =	smov.u32 s22;
	s25 =	sadd.s32 $0x68, s22  }
0x2a: {  	[tilespmem:s2], [sflag:$0x1] =	stream.linear.gather [hbm4b:s23+s2], $0x1A0, $0x38;
	[tilespmem:$0x1A340] =	vst v63  }
0x2b: {  	p0 =	sne.s32 s22, $0xC98;
	s22 =	sadd.s32 s21, s8;
	s21 =	smov.u32 s24  }
0x2c: {  	[tilespmem:s9], [sflag:$0x2] =	stream.linear.gather [hbm4b:s22+s2], $0x1A0, $0x38;
	[tilespmem:$0x1A340] =	vst v63  }
0x2d: {  	_ =	swait.ge [sflag:s10], $0x1A0  }
0x2e: {  	[sflag:s10] =	ssyncset.done $0x0  }
0x2f: {  	[sflag:s10] =	ssyncadd.s32 $0xFFFFFE60  }
0x30: {  	[tilespmem:s11], [sflag:$0x3] =	stream.indirect.gather [hbm4b:s3+s9], $0x80, s2, s9, $0xb8;
	[tilespmem:$0x1A340] =	vst v63  }
0x31: {  	_ =	swait.ge [sflag:s12], $0x1A0  }
0x32: {  	[sflag:s12] =	ssyncset.done $0x0  }
0x33: {  	[sflag:s12] =	ssyncadd.s32 $0xFFFFFE60  }
0x34: {  	[tilespmem:s13], [sflag:$0x4] =	stream.indirect.gather [hbm4b:s3+s9], $0x80, s9, s9, $0xb8;
	[tilespmem:$0x1A340] =	vst v63  }
0x35: {  	_ =	swait.ge [sflag:s14], $0xD000  }
0x36: {  	[sflag:s14] =	ssyncset.done $0x0  }
0x37: {  	[sflag:s14] =	ssyncadd.s32 $0xFFFF3000  }
0x38: {  	[hbm4b:s20+s2] =	stream.linear.scatter [tilespmem:s11], [sflag:$0x5], $0xD000, $0x38;
	[tilespmem:$0x1A340] =	vst v63  }
0x39: {  	_ =	swait.ge [sflag:s15], $0xD000  }
0x3a: {  	[sflag:s15] =	ssyncset.done $0x0  }
0x3b: {  	[sflag:s15] =	ssyncadd.s32 $0xFFFF3000  }
0x3c: {  	[hbm4b:s19+s2] =	stream.linear.scatter [tilespmem:s13], [sflag:$0x6], $0xD000, $0x38;
	[tilespmem:$0x1A340] =	vst v63  }
.Ltmp0:
0x3d: {  	_ =	swait.ge [sflag:s16], $0xD000;
	(pc) =	sbr.rel @p0 .LBB2_2-.Ltmp0, $4  }
0x3e: {  	[sflag:s16] =	ssyncset.done $0x0  }
0x3f: {  	[sflag:s16] =	ssyncadd.s32 $0xFFFF3000  }
0x40: {  	s22 =	smov.u32 s25;
	_ =	swait.ge [sflag:s17], $0xD000  }
0x41: {  	s20 =	sadd.s32 $0x3400, s20;
	s19 =	sadd.s32 $0x3400, s19;
	[sflag:s17] =	ssyncset.done $0x0  }
0x42: {  	s22 =	sadd.s32 s21, s6;
	[sflag:s17] =	ssyncadd.s32 $0xFFFF3000  }
0x43: {  	[tilespmem:s2], [sflag:$0x1] =	stream.linear.gather [hbm4b:s22+s2], $0x1A0, $0x38;
	[tilespmem:$0x1A340] =	vst v63  }
0x44: {  	s31 =	sadd.s32 s21, s8  }
0x45: {  	[tilespmem:s9], [sflag:$0x2] =	stream.linear.gather [hbm4b:s31+s2], $0x1A0, $0x38;
	[tilespmem:$0x1A340] =	vst v63  }
0x46: {  	_ =	swait.ge [sflag:s10], $0x1A0  }
0x47: {  	[sflag:s10] =	ssyncset.done $0x0  }
0x48: {  	[sflag:s10] =	ssyncadd.s32 $0xFFFFFE60  }
0x49: {  	[tilespmem:s11], [sflag:$0x3] =	stream.indirect.gather [hbm4b:s3+s9], $0x80, s2, s9, $0xb8;
	[tilespmem:$0x1A340] =	vst v63  }
0x4a: {  	_ =	swait.ge [sflag:s12], $0x1A0  }
0x4b: {  	[sflag:s12] =	ssyncset.done $0x0  }
0x4c: {  	[sflag:s12] =	ssyncadd.s32 $0xFFFFFE60  }
0x4d: {  	[tilespmem:s13], [sflag:$0x4] =	stream.indirect.gather [hbm4b:s3+s9], $0x80, s9, s9, $0xb8;
	[tilespmem:$0x1A340] =	vst v63  }
0x4e: {  	_ =	swait.ge [sflag:s14], $0xD000  }
0x4f: {  	[sflag:s14] =	ssyncset.done $0x0  }
0x50: {  	[sflag:s14] =	ssyncadd.s32 $0xFFFF3000  }
0x51: {  	[hbm4b:s20+s2] =	stream.linear.scatter [tilespmem:s11], [sflag:$0x5], $0xD000, $0x38;
	[tilespmem:$0x1A340] =	vst v63  }
0x52: {  	_ =	swait.ge [sflag:s15], $0xD000  }
0x53: {  	[sflag:s15] =	ssyncset.done $0x0  }
0x54: {  	s18 =	sadd.s32 $0x1, s18;
	[sflag:s15] =	ssyncadd.s32 $0xFFFF3000  }
0x55: {  	[hbm4b:s19+s2] =	stream.linear.scatter [tilespmem:s13], [sflag:$0x6], $0xD000, $0x38;
	[tilespmem:$0x1A340] =	vst v63  }
0x56: {  	p0 =	sne.s32 s18, s4;
	_ =	swait.ge [sflag:s16], $0xD000  }
.Ltmp1:
0x57: {  	[sflag:s16] =	ssyncset.done $0x0;
	(pc) =	sbr.rel @p0 .LBB2_1-.Ltmp1, $4  }
0x58: {  	[sflag:s16] =	ssyncadd.s32 $0xFFFF3000  }
0x59: {  	_ =	swait.ge [sflag:s17], $0xD000  }
0x5a: {  	[sflag:s17] =	ssyncset.done $0x0  }
0x5b: {  	[sflag:s17] =	ssyncadd.s32 $0xFFFF3000  }
0x5c: {  	_ =	sfence.sel $0x180000  }
0x5d: {  	[bflag:$0x0] =	sbarrier.arrive $0xFFFF  }
0x5e: {  	p0 =	sne.s32 s1, $0x0;
	_ =	strace $0x9000004A  }
0x5f: {  	s0 =	sadd.s32 @!p0 $0x100000, s0;
	[bflag:$0x2] =	sbarrier.arrive $0xFFFF  }
0x60: {  	[sflag:s0] =	ssyncadd.tile.s32 @!p0 $0x1;
	_ =	shalt  }
.Lfunc_end2:
_tile_overlayer_lowered:
.L_overlay_start_2:
0x61: {  	(tag) =	ssettag $0x2  }
0x62: {  	s0 =	rddreg [dreg:$0x0];
	s2 =	stileid.u32  }
0x63: {  	s1 =	rddreg [dreg:$0x1];
	p0 =	sne.s32 s2, $0x0  }
0x64: {  	s3 =	rddreg [dreg:$0x2];
	[bflag:$0x3] =	sbarrier.arrive $0xFFFF;
	s2 =	simm.s32 @!p0 $0x1C07  }
0x65: {  	[timem:s3], [sflag:s2] =	dma.local @!p0 [hbm:s0], s1  }
0x66: {  	s0 =	simm.s32 @!p0 $0x7  }
0x67: {  	_ =	swait.ge @!p0 [sflag:s0], s1  }
0x68: {  	s1 =	ssub.s32 @!p0 $0x0, s1;
	[sflag:s0] =	ssyncset.done @!p0 $0x0  }
0x69: {  	[sflag:s0] =	ssyncadd.s32 @!p0 s1  }
0x6a: {  	[bflag:$0x3] =	sbarrier.arrive $0xFFFF  }
0x6b: {  	_ =	shalt  }

// kernel: kernel.32.cloned.1.call-start
scs
__scs_entry_jumppad:
0x0: {  	(pc) =	sbr.rel $0x88, $3  }
0x1: {  	(tag) =	ssettag $0x0;
	lr =	simm.s32 $0x1  }
0x2: {  	[smem:$0x3F89] =	sst lr;
	_ =	strace $0xD0000000  }
0x3: {  	_ = 	snop  }
0x4: {  	_ = 	snop  }
0x5: {  	_ = 	snop  }
0x6: {  	_ = 	snop  }
0x7: {  	_ = 	snop  }
__scs_overlays_trampoline_lowered:
0x8: {  	[smem:$0x3F98] =	sst s0  }
0x9: {  	[smem:$0x3F99] =	sst s1  }
0xa: {  	[smem:$0x3F9A] =	sst s2  }
0xb: {  	[smem:$0x3F9B] =	sst s3  }
0xc: {  	[smem:$0x3F9C] =	sst s4  }
0xd: {  	[smem:$0x3F9D] =	sst s5  }
0xe: {  	[smem:$0x3F9E] =	sst s6  }
0xf: {  	[smem:$0x3F9F] =	sst s7  }
0x10: {  	[smem:$0x3FA0] =	sst s8  }
0x11: {  	[smem:$0x3FA1] =	sst s9;
	s0 =	simm.s32 @!p0 $0x0  }
0x12: {  	s1 =	sld [smem:$0x3F87];
	s0 =	simm.s32 @p0 $0x1  }
0x13: {  	[smem:$0x3FA2] =	sst s0;
	s0 =	simm.s32 @!p1 $0x0  }
0x14: {  	s2 =	sld [smem:$0x3F86];
	s0 =	simm.s32 @p1 $0x1  }
0x15: {  	[smem:$0x3FA3] =	sst s0;
	s0 =	simm.s32 @!p2 $0x0  }
0x16: {  	s3 =	sld [smem:$0x3FDB];
	s0 =	simm.s32 @p2 $0x1  }
0x17: {  	s4 =	simm.s32 $0x1BF5;
	[smem:$0x3FA5] =	sst s0  }
0x18: {  	s0 =	sld [smem:$0x3F88];
	_ =	swait.ge [sflag:s4], $0x0  }
0x19: {  	s7 =	sld [smem:$0x3F89]  }
0x1a: {  	s8 =	sadd.s32 $0xFFFFE003, lr  }
0x1b: {  	s9 =	sadd.s32 $0xFFFFFEF7, lr;
	s5 =	simm.s32 $0xFFFFFFFF;
	p2 =	slt.u32 s8, $0xFFFFF086  }
0x1c: {  	p1 =	slt.u32 s9, $0xF7A;
	s5 =	simm.s32 @!p2 $0x0  }
0x1d: {  	s5 =	simm.s32 @p1 $0x1;
	p0 =	seq.s32 s7, s2  }
0x1e: {  	s7 =	smul.u32 @!p0 $0xF7A, s2;
	p2 =	seq.s32 @!p0 s5, $0x0  }
0x1f: {  	s9 =	smul.u32 $0xF7A, s1;
	s8 =	simm.s32 @!p0 $0x1BF5;
	p2 =	por !p2, p0  }
0x20: {  	[sflag:s8] =	ssyncset.s32 @!p0 $0xFFFFF086;
	s6 =	sadd.s32 @!p0 s3, s7;
	s7 =	simm.s32 @!p0 $0x108  }
0x21: {  	s3 =	sadd.s32 s3, s9;
	s6 =	sadd.s32 @!p0 $0x88, s6;
	s7 =	simm.s32 @p2 $0x1082  }
0x22: {  	[simem:s7], [sflag:s8] =	dma.local @!p0 [hbm:s6], $0xF7A  }
0x23: {  	s9 =	sor.u32 $0xD0000000, s2;
	s6 =	simm.s32 $0x108;
	_ =	swait.ge @!p0 [sflag:s8], $0x0  }
0x24: {  	s3 =	sadd.s32 $0x88, s3;
	s6 =	simm.s32 @!p1 $0x1082;
	[sflag:s4] =	ssyncset.s32 $0xFFFFF086  }
0x25: {  	[simem:s6], [sflag:s4] =	dma.local [hbm:s3], $0xF7A  }
0x26: {  	[smem:$0x3F89] =	sst s1;
	(tag) =	ssettag s2;
	_ =	strace s9  }
0x27: {  	s1 =	sld [smem:$0x3F99]  }
0x28: {  	s2 =	sld [smem:$0x3F9A]  }
0x29: {  	s4 =	sld [smem:$0x3F9C]  }
0x2a: {  	p0 =	seq.s32 s5, $0x0;
	s5 =	sld [smem:$0x3F9D]  }
0x2b: {  	s6 =	sld [smem:$0x3F9E]  }
0x2c: {  	s7 =	sld [smem:$0x3F9F]  }
0x2d: {  	s3 =	simm.s32 $0x108;
	s8 =	sld [smem:$0x3FA0]  }
0x2e: {  	s3 =	simm.s32 @!p0 $0x1082;
	s9 =	sld [smem:$0x3FA1]  }
0x2f: {  	lr =	sadd.s32 s0, s3;
	s0 =	sld [smem:$0x3F98]  }
0x30: {  	s3 =	sld [smem:$0x3F9B]  }
0x31: {  	[smem:$0x3FA4] =	sst s10  }
0x32: {  	s10 =	sld [smem:$0x3FA2];
	_ =	sdelay $0x3  }
0x33: {  	p0 =	seq.s32 s10, $0x1;
	s10 =	sld [smem:$0x3FA4];
	_ =	sdelay $0x3  }
0x34: {  	[smem:$0x3FA4] =	sst s10  }
0x35: {  	s10 =	sld [smem:$0x3FA3];
	_ =	sdelay $0x3  }
0x36: {  	p1 =	seq.s32 s10, $0x1;
	s10 =	sld [smem:$0x3FA4];
	_ =	sdelay $0x3  }
0x37: {  	[smem:$0x3FA4] =	sst s10  }
0x38: {  	s10 =	sld [smem:$0x3FA5]  }
0x39: {  	_ = 	snop;
	(pc) =	sbr.ind lr, $3  }
0x3a: {  	_ = 	snop  }
0x3b: {  	_ = 	snop  }
0x3c: {  	p2 =	seq.s32 s10, $0x1;
	s10 =	sld [smem:$0x3FA4]  }
0x3d: {  	_ =	shalt  }
0x3e: {  	_ =	shalt  }
0x3f: {  	_ =	shalt  }
0x40: {  	_ =	shalt  }
0x41: {  	_ =	shalt  }
0x42: {  	_ =	shalt  }
0x43: {  	_ =	shalt  }
0x44: {  	_ =	shalt  }
0x45: {  	_ =	shalt  }
0x46: {  	_ =	shalt  }
0x47: {  	_ =	shalt  }
0x48: {  	_ =	shalt  }
0x49: {  	_ =	shalt  }
0x4a: {  	_ =	shalt  }
0x4b: {  	_ =	shalt  }
0x4c: {  	_ =	shalt  }
0x4d: {  	_ =	shalt  }
0x4e: {  	_ =	shalt  }
0x4f: {  	_ =	shalt  }
0x50: {  	_ =	shalt  }
0x51: {  	_ =	shalt  }
0x52: {  	_ =	shalt  }
0x53: {  	_ =	shalt  }
0x54: {  	_ =	shalt  }
0x55: {  	_ =	shalt  }
0x56: {  	_ =	shalt  }
0x57: {  	_ =	shalt  }
0x58: {  	_ =	shalt  }
0x59: {  	_ =	shalt  }
0x5a: {  	_ =	shalt  }
0x5b: {  	_ =	shalt  }
0x5c: {  	_ =	shalt  }
0x5d: {  	_ =	shalt  }
0x5e: {  	_ =	shalt  }
0x5f: {  	_ =	shalt  }
0x60: {  	_ =	shalt  }
0x61: {  	_ =	shalt  }
0x62: {  	_ =	shalt  }
0x63: {  	_ =	shalt  }
0x64: {  	_ =	shalt  }
0x65: {  	_ =	shalt  }
0x66: {  	_ =	shalt  }
0x67: {  	_ =	shalt  }
0x68: {  	_ =	shalt  }
0x69: {  	_ =	shalt  }
0x6a: {  	_ =	shalt  }
0x6b: {  	_ =	shalt  }
0x6c: {  	_ =	shalt  }
0x6d: {  	_ =	shalt  }
0x6e: {  	_ =	shalt  }
0x6f: {  	_ =	shalt  }
0x70: {  	_ =	shalt  }
0x71: {  	_ =	shalt  }
0x72: {  	_ =	shalt  }
0x73: {  	_ =	shalt  }
0x74: {  	_ =	shalt  }
0x75: {  	_ =	shalt  }
0x76: {  	_ =	shalt  }
0x77: {  	_ =	shalt  }
0x78: {  	_ =	shalt  }
0x79: {  	_ =	shalt  }
0x7a: {  	_ =	shalt  }
0x7b: {  	_ =	shalt  }
0x7c: {  	_ =	shalt  }
0x7d: {  	_ =	shalt  }
0x7e: {  	_ =	shalt  }
0x7f: {  	_ =	shalt  }
0x80: {  	_ =	shalt  }
0x81: {  	_ =	shalt  }
0x82: {  	_ =	shalt  }
0x83: {  	_ =	shalt  }
0x84: {  	_ =	shalt  }
0x85: {  	_ =	shalt  }
0x86: {  	_ =	shalt  }
0x87: {  	_ =	shalt  }
.Lfunc_end0:
.L_simem_size_0:
called_computation.1_lowered:
.L_overlay_start_0:
0x88: {  	s2 =	sld [smem:$0x3FD9]  }
0x89: {  	s3 =	sld [smem:$0x3FFE];
	_ =	sdelay $0x1  }
0x8a: {  	s1 =	srdreg.scid  }
0x8b: {  	s0 =	sand.u32 $0x1, s1  }
0x8c: {  	s16 =	sshll.u32 s0, $0xA;
	s2 =	sadd.s32 s3, s2  }
0x8d: {  	s2 =	sadd.s32 s2, s16  }
0x8e: {  	[smem:$0x3FB0] =	sst s2  }
0x8f: {  	_ = 	snop  }
0x90: {  	(tm) =	ssettm $0x1  }
0x91: {  	s17 =	sld [smem:$0x3FFB];
	_ =	sdelay $0x3  }
0x92: {  	_ =	strace s17  }
0x93: {  	s2 =	sld [smem:$0x3FFC];
	_ =	sdelay $0x3  }
0x94: {  	_ =	strace s2  }
0x95: {  	s2 =	sld [smem:$0x3FFD];
	_ =	sdelay $0x3  }
0x96: {  	_ =	strace s2  }
0x97: {  	_ =	strace $0x8FFFFFFF  }
0x98: {  	s18 =	sld [smem:$0x3FDB];
	_ =	sdelay $0x1  }
0x99: {  	s19 =	simm.s32 $_scs_section_size  }
0x9a: {  	s4 =	simm.s32 $_size__tile_overlayer_lowered;
	s5 =	simm.s32 $_tile_overlayer_lowered  }
0x9b: {  	s22 =	simm.s32 $0x1BFF;
	s21 =	sshll.u32 s5, $0x1;
	s2 =	sadd.s32 s19, s18  }
0x9c: {  	s6 =	simm.s32 $0x0;
	s20 =	sshll.u32 s4, $0x1;
	s4 =	sadd.s32 s21, s2  }
0x9d: {  	[timem:s6], [sflag:s22] =	dma.local [hbm:s4], s20  }
0x9e: {  	_ =	swait.ge [sflag:s22], s20  }
0x9f: {  	s3 =	ssub.s32 $0x0, s20;
	[sflag:s22] =	ssyncset.done $0x0  }
0xa0: {  	[sflag:s22] =	ssyncadd.s32 s3;
	_ =	sdelay $0x1  }
0xa1: {  	s23 =	simm.s32 $0x1B8B  }
0xa2: {  	_ =	swait.ge [sflag:s23], $0x1  }
0xa3: {  	[sflag:s23] =	ssyncset.done $0x0  }
0xa4: {  	s25 =	simm.s32 $0x1B8E;
	s24 =	sld [smem:$0x3FFE];
	[sflag:s23] =	ssyncadd.s32 $0xFFFFFFFF  }
0xa5: {  	s26 =	simm.s32 $execute0_lowered;
	[smem:$0x3FD2] =	sst s25  }
0xa6: {  	s4 =	sshll.u32 s26, $0x1;
	_ =	strace $0x80000046;
	[dreg:$0x1] =	wrdreg $0xFFFFFFFF  }
0xa7: {  	s28 =	simm.s32 $_size_execute0_lowered;
	s2 =	sadd.s32 s2, s4;
	[dreg:$0x0] =	wrdreg $0x0  }
0xa8: {  	s4 =	sshll.u32 s28, $0x1;
	[dreg:$0x2] =	wrdreg s2  }
0xa9: {  	[dreg:$0x3] =	wrdreg s4  }
0xaa: {  	[dreg:$0x4] =	wrdreg $0xC0  }
0xab: {  	_ =	task [dreg:s6], $0x5FFFF  }
0xac: {  	[dreg:$0x1] =	wrdreg $0xFFFFFFFF  }
0xad: {  	[dreg:$0x0] =	wrdreg $0x60  }
0xae: {  	[dreg:$0x2] =	wrdreg s24  }
0xaf: {  	[dreg:$0x3] =	wrdreg $0xA  }
0xb0: {  	_ =	task.clear_ibuf [dreg:s6], $0x4FFFF;
	_ =	strace $0x90000046  }
0xb1: {  	s29 =	simm.s32 $0xA;
	_ =	strace $0x80000048  }
0xb2: {  	_ =	swait.ge [sflag:s29], $0x1  }
0xb3: {  	[sflag:s29] =	ssyncadd.s32 $0xFFFFFFFF  }
0xb4: {  	_ =	strace $0x90000048  }
0xb5: {  	_ =	sfence  }
0xb6: {  	s30 =	sld [smem:$0x0];
	_ =	sdelay $0x2  }
0xb7: {  	s31 =	sshll.u32 s1, $0xD;
	s1 =	sshrl.u32 s1, $0x2  }
0xb8: {  	s3 =	sand.u32 $0x4000, s31;
	s1 =	sadd.s32 s1, s30  }
0xb9: {  	s0 =	sor.u32 s3, s0;
	s1 =	sshll.u32 s1, $0x11  }
0xba: {  	s0 =	sor.u32 s1, s0  }
0xbb: {  	s0 =	sadd.s32 $0x8F2B, s0  }
0xbc: {  	[sflag:s0] =	ssyncadd.remote.s32 $0x1  }
0xbd: {  	_ =	sfence.sel $0xFFFF  }
0xbe: {  	[dreg:$0x0] =	wrdreg $0xFFFFFFFF;
	(pc) =	sbr.abs _section_cstart, $3  }
0xbf: {  	[dreg:$0x1] =	wrdreg $0xFFFFFFFF  }
0xc0: {  	_ =	task.clear_ibuf [dreg:s6], $0x2FFFF;
	_ =	strace $0x9FFFFFFF  }
0xc1: {  	(tm) =	ssettm $0x7FFFFFFF  }
tec
execute0_lowered:
.L_overlay_start_1:
0x0: {  	(tag) =	ssettag $0x1  }
0x1: {  	s4 =	rddreg [dreg:$0x0]  }
0x2: {  	s0 =	rddreg [dreg:$0x1];
	s2 =	simm.s32 $0x0  }
0x3: {  	s3 =	srdreg.scid;
	s1 =	stileid.u32;
	s13 =	simm.s32 $0xD340  }
0x4: {  	s14 =	simm.s32 $0x3;
	s15 =	simm.s32 $0x4;
	s16 =	simm.s32 $0x5  }
0x5: {  	s17 =	simm.s32 $0x6;
	s18 =	simm.s32 $0x0;
	s6 =	smul.u32 $0xD0000, s1  }
0x6: {  	[smem:$0x7FF] =	sst s2;
	s5 =	sand.u32 $0x1, s3;
	s8 =	smul.u32 $0xD000, s1  }
0x7: {  	s3 =	sadd.s32 $0xFB400, s4;
	s9 =	sadd.s32 $0xE1400, s4;
	s11 =	smul.u32 $0x6800, s5  }
0x8: {  	s12 =	sadd.s32 $0x1BEA00, s4;
	s7 =	ssub.s32 $0x2, s5;
	s5 =	smul.u32 $0x68000, s5  }
0x9: {  	_ =	strace $0x80000047;
	s10 =	sshrl.u32 s7, $0x1;
	s6 =	sadd.s32 s6, s12  }
0xa: {  	s26 =	ssub.s32 s7, s10;
	s28 =	sadd.s32 s11, s8;
	s5 =	sadd.s32 s5, s6  }
0xb: {  	s10 =	simm.s32 $0x1;
	s11 =	simm.s32 $0x340;
	s7 =	sor.u32 $0x1A0, s28  }
0xc: {  	s4 =	smax.u32 s26, $0x1;
	s29 =	sshrl.u32 s28, $0x3;
	s30 =	sshll.u32 s7, $0x4  }
0xd: {  	s6 =	sadd.s32 s29, s9;
	s31 =	sshrl.u32 s7, $0x3;
	s7 =	sadd.s32 s30, s12  }
0xe: {  	s8 =	sadd.s32 s31, s9;
	s9 =	simm.s32 $0x1A0;
	s12 =	simm.s32 $0x2  }
.LBB2_1:
0xf: {  	s19 =	sadd.s32 $0x0, s6  }
0x10: {  	[tilespmem:s2], [sflag:$0x1] =	stream.linear.gather [hbm4b:s19+s2], $0x1A0, $0x38;
	[tilespmem:$0x1A340] =	vst v63  }
0x11: {  	s31 =	sadd.s32 $0x0, s8  }
0x12: {  	[tilespmem:s9], [sflag:$0x2] =	stream.linear.gather [hbm4b:s31+s2], $0x1A0, $0x38;
	[tilespmem:$0x1A340] =	vst v63  }
0x13: {  	_ =	swait.ge [sflag:s10], $0x1A0  }
0x14: {  	[sflag:s10] =	ssyncset.done $0x0  }
0x15: {  	[sflag:s10] =	ssyncadd.s32 $0xFFFFFE60  }
0x16: {  	[tilespmem:s11], [sflag:$0x3] =	stream.indirect.gather [hbm4b:s3+s9], $0x80, s2, s9, $0xb8;
	[tilespmem:$0x1A340] =	vst v63  }
0x17: {  	_ =	swait.ge [sflag:s12], $0x1A0  }
0x18: {  	[sflag:s12] =	ssyncset.done $0x0  }
0x19: {  	[sflag:s12] =	ssyncadd.s32 $0xFFFFFE60  }
0x1a: {  	[tilespmem:s13], [sflag:$0x4] =	stream.indirect.gather [hbm4b:s3+s9], $0x80, s9, s9, $0xb8;
	[tilespmem:$0x1A340] =	vst v63  }
0x1b: {  	_ =	swait.ge [sflag:s14], $0xD000  }
0x1c: {  	[sflag:s14] =	ssyncset.done $0x0  }
0x1d: {  	[sflag:s14] =	ssyncadd.s32 $0xFFFF3000  }
0x1e: {  	[hbm4b:s5+s2] =	stream.linear.scatter [tilespmem:s11], [sflag:$0x5], $0xD000, $0x38;
	[tilespmem:$0x1A340] =	vst v63  }
0x1f: {  	_ =	swait.ge [sflag:s15], $0xD000  }
0x20: {  	[sflag:s15] =	ssyncset.done $0x0  }
0x21: {  	[sflag:s15] =	ssyncadd.s32 $0xFFFF3000  }
0x22: {  	[hbm4b:s7+s2] =	stream.linear.scatter [tilespmem:s13], [sflag:$0x6], $0xD000, $0x38;
	[tilespmem:$0x1A340] =	vst v63  }
0x23: {  	_ =	swait.ge [sflag:s16], $0xD000  }
0x24: {  	[sflag:s16] =	ssyncset.done $0x0  }
0x25: {  	[sflag:s16] =	ssyncadd.s32 $0xFFFF3000  }
0x26: {  	s21 =	simm.s32 $0x68;
	s22 =	simm.s32 $0xD0;
	_ =	swait.ge [sflag:s17], $0xD000  }
0x27: {  	s20 =	sadd.s32 $0x3400, s5;
	s19 =	sadd.s32 $0x3400, s7;
	[sflag:s17] =	ssyncset.done $0x0  }
.LBB2_2:
0x28: {  	s23 =	sadd.s32 s21, s6  }
0x29: {  	[sflag:s17] =	ssyncadd.s32 $0xFFFF3000;
	s24 =	smov.u32 s22;
	s25 =	sadd.s32 $0x68, s22  }
0x2a: {  	[tilespmem:s2], [sflag:$0x1] =	stream.linear.gather [hbm4b:s23+s2], $0x1A0, $0x38;
	[tilespmem:$0x1A340] =	vst v63  }
0x2b: {  	p0 =	sne.s32 s22, $0xC98;
	s22 =	sadd.s32 s21, s8;
	s21 =	smov.u32 s24  }
0x2c: {  	[tilespmem:s9], [sflag:$0x2] =	stream.linear.gather [hbm4b:s22+s2], $0x1A0, $0x38;
	[tilespmem:$0x1A340] =	vst v63  }
0x2d: {  	_ =	swait.ge [sflag:s10], $0x1A0  }
0x2e: {  	[sflag:s10] =	ssyncset.done $0x0  }
0x2f: {  	[sflag:s10] =	ssyncadd.s32 $0xFFFFFE60  }
0x30: {  	[tilespmem:s11], [sflag:$0x3] =	stream.indirect.gather [hbm4b:s3+s9], $0x80, s2, s9, $0xb8;
	[tilespmem:$0x1A340] =	vst v63  }
0x31: {  	_ =	swait.ge [sflag:s12], $0x1A0  }
0x32: {  	[sflag:s12] =	ssyncset.done $0x0  }
0x33: {  	[sflag:s12] =	ssyncadd.s32 $0xFFFFFE60  }
0x34: {  	[tilespmem:s13], [sflag:$0x4] =	stream.indirect.gather [hbm4b:s3+s9], $0x80, s9, s9, $0xb8;
	[tilespmem:$0x1A340] =	vst v63  }
0x35: {  	_ =	swait.ge [sflag:s14], $0xD000  }
0x36: {  	[sflag:s14] =	ssyncset.done $0x0  }
0x37: {  	[sflag:s14] =	ssyncadd.s32 $0xFFFF3000  }
0x38: {  	[hbm4b:s20+s2] =	stream.linear.scatter [tilespmem:s11], [sflag:$0x5], $0xD000, $0x38;
	[tilespmem:$0x1A340] =	vst v63  }
0x39: {  	_ =	swait.ge [sflag:s15], $0xD000  }
0x3a: {  	[sflag:s15] =	ssyncset.done $0x0  }
0x3b: {  	[sflag:s15] =	ssyncadd.s32 $0xFFFF3000  }
0x3c: {  	[hbm4b:s19+s2] =	stream.linear.scatter [tilespmem:s13], [sflag:$0x6], $0xD000, $0x38;
	[tilespmem:$0x1A340] =	vst v63  }
.Ltmp0:
0x3d: {  	_ =	swait.ge [sflag:s16], $0xD000;
	(pc) =	sbr.rel @p0 .LBB2_2-.Ltmp0, $4  }
0x3e: {  	[sflag:s16] =	ssyncset.done $0x0  }
0x3f: {  	[sflag:s16] =	ssyncadd.s32 $0xFFFF3000  }
0x40: {  	s22 =	smov.u32 s25;
	_ =	swait.ge [sflag:s17], $0xD000  }
0x41: {  	s20 =	sadd.s32 $0x3400, s20;
	s19 =	sadd.s32 $0x3400, s19;
	[sflag:s17] =	ssyncset.done $0x0  }
0x42: {  	s22 =	sadd.s32 s21, s6;
	[sflag:s17] =	ssyncadd.s32 $0xFFFF3000  }
0x43: {  	[tilespmem:s2], [sflag:$0x1] =	stream.linear.gather [hbm4b:s22+s2], $0x1A0, $0x38;
	[tilespmem:$0x1A340] =	vst v63  }
0x44: {  	s31 =	sadd.s32 s21, s8  }
0x45: {  	[tilespmem:s9], [sflag:$0x2] =	stream.linear.gather [hbm4b:s31+s2], $0x1A0, $0x38;
	[tilespmem:$0x1A340] =	vst v63  }
0x46: {  	_ =	swait.ge [sflag:s10], $0x1A0  }
0x47: {  	[sflag:s10] =	ssyncset.done $0x0  }
0x48: {  	[sflag:s10] =	ssyncadd.s32 $0xFFFFFE60  }
0x49: {  	[tilespmem:s11], [sflag:$0x3] =	stream.indirect.gather [hbm4b:s3+s9], $0x80, s2, s9, $0xb8;
	[tilespmem:$0x1A340] =	vst v63  }
0x4a: {  	_ =	swait.ge [sflag:s12], $0x1A0  }
0x4b: {  	[sflag:s12] =	ssyncset.done $0x0  }
0x4c: {  	[sflag:s12] =	ssyncadd.s32 $0xFFFFFE60  }
0x4d: {  	[tilespmem:s13], [sflag:$0x4] =	stream.indirect.gather [hbm4b:s3+s9], $0x80, s9, s9, $0xb8;
	[tilespmem:$0x1A340] =	vst v63  }
0x4e: {  	_ =	swait.ge [sflag:s14], $0xD000  }
0x4f: {  	[sflag:s14] =	ssyncset.done $0x0  }
0x50: {  	[sflag:s14] =	ssyncadd.s32 $0xFFFF3000  }
0x51: {  	[hbm4b:s20+s2] =	stream.linear.scatter [tilespmem:s11], [sflag:$0x5], $0xD000, $0x38;
	[tilespmem:$0x1A340] =	vst v63  }
0x52: {  	_ =	swait.ge [sflag:s15], $0xD000  }
0x53: {  	[sflag:s15] =	ssyncset.done $0x0  }
0x54: {  	s18 =	sadd.s32 $0x1, s18;
	[sflag:s15] =	ssyncadd.s32 $0xFFFF3000  }
0x55: {  	[hbm4b:s19+s2] =	stream.linear.scatter [tilespmem:s13], [sflag:$0x6], $0xD000, $0x38;
	[tilespmem:$0x1A340] =	vst v63  }
0x56: {  	p0 =	sne.s32 s18, s4;
	_ =	swait.ge [sflag:s16], $0xD000  }
.Ltmp1:
0x57: {  	[sflag:s16] =	ssyncset.done $0x0;
	(pc) =	sbr.rel @p0 .LBB2_1-.Ltmp1, $4  }
0x58: {  	[sflag:s16] =	ssyncadd.s32 $0xFFFF3000  }
0x59: {  	_ =	swait.ge [sflag:s17], $0xD000  }
0x5a: {  	[sflag:s17] =	ssyncset.done $0x0  }
0x5b: {  	[sflag:s17] =	ssyncadd.s32 $0xFFFF3000  }
0x5c: {  	_ =	sfence.sel $0x180000  }
0x5d: {  	[bflag:$0x0] =	sbarrier.arrive $0xFFFF  }
0x5e: {  	p0 =	sne.s32 s1, $0x0;
	_ =	strace $0x90000047  }
0x5f: {  	s0 =	sadd.s32 @!p0 $0x100000, s0;
	[bflag:$0x2] =	sbarrier.arrive $0xFFFF  }
0x60: {  	[sflag:s0] =	ssyncadd.tile.s32 @!p0 $0x1;
	_ =	shalt  }
.Lfunc_end2:
_tile_overlayer_lowered:
.L_overlay_start_2:
0x61: {  	(tag) =	ssettag $0x2  }
0x62: {  	s0 =	rddreg [dreg:$0x0];
	s2 =	stileid.u32  }
0x63: {  	s1 =	rddreg [dreg:$0x1];
	p0 =	sne.s32 s2, $0x0  }
0x64: {  	s3 =	rddreg [dreg:$0x2];
	[bflag:$0x3] =	sbarrier.arrive $0xFFFF;
	s2 =	simm.s32 @!p0 $0x1C07  }
0x65: {  	[timem:s3], [sflag:s2] =	dma.local @!p0 [hbm:s0], s1  }
0x66: {  	s0 =	simm.s32 @!p0 $0x7  }
0x67: {  	_ =	swait.ge @!p0 [sflag:s0], s1  }
0x68: {  	s1 =	ssub.s32 @!p0 $0x0, s1;
	[sflag:s0] =	ssyncset.done @!p0 $0x0  }
0x69: {  	[sflag:s0] =	ssyncadd.s32 @!p0 s1  }
0x6a: {  	[bflag:$0x3] =	sbarrier.arrive $0xFFFF  }
0x6b: {  	_ =	shalt  }

// kernel: kernel.35.cloned.1.call-start
scs
__scs_entry_jumppad:
0x0: {  	(pc) =	sbr.rel $0x88, $3  }
0x1: {  	(tag) =	ssettag $0x0;
	lr =	simm.s32 $0x1  }
0x2: {  	[smem:$0x3F89] =	sst lr;
	_ =	strace $0xD0000000  }
0x3: {  	_ = 	snop  }
0x4: {  	_ = 	snop  }
0x5: {  	_ = 	snop  }
0x6: {  	_ = 	snop  }
0x7: {  	_ = 	snop  }
__scs_overlays_trampoline_lowered:
0x8: {  	[smem:$0x3F98] =	sst s0  }
0x9: {  	[smem:$0x3F99] =	sst s1  }
0xa: {  	[smem:$0x3F9A] =	sst s2  }
0xb: {  	[smem:$0x3F9B] =	sst s3  }
0xc: {  	[smem:$0x3F9C] =	sst s4  }
0xd: {  	[smem:$0x3F9D] =	sst s5  }
0xe: {  	[smem:$0x3F9E] =	sst s6  }
0xf: {  	[smem:$0x3F9F] =	sst s7  }
0x10: {  	[smem:$0x3FA0] =	sst s8  }
0x11: {  	[smem:$0x3FA1] =	sst s9;
	s0 =	simm.s32 @!p0 $0x0  }
0x12: {  	s1 =	sld [smem:$0x3F87];
	s0 =	simm.s32 @p0 $0x1  }
0x13: {  	[smem:$0x3FA2] =	sst s0;
	s0 =	simm.s32 @!p1 $0x0  }
0x14: {  	s2 =	sld [smem:$0x3F86];
	s0 =	simm.s32 @p1 $0x1  }
0x15: {  	[smem:$0x3FA3] =	sst s0;
	s0 =	simm.s32 @!p2 $0x0  }
0x16: {  	s3 =	sld [smem:$0x3FDB];
	s0 =	simm.s32 @p2 $0x1  }
0x17: {  	s4 =	simm.s32 $0x1BF5;
	[smem:$0x3FA5] =	sst s0  }
0x18: {  	s0 =	sld [smem:$0x3F88];
	_ =	swait.ge [sflag:s4], $0x0  }
0x19: {  	s7 =	sld [smem:$0x3F89]  }
0x1a: {  	s8 =	sadd.s32 $0xFFFFE003, lr  }
0x1b: {  	s9 =	sadd.s32 $0xFFFFFEF7, lr;
	s5 =	simm.s32 $0xFFFFFFFF;
	p2 =	slt.u32 s8, $0xFFFFF086  }
0x1c: {  	p1 =	slt.u32 s9, $0xF7A;
	s5 =	simm.s32 @!p2 $0x0  }
0x1d: {  	s5 =	simm.s32 @p1 $0x1;
	p0 =	seq.s32 s7, s2  }
0x1e: {  	s7 =	smul.u32 @!p0 $0xF7A, s2;
	p2 =	seq.s32 @!p0 s5, $0x0  }
0x1f: {  	s9 =	smul.u32 $0xF7A, s1;
	s8 =	simm.s32 @!p0 $0x1BF5;
	p2 =	por !p2, p0  }
0x20: {  	[sflag:s8] =	ssyncset.s32 @!p0 $0xFFFFF086;
	s6 =	sadd.s32 @!p0 s3, s7;
	s7 =	simm.s32 @!p0 $0x108  }
0x21: {  	s3 =	sadd.s32 s3, s9;
	s6 =	sadd.s32 @!p0 $0x88, s6;
	s7 =	simm.s32 @p2 $0x1082  }
0x22: {  	[simem:s7], [sflag:s8] =	dma.local @!p0 [hbm:s6], $0xF7A  }
0x23: {  	s9 =	sor.u32 $0xD0000000, s2;
	s6 =	simm.s32 $0x108;
	_ =	swait.ge @!p0 [sflag:s8], $0x0  }
0x24: {  	s3 =	sadd.s32 $0x88, s3;
	s6 =	simm.s32 @!p1 $0x1082;
	[sflag:s4] =	ssyncset.s32 $0xFFFFF086  }
0x25: {  	[simem:s6], [sflag:s4] =	dma.local [hbm:s3], $0xF7A  }
0x26: {  	[smem:$0x3F89] =	sst s1;
	(tag) =	ssettag s2;
	_ =	strace s9  }
0x27: {  	s1 =	sld [smem:$0x3F99]  }
0x28: {  	s2 =	sld [smem:$0x3F9A]  }
0x29: {  	s4 =	sld [smem:$0x3F9C]  }
0x2a: {  	p0 =	seq.s32 s5, $0x0;
	s5 =	sld [smem:$0x3F9D]  }
0x2b: {  	s6 =	sld [smem:$0x3F9E]  }
0x2c: {  	s7 =	sld [smem:$0x3F9F]  }
0x2d: {  	s3 =	simm.s32 $0x108;
	s8 =	sld [smem:$0x3FA0]  }
0x2e: {  	s3 =	simm.s32 @!p0 $0x1082;
	s9 =	sld [smem:$0x3FA1]  }
0x2f: {  	lr =	sadd.s32 s0, s3;
	s0 =	sld [smem:$0x3F98]  }
0x30: {  	s3 =	sld [smem:$0x3F9B]  }
0x31: {  	[smem:$0x3FA4] =	sst s10  }
0x32: {  	s10 =	sld [smem:$0x3FA2];
	_ =	sdelay $0x3  }
0x33: {  	p0 =	seq.s32 s10, $0x1;
	s10 =	sld [smem:$0x3FA4];
	_ =	sdelay $0x3  }
0x34: {  	[smem:$0x3FA4] =	sst s10  }
0x35: {  	s10 =	sld [smem:$0x3FA3];
	_ =	sdelay $0x3  }
0x36: {  	p1 =	seq.s32 s10, $0x1;
	s10 =	sld [smem:$0x3FA4];
	_ =	sdelay $0x3  }
0x37: {  	[smem:$0x3FA4] =	sst s10  }
0x38: {  	s10 =	sld [smem:$0x3FA5]  }
0x39: {  	_ = 	snop;
	(pc) =	sbr.ind lr, $3  }
0x3a: {  	_ = 	snop  }
0x3b: {  	_ = 	snop  }
0x3c: {  	p2 =	seq.s32 s10, $0x1;
	s10 =	sld [smem:$0x3FA4]  }
0x3d: {  	_ =	shalt  }
0x3e: {  	_ =	shalt  }
0x3f: {  	_ =	shalt  }
0x40: {  	_ =	shalt  }
0x41: {  	_ =	shalt  }
0x42: {  	_ =	shalt  }
0x43: {  	_ =	shalt  }
0x44: {  	_ =	shalt  }
0x45: {  	_ =	shalt  }
0x46: {  	_ =	shalt  }
0x47: {  	_ =	shalt  }
0x48: {  	_ =	shalt  }
0x49: {  	_ =	shalt  }
0x4a: {  	_ =	shalt  }
0x4b: {  	_ =	shalt  }
0x4c: {  	_ =	shalt  }
0x4d: {  	_ =	shalt  }
0x4e: {  	_ =	shalt  }
0x4f: {  	_ =	shalt  }
0x50: {  	_ =	shalt  }
0x51: {  	_ =	shalt  }
0x52: {  	_ =	shalt  }
0x53: {  	_ =	shalt  }
0x54: {  	_ =	shalt  }
0x55: {  	_ =	shalt  }
0x56: {  	_ =	shalt  }
0x57: {  	_ =	shalt  }
0x58: {  	_ =	shalt  }
0x59: {  	_ =	shalt  }
0x5a: {  	_ =	shalt  }
0x5b: {  	_ =	shalt  }
0x5c: {  	_ =	shalt  }
0x5d: {  	_ =	shalt  }
0x5e: {  	_ =	shalt  }
0x5f: {  	_ =	shalt  }
0x60: {  	_ =	shalt  }
0x61: {  	_ =	shalt  }
0x62: {  	_ =	shalt  }
0x63: {  	_ =	shalt  }
0x64: {  	_ =	shalt  }
0x65: {  	_ =	shalt  }
0x66: {  	_ =	shalt  }
0x67: {  	_ =	shalt  }
0x68: {  	_ =	shalt  }
0x69: {  	_ =	shalt  }
0x6a: {  	_ =	shalt  }
0x6b: {  	_ =	shalt  }
0x6c: {  	_ =	shalt  }
0x6d: {  	_ =	shalt  }
0x6e: {  	_ =	shalt  }
0x6f: {  	_ =	shalt  }
0x70: {  	_ =	shalt  }
0x71: {  	_ =	shalt  }
0x72: {  	_ =	shalt  }
0x73: {  	_ =	shalt  }
0x74: {  	_ =	shalt  }
0x75: {  	_ =	shalt  }
0x76: {  	_ =	shalt  }
0x77: {  	_ =	shalt  }
0x78: {  	_ =	shalt  }
0x79: {  	_ =	shalt  }
0x7a: {  	_ =	shalt  }
0x7b: {  	_ =	shalt  }
0x7c: {  	_ =	shalt  }
0x7d: {  	_ =	shalt  }
0x7e: {  	_ =	shalt  }
0x7f: {  	_ =	shalt  }
0x80: {  	_ =	shalt  }
0x81: {  	_ =	shalt  }
0x82: {  	_ =	shalt  }
0x83: {  	_ =	shalt  }
0x84: {  	_ =	shalt  }
0x85: {  	_ =	shalt  }
0x86: {  	_ =	shalt  }
0x87: {  	_ =	shalt  }
.Lfunc_end0:
.L_simem_size_0:
called_computation.2_lowered:
.L_overlay_start_0:
0x88: {  	s2 =	sld [smem:$0x3FD9]  }
0x89: {  	s3 =	sld [smem:$0x3FFE];
	_ =	sdelay $0x1  }
0x8a: {  	s1 =	srdreg.scid  }
0x8b: {  	s0 =	sand.u32 $0x1, s1  }
0x8c: {  	s17 =	sshll.u32 s0, $0xA;
	s2 =	sadd.s32 s3, s2  }
0x8d: {  	s2 =	sadd.s32 s2, s17  }
0x8e: {  	[smem:$0x3FB0] =	sst s2  }
0x8f: {  	_ = 	snop  }
0x90: {  	(tm) =	ssettm $0x1  }
0x91: {  	s18 =	sld [smem:$0x3FFB];
	_ =	sdelay $0x3  }
0x92: {  	_ =	strace s18  }
0x93: {  	s2 =	sld [smem:$0x3FFC];
	_ =	sdelay $0x3  }
0x94: {  	_ =	strace s2  }
0x95: {  	s2 =	sld [smem:$0x3FFD];
	_ =	sdelay $0x3  }
0x96: {  	_ =	strace s2  }
0x97: {  	_ =	strace $0x8FFFFFFF  }
0x98: {  	s19 =	sld [smem:$0x3FDB];
	_ =	sdelay $0x1  }
0x99: {  	s20 =	simm.s32 $_scs_section_size  }
0x9a: {  	s4 =	simm.s32 $_size__tile_overlayer_lowered;
	s5 =	simm.s32 $_tile_overlayer_lowered  }
0x9b: {  	s6 =	simm.s32 $0x1BFF;
	s21 =	sshll.u32 s5, $0x1;
	s3 =	sadd.s32 s20, s19  }
0x9c: {  	s22 =	simm.s32 $0x0;
	s4 =	sshll.u32 s4, $0x1;
	s5 =	sadd.s32 s21, s3  }
0x9d: {  	[timem:s22], [sflag:s6] =	dma.local [hbm:s5], s4  }
0x9e: {  	_ =	swait.ge [sflag:s6], s4  }
0x9f: {  	s4 =	ssub.s32 $0x0, s4;
	[sflag:s6] =	ssyncset.done $0x0  }
0xa0: {  	[sflag:s6] =	ssyncadd.s32 s4;
	_ =	sdelay $0x1  }
0xa1: {  	s23 =	simm.s32 $0x1B8B  }
0xa2: {  	_ =	swait.ge [sflag:s23], $0x1  }
0xa3: {  	[sflag:s23] =	ssyncset.done $0x0  }
0xa4: {  	[sflag:s23] =	ssyncadd.s32 $0xFFFFFFFF  }
0xa5: {  	s4 =	sld [smem:$0x0]  }
0xa6: {  	s5 =	sand.u32 $0xFFFFFFFE, s1  }
0xa7: {  	p0 =	sne.s32 s1, s5  }
0xa8: {  	s5 =	sshll.u32 @p0 s5, $0xE  }
0xa9: {  	s5 =	sadd.s32 @p0 $0x11B8D, s5;
	s6 =	sshll.u32 @p0 s4, $0x11  }
0xaa: {  	s5 =	sor.u32 @p0 s6, s5  }
0xab: {  	[sflag:s5] =	ssyncadd.remote.s32 @p0 $0x1;
	_ =	sdelay $0x1  }
0xac: {  	s5 =	simm.s32 @p0 $0x1B8D  }
0xad: {  	_ =	swait.eq @p0 [sflag:s5], $0x1  }
0xae: {  	[sflag:s5] =	ssyncadd.s32 @p0 $0xFFFFFFFF  }
0xaf: {  	s6 =	sshll.u32 @!p0 s1, $0xE  }
0xb0: {  	s6 =	sor.u32 @!p0 $0x4000, s6;
	s5 =	simm.s32 @!p0 $0x1B8D  }
0xb1: {  	s4 =	sshll.u32 @!p0 s4, $0x11;
	s6 =	sadd.s32 @!p0 $0x11B8D, s6;
	_ =	swait.eq @!p0 [sflag:s5], $0x1  }
0xb2: {  	s4 =	sor.u32 @!p0 s4, s6;
	[sflag:s5] =	ssyncadd.s32 @!p0 $0xFFFFFFFF  }
0xb3: {  	s25 =	simm.s32 $0x1B8E;
	s24 =	sld [smem:$0x3FFE];
	[sflag:s4] =	ssyncadd.remote.s32 @!p0 $0x1  }
0xb4: {  	s26 =	simm.s32 $execute0_lowered;
	[smem:$0x3FD2] =	sst s25  }
0xb5: {  	s5 =	sshll.u32 s26, $0x1;
	_ =	strace $0x8000004F;
	[dreg:$0x1] =	wrdreg $0xFFFFFFFF  }
0xb6: {  	s28 =	simm.s32 $_size_execute0_lowered;
	s3 =	sadd.s32 s3, s5;
	[dreg:$0x0] =	wrdreg $0x0  }
0xb7: {  	s5 =	sshll.u32 s28, $0x1;
	[dreg:$0x2] =	wrdreg s3  }
0xb8: {  	[dreg:$0x3] =	wrdreg s5  }
0xb9: {  	[dreg:$0x4] =	wrdreg $0xC0  }
0xba: {  	_ =	task [dreg:s22], $0x5FFFF  }
0xbb: {  	[dreg:$0x1] =	wrdreg $0xFFFFFFFF  }
0xbc: {  	[dreg:$0x0] =	wrdreg $0x60  }
0xbd: {  	[dreg:$0x2] =	wrdreg s24  }
0xbe: {  	[dreg:$0x3] =	wrdreg $0x0  }
0xbf: {  	[dreg:$0x4] =	wrdreg $0x9  }
0xc0: {  	_ =	task.clear_ibuf [dreg:s22], $0x5FFFF;
	_ =	strace $0x9000004F  }
0xc1: {  	s29 =	simm.s32 $0x9;
	_ =	strace $0x80000051  }
0xc2: {  	_ =	swait.ge [sflag:s29], $0x1  }
0xc3: {  	[sflag:s29] =	ssyncadd.s32 $0xFFFFFFFF  }
0xc4: {  	_ =	strace $0x90000051  }
0xc5: {  	_ =	sfence  }
0xc6: {  	s30 =	sld [smem:$0x0];
	_ =	sdelay $0x2  }
0xc7: {  	s31 =	sshll.u32 s1, $0xD;
	s1 =	sshrl.u32 s1, $0x2  }
0xc8: {  	s4 =	sand.u32 $0x4000, s31;
	s1 =	sadd.s32 s1, s30  }
0xc9: {  	s0 =	sor.u32 s4, s0;
	s1 =	sshll.u32 s1, $0x11  }
0xca: {  	s0 =	sor.u32 s1, s0  }
0xcb: {  	s0 =	sadd.s32 $0x8F2B, s0  }
0xcc: {  	[sflag:s0] =	ssyncadd.remote.s32 $0x1  }
0xcd: {  	_ =	sfence.sel $0xFFFF  }
0xce: {  	[dreg:$0x0] =	wrdreg $0xFFFFFFFF;
	(pc) =	sbr.abs _section_cstart, $3  }
0xcf: {  	[dreg:$0x1] =	wrdreg $0xFFFFFFFF  }
0xd0: {  	_ =	task.clear_ibuf [dreg:s22], $0x2FFFF;
	_ =	strace $0x9FFFFFFF  }
0xd1: {  	(tm) =	ssettm $0x7FFFFFFF  }
tec
execute0_lowered:
.L_overlay_start_1:
0x0: {  	(tag) =	ssettag $0x1  }
0x1: {  	s4 =	rddreg [dreg:$0x0]  }
0x2: {  	s0 =	stileid.u32;
	s2 =	rddreg [dreg:$0x1]  }
0x3: {  	s1 =	rddreg [dreg:$0x2];
	s3 =	simm.s32 $0x0;
	s5 =	smul.u32 $0xD0000, s0  }
0x4: {  	s24 =	srdreg.scid;
	s14 =	simm.s32 $0x18880;
	s6 =	smul.u32 $0x1A00, s0  }
0x5: {  	s15 =	simm.s32 $0x80;
	[smem:$0x7FF] =	sst s3;
	s7 =	smul.u32 $0x18780, s0  }
0x6: {  	s11 =	sadd.s32 $0xFB400, s4;
	s12 =	smul.u32 $0x30E, s0;
	s28 =	sshll.u32 s0, $0x6  }
0x7: {  	s30 =	smul.u32 $0x61C00, s0;
	_ =	strace $0x80000050;
	s9 =	sadd.s32 s5, s4  }
0x8: {  	s10 =	sadd.s32 s6, s4;
	s25 =	sshrl.u32 s7, $0x3;
	s5 =	sand.u32 $0x1, s24  }
0x9: {  	s13 =	sadd.s32 s7, s2;
	s7 =	sshrl.u32 s30, $0x2;
	s6 =	sadd.s32 s25, s4  }
0xa: {  	s8 =	ssub.s32 $0x2, s5;
	s16 =	smul.u32 $0x61C0, s5;
	s5 =	sor.u32 $0x1C01, s28  }
0xb: {  	s18 =	sadd.s32 s7, s2;
	s9 =	sadd.s32 $0x299C000, s9;
	s26 =	sshrl.u32 s8, $0x1  }
0xc: {  	s10 =	sadd.s32 $0xE1400, s10;
	s4 =	sadd.s32 $0x2A200, s6;
	s8 =	ssub.s32 s8, s26  }
0xd: {  	s29 =	sadd.s32 s12, s16;
	s17 =	sadd.s32 $0x30E0, s16;
	s19 =	sadd.s32 $0x61C0, s16  }
0xe: {  	v0 =	vmov s16;
	s16 =	simm.s32 $0x18800;
	s6 =	sshll.u32 s29, $0x4;
	s12 =	sadd.s32 s12, s17  }
0xf: {  	s8 =	smax.u32 s8, $0x1;
	v1 =	vmov s17;
	s17 =	sshrl.u32 s18, $0x3;
	s18 =	simm.s32 $0x0  }
0x10: {  	s6 =	sadd.s32 s11, s6;
	s31 =	sshll.u32 s12, $0x4;
	s12 =	simm.s32 $0x1  }
0x11: {  	v2 =	vmov s19;
	s7 =	sadd.s32 s11, s31;
	s11 =	sshrl.u32 s13, $0x3;
	s13 =	simm.s32 $0x18780  }
.LBB2_1:
0x12: {  	[spmem:s11], [sflag:s5] =	dma.local [hbm:s4], $0x30F0  }
0x13: {  	_ =	swait.ge [sflag:s12], $0x30F0  }
0x14: {  	[sflag:s12] =	ssyncset.done $0x0  }
0x15: {  	[sflag:s12] =	ssyncadd.s32 $0xFFFFCF10  }
0x16: {  	s19 =	sadd.s32 $0x0, s10;
	[bflag:$0x0] =	sbarrier.arrive $0xFFFF  }
0x17: {  	[tilespmem:s13], [sflag:$0x1] =	stream.linear.gather [hbm4b:s19+s3], $0x80, $0x38;
	[tilespmem:$0x1C880] =	vst v63  }
0x18: {  	_ =	swait.ge [sflag:s12], $0x80  }
0x19: {  	[sflag:s12] =	ssyncset.done $0x0  }
0x1a: {  	[sflag:s12] =	ssyncadd.s32 $0xFFFFFF80  }
0x1b: {  	[tilespmem:s14], [sflag:$0x1] =	stream.linear.gather [hbm4b:s9+s3], $0x4000, $0x38;
	[tilespmem:$0x1C880] =	vst v63  }
0x1c: {  	_ =	swait.ge [sflag:s12], $0x4000  }
0x1d: {  	[sflag:s12] =	ssyncset.done $0x0  }
0x1e: {  	[sflag:s12] =	ssyncadd.s32 $0xFFFFC000  }
0x1f: {  	v3 =	vld [tilespmem:$0x187C0]  }
0x20: {  	s21 =	sadd.s32 $0x800, s9;
	v5 =	vld [tilespmem:$0x18790]  }
0x21: {  	s20 =	simm.s32 $0x10;
	s22 =	simm.s32 $0x20;
	s19 =	smov.u32 s21;
	v4 =	vld [tilespmem:$0x187F0]  }
.LBB2_2:
0x22: {  	p0 =	sne.s32 s22, $0x19F0  }
0x23: {  	s21 =	sadd.s32 $0x800, s21;
	v6 =	vld [tilespmem:$0x187B0];
	s23 =	smov.u32 s22;
	s22 =	sadd.s32 $0x10, s22  }
0x24: {  	v7 =	vld [tilespmem:$0x187A0]  }
0x25: {  	v8 =	vld [tilespmem:$0x18780]  }
0x26: {  	vm1 =	vge.s32 v3, v0;
	vm0 =	vlt.s32 v5, v1;
	v9 =	vsub.s32 v5, v0;
	v10 =	vld [tilespmem:$0x187E0]  }
0x27: {  	vm3 =	vlt.s32 v3, v1;
	vm2 =	vge.s32 v5, v0;
	v5 =	vld [tilespmem:$0x187D0];
	vm4 =	vge.s32 v4, v0  }
0x28: {  	v3 =	vsub.s32 v3, v0;
	vm6 =	vlt.s32 v4, v1;
	vm5 =	vlt.s32 v6, v1  }
0x29: {  	v4 =	vsub.s32 v4, v0;
	vm8 =	vge.s32 v6, v0;
	vm7 =	vlt.s32 v7, v1  }
0x2a: {  	vm4 =	vmand vm4, vm6;
	vm10 =	vge.s32 v7, v0;
	vm9 =	vlt.s32 v8, v1  }
0x2b: {  	vm0 =	vmand vm2, vm0;
	v4 =	vnsel vm4, $0x30E0, v4;
	vm6 =	vge.s32 v8, v0  }
0x2c: {  	v9 =	vnsel vm0, $0x30E0, v9;
	vm2 =	vge.s32 v10, v0;
	vm0 =	vlt.s32 v5, v1;
	[tilespmem:$0x18870] =	vst v4  }
0x2d: {  	vm1 =	vmand vm1, vm3;
	vm4 =	vlt.s32 v10, v1;
	vm3 =	vge.s32 v5, v0;
	[tilespmem:$0x18810] =	vst v9  }
0x2e: {  	v3 =	vnsel vm1, $0x30E0, v3;
	vm5 =	vmand vm8, vm5;
	v4 =	vsub.s32 v6, v0  }
0x2f: {  	vm1 =	vmand vm10, vm7;
	v6 =	vsub.s32 v7, v0;
	v4 =	vnsel vm5, $0x30E0, v4;
	[tilespmem:$0x18840] =	vst v3  }
0x30: {  	vm5 =	vmand vm6, vm9;
	v6 =	vnsel vm1, $0x30E0, v6;
	v3 =	vsub.s32 v8, v0;
	[tilespmem:$0x18830] =	vst v4  }
0x31: {  	vm1 =	vmand vm2, vm4;
	v3 =	vnsel vm5, $0x30E0, v3;
	v4 =	vsub.s32 v10, v0;
	[tilespmem:$0x18820] =	vst v6  }
0x32: {  	vm0 =	vmand vm3, vm0;
	v4 =	vnsel vm1, $0x30E0, v4;
	[tilespmem:$0x18800] =	vst v3;
	v3 =	vsub.s32 v5, v0  }
0x33: {  	v3 =	vnsel vm0, $0x30E0, v3;
	[tilespmem:$0x18860] =	vst v4  }
0x34: {  	[tilespmem:$0x18850] =	vst v3  }
0x35: {  	[spmem:s2] =	stream.indirect.scatter.add.f32 [tilespmem:s14], [sflag:$0x1], $0x80, s16, s15, $0xb8;
	[tilespmem:$0x1C880] =	vst v63  }
0x36: {  	_ =	swait.ge [sflag:s12], $0x4000  }
0x37: {  	[sflag:s12] =	ssyncset.done $0x0  }
0x38: {  	s24 =	sadd.s32 s20, s10;
	s20 =	smov.u32 s23;
	[sflag:s12] =	ssyncadd.s32 $0xFFFFC000  }
0x39: {  	[tilespmem:s13], [sflag:$0x1] =	stream.linear.gather [hbm4b:s24+s3], $0x80, $0x38;
	[tilespmem:$0x1C880] =	vst v63  }
0x3a: {  	_ =	swait.ge [sflag:s12], $0x80  }
0x3b: {  	[sflag:s12] =	ssyncset.done $0x0  }
0x3c: {  	[sflag:s12] =	ssyncadd.s32 $0xFFFFFF80  }
0x3d: {  	[tilespmem:s14], [sflag:$0x1] =	stream.linear.gather [hbm4b:s19+s3], $0x4000, $0x38;
	[tilespmem:$0x1C880] =	vst v63  }
0x3e: {  	s19 =	smov.u32 s21;
	_ =	swait.ge [sflag:s12], $0x4000  }
.Ltmp0:
0x3f: {  	[sflag:s12] =	ssyncset.done $0x0;
	(pc) =	sbr.rel @p0 .LBB2_2-.Ltmp0, $4  }
0x40: {  	[sflag:s12] =	ssyncadd.s32 $0xFFFFC000  }
0x41: {  	v3 =	vld [tilespmem:$0x187C0]  }
0x42: {  	v5 =	vld [tilespmem:$0x18790]  }
0x43: {  	v4 =	vld [tilespmem:$0x187F0]  }
0x44: {  	v6 =	vld [tilespmem:$0x187B0]  }
0x45: {  	v7 =	vld [tilespmem:$0x187A0]  }
0x46: {  	v8 =	vld [tilespmem:$0x18780];
	vm1 =	vge.s32 v3, v0;
	vm3 =	vlt.s32 v3, v1;
	v3 =	vsub.s32 v3, v0  }
0x47: {  	v10 =	vld [tilespmem:$0x187E0];
	vm0 =	vlt.s32 v5, v1;
	v9 =	vsub.s32 v5, v0;
	vm2 =	vge.s32 v5, v0  }
0x48: {  	vm1 =	vmand vm1, vm3;
	vm4 =	vge.s32 v4, v0;
	vm6 =	vlt.s32 v4, v1  }
0x49: {  	v4 =	vsub.s32 v4, v0;
	vm0 =	vmand vm2, vm0;
	v3 =	vnsel vm1, $0x30E0, v3  }
0x4a: {  	vm5 =	vlt.s32 v6, v1;
	vm7 =	vlt.s32 v7, v1;
	vm8 =	vge.s32 v6, v0  }
0x4b: {  	v5 =	vld [tilespmem:$0x187D0];
	vm9 =	vlt.s32 v8, v1;
	vm10 =	vge.s32 v7, v0;
	vm4 =	vmand vm4, vm6  }
0x4c: {  	vm13 =	vge.s32 v8, v0;
	v9 =	vnsel vm0, $0x30E0, v9;
	vm14 =	vge.s32 v10, v0  }
0x4d: {  	vm11 =	vlt.s32 v10, v1;
	[tilespmem:$0x18840] =	vst v3;
	v3 =	vsub.s32 v8, v0;
	v4 =	vnsel vm4, $0x30E0, v4  }
0x4e: {  	[tilespmem:$0x18810] =	vst v9;
	vm5 =	vmand vm8, vm5;
	vm12 =	vmand vm10, vm7;
	vm13 =	vmand vm13, vm9  }
0x4f: {  	vm14 =	vmand vm14, vm11;
	[tilespmem:$0x18870] =	vst v4;
	v4 =	vsub.s32 v6, v0;
	v3 =	vnsel vm13, $0x30E0, v3  }
0x50: {  	v6 =	vsub.s32 v7, v0;
	vm0 =	vlt.s32 v5, v1;
	v4 =	vnsel vm5, $0x30E0, v4;
	[tilespmem:$0x18800] =	vst v3  }
0x51: {  	vm15 =	vge.s32 v5, v0;
	v6 =	vnsel vm12, $0x30E0, v6;
	[tilespmem:$0x18830] =	vst v4;
	v4 =	vsub.s32 v10, v0  }
0x52: {  	v3 =	vsub.s32 v5, v0;
	[tilespmem:$0x18820] =	vst v6;
	vm0 =	vmand vm15, vm0;
	v4 =	vnsel vm14, $0x30E0, v4  }
0x53: {  	v3 =	vnsel vm0, $0x30E0, v3;
	[tilespmem:$0x18860] =	vst v4  }
0x54: {  	[tilespmem:$0x18850] =	vst v3  }
0x55: {  	[spmem:s2] =	stream.indirect.scatter.add.f32 [tilespmem:s14], [sflag:$0x1], $0x80, s16, s15, $0xb8;
	[tilespmem:$0x1C880] =	vst v63  }
0x56: {  	_ =	swait.ge [sflag:s12], $0x4000  }
0x57: {  	[sflag:s12] =	ssyncset.done $0x0  }
0x58: {  	s20 =	sadd.s32 s20, s10;
	[sflag:s12] =	ssyncadd.s32 $0xFFFFC000  }
0x59: {  	[tilespmem:s13], [sflag:$0x1] =	stream.linear.gather [hbm4b:s20+s3], $0x80, $0x38;
	[tilespmem:$0x1C880] =	vst v63  }
0x5a: {  	_ =	swait.ge [sflag:s12], $0x80  }
0x5b: {  	[sflag:s12] =	ssyncset.done $0x0  }
0x5c: {  	[sflag:s12] =	ssyncadd.s32 $0xFFFFFF80  }
0x5d: {  	[tilespmem:s14], [sflag:$0x1] =	stream.linear.gather [hbm4b:s19+s3], $0x4000, $0x38;
	[tilespmem:$0x1C880] =	vst v63  }
0x5e: {  	_ =	swait.ge [sflag:s12], $0x4000  }
0x5f: {  	[sflag:s12] =	ssyncset.done $0x0  }
0x60: {  	[sflag:s12] =	ssyncadd.s32 $0xFFFFC000  }
0x61: {  	v3 =	vld [tilespmem:$0x187C0]  }
0x62: {  	v4 =	vld [tilespmem:$0x18790]  }
0x63: {  	v5 =	vld [tilespmem:$0x187F0]  }
0x64: {  	v6 =	vld [tilespmem:$0x187B0]  }
0x65: {  	v7 =	vld [tilespmem:$0x187A0]  }
0x66: {  	v61 =	vld [tilespmem:$0x18780]  }
0x67: {  	v63 =	vld [tilespmem:$0x187E0];
	vm0 =	vlt.s32 v4, v1;
	v62 =	vsub.s32 v4, v0;
	vm1 =	vge.s32 v3, v0  }
0x68: {  	vm2 =	vge.s32 v4, v0;
	vm3 =	vlt.s32 v3, v1;
	vm15 =	vge.s32 v5, v0  }
0x69: {  	vm5 =	vlt.s32 v6, v1;
	v3 =	vsub.s32 v3, v0;
	vm12 =	vlt.s32 v5, v1  }
0x6a: {  	vm7 =	vlt.s32 v7, v1;
	vm8 =	vge.s32 v6, v0;
	v5 =	vsub.s32 v5, v0  }
0x6b: {  	vm9 =	vlt.s32 v61, v1;
	vm13 =	vge.s32 v7, v0;
	vm14 =	vge.s32 v61, v0  }
0x6c: {  	vm4 =	vmand vm15, vm12;
	vm0 =	vmand vm2, vm0;
	vm15 =	vge.s32 v63, v0  }
0x6d: {  	v4 =	vld [tilespmem:$0x187D0];
	vm1 =	vmand vm1, vm3;
	vm12 =	vlt.s32 v63, v1;
	v5 =	vnsel vm4, $0x30E0, v5  }
0x6e: {  	vm5 =	vmand vm8, vm5;
	vm13 =	vmand vm13, vm7;
	v9 =	vnsel vm0, $0x30E0, v62;
	[tilespmem:$0x18870] =	vst v5  }
0x6f: {  	vm14 =	vmand vm14, vm9;
	v3 =	vnsel vm1, $0x30E0, v3;
	[tilespmem:$0x18810] =	vst v9;
	v5 =	vsub.s32 v6, v0  }
0x70: {  	v6 =	vsub.s32 v7, v0;
	[tilespmem:$0x18840] =	vst v3;
	v3 =	vsub.s32 v61, v0;
	v5 =	vnsel vm5, $0x30E0, v5  }
0x71: {  	vm15 =	vmand vm15, vm12;
	v6 =	vnsel vm13, $0x30E0, v6;
	v3 =	vnsel vm14, $0x30E0, v3;
	[tilespmem:$0x18830] =	vst v5  }
0x72: {  	vm0 =	vlt.s32 v4, v1;
	vm11 =	vge.s32 v4, v0;
	[tilespmem:$0x18820] =	vst v6;
	v5 =	vsub.s32 v63, v0  }
0x73: {  	[tilespmem:$0x18800] =	vst v3;
	v3 =	vsub.s32 v4, v0;
	vm0 =	vmand vm11, vm0;
	v4 =	vnsel vm15, $0x30E0, v5  }
0x74: {  	v3 =	vnsel vm0, $0x30E0, v3;
	[tilespmem:$0x18860] =	vst v4  }
0x75: {  	[tilespmem:$0x18850] =	vst v3  }
0x76: {  	[spmem:s2] =	stream.indirect.scatter.add.f32 [tilespmem:s14], [sflag:$0x1], $0x80, s16, s15, $0xb8;
	[tilespmem:$0x1C880] =	vst v63  }
0x77: {  	_ =	swait.ge [sflag:s12], $0x4000  }
0x78: {  	[sflag:s12] =	ssyncset.done $0x0  }
0x79: {  	[sflag:s12] =	ssyncadd.s32 $0xFFFFC000  }
0x7a: {  	[bflag:$0x0] =	sbarrier.arrive $0xFFFF  }
0x7b: {  	[hbm:s6], [sflag:s5] =	dma.local [spmem:s17], $0x30E0  }
0x7c: {  	_ =	swait.ge [sflag:s12], $0x30E0  }
0x7d: {  	[sflag:s12] =	ssyncset.done $0x0  }
0x7e: {  	[sflag:s12] =	ssyncadd.s32 $0xFFFFCF20  }
0x7f: {  	[spmem:s11], [sflag:s5] =	dma.local [hbm:s4], $0x30F0  }
0x80: {  	_ =	swait.ge [sflag:s12], $0x30F0  }
0x81: {  	[sflag:s12] =	ssyncset.done $0x0  }
0x82: {  	[sflag:s12] =	ssyncadd.s32 $0xFFFFCF10  }
0x83: {  	s31 =	sadd.s32 $0x0, s10;
	[bflag:$0x0] =	sbarrier.arrive $0xFFFF  }
0x84: {  	[tilespmem:s13], [sflag:$0x1] =	stream.linear.gather [hbm4b:s31+s3], $0x80, $0x38;
	[tilespmem:$0x1C880] =	vst v63  }
0x85: {  	_ =	swait.ge [sflag:s12], $0x80  }
0x86: {  	[sflag:s12] =	ssyncset.done $0x0  }
0x87: {  	[sflag:s12] =	ssyncadd.s32 $0xFFFFFF80  }
0x88: {  	[tilespmem:s14], [sflag:$0x1] =	stream.linear.gather [hbm4b:s9+s3], $0x4000, $0x38;
	[tilespmem:$0x1C880] =	vst v63  }
0x89: {  	_ =	swait.ge [sflag:s12], $0x4000  }
0x8a: {  	[sflag:s12] =	ssyncset.done $0x0  }
0x8b: {  	[sflag:s12] =	ssyncadd.s32 $0xFFFFC000  }
0x8c: {  	v3 =	vld [tilespmem:$0x187C0]  }
0x8d: {  	s21 =	sadd.s32 $0x800, s9;
	v5 =	vld [tilespmem:$0x18790]  }
0x8e: {  	s22 =	simm.s32 $0x20;
	s20 =	simm.s32 $0x10;
	s19 =	smov.u32 s21;
	v4 =	vld [tilespmem:$0x187F0]  }
.LBB2_4:
0x8f: {  	p0 =	sne.s32 s22, $0x19F0  }
0x90: {  	s21 =	sadd.s32 $0x800, s21;
	v6 =	vld [tilespmem:$0x187B0];
	s23 =	smov.u32 s22;
	s22 =	sadd.s32 $0x10, s22  }
0x91: {  	v7 =	vld [tilespmem:$0x187A0]  }
0x92: {  	v8 =	vld [tilespmem:$0x18780]  }
0x93: {  	vm1 =	vge.s32 v3, v1;
	vm0 =	vlt.s32 v5, v2;
	v9 =	vsub.s32 v5, v1;
	v10 =	vld [tilespmem:$0x187E0]  }
0x94: {  	vm3 =	vlt.s32 v3, v2;
	vm2 =	vge.s32 v5, v1;
	v5 =	vld [tilespmem:$0x187D0];
	vm4 =	vge.s32 v4, v1  }
0x95: {  	v3 =	vsub.s32 v3, v1;
	vm6 =	vlt.s32 v4, v2;
	vm5 =	vlt.s32 v6, v2  }
0x96: {  	v4 =	vsub.s32 v4, v1;
	vm8 =	vge.s32 v6, v1;
	vm7 =	vlt.s32 v7, v2  }
0x97: {  	vm4 =	vmand vm4, vm6;
	vm10 =	vge.s32 v7, v1;
	vm9 =	vlt.s32 v8, v2  }
0x98: {  	vm0 =	vmand vm2, vm0;
	v4 =	vnsel vm4, $0x30E0, v4;
	vm6 =	vge.s32 v8, v1  }
0x99: {  	v9 =	vnsel vm0, $0x30E0, v9;
	vm2 =	vge.s32 v10, v1;
	vm0 =	vlt.s32 v5, v2;
	[tilespmem:$0x18870] =	vst v4  }
0x9a: {  	vm1 =	vmand vm1, vm3;
	vm4 =	vlt.s32 v10, v2;
	vm3 =	vge.s32 v5, v1;
	[tilespmem:$0x18810] =	vst v9  }
0x9b: {  	v3 =	vnsel vm1, $0x30E0, v3;
	vm5 =	vmand vm8, vm5;
	v4 =	vsub.s32 v6, v1  }
0x9c: {  	vm1 =	vmand vm10, vm7;
	v6 =	vsub.s32 v7, v1;
	v4 =	vnsel vm5, $0x30E0, v4;
	[tilespmem:$0x18840] =	vst v3  }
0x9d: {  	vm5 =	vmand vm6, vm9;
	v6 =	vnsel vm1, $0x30E0, v6;
	v3 =	vsub.s32 v8, v1;
	[tilespmem:$0x18830] =	vst v4  }
0x9e: {  	vm1 =	vmand vm2, vm4;
	v3 =	vnsel vm5, $0x30E0, v3;
	v4 =	vsub.s32 v10, v1;
	[tilespmem:$0x18820] =	vst v6  }
0x9f: {  	vm0 =	vmand vm3, vm0;
	v4 =	vnsel vm1, $0x30E0, v4;
	[tilespmem:$0x18800] =	vst v3;
	v3 =	vsub.s32 v5, v1  }
0xa0: {  	v3 =	vnsel vm0, $0x30E0, v3;
	[tilespmem:$0x18860] =	vst v4  }
0xa1: {  	[tilespmem:$0x18850] =	vst v3  }
0xa2: {  	[spmem:s2] =	stream.indirect.scatter.add.f32 [tilespmem:s14], [sflag:$0x1], $0x80, s16, s15, $0xb8;
	[tilespmem:$0x1C880] =	vst v63  }
0xa3: {  	_ =	swait.ge [sflag:s12], $0x4000  }
0xa4: {  	[sflag:s12] =	ssyncset.done $0x0  }
0xa5: {  	s24 =	sadd.s32 s20, s10;
	s20 =	smov.u32 s23;
	[sflag:s12] =	ssyncadd.s32 $0xFFFFC000  }
0xa6: {  	[tilespmem:s13], [sflag:$0x1] =	stream.linear.gather [hbm4b:s24+s3], $0x80, $0x38;
	[tilespmem:$0x1C880] =	vst v63  }
0xa7: {  	_ =	swait.ge [sflag:s12], $0x80  }
0xa8: {  	[sflag:s12] =	ssyncset.done $0x0  }
0xa9: {  	[sflag:s12] =	ssyncadd.s32 $0xFFFFFF80  }
0xaa: {  	[tilespmem:s14], [sflag:$0x1] =	stream.linear.gather [hbm4b:s19+s3], $0x4000, $0x38;
	[tilespmem:$0x1C880] =	vst v63  }
0xab: {  	s19 =	smov.u32 s21;
	_ =	swait.ge [sflag:s12], $0x4000  }
.Ltmp1:
0xac: {  	[sflag:s12] =	ssyncset.done $0x0;
	(pc) =	sbr.rel @p0 .LBB2_4-.Ltmp1, $4  }
0xad: {  	[sflag:s12] =	ssyncadd.s32 $0xFFFFC000  }
0xae: {  	v3 =	vld [tilespmem:$0x187C0]  }
0xaf: {  	v5 =	vld [tilespmem:$0x18790]  }
0xb0: {  	v4 =	vld [tilespmem:$0x187F0]  }
0xb1: {  	v6 =	vld [tilespmem:$0x187B0]  }
0xb2: {  	v7 =	vld [tilespmem:$0x187A0]  }
0xb3: {  	v8 =	vld [tilespmem:$0x18780];
	vm1 =	vge.s32 v3, v1;
	vm3 =	vlt.s32 v3, v2;
	v3 =	vsub.s32 v3, v1  }
0xb4: {  	v47 =	vld [tilespmem:$0x187D0];
	vm0 =	vlt.s32 v5, v2;
	v9 =	vsub.s32 v5, v1;
	vm2 =	vge.s32 v5, v1  }
0xb5: {  	v10 =	vld [tilespmem:$0x187E0];
	vm1 =	vmand vm1, vm3;
	vm4 =	vge.s32 v4, v1;
	vm6 =	vlt.s32 v4, v2  }
0xb6: {  	v48 =	vsub.s32 v4, v1;
	vm0 =	vmand vm2, vm0;
	v3 =	vnsel vm1, $0x30E0, v3  }
0xb7: {  	vm5 =	vlt.s32 v6, v2;
	vm7 =	vlt.s32 v7, v2;
	vm8 =	vge.s32 v6, v1  }
0xb8: {  	vm9 =	vlt.s32 v8, v2;
	vm10 =	vge.s32 v7, v1;
	vm4 =	vmand vm4, vm6  }
0xb9: {  	vm13 =	vge.s32 v8, v1;
	v9 =	vnsel vm0, $0x30E0, v9;
	vm0 =	vlt.s32 v47, v2  }
0xba: {  	vm14 =	vge.s32 v10, v1;
	vm15 =	vge.s32 v47, v1;
	vm11 =	vlt.s32 v10, v2;
	[tilespmem:$0x18840] =	vst v3  }
0xbb: {  	v49 =	vsub.s32 v6, v1;
	v4 =	vnsel vm4, $0x30E0, v48;
	[tilespmem:$0x18810] =	vst v9;
	vm5 =	vmand vm8, vm5  }
0xbc: {  	v50 =	vsub.s32 v7, v1;
	vm12 =	vmand vm10, vm7;
	[tilespmem:$0x18870] =	vst v4;
	v4 =	vnsel vm5, $0x30E0, v49  }
0xbd: {  	v3 =	vsub.s32 v8, v1;
	vm13 =	vmand vm13, vm9;
	v6 =	vnsel vm12, $0x30E0, v50;
	[tilespmem:$0x18830] =	vst v4  }
0xbe: {  	v51 =	vsub.s32 v10, v1;
	vm14 =	vmand vm14, vm11;
	v3 =	vnsel vm13, $0x30E0, v3;
	[tilespmem:$0x18820] =	vst v6  }
0xbf: {  	vm0 =	vmand vm15, vm0;
	[tilespmem:$0x18800] =	vst v3;
	v3 =	vsub.s32 v47, v1;
	v4 =	vnsel vm14, $0x30E0, v51  }
0xc0: {  	v3 =	vnsel vm0, $0x30E0, v3;
	[tilespmem:$0x18860] =	vst v4  }
0xc1: {  	[tilespmem:$0x18850] =	vst v3  }
0xc2: {  	[spmem:s2] =	stream.indirect.scatter.add.f32 [tilespmem:s14], [sflag:$0x1], $0x80, s16, s15, $0xb8;
	[tilespmem:$0x1C880] =	vst v63  }
0xc3: {  	_ =	swait.ge [sflag:s12], $0x4000  }
0xc4: {  	[sflag:s12] =	ssyncset.done $0x0  }
0xc5: {  	s20 =	sadd.s32 s20, s10;
	[sflag:s12] =	ssyncadd.s32 $0xFFFFC000  }
0xc6: {  	[tilespmem:s13], [sflag:$0x1] =	stream.linear.gather [hbm4b:s20+s3], $0x80, $0x38;
	[tilespmem:$0x1C880] =	vst v63  }
0xc7: {  	_ =	swait.ge [sflag:s12], $0x80  }
0xc8: {  	[sflag:s12] =	ssyncset.done $0x0  }
0xc9: {  	[sflag:s12] =	ssyncadd.s32 $0xFFFFFF80  }
0xca: {  	[tilespmem:s14], [sflag:$0x1] =	stream.linear.gather [hbm4b:s19+s3], $0x4000, $0x38;
	[tilespmem:$0x1C880] =	vst v63  }
0xcb: {  	_ =	swait.ge [sflag:s12], $0x4000  }
0xcc: {  	[sflag:s12] =	ssyncset.done $0x0  }
0xcd: {  	[sflag:s12] =	ssyncadd.s32 $0xFFFFC000  }
0xce: {  	v3 =	vld [tilespmem:$0x187C0]  }
0xcf: {  	v52 =	vld [tilespmem:$0x18790]  }
0xd0: {  	v53 =	vld [tilespmem:$0x187F0]  }
0xd1: {  	v54 =	vld [tilespmem:$0x187B0]  }
0xd2: {  	v55 =	vld [tilespmem:$0x187A0]  }
0xd3: {  	v56 =	vld [tilespmem:$0x18780]  }
0xd4: {  	v59 =	vld [tilespmem:$0x187D0];
	vm0 =	vlt.s32 v52, v2;
	v57 =	vsub.s32 v52, v1;
	vm1 =	vge.s32 v3, v1  }
0xd5: {  	vm2 =	vge.s32 v52, v1;
	vm3 =	vlt.s32 v3, v2;
	vm15 =	vge.s32 v53, v1  }
0xd6: {  	v58 =	vld [tilespmem:$0x187E0];
	vm5 =	vlt.s32 v54, v2;
	v3 =	vsub.s32 v3, v1;
	vm12 =	vlt.s32 v53, v2  }
0xd7: {  	vm7 =	vlt.s32 v55, v2;
	vm8 =	vge.s32 v54, v1;
	v5 =	vsub.s32 v53, v1  }
0xd8: {  	vm9 =	vlt.s32 v56, v2;
	vm13 =	vge.s32 v55, v1;
	vm14 =	vge.s32 v56, v1  }
0xd9: {  	vm11 =	vge.s32 v59, v1;
	v60 =	vsub.s32 v54, v1;
	vm4 =	vmand vm15, vm12  }
0xda: {  	v61 =	vsub.s32 v55, v1;
	vm0 =	vmand vm2, vm0;
	v5 =	vnsel vm4, $0x30E0, v5  }
0xdb: {  	v62 =	vsub.s32 v58, v1;
	vm1 =	vmand vm1, vm3;
	v9 =	vnsel vm0, $0x30E0, v57;
	[tilespmem:$0x18870] =	vst v5  }
0xdc: {  	vm15 =	vge.s32 v58, v1;
	vm13 =	vmand vm13, vm7;
	v3 =	vnsel vm1, $0x30E0, v3;
	[tilespmem:$0x18810] =	vst v9  }
0xdd: {  	vm12 =	vlt.s32 v58, v2;
	vm5 =	vmand vm8, vm5;
	v6 =	vnsel vm13, $0x30E0, v61;
	[tilespmem:$0x18840] =	vst v3  }
0xde: {  	vm14 =	vmand vm14, vm9;
	v5 =	vnsel vm5, $0x30E0, v60;
	v3 =	vsub.s32 v56, v1;
	[tilespmem:$0x18820] =	vst v6  }
0xdf: {  	vm0 =	vlt.s32 v59, v2;
	vm15 =	vmand vm15, vm12;
	[tilespmem:$0x18830] =	vst v5;
	v3 =	vnsel vm14, $0x30E0, v3  }
0xe0: {  	vm0 =	vmand vm11, vm0;
	v63 =	vnsel vm15, $0x30E0, v62;
	[tilespmem:$0x18800] =	vst v3;
	v3 =	vsub.s32 v59, v1  }
0xe1: {  	[tilespmem:$0x18860] =	vst v63;
	v3 =	vnsel vm0, $0x30E0, v3  }
0xe2: {  	[tilespmem:$0x18850] =	vst v3  }
0xe3: {  	[spmem:s2] =	stream.indirect.scatter.add.f32 [tilespmem:s14], [sflag:$0x1], $0x80, s16, s15, $0xb8;
	[tilespmem:$0x1C880] =	vst v63  }
0xe4: {  	_ =	swait.ge [sflag:s12], $0x4000  }
0xe5: {  	s18 =	sadd.s32 $0x1, s18;
	[sflag:s12] =	ssyncset.done $0x0  }
0xe6: {  	p0 =	sne.s32 s18, s8;
	[sflag:s12] =	ssyncadd.s32 $0xFFFFC000  }
.Ltmp2:
0xe7: {  	[bflag:$0x0] =	sbarrier.arrive $0xFFFF;
	(pc) =	sbr.rel @p0 .LBB2_1-.Ltmp2, $4  }
0xe8: {  	[hbm:s7], [sflag:s5] =	dma.local [spmem:s17], $0x30E0  }
0xe9: {  	_ =	swait.ge [sflag:s12], $0x30E0  }
0xea: {  	[sflag:s12] =	ssyncset.done $0x0  }
0xeb: {  	[sflag:s12] =	ssyncadd.s32 $0xFFFFCF20  }
0xec: {  	_ =	sfence.sel $0x180000  }
0xed: {  	[bflag:$0x0] =	sbarrier.arrive $0xFFFF  }
0xee: {  	p0 =	sne.s32 s0, $0x0;
	_ =	strace $0x90000050  }
0xef: {  	s0 =	sadd.s32 @!p0 $0x100000, s1;
	[bflag:$0x2] =	sbarrier.arrive $0xFFFF  }
0xf0: {  	[sflag:s0] =	ssyncadd.tile.s32 @!p0 $0x1;
	_ =	shalt  }
.Lfunc_end2:
_tile_overlayer_lowered:
.L_overlay_start_2:
0xf1: {  	(tag) =	ssettag $0x2  }
0xf2: {  	s0 =	rddreg [dreg:$0x0];
	s2 =	stileid.u32  }
0xf3: {  	s1 =	rddreg [dreg:$0x1];
	p0 =	sne.s32 s2, $0x0  }
0xf4: {  	s3 =	rddreg [dreg:$0x2];
	[bflag:$0x3] =	sbarrier.arrive $0xFFFF;
	s2 =	simm.s32 @!p0 $0x1C01  }
0xf5: {  	[timem:s3], [sflag:s2] =	dma.local @!p0 [hbm:s0], s1  }
0xf6: {  	s0 =	simm.s32 @!p0 $0x1  }
0xf7: {  	_ =	swait.ge @!p0 [sflag:s0], s1  }
0xf8: {  	s1 =	ssub.s32 @!p0 $0x0, s1;
	[sflag:s0] =	ssyncset.done @!p0 $0x0  }
0xf9: {  	[sflag:s0] =	ssyncadd.s32 @!p0 s1  }
0xfa: {  	[bflag:$0x3] =	sbarrier.arrive $0xFFFF  }
0xfb: {  	_ =	shalt  }

// kernel: kernel.38.cloned.1.call-start
scs
__scs_entry_jumppad:
0x0: {  	(pc) =	sbr.rel $0x88, $3  }
0x1: {  	(tag) =	ssettag $0x0;
	lr =	simm.s32 $0x1  }
0x2: {  	[smem:$0x3F89] =	sst lr;
	_ =	strace $0xD0000000  }
0x3: {  	_ = 	snop  }
0x4: {  	_ = 	snop  }
0x5: {  	_ = 	snop  }
0x6: {  	_ = 	snop  }
0x7: {  	_ = 	snop  }
__scs_overlays_trampoline_lowered:
0x8: {  	[smem:$0x3F98] =	sst s0  }
0x9: {  	[smem:$0x3F99] =	sst s1  }
0xa: {  	[smem:$0x3F9A] =	sst s2  }
0xb: {  	[smem:$0x3F9B] =	sst s3  }
0xc: {  	[smem:$0x3F9C] =	sst s4  }
0xd: {  	[smem:$0x3F9D] =	sst s5  }
0xe: {  	[smem:$0x3F9E] =	sst s6  }
0xf: {  	[smem:$0x3F9F] =	sst s7  }
0x10: {  	[smem:$0x3FA0] =	sst s8  }
0x11: {  	[smem:$0x3FA1] =	sst s9;
	s0 =	simm.s32 @!p0 $0x0  }
0x12: {  	s1 =	sld [smem:$0x3F87];
	s0 =	simm.s32 @p0 $0x1  }
0x13: {  	[smem:$0x3FA2] =	sst s0;
	s0 =	simm.s32 @!p1 $0x0  }
0x14: {  	s2 =	sld [smem:$0x3F86];
	s0 =	simm.s32 @p1 $0x1  }
0x15: {  	[smem:$0x3FA3] =	sst s0;
	s0 =	simm.s32 @!p2 $0x0  }
0x16: {  	s3 =	sld [smem:$0x3FDB];
	s0 =	simm.s32 @p2 $0x1  }
0x17: {  	s4 =	simm.s32 $0x1BF5;
	[smem:$0x3FA5] =	sst s0  }
0x18: {  	s0 =	sld [smem:$0x3F88];
	_ =	swait.ge [sflag:s4], $0x0  }
0x19: {  	s7 =	sld [smem:$0x3F89]  }
0x1a: {  	s8 =	sadd.s32 $0xFFFFE003, lr  }
0x1b: {  	s9 =	sadd.s32 $0xFFFFFEF7, lr;
	s5 =	simm.s32 $0xFFFFFFFF;
	p2 =	slt.u32 s8, $0xFFFFF086  }
0x1c: {  	p1 =	slt.u32 s9, $0xF7A;
	s5 =	simm.s32 @!p2 $0x0  }
0x1d: {  	s5 =	simm.s32 @p1 $0x1;
	p0 =	seq.s32 s7, s2  }
0x1e: {  	s7 =	smul.u32 @!p0 $0xF7A, s2;
	p2 =	seq.s32 @!p0 s5, $0x0  }
0x1f: {  	s9 =	smul.u32 $0xF7A, s1;
	s8 =	simm.s32 @!p0 $0x1BF5;
	p2 =	por !p2, p0  }
0x20: {  	[sflag:s8] =	ssyncset.s32 @!p0 $0xFFFFF086;
	s6 =	sadd.s32 @!p0 s3, s7;
	s7 =	simm.s32 @!p0 $0x108  }
0x21: {  	s3 =	sadd.s32 s3, s9;
	s6 =	sadd.s32 @!p0 $0x88, s6;
	s7 =	simm.s32 @p2 $0x1082  }
0x22: {  	[simem:s7], [sflag:s8] =	dma.local @!p0 [hbm:s6], $0xF7A  }
0x23: {  	s9 =	sor.u32 $0xD0000000, s2;
	s6 =	simm.s32 $0x108;
	_ =	swait.ge @!p0 [sflag:s8], $0x0  }
0x24: {  	s3 =	sadd.s32 $0x88, s3;
	s6 =	simm.s32 @!p1 $0x1082;
	[sflag:s4] =	ssyncset.s32 $0xFFFFF086  }
0x25: {  	[simem:s6], [sflag:s4] =	dma.local [hbm:s3], $0xF7A  }
0x26: {  	[smem:$0x3F89] =	sst s1;
	(tag) =	ssettag s2;
	_ =	strace s9  }
0x27: {  	s1 =	sld [smem:$0x3F99]  }
0x28: {  	s2 =	sld [smem:$0x3F9A]  }
0x29: {  	s4 =	sld [smem:$0x3F9C]  }
0x2a: {  	p0 =	seq.s32 s5, $0x0;
	s5 =	sld [smem:$0x3F9D]  }
0x2b: {  	s6 =	sld [smem:$0x3F9E]  }
0x2c: {  	s7 =	sld [smem:$0x3F9F]  }
0x2d: {  	s3 =	simm.s32 $0x108;
	s8 =	sld [smem:$0x3FA0]  }
0x2e: {  	s3 =	simm.s32 @!p0 $0x1082;
	s9 =	sld [smem:$0x3FA1]  }
0x2f: {  	lr =	sadd.s32 s0, s3;
	s0 =	sld [smem:$0x3F98]  }
0x30: {  	s3 =	sld [smem:$0x3F9B]  }
0x31: {  	[smem:$0x3FA4] =	sst s10  }
0x32: {  	s10 =	sld [smem:$0x3FA2];
	_ =	sdelay $0x3  }
0x33: {  	p0 =	seq.s32 s10, $0x1;
	s10 =	sld [smem:$0x3FA4];
	_ =	sdelay $0x3  }
0x34: {  	[smem:$0x3FA4] =	sst s10  }
0x35: {  	s10 =	sld [smem:$0x3FA3];
	_ =	sdelay $0x3  }
0x36: {  	p1 =	seq.s32 s10, $0x1;
	s10 =	sld [smem:$0x3FA4];
	_ =	sdelay $0x3  }
0x37: {  	[smem:$0x3FA4] =	sst s10  }
0x38: {  	s10 =	sld [smem:$0x3FA5]  }
0x39: {  	_ = 	snop;
	(pc) =	sbr.ind lr, $3  }
0x3a: {  	_ = 	snop  }
0x3b: {  	_ = 	snop  }
0x3c: {  	p2 =	seq.s32 s10, $0x1;
	s10 =	sld [smem:$0x3FA4]  }
0x3d: {  	_ =	shalt  }
0x3e: {  	_ =	shalt  }
0x3f: {  	_ =	shalt  }
0x40: {  	_ =	shalt  }
0x41: {  	_ =	shalt  }
0x42: {  	_ =	shalt  }
0x43: {  	_ =	shalt  }
0x44: {  	_ =	shalt  }
0x45: {  	_ =	shalt  }
0x46: {  	_ =	shalt  }
0x47: {  	_ =	shalt  }
0x48: {  	_ =	shalt  }
0x49: {  	_ =	shalt  }
0x4a: {  	_ =	shalt  }
0x4b: {  	_ =	shalt  }
0x4c: {  	_ =	shalt  }
0x4d: {  	_ =	shalt  }
0x4e: {  	_ =	shalt  }
0x4f: {  	_ =	shalt  }
0x50: {  	_ =	shalt  }
0x51: {  	_ =	shalt  }
0x52: {  	_ =	shalt  }
0x53: {  	_ =	shalt  }
0x54: {  	_ =	shalt  }
0x55: {  	_ =	shalt  }
0x56: {  	_ =	shalt  }
0x57: {  	_ =	shalt  }
0x58: {  	_ =	shalt  }
0x59: {  	_ =	shalt  }
0x5a: {  	_ =	shalt  }
0x5b: {  	_ =	shalt  }
0x5c: {  	_ =	shalt  }
0x5d: {  	_ =	shalt  }
0x5e: {  	_ =	shalt  }
0x5f: {  	_ =	shalt  }
0x60: {  	_ =	shalt  }
0x61: {  	_ =	shalt  }
0x62: {  	_ =	shalt  }
0x63: {  	_ =	shalt  }
0x64: {  	_ =	shalt  }
0x65: {  	_ =	shalt  }
0x66: {  	_ =	shalt  }
0x67: {  	_ =	shalt  }
0x68: {  	_ =	shalt  }
0x69: {  	_ =	shalt  }
0x6a: {  	_ =	shalt  }
0x6b: {  	_ =	shalt  }
0x6c: {  	_ =	shalt  }
0x6d: {  	_ =	shalt  }
0x6e: {  	_ =	shalt  }
0x6f: {  	_ =	shalt  }
0x70: {  	_ =	shalt  }
0x71: {  	_ =	shalt  }
0x72: {  	_ =	shalt  }
0x73: {  	_ =	shalt  }
0x74: {  	_ =	shalt  }
0x75: {  	_ =	shalt  }
0x76: {  	_ =	shalt  }
0x77: {  	_ =	shalt  }
0x78: {  	_ =	shalt  }
0x79: {  	_ =	shalt  }
0x7a: {  	_ =	shalt  }
0x7b: {  	_ =	shalt  }
0x7c: {  	_ =	shalt  }
0x7d: {  	_ =	shalt  }
0x7e: {  	_ =	shalt  }
0x7f: {  	_ =	shalt  }
0x80: {  	_ =	shalt  }
0x81: {  	_ =	shalt  }
0x82: {  	_ =	shalt  }
0x83: {  	_ =	shalt  }
0x84: {  	_ =	shalt  }
0x85: {  	_ =	shalt  }
0x86: {  	_ =	shalt  }
0x87: {  	_ =	shalt  }
.Lfunc_end0:
.L_simem_size_0:
called_computation.3_lowered:
.L_overlay_start_0:
0x88: {  	s2 =	sld [smem:$0x3FD9]  }
0x89: {  	s3 =	sld [smem:$0x3FFE];
	_ =	sdelay $0x1  }
0x8a: {  	s1 =	srdreg.scid  }
0x8b: {  	s0 =	sand.u32 $0x1, s1  }
0x8c: {  	s16 =	sshll.u32 s0, $0xA;
	s2 =	sadd.s32 s3, s2  }
0x8d: {  	s2 =	sadd.s32 s2, s16  }
0x8e: {  	[smem:$0x3FB0] =	sst s2  }
0x8f: {  	_ = 	snop  }
0x90: {  	(tm) =	ssettm $0x1  }
0x91: {  	s17 =	sld [smem:$0x3FFB];
	_ =	sdelay $0x3  }
0x92: {  	_ =	strace s17  }
0x93: {  	s2 =	sld [smem:$0x3FFC];
	_ =	sdelay $0x3  }
0x94: {  	_ =	strace s2  }
0x95: {  	s2 =	sld [smem:$0x3FFD];
	_ =	sdelay $0x3  }
0x96: {  	_ =	strace s2  }
0x97: {  	_ =	strace $0x8FFFFFFF  }
0x98: {  	s18 =	sld [smem:$0x3FDB];
	_ =	sdelay $0x1  }
0x99: {  	s19 =	simm.s32 $_scs_section_size  }
0x9a: {  	s4 =	simm.s32 $_size__tile_overlayer_lowered;
	s5 =	simm.s32 $_tile_overlayer_lowered  }
0x9b: {  	s22 =	simm.s32 $0x1BFF;
	s21 =	sshll.u32 s5, $0x1;
	s2 =	sadd.s32 s19, s18  }
0x9c: {  	s6 =	simm.s32 $0x0;
	s20 =	sshll.u32 s4, $0x1;
	s4 =	sadd.s32 s21, s2  }
0x9d: {  	[timem:s6], [sflag:s22] =	dma.local [hbm:s4], s20  }
0x9e: {  	_ =	swait.ge [sflag:s22], s20  }
0x9f: {  	s3 =	ssub.s32 $0x0, s20;
	[sflag:s22] =	ssyncset.done $0x0  }
0xa0: {  	[sflag:s22] =	ssyncadd.s32 s3;
	_ =	sdelay $0x1  }
0xa1: {  	s23 =	simm.s32 $0x1B8B  }
0xa2: {  	_ =	swait.ge [sflag:s23], $0x1  }
0xa3: {  	[sflag:s23] =	ssyncset.done $0x0  }
0xa4: {  	s25 =	simm.s32 $0x1B8E;
	s24 =	sld [smem:$0x3FFE];
	[sflag:s23] =	ssyncadd.s32 $0xFFFFFFFF  }
0xa5: {  	s26 =	simm.s32 $execute0_lowered;
	[smem:$0x3FD2] =	sst s25  }
0xa6: {  	s4 =	sshll.u32 s26, $0x1;
	_ =	strace $0x8000004C;
	[dreg:$0x1] =	wrdreg $0xFFFFFFFF  }
0xa7: {  	s28 =	simm.s32 $_size_execute0_lowered;
	s2 =	sadd.s32 s2, s4;
	[dreg:$0x0] =	wrdreg $0x0  }
0xa8: {  	s4 =	sshll.u32 s28, $0x1;
	[dreg:$0x2] =	wrdreg s2  }
0xa9: {  	[dreg:$0x3] =	wrdreg s4  }
0xaa: {  	[dreg:$0x4] =	wrdreg $0xC0  }
0xab: {  	_ =	task [dreg:s6], $0x5FFFF  }
0xac: {  	[dreg:$0x1] =	wrdreg $0xFFFFFFFF  }
0xad: {  	[dreg:$0x0] =	wrdreg $0x60  }
0xae: {  	[dreg:$0x2] =	wrdreg s24  }
0xaf: {  	[dreg:$0x3] =	wrdreg $0x0  }
0xb0: {  	[dreg:$0x4] =	wrdreg $0xA  }
0xb1: {  	_ =	task.clear_ibuf [dreg:s6], $0x5FFFF;
	_ =	strace $0x9000004C  }
0xb2: {  	s29 =	simm.s32 $0xA;
	_ =	strace $0x8000004E  }
0xb3: {  	_ =	swait.ge [sflag:s29], $0x1  }
0xb4: {  	[sflag:s29] =	ssyncadd.s32 $0xFFFFFFFF  }
0xb5: {  	_ =	strace $0x9000004E  }
0xb6: {  	_ =	sfence  }
0xb7: {  	s30 =	sld [smem:$0x0];
	_ =	sdelay $0x2  }
0xb8: {  	s31 =	sshll.u32 s1, $0xD;
	s1 =	sshrl.u32 s1, $0x2  }
0xb9: {  	s3 =	sand.u32 $0x4000, s31;
	s1 =	sadd.s32 s1, s30  }
0xba: {  	s0 =	sor.u32 s3, s0;
	s1 =	sshll.u32 s1, $0x11  }
0xbb: {  	s0 =	sor.u32 s1, s0  }
0xbc: {  	s0 =	sadd.s32 $0x8F2B, s0  }
0xbd: {  	[sflag:s0] =	ssyncadd.remote.s32 $0x1  }
0xbe: {  	_ =	sfence.sel $0xFFFF  }
0xbf: {  	[dreg:$0x0] =	wrdreg $0xFFFFFFFF;
	(pc) =	sbr.abs _section_cstart, $3  }
0xc0: {  	[dreg:$0x1] =	wrdreg $0xFFFFFFFF  }
0xc1: {  	_ =	task.clear_ibuf [dreg:s6], $0x2FFFF;
	_ =	strace $0x9FFFFFFF  }
0xc2: {  	(tm) =	ssettm $0x7FFFFFFF  }
0xc3: {  	_ =	shalt  }
tec
execute0_lowered:
.L_overlay_start_1:
0x0: {  	(tag) =	ssettag $0x1  }
0x1: {  	s6 =	rddreg [dreg:$0x0]  }
0x2: {  	s1 =	rddreg [dreg:$0x1]  }
0x3: {  	s0 =	rddreg [dreg:$0x2];
	s3 =	simm.s32 $0x0;
	s2 =	srdreg.scid  }
0x4: {  	[smem:$0x7FF] =	sst s3;
	s7 =	sand.u32 $0x1, s2  }
0x5: {  	s2 =	stileid.u32;
	s4 =	sadd.s32 $0xED8A00, s6;
	s15 =	smul.u32 $0x61C0, s7  }
0x6: {  	s5 =	sadd.s32 $0xE1400, s6;
	_ =	strace $0x8000004D;
	s8 =	smul.u32 $0x61C, s2  }
0x7: {  	s9 =	smul.u32 $0x61D0, s2;
	s7 =	ssub.s32 $0x2, s7;
	s30 =	sshll.u32 s2, $0x6  }
0x8: {  	s14 =	smul.u32 $0x18700, s2;
	s11 =	sshrl.u32 s7, $0x1;
	s8 =	sadd.s32 s8, s15  }
0x9: {  	s10 =	sshrl.u32 s9, $0x3;
	s11 =	ssub.s32 s7, s11;
	s13 =	sadd.s32 s9, s1  }
0xa: {  	s7 =	sor.u32 $0x1C01, s30;
	s16 =	sadd.s32 $0x61C0, s15;
	s31 =	sshrl.u32 s14, $0x2  }
0xb: {  	s14 =	simm.s32 $0x65D0;
	v0 =	vmov s15;
	s15 =	simm.s32 $0x200;
	s8 =	sshll.u32 s8, $0x1  }
0xc: {  	s10 =	sadd.s32 s10, s6;
	s17 =	sadd.s32 s31, s1;
	v1 =	vmov s16;
	s16 =	simm.s32 $0x63D0  }
0xd: {  	s12 =	sadd.s32 s8, s6;
	s6 =	sadd.s32 $0x5600, s10;
	s8 =	smul.u32 $0xD000, s2  }
0xe: {  	s10 =	smax.u32 s11, $0x1;
	s11 =	sshrl.u32 s13, $0x3;
	s13 =	simm.s32 $0x61D0  }
0xf: {  	s17 =	sshrl.u32 s17, $0x3;
	s9 =	sadd.s32 $0x11A00, s12;
	s12 =	simm.s32 $0x1  }
.LBB2_1:
0x10: {  	[spmem:s11], [sflag:s7] =	dma.local [hbm:s6], $0xC3A  }
0x11: {  	_ =	swait.ge [sflag:s12], $0xC3A  }
0x12: {  	[sflag:s12] =	ssyncset.done $0x0  }
0x13: {  	[sflag:s12] =	ssyncadd.s32 $0xFFFFF3C6  }
0x14: {  	s18 =	simm.s32 $0x0;
	[bflag:$0x0] =	sbarrier.arrive $0xFFFF  }
.LBB2_2:
0x15: {  	s19 =	sshll.u32 s18, $0x9  }
0x16: {  	s19 =	sadd.s32 s8, s19  }
0x17: {  	s20 =	sshrl.u32 s19, $0x3  }
0x18: {  	s21 =	simm.s32 $0x0;
	s20 =	sadd.s32 s5, s20  }
0x19: {  	[tilespmem:s13], [sflag:$0x1] =	stream.linear.gather [hbm4b:s20+s21], $0x200, $0x38;
	[tilespmem:$0x85D0] =	vst v63  }
0x1a: {  	_ =	swait.ge [sflag:s12], $0x200  }
0x1b: {  	s19 =	sshll.u32 s19, $0x1;
	[sflag:s12] =	ssyncset.done $0x0  }
0x1c: {  	s19 =	sadd.s32 s4, s19;
	[sflag:s12] =	ssyncadd.s32 $0xFFFFFE00  }
0x1d: {  	[tilespmem:s14], [sflag:$0x1] =	stream.linear.gather [hbm4b:s19+s21], $0x2000, $0x38;
	[tilespmem:$0x85D0] =	vst v63  }
0x1e: {  	_ =	swait.ge [sflag:s12], $0x2000  }
0x1f: {  	[sflag:s12] =	ssyncset.done $0x0  }
0x20: {  	s19 =	simm.s32 $0x0;
	[sflag:s12] =	ssyncadd.s32 $0xFFFFE000  }
0x21: {  	s20 =	simm.s32 $0x40;
	v2 =	vld [tilespmem:s19+$0x61D0]  }
.LBB2_3:
0x22: {  	_ =	sdelay $0x1  }
0x23: {  	p0 =	sne.s32 s20, $0x7C0  }
.Ltmp0:
0x24: {  	_ = 	snop;
	(pc) =	sbr.rel @p0 .LBB2_3-.Ltmp0, $4  }
0x25: {  	vm0 =	vge.s32 v2, v0;
	vm1 =	vlt.s32 v2, v1  }
0x26: {  	v3 =	vsub.s32 v2, v0;
	vm0 =	vmand vm0, vm1  }
0x27: {  	s21 =	sshra.s32 s20, $0x2;
	v3 =	vnsel vm0, $0x61C0, v3  }
0x28: {  	s20 =	sadd.s32 $0x40, s20;
	v2 =	vld [tilespmem:s21+$0x61D0];
	[tilespmem:s19+$0x63D0] =	vst v3;
	s19 =	smov.u32 s21  }
0x29: {  	_ =	sdelay $0x3  }
0x2a: {  	vm0 =	vge.s32 v2, v0;
	vm1 =	vlt.s32 v2, v1  }
0x2b: {  	s18 =	sadd.s32 $0x1, s18;
	v2 =	vsub.s32 v2, v0;
	vm0 =	vmand vm0, vm1  }
0x2c: {  	p0 =	sne.s32 s18, $0x68;
	v2 =	vnsel vm0, $0x61C0, v2  }
.Ltmp1:
0x2d: {  	[tilespmem:s19+$0x63D0] =	vst v2;
	(pc) =	sbr.rel @p0 .LBB2_2-.Ltmp1, $4  }
0x2e: {  	[spmem:s1] =	stream.indirect.scatter.add.f32 [tilespmem:s14], [sflag:$0x1], $0x10, s16, s15, $0xb8;
	[tilespmem:$0x85D0] =	vst v63  }
0x2f: {  	_ =	swait.ge [sflag:s12], $0x2000  }
0x30: {  	[sflag:s12] =	ssyncset.done $0x0  }
0x31: {  	[sflag:s12] =	ssyncadd.s32 $0xFFFFE000  }
0x32: {  	s3 =	sadd.s32 $0x1, s3  }
0x33: {  	p0 =	sne.s32 s3, s10  }
.Ltmp2:
0x34: {  	[bflag:$0x0] =	sbarrier.arrive $0xFFFF;
	(pc) =	sbr.rel @p0 .LBB2_1-.Ltmp2, $4  }
0x35: {  	[hbm:s9], [sflag:s7] =	dma.local [spmem:s17], $0xC38  }
0x36: {  	_ =	swait.ge [sflag:s12], $0xC38  }
0x37: {  	[sflag:s12] =	ssyncset.done $0x0  }
0x38: {  	[sflag:s12] =	ssyncadd.s32 $0xFFFFF3C8  }
0x39: {  	_ =	sfence.sel $0x180000  }
0x3a: {  	[bflag:$0x0] =	sbarrier.arrive $0xFFFF  }
0x3b: {  	p0 =	sne.s32 s2, $0x0;
	_ =	strace $0x9000004D  }
0x3c: {  	s0 =	sadd.s32 @!p0 $0x100000, s0;
	[bflag:$0x2] =	sbarrier.arrive $0xFFFF  }
0x3d: {  	[sflag:s0] =	ssyncadd.tile.s32 @!p0 $0x1;
	_ =	shalt  }
.Lfunc_end2:
_tile_overlayer_lowered:
.L_overlay_start_2:
0x3e: {  	(tag) =	ssettag $0x2  }
0x3f: {  	s0 =	rddreg [dreg:$0x0];
	s2 =	stileid.u32  }
0x40: {  	s1 =	rddreg [dreg:$0x1];
	p0 =	sne.s32 s2, $0x0  }
0x41: {  	s3 =	rddreg [dreg:$0x2];
	[bflag:$0x3] =	sbarrier.arrive $0xFFFF;
	s2 =	simm.s32 @!p0 $0x1C01  }
0x42: {  	[timem:s3], [sflag:s2] =	dma.local @!p0 [hbm:s0], s1  }
0x43: {  	s0 =	simm.s32 @!p0 $0x1  }
0x44: {  	_ =	swait.ge @!p0 [sflag:s0], s1  }
0x45: {  	s1 =	ssub.s32 @!p0 $0x0, s1;
	[sflag:s0] =	ssyncset.done @!p0 $0x0  }
0x46: {  	[sflag:s0] =	ssyncadd.s32 @!p0 s1  }
0x47: {  	[bflag:$0x3] =	sbarrier.arrive $0xFFFF  }
0x48: {  	_ =	shalt  }

// kernel: kernel.41.cloned.1.call-start
scs
__scs_entry_jumppad:
0x0: {  	(pc) =	sbr.rel $0x88, $3  }
0x1: {  	(tag) =	ssettag $0x0;
	lr =	simm.s32 $0x1  }
0x2: {  	[smem:$0x3F89] =	sst lr;
	_ =	strace $0xD0000000  }
0x3: {  	_ = 	snop  }
0x4: {  	_ = 	snop  }
0x5: {  	_ = 	snop  }
0x6: {  	_ = 	snop  }
0x7: {  	_ = 	snop  }
__scs_overlays_trampoline_lowered:
0x8: {  	[smem:$0x3F98] =	sst s0  }
0x9: {  	[smem:$0x3F99] =	sst s1  }
0xa: {  	[smem:$0x3F9A] =	sst s2  }
0xb: {  	[smem:$0x3F9B] =	sst s3  }
0xc: {  	[smem:$0x3F9C] =	sst s4  }
0xd: {  	[smem:$0x3F9D] =	sst s5  }
0xe: {  	[smem:$0x3F9E] =	sst s6  }
0xf: {  	[smem:$0x3F9F] =	sst s7  }
0x10: {  	[smem:$0x3FA0] =	sst s8  }
0x11: {  	[smem:$0x3FA1] =	sst s9;
	s0 =	simm.s32 @!p0 $0x0  }
0x12: {  	s1 =	sld [smem:$0x3F87];
	s0 =	simm.s32 @p0 $0x1  }
0x13: {  	[smem:$0x3FA2] =	sst s0;
	s0 =	simm.s32 @!p1 $0x0  }
0x14: {  	s2 =	sld [smem:$0x3F86];
	s0 =	simm.s32 @p1 $0x1  }
0x15: {  	[smem:$0x3FA3] =	sst s0;
	s0 =	simm.s32 @!p2 $0x0  }
0x16: {  	s3 =	sld [smem:$0x3FDB];
	s0 =	simm.s32 @p2 $0x1  }
0x17: {  	s4 =	simm.s32 $0x1BF5;
	[smem:$0x3FA5] =	sst s0  }
0x18: {  	s0 =	sld [smem:$0x3F88];
	_ =	swait.ge [sflag:s4], $0x0  }
0x19: {  	s7 =	sld [smem:$0x3F89]  }
0x1a: {  	s8 =	sadd.s32 $0xFFFFE003, lr  }
0x1b: {  	s9 =	sadd.s32 $0xFFFFFEF7, lr;
	s5 =	simm.s32 $0xFFFFFFFF;
	p2 =	slt.u32 s8, $0xFFFFF086  }
0x1c: {  	p1 =	slt.u32 s9, $0xF7A;
	s5 =	simm.s32 @!p2 $0x0  }
0x1d: {  	s5 =	simm.s32 @p1 $0x1;
	p0 =	seq.s32 s7, s2  }
0x1e: {  	s7 =	smul.u32 @!p0 $0xF7A, s2;
	p2 =	seq.s32 @!p0 s5, $0x0  }
0x1f: {  	s9 =	smul.u32 $0xF7A, s1;
	s8 =	simm.s32 @!p0 $0x1BF5;
	p2 =	por !p2, p0  }
0x20: {  	[sflag:s8] =	ssyncset.s32 @!p0 $0xFFFFF086;
	s6 =	sadd.s32 @!p0 s3, s7;
	s7 =	simm.s32 @!p0 $0x108  }
0x21: {  	s3 =	sadd.s32 s3, s9;
	s6 =	sadd.s32 @!p0 $0x88, s6;
	s7 =	simm.s32 @p2 $0x1082  }
0x22: {  	[simem:s7], [sflag:s8] =	dma.local @!p0 [hbm:s6], $0xF7A  }
0x23: {  	s9 =	sor.u32 $0xD0000000, s2;
	s6 =	simm.s32 $0x108;
	_ =	swait.ge @!p0 [sflag:s8], $0x0  }
0x24: {  	s3 =	sadd.s32 $0x88, s3;
	s6 =	simm.s32 @!p1 $0x1082;
	[sflag:s4] =	ssyncset.s32 $0xFFFFF086  }
0x25: {  	[simem:s6], [sflag:s4] =	dma.local [hbm:s3], $0xF7A  }
0x26: {  	[smem:$0x3F89] =	sst s1;
	(tag) =	ssettag s2;
	_ =	strace s9  }
0x27: {  	s1 =	sld [smem:$0x3F99]  }
0x28: {  	s2 =	sld [smem:$0x3F9A]  }
0x29: {  	s4 =	sld [smem:$0x3F9C]  }
0x2a: {  	p0 =	seq.s32 s5, $0x0;
	s5 =	sld [smem:$0x3F9D]  }
0x2b: {  	s6 =	sld [smem:$0x3F9E]  }
0x2c: {  	s7 =	sld [smem:$0x3F9F]  }
0x2d: {  	s3 =	simm.s32 $0x108;
	s8 =	sld [smem:$0x3FA0]  }
0x2e: {  	s3 =	simm.s32 @!p0 $0x1082;
	s9 =	sld [smem:$0x3FA1]  }
0x2f: {  	lr =	sadd.s32 s0, s3;
	s0 =	sld [smem:$0x3F98]  }
0x30: {  	s3 =	sld [smem:$0x3F9B]  }
0x31: {  	[smem:$0x3FA4] =	sst s10  }
0x32: {  	s10 =	sld [smem:$0x3FA2];
	_ =	sdelay $0x3  }
0x33: {  	p0 =	seq.s32 s10, $0x1;
	s10 =	sld [smem:$0x3FA4];
	_ =	sdelay $0x3  }
0x34: {  	[smem:$0x3FA4] =	sst s10  }
0x35: {  	s10 =	sld [smem:$0x3FA3];
	_ =	sdelay $0x3  }
0x36: {  	p1 =	seq.s32 s10, $0x1;
	s10 =	sld [smem:$0x3FA4];
	_ =	sdelay $0x3  }
0x37: {  	[smem:$0x3FA4] =	sst s10  }
0x38: {  	s10 =	sld [smem:$0x3FA5]  }
0x39: {  	_ = 	snop;
	(pc) =	sbr.ind lr, $3  }
0x3a: {  	_ = 	snop  }
0x3b: {  	_ = 	snop  }
0x3c: {  	p2 =	seq.s32 s10, $0x1;
	s10 =	sld [smem:$0x3FA4]  }
0x3d: {  	_ =	shalt  }
0x3e: {  	_ =	shalt  }
0x3f: {  	_ =	shalt  }
0x40: {  	_ =	shalt  }
0x41: {  	_ =	shalt  }
0x42: {  	_ =	shalt  }
0x43: {  	_ =	shalt  }
0x44: {  	_ =	shalt  }
0x45: {  	_ =	shalt  }
0x46: {  	_ =	shalt  }
0x47: {  	_ =	shalt  }
0x48: {  	_ =	shalt  }
0x49: {  	_ =	shalt  }
0x4a: {  	_ =	shalt  }
0x4b: {  	_ =	shalt  }
0x4c: {  	_ =	shalt  }
0x4d: {  	_ =	shalt  }
0x4e: {  	_ =	shalt  }
0x4f: {  	_ =	shalt  }
0x50: {  	_ =	shalt  }
0x51: {  	_ =	shalt  }
0x52: {  	_ =	shalt  }
0x53: {  	_ =	shalt  }
0x54: {  	_ =	shalt  }
0x55: {  	_ =	shalt  }
0x56: {  	_ =	shalt  }
0x57: {  	_ =	shalt  }
0x58: {  	_ =	shalt  }
0x59: {  	_ =	shalt  }
0x5a: {  	_ =	shalt  }
0x5b: {  	_ =	shalt  }
0x5c: {  	_ =	shalt  }
0x5d: {  	_ =	shalt  }
0x5e: {  	_ =	shalt  }
0x5f: {  	_ =	shalt  }
0x60: {  	_ =	shalt  }
0x61: {  	_ =	shalt  }
0x62: {  	_ =	shalt  }
0x63: {  	_ =	shalt  }
0x64: {  	_ =	shalt  }
0x65: {  	_ =	shalt  }
0x66: {  	_ =	shalt  }
0x67: {  	_ =	shalt  }
0x68: {  	_ =	shalt  }
0x69: {  	_ =	shalt  }
0x6a: {  	_ =	shalt  }
0x6b: {  	_ =	shalt  }
0x6c: {  	_ =	shalt  }
0x6d: {  	_ =	shalt  }
0x6e: {  	_ =	shalt  }
0x6f: {  	_ =	shalt  }
0x70: {  	_ =	shalt  }
0x71: {  	_ =	shalt  }
0x72: {  	_ =	shalt  }
0x73: {  	_ =	shalt  }
0x74: {  	_ =	shalt  }
0x75: {  	_ =	shalt  }
0x76: {  	_ =	shalt  }
0x77: {  	_ =	shalt  }
0x78: {  	_ =	shalt  }
0x79: {  	_ =	shalt  }
0x7a: {  	_ =	shalt  }
0x7b: {  	_ =	shalt  }
0x7c: {  	_ =	shalt  }
0x7d: {  	_ =	shalt  }
0x7e: {  	_ =	shalt  }
0x7f: {  	_ =	shalt  }
0x80: {  	_ =	shalt  }
0x81: {  	_ =	shalt  }
0x82: {  	_ =	shalt  }
0x83: {  	_ =	shalt  }
0x84: {  	_ =	shalt  }
0x85: {  	_ =	shalt  }
0x86: {  	_ =	shalt  }
0x87: {  	_ =	shalt  }
.Lfunc_end0:
.L_simem_size_0:
called_computation.4_lowered:
.L_overlay_start_0:
0x88: {  	s2 =	sld [smem:$0x3FD9]  }
0x89: {  	s3 =	sld [smem:$0x3FFE];
	_ =	sdelay $0x1  }
0x8a: {  	s1 =	srdreg.scid  }
0x8b: {  	s0 =	sand.u32 $0x1, s1  }
0x8c: {  	s17 =	sshll.u32 s0, $0xA;
	s2 =	sadd.s32 s3, s2  }
0x8d: {  	s2 =	sadd.s32 s2, s17  }
0x8e: {  	[smem:$0x3FB0] =	sst s2  }
0x8f: {  	_ = 	snop  }
0x90: {  	(tm) =	ssettm $0x1  }
0x91: {  	s18 =	sld [smem:$0x3FFB];
	_ =	sdelay $0x3  }
0x92: {  	_ =	strace s18  }
0x93: {  	s2 =	sld [smem:$0x3FFC];
	_ =	sdelay $0x3  }
0x94: {  	_ =	strace s2  }
0x95: {  	s2 =	sld [smem:$0x3FFD];
	_ =	sdelay $0x3  }
0x96: {  	_ =	strace s2  }
0x97: {  	_ =	strace $0x8FFFFFFF  }
0x98: {  	s19 =	sld [smem:$0x3FDB];
	_ =	sdelay $0x1  }
0x99: {  	s20 =	simm.s32 $_scs_section_size  }
0x9a: {  	s4 =	simm.s32 $_size__tile_overlayer_lowered;
	s5 =	simm.s32 $_tile_overlayer_lowered  }
0x9b: {  	s6 =	simm.s32 $0x1BFF;
	s21 =	sshll.u32 s5, $0x1;
	s3 =	sadd.s32 s20, s19  }
0x9c: {  	s22 =	simm.s32 $0x0;
	s4 =	sshll.u32 s4, $0x1;
	s5 =	sadd.s32 s21, s3  }
0x9d: {  	[timem:s22], [sflag:s6] =	dma.local [hbm:s5], s4  }
0x9e: {  	_ =	swait.ge [sflag:s6], s4  }
0x9f: {  	s4 =	ssub.s32 $0x0, s4;
	[sflag:s6] =	ssyncset.done $0x0  }
0xa0: {  	[sflag:s6] =	ssyncadd.s32 s4;
	_ =	sdelay $0x1  }
0xa1: {  	s23 =	simm.s32 $0x1B8B  }
0xa2: {  	_ =	swait.ge [sflag:s23], $0x1  }
0xa3: {  	[sflag:s23] =	ssyncset.done $0x0  }
0xa4: {  	[sflag:s23] =	ssyncadd.s32 $0xFFFFFFFF  }
0xa5: {  	s4 =	sld [smem:$0x0]  }
0xa6: {  	s5 =	sand.u32 $0xFFFFFFFE, s1  }
0xa7: {  	p0 =	sne.s32 s1, s5  }
0xa8: {  	s5 =	sshll.u32 @p0 s5, $0xE  }
0xa9: {  	s5 =	sadd.s32 @p0 $0x11B8D, s5;
	s6 =	sshll.u32 @p0 s4, $0x11  }
0xaa: {  	s5 =	sor.u32 @p0 s6, s5  }
0xab: {  	[sflag:s5] =	ssyncadd.remote.s32 @p0 $0x1;
	_ =	sdelay $0x1  }
0xac: {  	s5 =	simm.s32 @p0 $0x1B8D  }
0xad: {  	_ =	swait.eq @p0 [sflag:s5], $0x1  }
0xae: {  	[sflag:s5] =	ssyncadd.s32 @p0 $0xFFFFFFFF  }
0xaf: {  	s6 =	sshll.u32 @!p0 s1, $0xE  }
0xb0: {  	s6 =	sor.u32 @!p0 $0x4000, s6;
	s5 =	simm.s32 @!p0 $0x1B8D  }
0xb1: {  	s4 =	sshll.u32 @!p0 s4, $0x11;
	s6 =	sadd.s32 @!p0 $0x11B8D, s6;
	_ =	swait.eq @!p0 [sflag:s5], $0x1  }
0xb2: {  	s4 =	sor.u32 @!p0 s4, s6;
	[sflag:s5] =	ssyncadd.s32 @!p0 $0xFFFFFFFF  }
0xb3: {  	s25 =	simm.s32 $0x1B8E;
	s24 =	sld [smem:$0x3FFE];
	[sflag:s4] =	ssyncadd.remote.s32 @!p0 $0x1  }
0xb4: {  	s26 =	simm.s32 $execute0_lowered;
	[smem:$0x3FD2] =	sst s25  }
0xb5: {  	s5 =	sshll.u32 s26, $0x1;
	_ =	strace $0x80000055;
	[dreg:$0x1] =	wrdreg $0xFFFFFFFF  }
0xb6: {  	s28 =	simm.s32 $_size_execute0_lowered;
	s3 =	sadd.s32 s3, s5;
	[dreg:$0x0] =	wrdreg $0x0  }
0xb7: {  	s5 =	sshll.u32 s28, $0x1;
	[dreg:$0x2] =	wrdreg s3  }
0xb8: {  	[dreg:$0x3] =	wrdreg s5  }
0xb9: {  	[dreg:$0x4] =	wrdreg $0xC0  }
0xba: {  	_ =	task [dreg:s22], $0x5FFFF  }
0xbb: {  	[dreg:$0x1] =	wrdreg $0xFFFFFFFF  }
0xbc: {  	[dreg:$0x0] =	wrdreg $0x60  }
0xbd: {  	[dreg:$0x2] =	wrdreg s24  }
0xbe: {  	[dreg:$0x3] =	wrdreg $0x9  }
0xbf: {  	_ =	task.clear_ibuf [dreg:s22], $0x4FFFF;
	_ =	strace $0x90000055  }
0xc0: {  	s29 =	simm.s32 $0x9;
	_ =	strace $0x80000057  }
0xc1: {  	_ =	swait.ge [sflag:s29], $0x1  }
0xc2: {  	[sflag:s29] =	ssyncadd.s32 $0xFFFFFFFF  }
0xc3: {  	_ =	strace $0x90000057  }
0xc4: {  	_ =	sfence  }
0xc5: {  	s30 =	sld [smem:$0x0];
	_ =	sdelay $0x2  }
0xc6: {  	s31 =	sshll.u32 s1, $0xD;
	s1 =	sshrl.u32 s1, $0x2  }
0xc7: {  	s4 =	sand.u32 $0x4000, s31;
	s1 =	sadd.s32 s1, s30  }
0xc8: {  	s0 =	sor.u32 s4, s0;
	s1 =	sshll.u32 s1, $0x11  }
0xc9: {  	s0 =	sor.u32 s1, s0  }
0xca: {  	s0 =	sadd.s32 $0x8F2B, s0  }
0xcb: {  	[sflag:s0] =	ssyncadd.remote.s32 $0x1  }
0xcc: {  	_ =	sfence.sel $0xFFFF  }
0xcd: {  	[dreg:$0x0] =	wrdreg $0xFFFFFFFF;
	(pc) =	sbr.abs _section_cstart, $3  }
0xce: {  	[dreg:$0x1] =	wrdreg $0xFFFFFFFF  }
0xcf: {  	_ =	task.clear_ibuf [dreg:s22], $0x2FFFF;
	_ =	strace $0x9FFFFFFF  }
0xd0: {  	(tm) =	ssettm $0x7FFFFFFF  }
0xd1: {  	_ =	shalt  }
tec
execute0_lowered:
.L_overlay_start_1:
0x0: {  	(tag) =	ssettag $0x1  }
0x1: {  	s4 =	rddreg [dreg:$0x0]  }
0x2: {  	s0 =	rddreg [dreg:$0x1];
	s2 =	simm.s32 $0x0  }
0x3: {  	s3 =	srdreg.scid;
	s1 =	stileid.u32;
	s13 =	simm.s32 $0xD680  }
0x4: {  	s14 =	simm.s32 $0x3;
	s15 =	simm.s32 $0x4;
	s16 =	simm.s32 $0x5  }
0x5: {  	s17 =	simm.s32 $0x6;
	s18 =	simm.s32 $0x0;
	s6 =	smul.u32 $0x68000, s1  }
0x6: {  	[smem:$0x7FF] =	sst s2;
	s5 =	sand.u32 $0x1, s3;
	s8 =	smul.u32 $0xD000, s1  }
0x7: {  	s3 =	sadd.s32 $0x11A00, s4;
	s9 =	sadd.s32 $0xEBEA00, s4;
	s11 =	smul.u32 $0x6800, s5  }
0x8: {  	s12 =	sadd.s32 $0xED8A00, s4;
	s7 =	ssub.s32 $0x2, s5;
	s5 =	smul.u32 $0x34000, s5  }
0x9: {  	_ =	strace $0x80000056;
	s10 =	sshrl.u32 s7, $0x1;
	s6 =	sadd.s32 s6, s12  }
0xa: {  	s26 =	ssub.s32 s7, s10;
	s28 =	sadd.s32 s11, s8;
	s5 =	sadd.s32 s5, s6  }
0xb: {  	s10 =	simm.s32 $0x1;
	s11 =	simm.s32 $0x680;
	s7 =	sor.u32 $0x340, s28  }
0xc: {  	s4 =	smax.u32 s26, $0x1;
	s29 =	sshrl.u32 s28, $0x3;
	s30 =	sshll.u32 s7, $0x3  }
0xd: {  	s6 =	sadd.s32 s29, s9;
	s31 =	sshrl.u32 s7, $0x3;
	s7 =	sadd.s32 s30, s12  }
0xe: {  	s8 =	sadd.s32 s31, s9;
	s9 =	simm.s32 $0x340;
	s12 =	simm.s32 $0x2  }
.LBB2_1:
0xf: {  	s19 =	sadd.s32 $0x0, s6  }
0x10: {  	[tilespmem:s2], [sflag:$0x1] =	stream.linear.gather [hbm4b:s19+s2], $0x340, $0x38;
	[tilespmem:$0x1A680] =	vst v63  }
0x11: {  	s31 =	sadd.s32 $0x0, s8  }
0x12: {  	[tilespmem:s9], [sflag:$0x2] =	stream.linear.gather [hbm4b:s31+s2], $0x340, $0x38;
	[tilespmem:$0x1A680] =	vst v63  }
0x13: {  	_ =	swait.ge [sflag:s10], $0x340  }
0x14: {  	[sflag:s10] =	ssyncset.done $0x0  }
0x15: {  	[sflag:s10] =	ssyncadd.s32 $0xFFFFFCC0  }
0x16: {  	[tilespmem:s11], [sflag:$0x3] =	stream.indirect.gather [hbm4b:s3+s9], $0x40, s2, s9, $0xb8;
	[tilespmem:$0x1A680] =	vst v63  }
0x17: {  	_ =	swait.ge [sflag:s12], $0x340  }
0x18: {  	[sflag:s12] =	ssyncset.done $0x0  }
0x19: {  	[sflag:s12] =	ssyncadd.s32 $0xFFFFFCC0  }
0x1a: {  	[tilespmem:s13], [sflag:$0x4] =	stream.indirect.gather [hbm4b:s3+s9], $0x40, s9, s9, $0xb8;
	[tilespmem:$0x1A680] =	vst v63  }
0x1b: {  	_ =	swait.ge [sflag:s14], $0xD000  }
0x1c: {  	[sflag:s14] =	ssyncset.done $0x0  }
0x1d: {  	[sflag:s14] =	ssyncadd.s32 $0xFFFF3000  }
0x1e: {  	[hbm4b:s5+s2] =	stream.linear.scatter [tilespmem:s11], [sflag:$0x5], $0xD000, $0x38;
	[tilespmem:$0x1A680] =	vst v63  }
0x1f: {  	_ =	swait.ge [sflag:s15], $0xD000  }
0x20: {  	[sflag:s15] =	ssyncset.done $0x0  }
0x21: {  	[sflag:s15] =	ssyncadd.s32 $0xFFFF3000  }
0x22: {  	[hbm4b:s7+s2] =	stream.linear.scatter [tilespmem:s13], [sflag:$0x6], $0xD000, $0x38;
	[tilespmem:$0x1A680] =	vst v63  }
0x23: {  	_ =	swait.ge [sflag:s16], $0xD000  }
0x24: {  	[sflag:s16] =	ssyncset.done $0x0  }
0x25: {  	[sflag:s16] =	ssyncadd.s32 $0xFFFF3000  }
0x26: {  	s21 =	simm.s32 $0xD0;
	s22 =	simm.s32 $0x1A0;
	_ =	swait.ge [sflag:s17], $0xD000  }
0x27: {  	s20 =	sadd.s32 $0x3400, s5;
	s19 =	sadd.s32 $0x3400, s7;
	[sflag:s17] =	ssyncset.done $0x0  }
.LBB2_2:
0x28: {  	s23 =	sadd.s32 s21, s6  }
0x29: {  	[sflag:s17] =	ssyncadd.s32 $0xFFFF3000;
	s24 =	smov.u32 s22;
	s25 =	sadd.s32 $0xD0, s22  }
0x2a: {  	[tilespmem:s2], [sflag:$0x1] =	stream.linear.gather [hbm4b:s23+s2], $0x340, $0x38;
	[tilespmem:$0x1A680] =	vst v63  }
0x2b: {  	p0 =	sne.s32 s22, $0xC30;
	s22 =	sadd.s32 s21, s8;
	s21 =	smov.u32 s24  }
0x2c: {  	[tilespmem:s9], [sflag:$0x2] =	stream.linear.gather [hbm4b:s22+s2], $0x340, $0x38;
	[tilespmem:$0x1A680] =	vst v63  }
0x2d: {  	_ =	swait.ge [sflag:s10], $0x340  }
0x2e: {  	[sflag:s10] =	ssyncset.done $0x0  }
0x2f: {  	[sflag:s10] =	ssyncadd.s32 $0xFFFFFCC0  }
0x30: {  	[tilespmem:s11], [sflag:$0x3] =	stream.indirect.gather [hbm4b:s3+s9], $0x40, s2, s9, $0xb8;
	[tilespmem:$0x1A680] =	vst v63  }
0x31: {  	_ =	swait.ge [sflag:s12], $0x340  }
0x32: {  	[sflag:s12] =	ssyncset.done $0x0  }
0x33: {  	[sflag:s12] =	ssyncadd.s32 $0xFFFFFCC0  }
0x34: {  	[tilespmem:s13], [sflag:$0x4] =	stream.indirect.gather [hbm4b:s3+s9], $0x40, s9, s9, $0xb8;
	[tilespmem:$0x1A680] =	vst v63  }
0x35: {  	_ =	swait.ge [sflag:s14], $0xD000  }
0x36: {  	[sflag:s14] =	ssyncset.done $0x0  }
0x37: {  	[sflag:s14] =	ssyncadd.s32 $0xFFFF3000  }
0x38: {  	[hbm4b:s20+s2] =	stream.linear.scatter [tilespmem:s11], [sflag:$0x5], $0xD000, $0x38;
	[tilespmem:$0x1A680] =	vst v63  }
0x39: {  	_ =	swait.ge [sflag:s15], $0xD000  }
0x3a: {  	[sflag:s15] =	ssyncset.done $0x0  }
0x3b: {  	[sflag:s15] =	ssyncadd.s32 $0xFFFF3000  }
0x3c: {  	[hbm4b:s19+s2] =	stream.linear.scatter [tilespmem:s13], [sflag:$0x6], $0xD000, $0x38;
	[tilespmem:$0x1A680] =	vst v63  }
.Ltmp0:
0x3d: {  	_ =	swait.ge [sflag:s16], $0xD000;
	(pc) =	sbr.rel @p0 .LBB2_2-.Ltmp0, $4  }
0x3e: {  	[sflag:s16] =	ssyncset.done $0x0  }
0x3f: {  	[sflag:s16] =	ssyncadd.s32 $0xFFFF3000  }
0x40: {  	s22 =	smov.u32 s25;
	_ =	swait.ge [sflag:s17], $0xD000  }
0x41: {  	s20 =	sadd.s32 $0x3400, s20;
	s19 =	sadd.s32 $0x3400, s19;
	[sflag:s17] =	ssyncset.done $0x0  }
0x42: {  	s22 =	sadd.s32 s21, s6;
	[sflag:s17] =	ssyncadd.s32 $0xFFFF3000  }
0x43: {  	[tilespmem:s2], [sflag:$0x1] =	stream.linear.gather [hbm4b:s22+s2], $0x340, $0x38;
	[tilespmem:$0x1A680] =	vst v63  }
0x44: {  	s31 =	sadd.s32 s21, s8  }
0x45: {  	[tilespmem:s9], [sflag:$0x2] =	stream.linear.gather [hbm4b:s31+s2], $0x340, $0x38;
	[tilespmem:$0x1A680] =	vst v63  }
0x46: {  	_ =	swait.ge [sflag:s10], $0x340  }
0x47: {  	[sflag:s10] =	ssyncset.done $0x0  }
0x48: {  	[sflag:s10] =	ssyncadd.s32 $0xFFFFFCC0  }
0x49: {  	[tilespmem:s11], [sflag:$0x3] =	stream.indirect.gather [hbm4b:s3+s9], $0x40, s2, s9, $0xb8;
	[tilespmem:$0x1A680] =	vst v63  }
0x4a: {  	_ =	swait.ge [sflag:s12], $0x340  }
0x4b: {  	[sflag:s12] =	ssyncset.done $0x0  }
0x4c: {  	[sflag:s12] =	ssyncadd.s32 $0xFFFFFCC0  }
0x4d: {  	[tilespmem:s13], [sflag:$0x4] =	stream.indirect.gather [hbm4b:s3+s9], $0x40, s9, s9, $0xb8;
	[tilespmem:$0x1A680] =	vst v63  }
0x4e: {  	_ =	swait.ge [sflag:s14], $0xD000  }
0x4f: {  	[sflag:s14] =	ssyncset.done $0x0  }
0x50: {  	[sflag:s14] =	ssyncadd.s32 $0xFFFF3000  }
0x51: {  	[hbm4b:s20+s2] =	stream.linear.scatter [tilespmem:s11], [sflag:$0x5], $0xD000, $0x38;
	[tilespmem:$0x1A680] =	vst v63  }
0x52: {  	_ =	swait.ge [sflag:s15], $0xD000  }
0x53: {  	[sflag:s15] =	ssyncset.done $0x0  }
0x54: {  	s18 =	sadd.s32 $0x1, s18;
	[sflag:s15] =	ssyncadd.s32 $0xFFFF3000  }
0x55: {  	[hbm4b:s19+s2] =	stream.linear.scatter [tilespmem:s13], [sflag:$0x6], $0xD000, $0x38;
	[tilespmem:$0x1A680] =	vst v63  }
0x56: {  	p0 =	sne.s32 s18, s4;
	_ =	swait.ge [sflag:s16], $0xD000  }
.Ltmp1:
0x57: {  	[sflag:s16] =	ssyncset.done $0x0;
	(pc) =	sbr.rel @p0 .LBB2_1-.Ltmp1, $4  }
0x58: {  	[sflag:s16] =	ssyncadd.s32 $0xFFFF3000  }
0x59: {  	_ =	swait.ge [sflag:s17], $0xD000  }
0x5a: {  	[sflag:s17] =	ssyncset.done $0x0  }
0x5b: {  	[sflag:s17] =	ssyncadd.s32 $0xFFFF3000  }
0x5c: {  	_ =	sfence.sel $0x180000  }
0x5d: {  	[bflag:$0x0] =	sbarrier.arrive $0xFFFF  }
0x5e: {  	p0 =	sne.s32 s1, $0x0;
	_ =	strace $0x90000056  }
0x5f: {  	s0 =	sadd.s32 @!p0 $0x100000, s0;
	[bflag:$0x2] =	sbarrier.arrive $0xFFFF  }
0x60: {  	[sflag:s0] =	ssyncadd.tile.s32 @!p0 $0x1;
	_ =	shalt  }
.Lfunc_end2:
_tile_overlayer_lowered:
.L_overlay_start_2:
0x61: {  	(tag) =	ssettag $0x2  }
0x62: {  	s0 =	rddreg [dreg:$0x0];
	s2 =	stileid.u32  }
0x63: {  	s1 =	rddreg [dreg:$0x1];
	p0 =	sne.s32 s2, $0x0  }
0x64: {  	s3 =	rddreg [dreg:$0x2];
	[bflag:$0x3] =	sbarrier.arrive $0xFFFF;
	s2 =	simm.s32 @!p0 $0x1C07  }
0x65: {  	[timem:s3], [sflag:s2] =	dma.local @!p0 [hbm:s0], s1  }
0x66: {  	s0 =	simm.s32 @!p0 $0x7  }
0x67: {  	_ =	swait.ge @!p0 [sflag:s0], s1  }
0x68: {  	s1 =	ssub.s32 @!p0 $0x0, s1;
	[sflag:s0] =	ssyncset.done @!p0 $0x0  }
0x69: {  	[sflag:s0] =	ssyncadd.s32 @!p0 s1  }
0x6a: {  	[bflag:$0x3] =	sbarrier.arrive $0xFFFF  }
0x6b: {  	_ =	shalt  }

// kernel: kernel.44.cloned.1.call-start
scs
__scs_entry_jumppad:
0x0: {  	(pc) =	sbr.rel $0x88, $3  }
0x1: {  	(tag) =	ssettag $0x0;
	lr =	simm.s32 $0x1  }
0x2: {  	[smem:$0x3F89] =	sst lr;
	_ =	strace $0xD0000000  }
0x3: {  	_ = 	snop  }
0x4: {  	_ = 	snop  }
0x5: {  	_ = 	snop  }
0x6: {  	_ = 	snop  }
0x7: {  	_ = 	snop  }
__scs_overlays_trampoline_lowered:
0x8: {  	[smem:$0x3F98] =	sst s0  }
0x9: {  	[smem:$0x3F99] =	sst s1  }
0xa: {  	[smem:$0x3F9A] =	sst s2  }
0xb: {  	[smem:$0x3F9B] =	sst s3  }
0xc: {  	[smem:$0x3F9C] =	sst s4  }
0xd: {  	[smem:$0x3F9D] =	sst s5  }
0xe: {  	[smem:$0x3F9E] =	sst s6  }
0xf: {  	[smem:$0x3F9F] =	sst s7  }
0x10: {  	[smem:$0x3FA0] =	sst s8  }
0x11: {  	[smem:$0x3FA1] =	sst s9;
	s0 =	simm.s32 @!p0 $0x0  }
0x12: {  	s1 =	sld [smem:$0x3F87];
	s0 =	simm.s32 @p0 $0x1  }
0x13: {  	[smem:$0x3FA2] =	sst s0;
	s0 =	simm.s32 @!p1 $0x0  }
0x14: {  	s2 =	sld [smem:$0x3F86];
	s0 =	simm.s32 @p1 $0x1  }
0x15: {  	[smem:$0x3FA3] =	sst s0;
	s0 =	simm.s32 @!p2 $0x0  }
0x16: {  	s3 =	sld [smem:$0x3FDB];
	s0 =	simm.s32 @p2 $0x1  }
0x17: {  	s4 =	simm.s32 $0x1BF5;
	[smem:$0x3FA5] =	sst s0  }
0x18: {  	s0 =	sld [smem:$0x3F88];
	_ =	swait.ge [sflag:s4], $0x0  }
0x19: {  	s7 =	sld [smem:$0x3F89]  }
0x1a: {  	s8 =	sadd.s32 $0xFFFFE003, lr  }
0x1b: {  	s9 =	sadd.s32 $0xFFFFFEF7, lr;
	s5 =	simm.s32 $0xFFFFFFFF;
	p2 =	slt.u32 s8, $0xFFFFF086  }
0x1c: {  	p1 =	slt.u32 s9, $0xF7A;
	s5 =	simm.s32 @!p2 $0x0  }
0x1d: {  	s5 =	simm.s32 @p1 $0x1;
	p0 =	seq.s32 s7, s2  }
0x1e: {  	s7 =	smul.u32 @!p0 $0xF7A, s2;
	p2 =	seq.s32 @!p0 s5, $0x0  }
0x1f: {  	s9 =	smul.u32 $0xF7A, s1;
	s8 =	simm.s32 @!p0 $0x1BF5;
	p2 =	por !p2, p0  }
0x20: {  	[sflag:s8] =	ssyncset.s32 @!p0 $0xFFFFF086;
	s6 =	sadd.s32 @!p0 s3, s7;
	s7 =	simm.s32 @!p0 $0x108  }
0x21: {  	s3 =	sadd.s32 s3, s9;
	s6 =	sadd.s32 @!p0 $0x88, s6;
	s7 =	simm.s32 @p2 $0x1082  }
0x22: {  	[simem:s7], [sflag:s8] =	dma.local @!p0 [hbm:s6], $0xF7A  }
0x23: {  	s9 =	sor.u32 $0xD0000000, s2;
	s6 =	simm.s32 $0x108;
	_ =	swait.ge @!p0 [sflag:s8], $0x0  }
0x24: {  	s3 =	sadd.s32 $0x88, s3;
	s6 =	simm.s32 @!p1 $0x1082;
	[sflag:s4] =	ssyncset.s32 $0xFFFFF086  }
0x25: {  	[simem:s6], [sflag:s4] =	dma.local [hbm:s3], $0xF7A  }
0x26: {  	[smem:$0x3F89] =	sst s1;
	(tag) =	ssettag s2;
	_ =	strace s9  }
0x27: {  	s1 =	sld [smem:$0x3F99]  }
0x28: {  	s2 =	sld [smem:$0x3F9A]  }
0x29: {  	s4 =	sld [smem:$0x3F9C]  }
0x2a: {  	p0 =	seq.s32 s5, $0x0;
	s5 =	sld [smem:$0x3F9D]  }
0x2b: {  	s6 =	sld [smem:$0x3F9E]  }
0x2c: {  	s7 =	sld [smem:$0x3F9F]  }
0x2d: {  	s3 =	simm.s32 $0x108;
	s8 =	sld [smem:$0x3FA0]  }
0x2e: {  	s3 =	simm.s32 @!p0 $0x1082;
	s9 =	sld [smem:$0x3FA1]  }
0x2f: {  	lr =	sadd.s32 s0, s3;
	s0 =	sld [smem:$0x3F98]  }
0x30: {  	s3 =	sld [smem:$0x3F9B]  }
0x31: {  	[smem:$0x3FA4] =	sst s10  }
0x32: {  	s10 =	sld [smem:$0x3FA2];
	_ =	sdelay $0x3  }
0x33: {  	p0 =	seq.s32 s10, $0x1;
	s10 =	sld [smem:$0x3FA4];
	_ =	sdelay $0x3  }
0x34: {  	[smem:$0x3FA4] =	sst s10  }
0x35: {  	s10 =	sld [smem:$0x3FA3];
	_ =	sdelay $0x3  }
0x36: {  	p1 =	seq.s32 s10, $0x1;
	s10 =	sld [smem:$0x3FA4];
	_ =	sdelay $0x3  }
0x37: {  	[smem:$0x3FA4] =	sst s10  }
0x38: {  	s10 =	sld [smem:$0x3FA5]  }
0x39: {  	_ = 	snop;
	(pc) =	sbr.ind lr, $3  }
0x3a: {  	_ = 	snop  }
0x3b: {  	_ = 	snop  }
0x3c: {  	p2 =	seq.s32 s10, $0x1;
	s10 =	sld [smem:$0x3FA4]  }
0x3d: {  	_ =	shalt  }
0x3e: {  	_ =	shalt  }
0x3f: {  	_ =	shalt  }
0x40: {  	_ =	shalt  }
0x41: {  	_ =	shalt  }
0x42: {  	_ =	shalt  }
0x43: {  	_ =	shalt  }
0x44: {  	_ =	shalt  }
0x45: {  	_ =	shalt  }
0x46: {  	_ =	shalt  }
0x47: {  	_ =	shalt  }
0x48: {  	_ =	shalt  }
0x49: {  	_ =	shalt  }
0x4a: {  	_ =	shalt  }
0x4b: {  	_ =	shalt  }
0x4c: {  	_ =	shalt  }
0x4d: {  	_ =	shalt  }
0x4e: {  	_ =	shalt  }
0x4f: {  	_ =	shalt  }
0x50: {  	_ =	shalt  }
0x51: {  	_ =	shalt  }
0x52: {  	_ =	shalt  }
0x53: {  	_ =	shalt  }
0x54: {  	_ =	shalt  }
0x55: {  	_ =	shalt  }
0x56: {  	_ =	shalt  }
0x57: {  	_ =	shalt  }
0x58: {  	_ =	shalt  }
0x59: {  	_ =	shalt  }
0x5a: {  	_ =	shalt  }
0x5b: {  	_ =	shalt  }
0x5c: {  	_ =	shalt  }
0x5d: {  	_ =	shalt  }
0x5e: {  	_ =	shalt  }
0x5f: {  	_ =	shalt  }
0x60: {  	_ =	shalt  }
0x61: {  	_ =	shalt  }
0x62: {  	_ =	shalt  }
0x63: {  	_ =	shalt  }
0x64: {  	_ =	shalt  }
0x65: {  	_ =	shalt  }
0x66: {  	_ =	shalt  }
0x67: {  	_ =	shalt  }
0x68: {  	_ =	shalt  }
0x69: {  	_ =	shalt  }
0x6a: {  	_ =	shalt  }
0x6b: {  	_ =	shalt  }
0x6c: {  	_ =	shalt  }
0x6d: {  	_ =	shalt  }
0x6e: {  	_ =	shalt  }
0x6f: {  	_ =	shalt  }
0x70: {  	_ =	shalt  }
0x71: {  	_ =	shalt  }
0x72: {  	_ =	shalt  }
0x73: {  	_ =	shalt  }
0x74: {  	_ =	shalt  }
0x75: {  	_ =	shalt  }
0x76: {  	_ =	shalt  }
0x77: {  	_ =	shalt  }
0x78: {  	_ =	shalt  }
0x79: {  	_ =	shalt  }
0x7a: {  	_ =	shalt  }
0x7b: {  	_ =	shalt  }
0x7c: {  	_ =	shalt  }
0x7d: {  	_ =	shalt  }
0x7e: {  	_ =	shalt  }
0x7f: {  	_ =	shalt  }
0x80: {  	_ =	shalt  }
0x81: {  	_ =	shalt  }
0x82: {  	_ =	shalt  }
0x83: {  	_ =	shalt  }
0x84: {  	_ =	shalt  }
0x85: {  	_ =	shalt  }
0x86: {  	_ =	shalt  }
0x87: {  	_ =	shalt  }
.Lfunc_end0:
.L_simem_size_0:
called_computation.5_lowered:
.L_overlay_start_0:
0x88: {  	s2 =	sld [smem:$0x3FD9]  }
0x89: {  	s3 =	sld [smem:$0x3FFE];
	_ =	sdelay $0x1  }
0x8a: {  	s1 =	srdreg.scid  }
0x8b: {  	s0 =	sand.u32 $0x1, s1  }
0x8c: {  	s16 =	sshll.u32 s0, $0xA;
	s2 =	sadd.s32 s3, s2  }
0x8d: {  	s2 =	sadd.s32 s2, s16  }
0x8e: {  	[smem:$0x3FB0] =	sst s2  }
0x8f: {  	_ = 	snop  }
0x90: {  	(tm) =	ssettm $0x1  }
0x91: {  	s17 =	sld [smem:$0x3FFB];
	_ =	sdelay $0x3  }
0x92: {  	_ =	strace s17  }
0x93: {  	s2 =	sld [smem:$0x3FFC];
	_ =	sdelay $0x3  }
0x94: {  	_ =	strace s2  }
0x95: {  	s2 =	sld [smem:$0x3FFD];
	_ =	sdelay $0x3  }
0x96: {  	_ =	strace s2  }
0x97: {  	_ =	strace $0x8FFFFFFF  }
0x98: {  	s18 =	sld [smem:$0x3FDB];
	_ =	sdelay $0x1  }
0x99: {  	s19 =	simm.s32 $_scs_section_size  }
0x9a: {  	s4 =	simm.s32 $_size__tile_overlayer_lowered;
	s5 =	simm.s32 $_tile_overlayer_lowered  }
0x9b: {  	s22 =	simm.s32 $0x1BFF;
	s21 =	sshll.u32 s5, $0x1;
	s2 =	sadd.s32 s19, s18  }
0x9c: {  	s6 =	simm.s32 $0x0;
	s20 =	sshll.u32 s4, $0x1;
	s4 =	sadd.s32 s21, s2  }
0x9d: {  	[timem:s6], [sflag:s22] =	dma.local [hbm:s4], s20  }
0x9e: {  	_ =	swait.ge [sflag:s22], s20  }
0x9f: {  	s3 =	ssub.s32 $0x0, s20;
	[sflag:s22] =	ssyncset.done $0x0  }
0xa0: {  	[sflag:s22] =	ssyncadd.s32 s3;
	_ =	sdelay $0x1  }
0xa1: {  	s23 =	simm.s32 $0x1B8B  }
0xa2: {  	_ =	swait.ge [sflag:s23], $0x1  }
0xa3: {  	[sflag:s23] =	ssyncset.done $0x0  }
0xa4: {  	s25 =	simm.s32 $0x1B8E;
	s24 =	sld [smem:$0x3FFE];
	[sflag:s23] =	ssyncadd.s32 $0xFFFFFFFF  }
0xa5: {  	s26 =	simm.s32 $execute0_lowered;
	[smem:$0x3FD2] =	sst s25  }
0xa6: {  	s4 =	sshll.u32 s26, $0x1;
	_ =	strace $0x80000052;
	[dreg:$0x1] =	wrdreg $0xFFFFFFFF  }
0xa7: {  	s28 =	simm.s32 $_size_execute0_lowered;
	s2 =	sadd.s32 s2, s4;
	[dreg:$0x0] =	wrdreg $0x0  }
0xa8: {  	s4 =	sshll.u32 s28, $0x1;
	[dreg:$0x2] =	wrdreg s2  }
0xa9: {  	[dreg:$0x3] =	wrdreg s4  }
0xaa: {  	[dreg:$0x4] =	wrdreg $0xC0  }
0xab: {  	_ =	task [dreg:s6], $0x5FFFF  }
0xac: {  	[dreg:$0x1] =	wrdreg $0xFFFFFFFF  }
0xad: {  	[dreg:$0x0] =	wrdreg $0x60  }
0xae: {  	[dreg:$0x2] =	wrdreg s24  }
0xaf: {  	[dreg:$0x3] =	wrdreg $0xA  }
0xb0: {  	_ =	task.clear_ibuf [dreg:s6], $0x4FFFF;
	_ =	strace $0x90000052  }
0xb1: {  	s29 =	simm.s32 $0xA;
	_ =	strace $0x80000054  }
0xb2: {  	_ =	swait.ge [sflag:s29], $0x1  }
0xb3: {  	[sflag:s29] =	ssyncadd.s32 $0xFFFFFFFF  }
0xb4: {  	_ =	strace $0x90000054  }
0xb5: {  	_ =	sfence  }
0xb6: {  	s30 =	sld [smem:$0x0];
	_ =	sdelay $0x2  }
0xb7: {  	s31 =	sshll.u32 s1, $0xD;
	s1 =	sshrl.u32 s1, $0x2  }
0xb8: {  	s3 =	sand.u32 $0x4000, s31;
	s1 =	sadd.s32 s1, s30  }
0xb9: {  	s0 =	sor.u32 s3, s0;
	s1 =	sshll.u32 s1, $0x11  }
0xba: {  	s0 =	sor.u32 s1, s0  }
0xbb: {  	s0 =	sadd.s32 $0x8F2B, s0  }
0xbc: {  	[sflag:s0] =	ssyncadd.remote.s32 $0x1  }
0xbd: {  	_ =	sfence.sel $0xFFFF  }
0xbe: {  	[dreg:$0x0] =	wrdreg $0xFFFFFFFF;
	(pc) =	sbr.abs _section_cstart, $3  }
0xbf: {  	[dreg:$0x1] =	wrdreg $0xFFFFFFFF  }
0xc0: {  	_ =	task.clear_ibuf [dreg:s6], $0x2FFFF;
	_ =	strace $0x9FFFFFFF  }
0xc1: {  	(tm) =	ssettm $0x7FFFFFFF  }
tec
execute0_lowered:
.L_overlay_start_1:
0x0: {  	(tag) =	ssettag $0x1  }
0x1: {  	s4 =	rddreg [dreg:$0x0]  }
0x2: {  	s0 =	rddreg [dreg:$0x1];
	s2 =	simm.s32 $0x0  }
0x3: {  	s3 =	srdreg.scid;
	s1 =	stileid.u32;
	s13 =	simm.s32 $0xD680  }
0x4: {  	s14 =	simm.s32 $0x3;
	s15 =	simm.s32 $0x4;
	s16 =	simm.s32 $0x5  }
0x5: {  	s17 =	simm.s32 $0x6;
	s18 =	simm.s32 $0x0;
	s6 =	smul.u32 $0x68000, s1  }
0x6: {  	[smem:$0x7FF] =	sst s2;
	s5 =	sand.u32 $0x1, s3;
	s8 =	smul.u32 $0xD000, s1  }
0x7: {  	s3 =	sadd.s32 $0x1BEA00, s4;
	s9 =	sadd.s32 $0xE1400, s4;
	s11 =	smul.u32 $0x6800, s5  }
0x8: {  	s12 =	sadd.s32 $0x220600, s4;
	s7 =	ssub.s32 $0x2, s5;
	s5 =	smul.u32 $0x34000, s5  }
0x9: {  	_ =	strace $0x80000053;
	s10 =	sshrl.u32 s7, $0x1;
	s6 =	sadd.s32 s6, s12  }
0xa: {  	s26 =	ssub.s32 s7, s10;
	s28 =	sadd.s32 s11, s8;
	s5 =	sadd.s32 s5, s6  }
0xb: {  	s10 =	simm.s32 $0x1;
	s11 =	simm.s32 $0x680;
	s7 =	sor.u32 $0x340, s28  }
0xc: {  	s4 =	smax.u32 s26, $0x1;
	s29 =	sshrl.u32 s28, $0x3;
	s30 =	sshll.u32 s7, $0x3  }
0xd: {  	s6 =	sadd.s32 s29, s9;
	s31 =	sshrl.u32 s7, $0x3;
	s7 =	sadd.s32 s30, s12  }
0xe: {  	s8 =	sadd.s32 s31, s9;
	s9 =	simm.s32 $0x340;
	s12 =	simm.s32 $0x2  }
.LBB2_1:
0xf: {  	s19 =	sadd.s32 $0x0, s6  }
0x10: {  	[tilespmem:s2], [sflag:$0x1] =	stream.linear.gather [hbm4b:s19+s2], $0x340, $0x38;
	[tilespmem:$0x1A680] =	vst v63  }
0x11: {  	s31 =	sadd.s32 $0x0, s8  }
0x12: {  	[tilespmem:s9], [sflag:$0x2] =	stream.linear.gather [hbm4b:s31+s2], $0x340, $0x38;
	[tilespmem:$0x1A680] =	vst v63  }
0x13: {  	_ =	swait.ge [sflag:s10], $0x340  }
0x14: {  	[sflag:s10] =	ssyncset.done $0x0  }
0x15: {  	[sflag:s10] =	ssyncadd.s32 $0xFFFFFCC0  }
0x16: {  	[tilespmem:s11], [sflag:$0x3] =	stream.indirect.gather [hbm4b:s3+s9], $0x40, s2, s9, $0xb8;
	[tilespmem:$0x1A680] =	vst v63  }
0x17: {  	_ =	swait.ge [sflag:s12], $0x340  }
0x18: {  	[sflag:s12] =	ssyncset.done $0x0  }
0x19: {  	[sflag:s12] =	ssyncadd.s32 $0xFFFFFCC0  }
0x1a: {  	[tilespmem:s13], [sflag:$0x4] =	stream.indirect.gather [hbm4b:s3+s9], $0x40, s9, s9, $0xb8;
	[tilespmem:$0x1A680] =	vst v63  }
0x1b: {  	_ =	swait.ge [sflag:s14], $0xD000  }
0x1c: {  	[sflag:s14] =	ssyncset.done $0x0  }
0x1d: {  	[sflag:s14] =	ssyncadd.s32 $0xFFFF3000  }
0x1e: {  	[hbm4b:s5+s2] =	stream.linear.scatter [tilespmem:s11], [sflag:$0x5], $0xD000, $0x38;
	[tilespmem:$0x1A680] =	vst v63  }
0x1f: {  	_ =	swait.ge [sflag:s15], $0xD000  }
0x20: {  	[sflag:s15] =	ssyncset.done $0x0  }
0x21: {  	[sflag:s15] =	ssyncadd.s32 $0xFFFF3000  }
0x22: {  	[hbm4b:s7+s2] =	stream.linear.scatter [tilespmem:s13], [sflag:$0x6], $0xD000, $0x38;
	[tilespmem:$0x1A680] =	vst v63  }
0x23: {  	_ =	swait.ge [sflag:s16], $0xD000  }
0x24: {  	[sflag:s16] =	ssyncset.done $0x0  }
0x25: {  	[sflag:s16] =	ssyncadd.s32 $0xFFFF3000  }
0x26: {  	s21 =	simm.s32 $0xD0;
	s22 =	simm.s32 $0x1A0;
	_ =	swait.ge [sflag:s17], $0xD000  }
0x27: {  	s20 =	sadd.s32 $0x3400, s5;
	s19 =	sadd.s32 $0x3400, s7;
	[sflag:s17] =	ssyncset.done $0x0  }
.LBB2_2:
0x28: {  	s23 =	sadd.s32 s21, s6  }
0x29: {  	[sflag:s17] =	ssyncadd.s32 $0xFFFF3000;
	s24 =	smov.u32 s22;
	s25 =	sadd.s32 $0xD0, s22  }
0x2a: {  	[tilespmem:s2], [sflag:$0x1] =	stream.linear.gather [hbm4b:s23+s2], $0x340, $0x38;
	[tilespmem:$0x1A680] =	vst v63  }
0x2b: {  	p0 =	sne.s32 s22, $0xC30;
	s22 =	sadd.s32 s21, s8;
	s21 =	smov.u32 s24  }
0x2c: {  	[tilespmem:s9], [sflag:$0x2] =	stream.linear.gather [hbm4b:s22+s2], $0x340, $0x38;
	[tilespmem:$0x1A680] =	vst v63  }
0x2d: {  	_ =	swait.ge [sflag:s10], $0x340  }
0x2e: {  	[sflag:s10] =	ssyncset.done $0x0  }
0x2f: {  	[sflag:s10] =	ssyncadd.s32 $0xFFFFFCC0  }
0x30: {  	[tilespmem:s11], [sflag:$0x3] =	stream.indirect.gather [hbm4b:s3+s9], $0x40, s2, s9, $0xb8;
	[tilespmem:$0x1A680] =	vst v63  }
0x31: {  	_ =	swait.ge [sflag:s12], $0x340  }
0x32: {  	[sflag:s12] =	ssyncset.done $0x0  }
0x33: {  	[sflag:s12] =	ssyncadd.s32 $0xFFFFFCC0  }
0x34: {  	[tilespmem:s13], [sflag:$0x4] =	stream.indirect.gather [hbm4b:s3+s9], $0x40, s9, s9, $0xb8;
	[tilespmem:$0x1A680] =	vst v63  }
0x35: {  	_ =	swait.ge [sflag:s14], $0xD000  }
0x36: {  	[sflag:s14] =	ssyncset.done $0x0  }
0x37: {  	[sflag:s14] =	ssyncadd.s32 $0xFFFF3000  }
0x38: {  	[hbm4b:s20+s2] =	stream.linear.scatter [tilespmem:s11], [sflag:$0x5], $0xD000, $0x38;
	[tilespmem:$0x1A680] =	vst v63  }
0x39: {  	_ =	swait.ge [sflag:s15], $0xD000  }
0x3a: {  	[sflag:s15] =	ssyncset.done $0x0  }
0x3b: {  	[sflag:s15] =	ssyncadd.s32 $0xFFFF3000  }
0x3c: {  	[hbm4b:s19+s2] =	stream.linear.scatter [tilespmem:s13], [sflag:$0x6], $0xD000, $0x38;
	[tilespmem:$0x1A680] =	vst v63  }
.Ltmp0:
0x3d: {  	_ =	swait.ge [sflag:s16], $0xD000;
	(pc) =	sbr.rel @p0 .LBB2_2-.Ltmp0, $4  }
0x3e: {  	[sflag:s16] =	ssyncset.done $0x0  }
0x3f: {  	[sflag:s16] =	ssyncadd.s32 $0xFFFF3000  }
0x40: {  	s22 =	smov.u32 s25;
	_ =	swait.ge [sflag:s17], $0xD000  }
0x41: {  	s20 =	sadd.s32 $0x3400, s20;
	s19 =	sadd.s32 $0x3400, s19;
	[sflag:s17] =	ssyncset.done $0x0  }
0x42: {  	s22 =	sadd.s32 s21, s6;
	[sflag:s17] =	ssyncadd.s32 $0xFFFF3000  }
0x43: {  	[tilespmem:s2], [sflag:$0x1] =	stream.linear.gather [hbm4b:s22+s2], $0x340, $0x38;
	[tilespmem:$0x1A680] =	vst v63  }
0x44: {  	s31 =	sadd.s32 s21, s8  }
0x45: {  	[tilespmem:s9], [sflag:$0x2] =	stream.linear.gather [hbm4b:s31+s2], $0x340, $0x38;
	[tilespmem:$0x1A680] =	vst v63  }
0x46: {  	_ =	swait.ge [sflag:s10], $0x340  }
0x47: {  	[sflag:s10] =	ssyncset.done $0x0  }
0x48: {  	[sflag:s10] =	ssyncadd.s32 $0xFFFFFCC0  }
0x49: {  	[tilespmem:s11], [sflag:$0x3] =	stream.indirect.gather [hbm4b:s3+s9], $0x40, s2, s9, $0xb8;
	[tilespmem:$0x1A680] =	vst v63  }
0x4a: {  	_ =	swait.ge [sflag:s12], $0x340  }
0x4b: {  	[sflag:s12] =	ssyncset.done $0x0  }
0x4c: {  	[sflag:s12] =	ssyncadd.s32 $0xFFFFFCC0  }
0x4d: {  	[tilespmem:s13], [sflag:$0x4] =	stream.indirect.gather [hbm4b:s3+s9], $0x40, s9, s9, $0xb8;
	[tilespmem:$0x1A680] =	vst v63  }
0x4e: {  	_ =	swait.ge [sflag:s14], $0xD000  }
0x4f: {  	[sflag:s14] =	ssyncset.done $0x0  }
0x50: {  	[sflag:s14] =	ssyncadd.s32 $0xFFFF3000  }
0x51: {  	[hbm4b:s20+s2] =	stream.linear.scatter [tilespmem:s11], [sflag:$0x5], $0xD000, $0x38;
	[tilespmem:$0x1A680] =	vst v63  }
0x52: {  	_ =	swait.ge [sflag:s15], $0xD000  }
0x53: {  	[sflag:s15] =	ssyncset.done $0x0  }
0x54: {  	s18 =	sadd.s32 $0x1, s18;
	[sflag:s15] =	ssyncadd.s32 $0xFFFF3000  }
0x55: {  	[hbm4b:s19+s2] =	stream.linear.scatter [tilespmem:s13], [sflag:$0x6], $0xD000, $0x38;
	[tilespmem:$0x1A680] =	vst v63  }
0x56: {  	p0 =	sne.s32 s18, s4;
	_ =	swait.ge [sflag:s16], $0xD000  }
.Ltmp1:
0x57: {  	[sflag:s16] =	ssyncset.done $0x0;
	(pc) =	sbr.rel @p0 .LBB2_1-.Ltmp1, $4  }
0x58: {  	[sflag:s16] =	ssyncadd.s32 $0xFFFF3000  }
0x59: {  	_ =	swait.ge [sflag:s17], $0xD000  }
0x5a: {  	[sflag:s17] =	ssyncset.done $0x0  }
0x5b: {  	[sflag:s17] =	ssyncadd.s32 $0xFFFF3000  }
0x5c: {  	_ =	sfence.sel $0x180000  }
0x5d: {  	[bflag:$0x0] =	sbarrier.arrive $0xFFFF  }
0x5e: {  	p0 =	sne.s32 s1, $0x0;
	_ =	strace $0x90000053  }
0x5f: {  	s0 =	sadd.s32 @!p0 $0x100000, s0;
	[bflag:$0x2] =	sbarrier.arrive $0xFFFF  }
0x60: {  	[sflag:s0] =	ssyncadd.tile.s32 @!p0 $0x1;
	_ =	shalt  }
.Lfunc_end2:
_tile_overlayer_lowered:
.L_overlay_start_2:
0x61: {  	(tag) =	ssettag $0x2  }
0x62: {  	s0 =	rddreg [dreg:$0x0];
	s2 =	stileid.u32  }
0x63: {  	s1 =	rddreg [dreg:$0x1];
	p0 =	sne.s32 s2, $0x0  }
0x64: {  	s3 =	rddreg [dreg:$0x2];
	[bflag:$0x3] =	sbarrier.arrive $0xFFFF;
	s2 =	simm.s32 @!p0 $0x1C07  }
0x65: {  	[timem:s3], [sflag:s2] =	dma.local @!p0 [hbm:s0], s1  }
0x66: {  	s0 =	simm.s32 @!p0 $0x7  }
0x67: {  	_ =	swait.ge @!p0 [sflag:s0], s1  }
0x68: {  	s1 =	ssub.s32 @!p0 $0x0, s1;
	[sflag:s0] =	ssyncset.done @!p0 $0x0  }
0x69: {  	[sflag:s0] =	ssyncadd.s32 @!p0 s1  }
0x6a: {  	[bflag:$0x3] =	sbarrier.arrive $0xFFFF  }
0x6b: {  	_ =	shalt  }

// kernel: kernel.47.cloned.1.call-start
scs
__scs_entry_jumppad:
0x0: {  	(pc) =	sbr.rel $0x88, $3  }
0x1: {  	(tag) =	ssettag $0x0;
	lr =	simm.s32 $0x1  }
0x2: {  	[smem:$0x3F89] =	sst lr;
	_ =	strace $0xD0000000  }
0x3: {  	_ = 	snop  }
0x4: {  	_ = 	snop  }
0x5: {  	_ = 	snop  }
0x6: {  	_ = 	snop  }
0x7: {  	_ = 	snop  }
__scs_overlays_trampoline_lowered:
0x8: {  	[smem:$0x3F98] =	sst s0  }
0x9: {  	[smem:$0x3F99] =	sst s1  }
0xa: {  	[smem:$0x3F9A] =	sst s2  }
0xb: {  	[smem:$0x3F9B] =	sst s3  }
0xc: {  	[smem:$0x3F9C] =	sst s4  }
0xd: {  	[smem:$0x3F9D] =	sst s5  }
0xe: {  	[smem:$0x3F9E] =	sst s6  }
0xf: {  	[smem:$0x3F9F] =	sst s7  }
0x10: {  	[smem:$0x3FA0] =	sst s8  }
0x11: {  	[smem:$0x3FA1] =	sst s9;
	s0 =	simm.s32 @!p0 $0x0  }
0x12: {  	s1 =	sld [smem:$0x3F87];
	s0 =	simm.s32 @p0 $0x1  }
0x13: {  	[smem:$0x3FA2] =	sst s0;
	s0 =	simm.s32 @!p1 $0x0  }
0x14: {  	s2 =	sld [smem:$0x3F86];
	s0 =	simm.s32 @p1 $0x1  }
0x15: {  	[smem:$0x3FA3] =	sst s0;
	s0 =	simm.s32 @!p2 $0x0  }
0x16: {  	s3 =	sld [smem:$0x3FDB];
	s0 =	simm.s32 @p2 $0x1  }
0x17: {  	s4 =	simm.s32 $0x1BF5;
	[smem:$0x3FA5] =	sst s0  }
0x18: {  	s0 =	sld [smem:$0x3F88];
	_ =	swait.ge [sflag:s4], $0x0  }
0x19: {  	s7 =	sld [smem:$0x3F89]  }
0x1a: {  	s8 =	sadd.s32 $0xFFFFE003, lr  }
0x1b: {  	s9 =	sadd.s32 $0xFFFFFEF7, lr;
	s5 =	simm.s32 $0xFFFFFFFF;
	p2 =	slt.u32 s8, $0xFFFFF086  }
0x1c: {  	p1 =	slt.u32 s9, $0xF7A;
	s5 =	simm.s32 @!p2 $0x0  }
0x1d: {  	s5 =	simm.s32 @p1 $0x1;
	p0 =	seq.s32 s7, s2  }
0x1e: {  	s7 =	smul.u32 @!p0 $0xF7A, s2;
	p2 =	seq.s32 @!p0 s5, $0x0  }
0x1f: {  	s9 =	smul.u32 $0xF7A, s1;
	s8 =	simm.s32 @!p0 $0x1BF5;
	p2 =	por !p2, p0  }
0x20: {  	[sflag:s8] =	ssyncset.s32 @!p0 $0xFFFFF086;
	s6 =	sadd.s32 @!p0 s3, s7;
	s7 =	simm.s32 @!p0 $0x108  }
0x21: {  	s3 =	sadd.s32 s3, s9;
	s6 =	sadd.s32 @!p0 $0x88, s6;
	s7 =	simm.s32 @p2 $0x1082  }
0x22: {  	[simem:s7], [sflag:s8] =	dma.local @!p0 [hbm:s6], $0xF7A  }
0x23: {  	s9 =	sor.u32 $0xD0000000, s2;
	s6 =	simm.s32 $0x108;
	_ =	swait.ge @!p0 [sflag:s8], $0x0  }
0x24: {  	s3 =	sadd.s32 $0x88, s3;
	s6 =	simm.s32 @!p1 $0x1082;
	[sflag:s4] =	ssyncset.s32 $0xFFFFF086  }
0x25: {  	[simem:s6], [sflag:s4] =	dma.local [hbm:s3], $0xF7A  }
0x26: {  	[smem:$0x3F89] =	sst s1;
	(tag) =	ssettag s2;
	_ =	strace s9  }
0x27: {  	s1 =	sld [smem:$0x3F99]  }
0x28: {  	s2 =	sld [smem:$0x3F9A]  }
0x29: {  	s4 =	sld [smem:$0x3F9C]  }
0x2a: {  	p0 =	seq.s32 s5, $0x0;
	s5 =	sld [smem:$0x3F9D]  }
0x2b: {  	s6 =	sld [smem:$0x3F9E]  }
0x2c: {  	s7 =	sld [smem:$0x3F9F]  }
0x2d: {  	s3 =	simm.s32 $0x108;
	s8 =	sld [smem:$0x3FA0]  }
0x2e: {  	s3 =	simm.s32 @!p0 $0x1082;
	s9 =	sld [smem:$0x3FA1]  }
0x2f: {  	lr =	sadd.s32 s0, s3;
	s0 =	sld [smem:$0x3F98]  }
0x30: {  	s3 =	sld [smem:$0x3F9B]  }
0x31: {  	[smem:$0x3FA4] =	sst s10  }
0x32: {  	s10 =	sld [smem:$0x3FA2];
	_ =	sdelay $0x3  }
0x33: {  	p0 =	seq.s32 s10, $0x1;
	s10 =	sld [smem:$0x3FA4];
	_ =	sdelay $0x3  }
0x34: {  	[smem:$0x3FA4] =	sst s10  }
0x35: {  	s10 =	sld [smem:$0x3FA3];
	_ =	sdelay $0x3  }
0x36: {  	p1 =	seq.s32 s10, $0x1;
	s10 =	sld [smem:$0x3FA4];
	_ =	sdelay $0x3  }
0x37: {  	[smem:$0x3FA4] =	sst s10  }
0x38: {  	s10 =	sld [smem:$0x3FA5]  }
0x39: {  	_ = 	snop;
	(pc) =	sbr.ind lr, $3  }
0x3a: {  	_ = 	snop  }
0x3b: {  	_ = 	snop  }
0x3c: {  	p2 =	seq.s32 s10, $0x1;
	s10 =	sld [smem:$0x3FA4]  }
0x3d: {  	_ =	shalt  }
0x3e: {  	_ =	shalt  }
0x3f: {  	_ =	shalt  }
0x40: {  	_ =	shalt  }
0x41: {  	_ =	shalt  }
0x42: {  	_ =	shalt  }
0x43: {  	_ =	shalt  }
0x44: {  	_ =	shalt  }
0x45: {  	_ =	shalt  }
0x46: {  	_ =	shalt  }
0x47: {  	_ =	shalt  }
0x48: {  	_ =	shalt  }
0x49: {  	_ =	shalt  }
0x4a: {  	_ =	shalt  }
0x4b: {  	_ =	shalt  }
0x4c: {  	_ =	shalt  }
0x4d: {  	_ =	shalt  }
0x4e: {  	_ =	shalt  }
0x4f: {  	_ =	shalt  }
0x50: {  	_ =	shalt  }
0x51: {  	_ =	shalt  }
0x52: {  	_ =	shalt  }
0x53: {  	_ =	shalt  }
0x54: {  	_ =	shalt  }
0x55: {  	_ =	shalt  }
0x56: {  	_ =	shalt  }
0x57: {  	_ =	shalt  }
0x58: {  	_ =	shalt  }
0x59: {  	_ =	shalt  }
0x5a: {  	_ =	shalt  }
0x5b: {  	_ =	shalt  }
0x5c: {  	_ =	shalt  }
0x5d: {  	_ =	shalt  }
0x5e: {  	_ =	shalt  }
0x5f: {  	_ =	shalt  }
0x60: {  	_ =	shalt  }
0x61: {  	_ =	shalt  }
0x62: {  	_ =	shalt  }
0x63: {  	_ =	shalt  }
0x64: {  	_ =	shalt  }
0x65: {  	_ =	shalt  }
0x66: {  	_ =	shalt  }
0x67: {  	_ =	shalt  }
0x68: {  	_ =	shalt  }
0x69: {  	_ =	shalt  }
0x6a: {  	_ =	shalt  }
0x6b: {  	_ =	shalt  }
0x6c: {  	_ =	shalt  }
0x6d: {  	_ =	shalt  }
0x6e: {  	_ =	shalt  }
0x6f: {  	_ =	shalt  }
0x70: {  	_ =	shalt  }
0x71: {  	_ =	shalt  }
0x72: {  	_ =	shalt  }
0x73: {  	_ =	shalt  }
0x74: {  	_ =	shalt  }
0x75: {  	_ =	shalt  }
0x76: {  	_ =	shalt  }
0x77: {  	_ =	shalt  }
0x78: {  	_ =	shalt  }
0x79: {  	_ =	shalt  }
0x7a: {  	_ =	shalt  }
0x7b: {  	_ =	shalt  }
0x7c: {  	_ =	shalt  }
0x7d: {  	_ =	shalt  }
0x7e: {  	_ =	shalt  }
0x7f: {  	_ =	shalt  }
0x80: {  	_ =	shalt  }
0x81: {  	_ =	shalt  }
0x82: {  	_ =	shalt  }
0x83: {  	_ =	shalt  }
0x84: {  	_ =	shalt  }
0x85: {  	_ =	shalt  }
0x86: {  	_ =	shalt  }
0x87: {  	_ =	shalt  }
.Lfunc_end0:
.L_simem_size_0:
called_computation.6_lowered:
.L_overlay_start_0:
0x88: {  	s2 =	sld [smem:$0x3FD9]  }
0x89: {  	s3 =	sld [smem:$0x3FFE];
	_ =	sdelay $0x1  }
0x8a: {  	s1 =	srdreg.scid  }
0x8b: {  	s0 =	sand.u32 $0x1, s1  }
0x8c: {  	s16 =	sshll.u32 s0, $0xA;
	s2 =	sadd.s32 s3, s2  }
0x8d: {  	s2 =	sadd.s32 s2, s16  }
0x8e: {  	[smem:$0x3FB0] =	sst s2  }
0x8f: {  	_ = 	snop  }
0x90: {  	(tm) =	ssettm $0x1  }
0x91: {  	s17 =	sld [smem:$0x3FFB];
	_ =	sdelay $0x3  }
0x92: {  	_ =	strace s17  }
0x93: {  	s2 =	sld [smem:$0x3FFC];
	_ =	sdelay $0x3  }
0x94: {  	_ =	strace s2  }
0x95: {  	s2 =	sld [smem:$0x3FFD];
	_ =	sdelay $0x3  }
0x96: {  	_ =	strace s2  }
0x97: {  	_ =	strace $0x8FFFFFFF  }
0x98: {  	s18 =	sld [smem:$0x3FDB];
	_ =	sdelay $0x1  }
0x99: {  	s19 =	simm.s32 $_scs_section_size  }
0x9a: {  	s4 =	simm.s32 $_size__tile_overlayer_lowered;
	s5 =	simm.s32 $_tile_overlayer_lowered  }
0x9b: {  	s22 =	simm.s32 $0x1BFF;
	s21 =	sshll.u32 s5, $0x1;
	s2 =	sadd.s32 s19, s18  }
0x9c: {  	s6 =	simm.s32 $0x0;
	s20 =	sshll.u32 s4, $0x1;
	s4 =	sadd.s32 s21, s2  }
0x9d: {  	[timem:s6], [sflag:s22] =	dma.local [hbm:s4], s20  }
0x9e: {  	_ =	swait.ge [sflag:s22], s20  }
0x9f: {  	s3 =	ssub.s32 $0x0, s20;
	[sflag:s22] =	ssyncset.done $0x0  }
0xa0: {  	[sflag:s22] =	ssyncadd.s32 s3;
	_ =	sdelay $0x1  }
0xa1: {  	s23 =	simm.s32 $0x1B8B  }
0xa2: {  	_ =	swait.ge [sflag:s23], $0x1  }
0xa3: {  	[sflag:s23] =	ssyncset.done $0x0  }
0xa4: {  	s25 =	simm.s32 $0x1B8E;
	s24 =	sld [smem:$0x3FFE];
	[sflag:s23] =	ssyncadd.s32 $0xFFFFFFFF  }
0xa5: {  	s26 =	simm.s32 $execute0_lowered;
	[smem:$0x3FD2] =	sst s25  }
0xa6: {  	s4 =	sshll.u32 s26, $0x1;
	_ =	strace $0x80000058;
	[dreg:$0x1] =	wrdreg $0xFFFFFFFF  }
0xa7: {  	s28 =	simm.s32 $_size_execute0_lowered;
	s2 =	sadd.s32 s2, s4;
	[dreg:$0x0] =	wrdreg $0x0  }
0xa8: {  	s4 =	sshll.u32 s28, $0x1;
	[dreg:$0x2] =	wrdreg s2  }
0xa9: {  	[dreg:$0x3] =	wrdreg s4  }
0xaa: {  	[dreg:$0x4] =	wrdreg $0xC0  }
0xab: {  	_ =	task [dreg:s6], $0x5FFFF  }
0xac: {  	[dreg:$0x1] =	wrdreg $0xFFFFFFFF  }
0xad: {  	[dreg:$0x0] =	wrdreg $0x60  }
0xae: {  	[dreg:$0x2] =	wrdreg s24  }
0xaf: {  	[dreg:$0x3] =	wrdreg $0x0  }
0xb0: {  	[dreg:$0x4] =	wrdreg $0x9  }
0xb1: {  	_ =	task.clear_ibuf [dreg:s6], $0x5FFFF;
	_ =	strace $0x90000058  }
0xb2: {  	s29 =	simm.s32 $0x9;
	_ =	strace $0x8000005A  }
0xb3: {  	_ =	swait.ge [sflag:s29], $0x1  }
0xb4: {  	[sflag:s29] =	ssyncadd.s32 $0xFFFFFFFF  }
0xb5: {  	_ =	strace $0x9000005A  }
0xb6: {  	_ =	sfence  }
0xb7: {  	s30 =	sld [smem:$0x0];
	_ =	sdelay $0x2  }
0xb8: {  	s31 =	sshll.u32 s1, $0xD;
	s1 =	sshrl.u32 s1, $0x2  }
0xb9: {  	s3 =	sand.u32 $0x4000, s31;
	s1 =	sadd.s32 s1, s30  }
0xba: {  	s0 =	sor.u32 s3, s0;
	s1 =	sshll.u32 s1, $0x11  }
0xbb: {  	s0 =	sor.u32 s1, s0  }
0xbc: {  	s0 =	sadd.s32 $0x8F2B, s0  }
0xbd: {  	[sflag:s0] =	ssyncadd.remote.s32 $0x1  }
0xbe: {  	_ =	sfence.sel $0xFFFF  }
0xbf: {  	[dreg:$0x0] =	wrdreg $0xFFFFFFFF;
	(pc) =	sbr.abs _section_cstart, $3  }
0xc0: {  	[dreg:$0x1] =	wrdreg $0xFFFFFFFF  }
0xc1: {  	_ =	task.clear_ibuf [dreg:s6], $0x2FFFF;
	_ =	strace $0x9FFFFFFF  }
0xc2: {  	(tm) =	ssettm $0x7FFFFFFF  }
0xc3: {  	_ =	shalt  }
tec
execute0_lowered:
.L_overlay_start_1:
0x0: {  	(tag) =	ssettag $0x1  }
0x1: {  	s6 =	rddreg [dreg:$0x0]  }
0x2: {  	s1 =	rddreg [dreg:$0x1]  }
0x3: {  	s2 =	srdreg.scid;
	s0 =	rddreg [dreg:$0x2]  }
0x4: {  	s3 =	simm.s32 $0x0;
	s7 =	sand.u32 $0x1, s2;
	s2 =	stileid.u32  }
0x5: {  	[smem:$0x7FF] =	sst s3;
	s4 =	sadd.s32 $0xFB400, s6;
	s15 =	smul.u32 $0x61C0, s7  }
0x6: {  	s5 =	sadd.s32 $0xE1400, s6;
	s8 =	smul.u32 $0x61C, s2;
	_ =	strace $0x80000059  }
0x7: {  	s9 =	smul.u32 $0x18740, s2;
	s7 =	ssub.s32 $0x2, s7;
	s30 =	sshll.u32 s2, $0x6  }
0x8: {  	s14 =	smul.u32 $0x61C00, s2;
	s11 =	sshrl.u32 s7, $0x1;
	s8 =	sadd.s32 s8, s15  }
0x9: {  	s10 =	sshrl.u32 s9, $0x3;
	s11 =	ssub.s32 s7, s11;
	s13 =	sadd.s32 s9, s1  }
0xa: {  	s7 =	sor.u32 $0x1C01, s30;
	s16 =	sadd.s32 $0x61C0, s15;
	s31 =	sshrl.u32 s14, $0x2  }
0xb: {  	s14 =	simm.s32 $0x18940;
	v0 =	vmov s15;
	s15 =	simm.s32 $0x100;
	s8 =	sshll.u32 s8, $0x3  }
0xc: {  	s10 =	sadd.s32 s10, s6;
	s17 =	sadd.s32 s31, s1;
	v1 =	vmov s16;
	s16 =	simm.s32 $0x18840  }
0xd: {  	s12 =	sadd.s32 s8, s6;
	s6 =	sadd.s32 $0x11A00, s10;
	s8 =	smul.u32 $0xD000, s2  }
0xe: {  	s10 =	smax.u32 s11, $0x1;
	s11 =	sshrl.u32 s13, $0x3;
	s13 =	simm.s32 $0x18740  }
0xf: {  	s17 =	sshrl.u32 s17, $0x3;
	s9 =	sadd.s32 $0x42A00, s12;
	s12 =	simm.s32 $0x1  }
.LBB2_1:
0x10: {  	[spmem:s11], [sflag:s7] =	dma.local [hbm:s6], $0x30E8  }
0x11: {  	_ =	swait.ge [sflag:s12], $0x30E8  }
0x12: {  	[sflag:s12] =	ssyncset.done $0x0  }
0x13: {  	[sflag:s12] =	ssyncadd.s32 $0xFFFFCF18  }
0x14: {  	s18 =	simm.s32 $0x0;
	[bflag:$0x0] =	sbarrier.arrive $0xFFFF  }
.LBB2_2:
0x15: {  	s19 =	sshll.u32 s18, $0x8  }
0x16: {  	s19 =	sadd.s32 s8, s19  }
0x17: {  	s20 =	sshrl.u32 s19, $0x3  }
0x18: {  	s21 =	simm.s32 $0x0;
	s20 =	sadd.s32 s5, s20  }
0x19: {  	[tilespmem:s13], [sflag:$0x1] =	stream.linear.gather [hbm4b:s20+s21], $0x100, $0x38;
	[tilespmem:$0x1C940] =	vst v63  }
0x1a: {  	_ =	swait.ge [sflag:s12], $0x100  }
0x1b: {  	s19 =	sshll.u32 s19, $0x3;
	[sflag:s12] =	ssyncset.done $0x0  }
0x1c: {  	s19 =	sadd.s32 s4, s19;
	[sflag:s12] =	ssyncadd.s32 $0xFFFFFF00  }
0x1d: {  	[tilespmem:s14], [sflag:$0x1] =	stream.linear.gather [hbm4b:s19+s21], $0x4000, $0x38;
	[tilespmem:$0x1C940] =	vst v63  }
0x1e: {  	_ =	swait.ge [sflag:s12], $0x4000  }
0x1f: {  	[sflag:s12] =	ssyncset.done $0x0  }
0x20: {  	s19 =	simm.s32 $0x0;
	[sflag:s12] =	ssyncadd.s32 $0xFFFFC000  }
0x21: {  	s20 =	simm.s32 $0x40;
	v2 =	vld [tilespmem:s19+$0x18740]  }
.LBB2_3:
0x22: {  	_ =	sdelay $0x1  }
0x23: {  	p0 =	sne.s32 s20, $0x3C0  }
.Ltmp0:
0x24: {  	_ = 	snop;
	(pc) =	sbr.rel @p0 .LBB2_3-.Ltmp0, $4  }
0x25: {  	vm0 =	vge.s32 v2, v0;
	vm1 =	vlt.s32 v2, v1  }
0x26: {  	v3 =	vsub.s32 v2, v0;
	vm0 =	vmand vm0, vm1  }
0x27: {  	s21 =	sshra.s32 s20, $0x2;
	v3 =	vnsel vm0, $0x61C0, v3  }
0x28: {  	s20 =	sadd.s32 $0x40, s20;
	v2 =	vld [tilespmem:s21+$0x18740];
	[tilespmem:s19+$0x18840] =	vst v3;
	s19 =	smov.u32 s21  }
0x29: {  	_ =	sdelay $0x3  }
0x2a: {  	vm0 =	vge.s32 v2, v0;
	vm1 =	vlt.s32 v2, v1  }
0x2b: {  	s18 =	sadd.s32 $0x1, s18;
	v2 =	vsub.s32 v2, v0;
	vm0 =	vmand vm0, vm1  }
0x2c: {  	p0 =	sne.s32 s18, $0xD0;
	v2 =	vnsel vm0, $0x61C0, v2  }
.Ltmp1:
0x2d: {  	[tilespmem:s19+$0x18840] =	vst v2;
	(pc) =	sbr.rel @p0 .LBB2_2-.Ltmp1, $4  }
0x2e: {  	[spmem:s1] =	stream.indirect.scatter.add.f32 [tilespmem:s14], [sflag:$0x1], $0x40, s16, s15, $0xb8;
	[tilespmem:$0x1C940] =	vst v63  }
0x2f: {  	_ =	swait.ge [sflag:s12], $0x4000  }
0x30: {  	[sflag:s12] =	ssyncset.done $0x0  }
0x31: {  	[sflag:s12] =	ssyncadd.s32 $0xFFFFC000  }
0x32: {  	s3 =	sadd.s32 $0x1, s3  }
0x33: {  	p0 =	sne.s32 s3, s10  }
.Ltmp2:
0x34: {  	[bflag:$0x0] =	sbarrier.arrive $0xFFFF;
	(pc) =	sbr.rel @p0 .LBB2_1-.Ltmp2, $4  }
0x35: {  	[hbm:s9], [sflag:s7] =	dma.local [spmem:s17], $0x30E0  }
0x36: {  	_ =	swait.ge [sflag:s12], $0x30E0  }
0x37: {  	[sflag:s12] =	ssyncset.done $0x0  }
0x38: {  	[sflag:s12] =	ssyncadd.s32 $0xFFFFCF20  }
0x39: {  	_ =	sfence.sel $0x180000  }
0x3a: {  	[bflag:$0x0] =	sbarrier.arrive $0xFFFF  }
0x3b: {  	p0 =	sne.s32 s2, $0x0;
	_ =	strace $0x90000059  }
0x3c: {  	s0 =	sadd.s32 @!p0 $0x100000, s0;
	[bflag:$0x2] =	sbarrier.arrive $0xFFFF  }
0x3d: {  	[sflag:s0] =	ssyncadd.tile.s32 @!p0 $0x1;
	_ =	shalt  }
.Lfunc_end2:
_tile_overlayer_lowered:
.L_overlay_start_2:
0x3e: {  	(tag) =	ssettag $0x2  }
0x3f: {  	s0 =	rddreg [dreg:$0x0];
	s2 =	stileid.u32  }
0x40: {  	s1 =	rddreg [dreg:$0x1];
	p0 =	sne.s32 s2, $0x0  }
0x41: {  	s3 =	rddreg [dreg:$0x2];
	[bflag:$0x3] =	sbarrier.arrive $0xFFFF;
	s2 =	simm.s32 @!p0 $0x1C01  }
0x42: {  	[timem:s3], [sflag:s2] =	dma.local @!p0 [hbm:s0], s1  }
0x43: {  	s0 =	simm.s32 @!p0 $0x1  }
0x44: {  	_ =	swait.ge @!p0 [sflag:s0], s1  }
0x45: {  	s1 =	ssub.s32 @!p0 $0x0, s1;
	[sflag:s0] =	ssyncset.done @!p0 $0x0  }
0x46: {  	[sflag:s0] =	ssyncadd.s32 @!p0 s1  }
0x47: {  	[bflag:$0x3] =	sbarrier.arrive $0xFFFF  }
0x48: {  	_ =	shalt  }

// kernel: kernel.50.cloned.1.call-start
scs
__scs_entry_jumppad:
0x0: {  	(pc) =	sbr.rel $0x88, $3  }
0x1: {  	(tag) =	ssettag $0x0;
	lr =	simm.s32 $0x1  }
0x2: {  	[smem:$0x3F89] =	sst lr;
	_ =	strace $0xD0000000  }
0x3: {  	_ = 	snop  }
0x4: {  	_ = 	snop  }
0x5: {  	_ = 	snop  }
0x6: {  	_ = 	snop  }
0x7: {  	_ = 	snop  }
__scs_overlays_trampoline_lowered:
0x8: {  	[smem:$0x3F98] =	sst s0  }
0x9: {  	[smem:$0x3F99] =	sst s1  }
0xa: {  	[smem:$0x3F9A] =	sst s2  }
0xb: {  	[smem:$0x3F9B] =	sst s3  }
0xc: {  	[smem:$0x3F9C] =	sst s4  }
0xd: {  	[smem:$0x3F9D] =	sst s5  }
0xe: {  	[smem:$0x3F9E] =	sst s6  }
0xf: {  	[smem:$0x3F9F] =	sst s7  }
0x10: {  	[smem:$0x3FA0] =	sst s8  }
0x11: {  	[smem:$0x3FA1] =	sst s9;
	s0 =	simm.s32 @!p0 $0x0  }
0x12: {  	s1 =	sld [smem:$0x3F87];
	s0 =	simm.s32 @p0 $0x1  }
0x13: {  	[smem:$0x3FA2] =	sst s0;
	s0 =	simm.s32 @!p1 $0x0  }
0x14: {  	s2 =	sld [smem:$0x3F86];
	s0 =	simm.s32 @p1 $0x1  }
0x15: {  	[smem:$0x3FA3] =	sst s0;
	s0 =	simm.s32 @!p2 $0x0  }
0x16: {  	s3 =	sld [smem:$0x3FDB];
	s0 =	simm.s32 @p2 $0x1  }
0x17: {  	s4 =	simm.s32 $0x1BF5;
	[smem:$0x3FA5] =	sst s0  }
0x18: {  	s0 =	sld [smem:$0x3F88];
	_ =	swait.ge [sflag:s4], $0x0  }
0x19: {  	s7 =	sld [smem:$0x3F89]  }
0x1a: {  	s8 =	sadd.s32 $0xFFFFE003, lr  }
0x1b: {  	s9 =	sadd.s32 $0xFFFFFEF7, lr;
	s5 =	simm.s32 $0xFFFFFFFF;
	p2 =	slt.u32 s8, $0xFFFFF086  }
0x1c: {  	p1 =	slt.u32 s9, $0xF7A;
	s5 =	simm.s32 @!p2 $0x0  }
0x1d: {  	s5 =	simm.s32 @p1 $0x1;
	p0 =	seq.s32 s7, s2  }
0x1e: {  	s7 =	smul.u32 @!p0 $0xF7A, s2;
	p2 =	seq.s32 @!p0 s5, $0x0  }
0x1f: {  	s9 =	smul.u32 $0xF7A, s1;
	s8 =	simm.s32 @!p0 $0x1BF5;
	p2 =	por !p2, p0  }
0x20: {  	[sflag:s8] =	ssyncset.s32 @!p0 $0xFFFFF086;
	s6 =	sadd.s32 @!p0 s3, s7;
	s7 =	simm.s32 @!p0 $0x108  }
0x21: {  	s3 =	sadd.s32 s3, s9;
	s6 =	sadd.s32 @!p0 $0x88, s6;
	s7 =	simm.s32 @p2 $0x1082  }
0x22: {  	[simem:s7], [sflag:s8] =	dma.local @!p0 [hbm:s6], $0xF7A  }
0x23: {  	s9 =	sor.u32 $0xD0000000, s2;
	s6 =	simm.s32 $0x108;
	_ =	swait.ge @!p0 [sflag:s8], $0x0  }
0x24: {  	s3 =	sadd.s32 $0x88, s3;
	s6 =	simm.s32 @!p1 $0x1082;
	[sflag:s4] =	ssyncset.s32 $0xFFFFF086  }
0x25: {  	[simem:s6], [sflag:s4] =	dma.local [hbm:s3], $0xF7A  }
0x26: {  	[smem:$0x3F89] =	sst s1;
	(tag) =	ssettag s2;
	_ =	strace s9  }
0x27: {  	s1 =	sld [smem:$0x3F99]  }
0x28: {  	s2 =	sld [smem:$0x3F9A]  }
0x29: {  	s4 =	sld [smem:$0x3F9C]  }
0x2a: {  	p0 =	seq.s32 s5, $0x0;
	s5 =	sld [smem:$0x3F9D]  }
0x2b: {  	s6 =	sld [smem:$0x3F9E]  }
0x2c: {  	s7 =	sld [smem:$0x3F9F]  }
0x2d: {  	s3 =	simm.s32 $0x108;
	s8 =	sld [smem:$0x3FA0]  }
0x2e: {  	s3 =	simm.s32 @!p0 $0x1082;
	s9 =	sld [smem:$0x3FA1]  }
0x2f: {  	lr =	sadd.s32 s0, s3;
	s0 =	sld [smem:$0x3F98]  }
0x30: {  	s3 =	sld [smem:$0x3F9B]  }
0x31: {  	[smem:$0x3FA4] =	sst s10  }
0x32: {  	s10 =	sld [smem:$0x3FA2];
	_ =	sdelay $0x3  }
0x33: {  	p0 =	seq.s32 s10, $0x1;
	s10 =	sld [smem:$0x3FA4];
	_ =	sdelay $0x3  }
0x34: {  	[smem:$0x3FA4] =	sst s10  }
0x35: {  	s10 =	sld [smem:$0x3FA3];
	_ =	sdelay $0x3  }
0x36: {  	p1 =	seq.s32 s10, $0x1;
	s10 =	sld [smem:$0x3FA4];
	_ =	sdelay $0x3  }
0x37: {  	[smem:$0x3FA4] =	sst s10  }
0x38: {  	s10 =	sld [smem:$0x3FA5]  }
0x39: {  	_ = 	snop;
	(pc) =	sbr.ind lr, $3  }
0x3a: {  	_ = 	snop  }
0x3b: {  	_ = 	snop  }
0x3c: {  	p2 =	seq.s32 s10, $0x1;
	s10 =	sld [smem:$0x3FA4]  }
0x3d: {  	_ =	shalt  }
0x3e: {  	_ =	shalt  }
0x3f: {  	_ =	shalt  }
0x40: {  	_ =	shalt  }
0x41: {  	_ =	shalt  }
0x42: {  	_ =	shalt  }
0x43: {  	_ =	shalt  }
0x44: {  	_ =	shalt  }
0x45: {  	_ =	shalt  }
0x46: {  	_ =	shalt  }
0x47: {  	_ =	shalt  }
0x48: {  	_ =	shalt  }
0x49: {  	_ =	shalt  }
0x4a: {  	_ =	shalt  }
0x4b: {  	_ =	shalt  }
0x4c: {  	_ =	shalt  }
0x4d: {  	_ =	shalt  }
0x4e: {  	_ =	shalt  }
0x4f: {  	_ =	shalt  }
0x50: {  	_ =	shalt  }
0x51: {  	_ =	shalt  }
0x52: {  	_ =	shalt  }
0x53: {  	_ =	shalt  }
0x54: {  	_ =	shalt  }
0x55: {  	_ =	shalt  }
0x56: {  	_ =	shalt  }
0x57: {  	_ =	shalt  }
0x58: {  	_ =	shalt  }
0x59: {  	_ =	shalt  }
0x5a: {  	_ =	shalt  }
0x5b: {  	_ =	shalt  }
0x5c: {  	_ =	shalt  }
0x5d: {  	_ =	shalt  }
0x5e: {  	_ =	shalt  }
0x5f: {  	_ =	shalt  }
0x60: {  	_ =	shalt  }
0x61: {  	_ =	shalt  }
0x62: {  	_ =	shalt  }
0x63: {  	_ =	shalt  }
0x64: {  	_ =	shalt  }
0x65: {  	_ =	shalt  }
0x66: {  	_ =	shalt  }
0x67: {  	_ =	shalt  }
0x68: {  	_ =	shalt  }
0x69: {  	_ =	shalt  }
0x6a: {  	_ =	shalt  }
0x6b: {  	_ =	shalt  }
0x6c: {  	_ =	shalt  }
0x6d: {  	_ =	shalt  }
0x6e: {  	_ =	shalt  }
0x6f: {  	_ =	shalt  }
0x70: {  	_ =	shalt  }
0x71: {  	_ =	shalt  }
0x72: {  	_ =	shalt  }
0x73: {  	_ =	shalt  }
0x74: {  	_ =	shalt  }
0x75: {  	_ =	shalt  }
0x76: {  	_ =	shalt  }
0x77: {  	_ =	shalt  }
0x78: {  	_ =	shalt  }
0x79: {  	_ =	shalt  }
0x7a: {  	_ =	shalt  }
0x7b: {  	_ =	shalt  }
0x7c: {  	_ =	shalt  }
0x7d: {  	_ =	shalt  }
0x7e: {  	_ =	shalt  }
0x7f: {  	_ =	shalt  }
0x80: {  	_ =	shalt  }
0x81: {  	_ =	shalt  }
0x82: {  	_ =	shalt  }
0x83: {  	_ =	shalt  }
0x84: {  	_ =	shalt  }
0x85: {  	_ =	shalt  }
0x86: {  	_ =	shalt  }
0x87: {  	_ =	shalt  }
.Lfunc_end0:
.L_simem_size_0:
called_computation.7_lowered:
.L_overlay_start_0:
0x88: {  	s2 =	sld [smem:$0x3FD9]  }
0x89: {  	s3 =	sld [smem:$0x3FFE];
	_ =	sdelay $0x1  }
0x8a: {  	s1 =	srdreg.scid  }
0x8b: {  	s0 =	sand.u32 $0x1, s1  }
0x8c: {  	s17 =	sshll.u32 s0, $0xA;
	s2 =	sadd.s32 s3, s2  }
0x8d: {  	s2 =	sadd.s32 s2, s17  }
0x8e: {  	[smem:$0x3FB0] =	sst s2  }
0x8f: {  	_ = 	snop  }
0x90: {  	(tm) =	ssettm $0x1  }
0x91: {  	s18 =	sld [smem:$0x3FFB];
	_ =	sdelay $0x3  }
0x92: {  	_ =	strace s18  }
0x93: {  	s2 =	sld [smem:$0x3FFC];
	_ =	sdelay $0x3  }
0x94: {  	_ =	strace s2  }
0x95: {  	s2 =	sld [smem:$0x3FFD];
	_ =	sdelay $0x3  }
0x96: {  	_ =	strace s2  }
0x97: {  	_ =	strace $0x8FFFFFFF  }
0x98: {  	s19 =	sld [smem:$0x3FDB];
	_ =	sdelay $0x1  }
0x99: {  	s20 =	simm.s32 $_scs_section_size  }
0x9a: {  	s4 =	simm.s32 $_size__tile_overlayer_lowered;
	s5 =	simm.s32 $_tile_overlayer_lowered  }
0x9b: {  	s6 =	simm.s32 $0x1BFF;
	s21 =	sshll.u32 s5, $0x1;
	s3 =	sadd.s32 s20, s19  }
0x9c: {  	s22 =	simm.s32 $0x0;
	s4 =	sshll.u32 s4, $0x1;
	s5 =	sadd.s32 s21, s3  }
0x9d: {  	[timem:s22], [sflag:s6] =	dma.local [hbm:s5], s4  }
0x9e: {  	_ =	swait.ge [sflag:s6], s4  }
0x9f: {  	s4 =	ssub.s32 $0x0, s4;
	[sflag:s6] =	ssyncset.done $0x0  }
0xa0: {  	[sflag:s6] =	ssyncadd.s32 s4;
	_ =	sdelay $0x1  }
0xa1: {  	s23 =	simm.s32 $0x1B8B  }
0xa2: {  	_ =	swait.ge [sflag:s23], $0x1  }
0xa3: {  	[sflag:s23] =	ssyncset.done $0x0  }
0xa4: {  	[sflag:s23] =	ssyncadd.s32 $0xFFFFFFFF  }
0xa5: {  	s4 =	sld [smem:$0x0]  }
0xa6: {  	s5 =	sand.u32 $0xFFFFFFFE, s1  }
0xa7: {  	p0 =	sne.s32 s1, s5  }
0xa8: {  	s5 =	sshll.u32 @p0 s5, $0xE  }
0xa9: {  	s5 =	sadd.s32 @p0 $0x11B8D, s5;
	s6 =	sshll.u32 @p0 s4, $0x11  }
0xaa: {  	s5 =	sor.u32 @p0 s6, s5  }
0xab: {  	[sflag:s5] =	ssyncadd.remote.s32 @p0 $0x1;
	_ =	sdelay $0x1  }
0xac: {  	s5 =	simm.s32 @p0 $0x1B8D  }
0xad: {  	_ =	swait.eq @p0 [sflag:s5], $0x1  }
0xae: {  	[sflag:s5] =	ssyncadd.s32 @p0 $0xFFFFFFFF  }
0xaf: {  	s6 =	sshll.u32 @!p0 s1, $0xE  }
0xb0: {  	s6 =	sor.u32 @!p0 $0x4000, s6;
	s5 =	simm.s32 @!p0 $0x1B8D  }
0xb1: {  	s4 =	sshll.u32 @!p0 s4, $0x11;
	s6 =	sadd.s32 @!p0 $0x11B8D, s6;
	_ =	swait.eq @!p0 [sflag:s5], $0x1  }
0xb2: {  	s4 =	sor.u32 @!p0 s4, s6;
	[sflag:s5] =	ssyncadd.s32 @!p0 $0xFFFFFFFF  }
0xb3: {  	s25 =	simm.s32 $0x1B8E;
	s24 =	sld [smem:$0x3FFE];
	[sflag:s4] =	ssyncadd.remote.s32 @!p0 $0x1  }
0xb4: {  	s26 =	simm.s32 $execute0_lowered;
	[smem:$0x3FD2] =	sst s25  }
0xb5: {  	s5 =	sshll.u32 s26, $0x1;
	_ =	strace $0x8000005B;
	[dreg:$0x1] =	wrdreg $0xFFFFFFFF  }
0xb6: {  	s28 =	simm.s32 $_size_execute0_lowered;
	s3 =	sadd.s32 s3, s5;
	[dreg:$0x0] =	wrdreg $0x0  }
0xb7: {  	s5 =	sshll.u32 s28, $0x1;
	[dreg:$0x2] =	wrdreg s3  }
0xb8: {  	[dreg:$0x3] =	wrdreg s5  }
0xb9: {  	[dreg:$0x4] =	wrdreg $0xC0  }
0xba: {  	_ =	task [dreg:s22], $0x5FFFF  }
0xbb: {  	[dreg:$0x1] =	wrdreg $0xFFFFFFFF  }
0xbc: {  	[dreg:$0x0] =	wrdreg $0x60  }
0xbd: {  	[dreg:$0x2] =	wrdreg s24  }
0xbe: {  	[dreg:$0x3] =	wrdreg $0x0  }
0xbf: {  	[dreg:$0x4] =	wrdreg $0xA  }
0xc0: {  	_ =	task.clear_ibuf [dreg:s22], $0x5FFFF;
	_ =	strace $0x9000005B  }
0xc1: {  	s29 =	simm.s32 $0xA;
	_ =	strace $0x8000005D  }
0xc2: {  	_ =	swait.ge [sflag:s29], $0x1  }
0xc3: {  	[sflag:s29] =	ssyncadd.s32 $0xFFFFFFFF  }
0xc4: {  	_ =	strace $0x9000005D  }
0xc5: {  	_ =	sfence  }
0xc6: {  	s30 =	sld [smem:$0x0];
	_ =	sdelay $0x2  }
0xc7: {  	s31 =	sshll.u32 s1, $0xD;
	s1 =	sshrl.u32 s1, $0x2  }
0xc8: {  	s4 =	sand.u32 $0x4000, s31;
	s1 =	sadd.s32 s1, s30  }
0xc9: {  	s0 =	sor.u32 s4, s0;
	s1 =	sshll.u32 s1, $0x11  }
0xca: {  	s0 =	sor.u32 s1, s0  }
0xcb: {  	s0 =	sadd.s32 $0x8F2B, s0  }
0xcc: {  	[sflag:s0] =	ssyncadd.remote.s32 $0x1  }
0xcd: {  	_ =	sfence.sel $0xFFFF  }
0xce: {  	[dreg:$0x0] =	wrdreg $0xFFFFFFFF;
	(pc) =	sbr.abs _section_cstart, $3  }
0xcf: {  	[dreg:$0x1] =	wrdreg $0xFFFFFFFF  }
0xd0: {  	_ =	task.clear_ibuf [dreg:s22], $0x2FFFF;
	_ =	strace $0x9FFFFFFF  }
0xd1: {  	(tm) =	ssettm $0x7FFFFFFF  }
tec
execute0_lowered:
.L_overlay_start_1:
0x0: {  	(tag) =	ssettag $0x1  }
0x1: {  	s6 =	rddreg [dreg:$0x0]  }
0x2: {  	s1 =	rddreg [dreg:$0x1]  }
0x3: {  	s0 =	rddreg [dreg:$0x2];
	s3 =	simm.s32 $0x0;
	s2 =	srdreg.scid  }
0x4: {  	[smem:$0x7FF] =	sst s3;
	s7 =	sand.u32 $0x1, s2  }
0x5: {  	s2 =	stileid.u32;
	s4 =	sadd.s32 $0x77B400, s6;
	s15 =	smul.u32 $0x61C0, s7  }
0x6: {  	s5 =	sadd.s32 $0xE1400, s6;
	_ =	strace $0x8000005C;
	s8 =	smul.u32 $0x61C, s2  }
0x7: {  	s9 =	smul.u32 $0x61D0, s2;
	s7 =	ssub.s32 $0x2, s7;
	s30 =	sshll.u32 s2, $0x6  }
0x8: {  	s14 =	smul.u32 $0x18700, s2;
	s11 =	sshrl.u32 s7, $0x1;
	s8 =	sadd.s32 s8, s15  }
0x9: {  	s10 =	sshrl.u32 s9, $0x3;
	s11 =	ssub.s32 s7, s11;
	s13 =	sadd.s32 s9, s1  }
0xa: {  	s7 =	sor.u32 $0x1C01, s30;
	s16 =	sadd.s32 $0x61C0, s15;
	s31 =	sshrl.u32 s14, $0x2  }
0xb: {  	s14 =	simm.s32 $0x65D0;
	v0 =	vmov s15;
	s15 =	simm.s32 $0x200;
	s8 =	sshll.u32 s8, $0x1  }
0xc: {  	s10 =	sadd.s32 s10, s6;
	s17 =	sadd.s32 s31, s1;
	v1 =	vmov s16;
	s16 =	simm.s32 $0x63D0  }
0xd: {  	s12 =	sadd.s32 s8, s6;
	s6 =	sadd.s32 $0x5600, s10;
	s8 =	smul.u32 $0xD000, s2  }
0xe: {  	s10 =	smax.u32 s11, $0x1;
	s11 =	sshrl.u32 s13, $0x3;
	s13 =	simm.s32 $0x61D0  }
0xf: {  	s17 =	sshrl.u32 s17, $0x3;
	s9 =	sadd.s32 $0xA4600, s12;
	s12 =	simm.s32 $0x1  }
.LBB2_1:
0x10: {  	[spmem:s11], [sflag:s7] =	dma.local [hbm:s6], $0xC3A  }
0x11: {  	_ =	swait.ge [sflag:s12], $0xC3A  }
0x12: {  	[sflag:s12] =	ssyncset.done $0x0  }
0x13: {  	[sflag:s12] =	ssyncadd.s32 $0xFFFFF3C6  }
0x14: {  	s18 =	simm.s32 $0x0;
	[bflag:$0x0] =	sbarrier.arrive $0xFFFF  }
.LBB2_2:
0x15: {  	s19 =	sshll.u32 s18, $0x9  }
0x16: {  	s19 =	sadd.s32 s8, s19  }
0x17: {  	s20 =	sshrl.u32 s19, $0x3  }
0x18: {  	s21 =	simm.s32 $0x0;
	s20 =	sadd.s32 s5, s20  }
0x19: {  	[tilespmem:s13], [sflag:$0x1] =	stream.linear.gather [hbm4b:s20+s21], $0x200, $0x38;
	[tilespmem:$0x85D0] =	vst v63  }
0x1a: {  	_ =	swait.ge [sflag:s12], $0x200  }
0x1b: {  	s19 =	sshll.u32 s19, $0x1;
	[sflag:s12] =	ssyncset.done $0x0  }
0x1c: {  	s19 =	sadd.s32 s4, s19;
	[sflag:s12] =	ssyncadd.s32 $0xFFFFFE00  }
0x1d: {  	[tilespmem:s14], [sflag:$0x1] =	stream.linear.gather [hbm4b:s19+s21], $0x2000, $0x38;
	[tilespmem:$0x85D0] =	vst v63  }
0x1e: {  	_ =	swait.ge [sflag:s12], $0x2000  }
0x1f: {  	[sflag:s12] =	ssyncset.done $0x0  }
0x20: {  	s19 =	simm.s32 $0x0;
	[sflag:s12] =	ssyncadd.s32 $0xFFFFE000  }
0x21: {  	s20 =	simm.s32 $0x40;
	v2 =	vld [tilespmem:s19+$0x61D0]  }
.LBB2_3:
0x22: {  	_ =	sdelay $0x1  }
0x23: {  	p0 =	sne.s32 s20, $0x7C0  }
.Ltmp0:
0x24: {  	_ = 	snop;
	(pc) =	sbr.rel @p0 .LBB2_3-.Ltmp0, $4  }
0x25: {  	vm0 =	vge.s32 v2, v0;
	vm1 =	vlt.s32 v2, v1  }
0x26: {  	v3 =	vsub.s32 v2, v0;
	vm0 =	vmand vm0, vm1  }
0x27: {  	s21 =	sshra.s32 s20, $0x2;
	v3 =	vnsel vm0, $0x61C0, v3  }
0x28: {  	s20 =	sadd.s32 $0x40, s20;
	v2 =	vld [tilespmem:s21+$0x61D0];
	[tilespmem:s19+$0x63D0] =	vst v3;
	s19 =	smov.u32 s21  }
0x29: {  	_ =	sdelay $0x3  }
0x2a: {  	vm0 =	vge.s32 v2, v0;
	vm1 =	vlt.s32 v2, v1  }
0x2b: {  	s18 =	sadd.s32 $0x1, s18;
	v2 =	vsub.s32 v2, v0;
	vm0 =	vmand vm0, vm1  }
0x2c: {  	p0 =	sne.s32 s18, $0x68;
	v2 =	vnsel vm0, $0x61C0, v2  }
.Ltmp1:
0x2d: {  	[tilespmem:s19+$0x63D0] =	vst v2;
	(pc) =	sbr.rel @p0 .LBB2_2-.Ltmp1, $4  }
0x2e: {  	[spmem:s1] =	stream.indirect.scatter.add.f32 [tilespmem:s14], [sflag:$0x1], $0x10, s16, s15, $0xb8;
	[tilespmem:$0x85D0] =	vst v63  }
0x2f: {  	_ =	swait.ge [sflag:s12], $0x2000  }
0x30: {  	[sflag:s12] =	ssyncset.done $0x0  }
0x31: {  	[sflag:s12] =	ssyncadd.s32 $0xFFFFE000  }
0x32: {  	s3 =	sadd.s32 $0x1, s3  }
0x33: {  	p0 =	sne.s32 s3, s10  }
.Ltmp2:
0x34: {  	[bflag:$0x0] =	sbarrier.arrive $0xFFFF;
	(pc) =	sbr.rel @p0 .LBB2_1-.Ltmp2, $4  }
0x35: {  	[hbm:s9], [sflag:s7] =	dma.local [spmem:s17], $0xC38  }
0x36: {  	_ =	swait.ge [sflag:s12], $0xC38  }
0x37: {  	[sflag:s12] =	ssyncset.done $0x0  }
0x38: {  	[sflag:s12] =	ssyncadd.s32 $0xFFFFF3C8  }
0x39: {  	_ =	sfence.sel $0x180000  }
0x3a: {  	[bflag:$0x0] =	sbarrier.arrive $0xFFFF  }
0x3b: {  	p0 =	sne.s32 s2, $0x0;
	_ =	strace $0x9000005C  }
0x3c: {  	s0 =	sadd.s32 @!p0 $0x100000, s0;
	[bflag:$0x2] =	sbarrier.arrive $0xFFFF  }
0x3d: {  	[sflag:s0] =	ssyncadd.tile.s32 @!p0 $0x1;
	_ =	shalt  }
.Lfunc_end2:
_tile_overlayer_lowered:
.L_overlay_start_2:
0x3e: {  	(tag) =	ssettag $0x2  }
0x3f: {  	s0 =	rddreg [dreg:$0x0];
	s2 =	stileid.u32  }
0x40: {  	s1 =	rddreg [dreg:$0x1];
	p0 =	sne.s32 s2, $0x0  }
0x41: {  	s3 =	rddreg [dreg:$0x2];
	[bflag:$0x3] =	sbarrier.arrive $0xFFFF;
	s2 =	simm.s32 @!p0 $0x1C01  }
0x42: {  	[timem:s3], [sflag:s2] =	dma.local @!p0 [hbm:s0], s1  }
0x43: {  	s0 =	simm.s32 @!p0 $0x1  }
0x44: {  	_ =	swait.ge @!p0 [sflag:s0], s1  }
0x45: {  	s1 =	ssub.s32 @!p0 $0x0, s1;
	[sflag:s0] =	ssyncset.done @!p0 $0x0  }
0x46: {  	[sflag:s0] =	ssyncadd.s32 @!p0 s1  }
0x47: {  	[bflag:$0x3] =	sbarrier.arrive $0xFFFF  }
0x48: {  	_ =	shalt  }

// kernel: kernel.53.cloned.1.call-start
scs
__scs_entry_jumppad:
0x0: {  	(pc) =	sbr.rel $0x88, $3  }
0x1: {  	(tag) =	ssettag $0x0;
	lr =	simm.s32 $0x1  }
0x2: {  	[smem:$0x3F89] =	sst lr;
	_ =	strace $0xD0000000  }
0x3: {  	_ = 	snop  }
0x4: {  	_ = 	snop  }
0x5: {  	_ = 	snop  }
0x6: {  	_ = 	snop  }
0x7: {  	_ = 	snop  }
__scs_overlays_trampoline_lowered:
0x8: {  	[smem:$0x3F98] =	sst s0  }
0x9: {  	[smem:$0x3F99] =	sst s1  }
0xa: {  	[smem:$0x3F9A] =	sst s2  }
0xb: {  	[smem:$0x3F9B] =	sst s3  }
0xc: {  	[smem:$0x3F9C] =	sst s4  }
0xd: {  	[smem:$0x3F9D] =	sst s5  }
0xe: {  	[smem:$0x3F9E] =	sst s6  }
0xf: {  	[smem:$0x3F9F] =	sst s7  }
0x10: {  	[smem:$0x3FA0] =	sst s8  }
0x11: {  	[smem:$0x3FA1] =	sst s9;
	s0 =	simm.s32 @!p0 $0x0  }
0x12: {  	s1 =	sld [smem:$0x3F87];
	s0 =	simm.s32 @p0 $0x1  }
0x13: {  	[smem:$0x3FA2] =	sst s0;
	s0 =	simm.s32 @!p1 $0x0  }
0x14: {  	s2 =	sld [smem:$0x3F86];
	s0 =	simm.s32 @p1 $0x1  }
0x15: {  	[smem:$0x3FA3] =	sst s0;
	s0 =	simm.s32 @!p2 $0x0  }
0x16: {  	s3 =	sld [smem:$0x3FDB];
	s0 =	simm.s32 @p2 $0x1  }
0x17: {  	s4 =	simm.s32 $0x1BF5;
	[smem:$0x3FA5] =	sst s0  }
0x18: {  	s0 =	sld [smem:$0x3F88];
	_ =	swait.ge [sflag:s4], $0x0  }
0x19: {  	s7 =	sld [smem:$0x3F89]  }
0x1a: {  	s8 =	sadd.s32 $0xFFFFE003, lr  }
0x1b: {  	s9 =	sadd.s32 $0xFFFFFEF7, lr;
	s5 =	simm.s32 $0xFFFFFFFF;
	p2 =	slt.u32 s8, $0xFFFFF086  }
0x1c: {  	p1 =	slt.u32 s9, $0xF7A;
	s5 =	simm.s32 @!p2 $0x0  }
0x1d: {  	s5 =	simm.s32 @p1 $0x1;
	p0 =	seq.s32 s7, s2  }
0x1e: {  	s7 =	smul.u32 @!p0 $0xF7A, s2;
	p2 =	seq.s32 @!p0 s5, $0x0  }
0x1f: {  	s9 =	smul.u32 $0xF7A, s1;
	s8 =	simm.s32 @!p0 $0x1BF5;
	p2 =	por !p2, p0  }
0x20: {  	[sflag:s8] =	ssyncset.s32 @!p0 $0xFFFFF086;
	s6 =	sadd.s32 @!p0 s3, s7;
	s7 =	simm.s32 @!p0 $0x108  }
0x21: {  	s3 =	sadd.s32 s3, s9;
	s6 =	sadd.s32 @!p0 $0x88, s6;
	s7 =	simm.s32 @p2 $0x1082  }
0x22: {  	[simem:s7], [sflag:s8] =	dma.local @!p0 [hbm:s6], $0xF7A  }
0x23: {  	s9 =	sor.u32 $0xD0000000, s2;
	s6 =	simm.s32 $0x108;
	_ =	swait.ge @!p0 [sflag:s8], $0x0  }
0x24: {  	s3 =	sadd.s32 $0x88, s3;
	s6 =	simm.s32 @!p1 $0x1082;
	[sflag:s4] =	ssyncset.s32 $0xFFFFF086  }
0x25: {  	[simem:s6], [sflag:s4] =	dma.local [hbm:s3], $0xF7A  }
0x26: {  	[smem:$0x3F89] =	sst s1;
	(tag) =	ssettag s2;
	_ =	strace s9  }
0x27: {  	s1 =	sld [smem:$0x3F99]  }
0x28: {  	s2 =	sld [smem:$0x3F9A]  }
0x29: {  	s4 =	sld [smem:$0x3F9C]  }
0x2a: {  	p0 =	seq.s32 s5, $0x0;
	s5 =	sld [smem:$0x3F9D]  }
0x2b: {  	s6 =	sld [smem:$0x3F9E]  }
0x2c: {  	s7 =	sld [smem:$0x3F9F]  }
0x2d: {  	s3 =	simm.s32 $0x108;
	s8 =	sld [smem:$0x3FA0]  }
0x2e: {  	s3 =	simm.s32 @!p0 $0x1082;
	s9 =	sld [smem:$0x3FA1]  }
0x2f: {  	lr =	sadd.s32 s0, s3;
	s0 =	sld [smem:$0x3F98]  }
0x30: {  	s3 =	sld [smem:$0x3F9B]  }
0x31: {  	[smem:$0x3FA4] =	sst s10  }
0x32: {  	s10 =	sld [smem:$0x3FA2];
	_ =	sdelay $0x3  }
0x33: {  	p0 =	seq.s32 s10, $0x1;
	s10 =	sld [smem:$0x3FA4];
	_ =	sdelay $0x3  }
0x34: {  	[smem:$0x3FA4] =	sst s10  }
0x35: {  	s10 =	sld [smem:$0x3FA3];
	_ =	sdelay $0x3  }
0x36: {  	p1 =	seq.s32 s10, $0x1;
	s10 =	sld [smem:$0x3FA4];
	_ =	sdelay $0x3  }
0x37: {  	[smem:$0x3FA4] =	sst s10  }
0x38: {  	s10 =	sld [smem:$0x3FA5]  }
0x39: {  	_ = 	snop;
	(pc) =	sbr.ind lr, $3  }
0x3a: {  	_ = 	snop  }
0x3b: {  	_ = 	snop  }
0x3c: {  	p2 =	seq.s32 s10, $0x1;
	s10 =	sld [smem:$0x3FA4]  }
0x3d: {  	_ =	shalt  }
0x3e: {  	_ =	shalt  }
0x3f: {  	_ =	shalt  }
0x40: {  	_ =	shalt  }
0x41: {  	_ =	shalt  }
0x42: {  	_ =	shalt  }
0x43: {  	_ =	shalt  }
0x44: {  	_ =	shalt  }
0x45: {  	_ =	shalt  }
0x46: {  	_ =	shalt  }
0x47: {  	_ =	shalt  }
0x48: {  	_ =	shalt  }
0x49: {  	_ =	shalt  }
0x4a: {  	_ =	shalt  }
0x4b: {  	_ =	shalt  }
0x4c: {  	_ =	shalt  }
0x4d: {  	_ =	shalt  }
0x4e: {  	_ =	shalt  }
0x4f: {  	_ =	shalt  }
0x50: {  	_ =	shalt  }
0x51: {  	_ =	shalt  }
0x52: {  	_ =	shalt  }
0x53: {  	_ =	shalt  }
0x54: {  	_ =	shalt  }
0x55: {  	_ =	shalt  }
0x56: {  	_ =	shalt  }
0x57: {  	_ =	shalt  }
0x58: {  	_ =	shalt  }
0x59: {  	_ =	shalt  }
0x5a: {  	_ =	shalt  }
0x5b: {  	_ =	shalt  }
0x5c: {  	_ =	shalt  }
0x5d: {  	_ =	shalt  }
0x5e: {  	_ =	shalt  }
0x5f: {  	_ =	shalt  }
0x60: {  	_ =	shalt  }
0x61: {  	_ =	shalt  }
0x62: {  	_ =	shalt  }
0x63: {  	_ =	shalt  }
0x64: {  	_ =	shalt  }
0x65: {  	_ =	shalt  }
0x66: {  	_ =	shalt  }
0x67: {  	_ =	shalt  }
0x68: {  	_ =	shalt  }
0x69: {  	_ =	shalt  }
0x6a: {  	_ =	shalt  }
0x6b: {  	_ =	shalt  }
0x6c: {  	_ =	shalt  }
0x6d: {  	_ =	shalt  }
0x6e: {  	_ =	shalt  }
0x6f: {  	_ =	shalt  }
0x70: {  	_ =	shalt  }
0x71: {  	_ =	shalt  }
0x72: {  	_ =	shalt  }
0x73: {  	_ =	shalt  }
0x74: {  	_ =	shalt  }
0x75: {  	_ =	shalt  }
0x76: {  	_ =	shalt  }
0x77: {  	_ =	shalt  }
0x78: {  	_ =	shalt  }
0x79: {  	_ =	shalt  }
0x7a: {  	_ =	shalt  }
0x7b: {  	_ =	shalt  }
0x7c: {  	_ =	shalt  }
0x7d: {  	_ =	shalt  }
0x7e: {  	_ =	shalt  }
0x7f: {  	_ =	shalt  }
0x80: {  	_ =	shalt  }
0x81: {  	_ =	shalt  }
0x82: {  	_ =	shalt  }
0x83: {  	_ =	shalt  }
0x84: {  	_ =	shalt  }
0x85: {  	_ =	shalt  }
0x86: {  	_ =	shalt  }
0x87: {  	_ =	shalt  }
.Lfunc_end0:
.L_simem_size_0:
called_computation.8_lowered:
.L_overlay_start_0:
0x88: {  	s2 =	sld [smem:$0x3FD9]  }
0x89: {  	s3 =	sld [smem:$0x3FFE];
	_ =	sdelay $0x1  }
0x8a: {  	s1 =	srdreg.scid  }
0x8b: {  	s0 =	sand.u32 $0x1, s1  }
0x8c: {  	s17 =	sshll.u32 s0, $0xA;
	s2 =	sadd.s32 s3, s2  }
0x8d: {  	s2 =	sadd.s32 s2, s17  }
0x8e: {  	[smem:$0x3FB0] =	sst s2  }
0x8f: {  	_ = 	snop  }
0x90: {  	(tm) =	ssettm $0x1  }
0x91: {  	s18 =	sld [smem:$0x3FFB];
	_ =	sdelay $0x3  }
0x92: {  	_ =	strace s18  }
0x93: {  	s2 =	sld [smem:$0x3FFC];
	_ =	sdelay $0x3  }
0x94: {  	_ =	strace s2  }
0x95: {  	s2 =	sld [smem:$0x3FFD];
	_ =	sdelay $0x3  }
0x96: {  	_ =	strace s2  }
0x97: {  	_ =	strace $0x8FFFFFFF  }
0x98: {  	s19 =	sld [smem:$0x3FDB];
	_ =	sdelay $0x1  }
0x99: {  	s20 =	simm.s32 $_scs_section_size  }
0x9a: {  	s4 =	simm.s32 $_size__tile_overlayer_lowered;
	s5 =	simm.s32 $_tile_overlayer_lowered  }
0x9b: {  	s6 =	simm.s32 $0x1BFF;
	s21 =	sshll.u32 s5, $0x1;
	s3 =	sadd.s32 s20, s19  }
0x9c: {  	s22 =	simm.s32 $0x0;
	s4 =	sshll.u32 s4, $0x1;
	s5 =	sadd.s32 s21, s3  }
0x9d: {  	[timem:s22], [sflag:s6] =	dma.local [hbm:s5], s4  }
0x9e: {  	_ =	swait.ge [sflag:s6], s4  }
0x9f: {  	s4 =	ssub.s32 $0x0, s4;
	[sflag:s6] =	ssyncset.done $0x0  }
0xa0: {  	[sflag:s6] =	ssyncadd.s32 s4;
	_ =	sdelay $0x1  }
0xa1: {  	s23 =	simm.s32 $0x1B8B  }
0xa2: {  	_ =	swait.ge [sflag:s23], $0x1  }
0xa3: {  	[sflag:s23] =	ssyncset.done $0x0  }
0xa4: {  	[sflag:s23] =	ssyncadd.s32 $0xFFFFFFFF  }
0xa5: {  	s4 =	sld [smem:$0x0]  }
0xa6: {  	s5 =	sand.u32 $0xFFFFFFFE, s1  }
0xa7: {  	p0 =	sne.s32 s1, s5  }
0xa8: {  	s5 =	sshll.u32 @p0 s5, $0xE  }
0xa9: {  	s5 =	sadd.s32 @p0 $0x11B8D, s5;
	s6 =	sshll.u32 @p0 s4, $0x11  }
0xaa: {  	s5 =	sor.u32 @p0 s6, s5  }
0xab: {  	[sflag:s5] =	ssyncadd.remote.s32 @p0 $0x1;
	_ =	sdelay $0x1  }
0xac: {  	s5 =	simm.s32 @p0 $0x1B8D  }
0xad: {  	_ =	swait.eq @p0 [sflag:s5], $0x1  }
0xae: {  	[sflag:s5] =	ssyncadd.s32 @p0 $0xFFFFFFFF  }
0xaf: {  	s6 =	sshll.u32 @!p0 s1, $0xE  }
0xb0: {  	s6 =	sor.u32 @!p0 $0x4000, s6;
	s5 =	simm.s32 @!p0 $0x1B8D  }
0xb1: {  	s4 =	sshll.u32 @!p0 s4, $0x11;
	s6 =	sadd.s32 @!p0 $0x11B8D, s6;
	_ =	swait.eq @!p0 [sflag:s5], $0x1  }
0xb2: {  	s4 =	sor.u32 @!p0 s4, s6;
	[sflag:s5] =	ssyncadd.s32 @!p0 $0xFFFFFFFF  }
0xb3: {  	s25 =	simm.s32 $0x1B8E;
	s24 =	sld [smem:$0x3FFE];
	[sflag:s4] =	ssyncadd.remote.s32 @!p0 $0x1  }
0xb4: {  	s26 =	simm.s32 $execute0_lowered;
	[smem:$0x3FD2] =	sst s25  }
0xb5: {  	s5 =	sshll.u32 s26, $0x1;
	_ =	strace $0x80000061;
	[dreg:$0x1] =	wrdreg $0xFFFFFFFF  }
0xb6: {  	s28 =	simm.s32 $_size_execute0_lowered;
	s3 =	sadd.s32 s3, s5;
	[dreg:$0x0] =	wrdreg $0x0  }
0xb7: {  	s5 =	sshll.u32 s28, $0x1;
	[dreg:$0x2] =	wrdreg s3  }
0xb8: {  	[dreg:$0x3] =	wrdreg s5  }
0xb9: {  	[dreg:$0x4] =	wrdreg $0xC0  }
0xba: {  	_ =	task [dreg:s22], $0x5FFFF  }
0xbb: {  	[dreg:$0x1] =	wrdreg $0xFFFFFFFF  }
0xbc: {  	[dreg:$0x0] =	wrdreg $0x60  }
0xbd: {  	[dreg:$0x2] =	wrdreg s24  }
0xbe: {  	[dreg:$0x3] =	wrdreg $0x9  }
0xbf: {  	_ =	task.clear_ibuf [dreg:s22], $0x4FFFF;
	_ =	strace $0x90000061  }
0xc0: {  	s29 =	simm.s32 $0x9;
	_ =	strace $0x80000063  }
0xc1: {  	_ =	swait.ge [sflag:s29], $0x1  }
0xc2: {  	[sflag:s29] =	ssyncadd.s32 $0xFFFFFFFF  }
0xc3: {  	_ =	strace $0x90000063  }
0xc4: {  	_ =	sfence  }
0xc5: {  	s30 =	sld [smem:$0x0];
	_ =	sdelay $0x2  }
0xc6: {  	s31 =	sshll.u32 s1, $0xD;
	s1 =	sshrl.u32 s1, $0x2  }
0xc7: {  	s4 =	sand.u32 $0x4000, s31;
	s1 =	sadd.s32 s1, s30  }
0xc8: {  	s0 =	sor.u32 s4, s0;
	s1 =	sshll.u32 s1, $0x11  }
0xc9: {  	s0 =	sor.u32 s1, s0  }
0xca: {  	s0 =	sadd.s32 $0x8F2B, s0  }
0xcb: {  	[sflag:s0] =	ssyncadd.remote.s32 $0x1  }
0xcc: {  	_ =	sfence.sel $0xFFFF  }
0xcd: {  	[dreg:$0x0] =	wrdreg $0xFFFFFFFF;
	(pc) =	sbr.abs _section_cstart, $3  }
0xce: {  	[dreg:$0x1] =	wrdreg $0xFFFFFFFF  }
0xcf: {  	_ =	task.clear_ibuf [dreg:s22], $0x2FFFF;
	_ =	strace $0x9FFFFFFF  }
0xd0: {  	(tm) =	ssettm $0x7FFFFFFF  }
0xd1: {  	_ =	shalt  }
tec
execute0_lowered:
.L_overlay_start_1:
0x0: {  	(tag) =	ssettag $0x1  }
0x1: {  	s4 =	rddreg [dreg:$0x0]  }
0x2: {  	s0 =	rddreg [dreg:$0x1];
	s2 =	simm.s32 $0x0  }
0x3: {  	s3 =	srdreg.scid;
	s1 =	stileid.u32;
	s13 =	simm.s32 $0x4800  }
0x4: {  	s14 =	simm.s32 $0x3;
	s15 =	simm.s32 $0x4;
	s16 =	simm.s32 $0x5  }
0x5: {  	s17 =	simm.s32 $0x6;
	s18 =	simm.s32 $0x0;
	s6 =	smul.u32 $0x1A000, s1  }
0x6: {  	[smem:$0x7FF] =	sst s2;
	s5 =	sand.u32 $0x1, s3;
	s8 =	smul.u32 $0xD000, s1  }
0x7: {  	s3 =	sadd.s32 $0x11A00, s4;
	s9 =	sadd.s32 $0xEBEA00, s4;
	s11 =	smul.u32 $0x6800, s5  }
0x8: {  	s12 =	sadd.s32 $0x377200, s4;
	s7 =	ssub.s32 $0x2, s5;
	s5 =	smul.u32 $0xD000, s5  }
0x9: {  	_ =	strace $0x80000062;
	s10 =	sshrl.u32 s7, $0x1;
	s6 =	sadd.s32 s6, s12  }
0xa: {  	s26 =	ssub.s32 s7, s10;
	s28 =	sadd.s32 s11, s8;
	s5 =	sadd.s32 s5, s6  }
0xb: {  	s10 =	simm.s32 $0x1;
	s11 =	simm.s32 $0x800;
	s7 =	sor.u32 $0x400, s28  }
0xc: {  	s4 =	smax.u32 s26, $0x1;
	s29 =	sshrl.u32 s28, $0x3;
	s30 =	sshll.u32 s7, $0x1  }
0xd: {  	s6 =	sadd.s32 s29, s9;
	s31 =	sshrl.u32 s7, $0x3;
	s7 =	sadd.s32 s30, s12  }
0xe: {  	s8 =	sadd.s32 s31, s9;
	s9 =	simm.s32 $0x400;
	s12 =	simm.s32 $0x2  }
.LBB2_1:
0xf: {  	s19 =	sadd.s32 $0x0, s6  }
0x10: {  	[tilespmem:s2], [sflag:$0x1] =	stream.linear.gather [hbm4b:s19+s2], $0x400, $0x38;
	[tilespmem:$0x8800] =	vst v63  }
0x11: {  	s31 =	sadd.s32 $0x0, s8  }
0x12: {  	[tilespmem:s9], [sflag:$0x2] =	stream.linear.gather [hbm4b:s31+s2], $0x400, $0x38;
	[tilespmem:$0x8800] =	vst v63  }
0x13: {  	_ =	swait.ge [sflag:s10], $0x400  }
0x14: {  	[sflag:s10] =	ssyncset.done $0x0  }
0x15: {  	[sflag:s10] =	ssyncadd.s32 $0xFFFFFC00  }
0x16: {  	[tilespmem:s11], [sflag:$0x3] =	stream.indirect.gather [hbm4b:s3+s9], $0x10, s2, s9, $0xb8;
	[tilespmem:$0x8800] =	vst v63  }
0x17: {  	_ =	swait.ge [sflag:s12], $0x400  }
0x18: {  	[sflag:s12] =	ssyncset.done $0x0  }
0x19: {  	[sflag:s12] =	ssyncadd.s32 $0xFFFFFC00  }
0x1a: {  	[tilespmem:s13], [sflag:$0x4] =	stream.indirect.gather [hbm4b:s3+s9], $0x10, s9, s9, $0xb8;
	[tilespmem:$0x8800] =	vst v63  }
0x1b: {  	_ =	swait.ge [sflag:s14], $0x4000  }
0x1c: {  	[sflag:s14] =	ssyncset.done $0x0  }
0x1d: {  	[sflag:s14] =	ssyncadd.s32 $0xFFFFC000  }
0x1e: {  	[hbm4b:s5+s2] =	stream.linear.scatter [tilespmem:s11], [sflag:$0x5], $0x4000, $0x38;
	[tilespmem:$0x8800] =	vst v63  }
0x1f: {  	_ =	swait.ge [sflag:s15], $0x4000  }
0x20: {  	[sflag:s15] =	ssyncset.done $0x0  }
0x21: {  	[sflag:s15] =	ssyncadd.s32 $0xFFFFC000  }
0x22: {  	[hbm4b:s7+s2] =	stream.linear.scatter [tilespmem:s13], [sflag:$0x6], $0x4000, $0x38;
	[tilespmem:$0x8800] =	vst v63  }
0x23: {  	_ =	swait.ge [sflag:s16], $0x4000  }
0x24: {  	[sflag:s16] =	ssyncset.done $0x0  }
0x25: {  	[sflag:s16] =	ssyncadd.s32 $0xFFFFC000  }
0x26: {  	s21 =	simm.s32 $0x100;
	s22 =	simm.s32 $0x200;
	_ =	swait.ge [sflag:s17], $0x4000  }
0x27: {  	s20 =	sadd.s32 $0x1000, s5;
	s19 =	sadd.s32 $0x1000, s7;
	[sflag:s17] =	ssyncset.done $0x0  }
.LBB2_2:
0x28: {  	s23 =	sadd.s32 s21, s6  }
0x29: {  	[sflag:s17] =	ssyncadd.s32 $0xFFFFC000;
	s24 =	smov.u32 s22;
	s25 =	sadd.s32 $0x100, s22  }
0x2a: {  	[tilespmem:s2], [sflag:$0x1] =	stream.linear.gather [hbm4b:s23+s2], $0x400, $0x38;
	[tilespmem:$0x8800] =	vst v63  }
0x2b: {  	p0 =	sne.s32 s22, $0xC00;
	s22 =	sadd.s32 s21, s8;
	s21 =	smov.u32 s24  }
0x2c: {  	[tilespmem:s9], [sflag:$0x2] =	stream.linear.gather [hbm4b:s22+s2], $0x400, $0x38;
	[tilespmem:$0x8800] =	vst v63  }
0x2d: {  	_ =	swait.ge [sflag:s10], $0x400  }
0x2e: {  	[sflag:s10] =	ssyncset.done $0x0  }
0x2f: {  	[sflag:s10] =	ssyncadd.s32 $0xFFFFFC00  }
0x30: {  	[tilespmem:s11], [sflag:$0x3] =	stream.indirect.gather [hbm4b:s3+s9], $0x10, s2, s9, $0xb8;
	[tilespmem:$0x8800] =	vst v63  }
0x31: {  	_ =	swait.ge [sflag:s12], $0x400  }
0x32: {  	[sflag:s12] =	ssyncset.done $0x0  }
0x33: {  	[sflag:s12] =	ssyncadd.s32 $0xFFFFFC00  }
0x34: {  	[tilespmem:s13], [sflag:$0x4] =	stream.indirect.gather [hbm4b:s3+s9], $0x10, s9, s9, $0xb8;
	[tilespmem:$0x8800] =	vst v63  }
0x35: {  	_ =	swait.ge [sflag:s14], $0x4000  }
0x36: {  	[sflag:s14] =	ssyncset.done $0x0  }
0x37: {  	[sflag:s14] =	ssyncadd.s32 $0xFFFFC000  }
0x38: {  	[hbm4b:s20+s2] =	stream.linear.scatter [tilespmem:s11], [sflag:$0x5], $0x4000, $0x38;
	[tilespmem:$0x8800] =	vst v63  }
0x39: {  	_ =	swait.ge [sflag:s15], $0x4000  }
0x3a: {  	[sflag:s15] =	ssyncset.done $0x0  }
0x3b: {  	[sflag:s15] =	ssyncadd.s32 $0xFFFFC000  }
0x3c: {  	[hbm4b:s19+s2] =	stream.linear.scatter [tilespmem:s13], [sflag:$0x6], $0x4000, $0x38;
	[tilespmem:$0x8800] =	vst v63  }
.Ltmp0:
0x3d: {  	_ =	swait.ge [sflag:s16], $0x4000;
	(pc) =	sbr.rel @p0 .LBB2_2-.Ltmp0, $4  }
0x3e: {  	[sflag:s16] =	ssyncset.done $0x0  }
0x3f: {  	[sflag:s16] =	ssyncadd.s32 $0xFFFFC000  }
0x40: {  	s22 =	smov.u32 s25;
	_ =	swait.ge [sflag:s17], $0x4000  }
0x41: {  	s20 =	sadd.s32 $0x1000, s20;
	s19 =	sadd.s32 $0x1000, s19;
	[sflag:s17] =	ssyncset.done $0x0  }
0x42: {  	s22 =	sadd.s32 s21, s6;
	[sflag:s17] =	ssyncadd.s32 $0xFFFFC000  }
0x43: {  	[tilespmem:s2], [sflag:$0x1] =	stream.linear.gather [hbm4b:s22+s2], $0x400, $0x38;
	[tilespmem:$0x8800] =	vst v63  }
0x44: {  	s31 =	sadd.s32 s21, s8  }
0x45: {  	[tilespmem:s9], [sflag:$0x2] =	stream.linear.gather [hbm4b:s31+s2], $0x400, $0x38;
	[tilespmem:$0x8800] =	vst v63  }
0x46: {  	_ =	swait.ge [sflag:s10], $0x400  }
0x47: {  	[sflag:s10] =	ssyncset.done $0x0  }
0x48: {  	[sflag:s10] =	ssyncadd.s32 $0xFFFFFC00  }
0x49: {  	[tilespmem:s11], [sflag:$0x3] =	stream.indirect.gather [hbm4b:s3+s9], $0x10, s2, s9, $0xb8;
	[tilespmem:$0x8800] =	vst v63  }
0x4a: {  	_ =	swait.ge [sflag:s12], $0x400  }
0x4b: {  	[sflag:s12] =	ssyncset.done $0x0  }
0x4c: {  	[sflag:s12] =	ssyncadd.s32 $0xFFFFFC00  }
0x4d: {  	[tilespmem:s13], [sflag:$0x4] =	stream.indirect.gather [hbm4b:s3+s9], $0x10, s9, s9, $0xb8;
	[tilespmem:$0x8800] =	vst v63  }
0x4e: {  	_ =	swait.ge [sflag:s14], $0x4000  }
0x4f: {  	[sflag:s14] =	ssyncset.done $0x0  }
0x50: {  	[sflag:s14] =	ssyncadd.s32 $0xFFFFC000  }
0x51: {  	[hbm4b:s20+s2] =	stream.linear.scatter [tilespmem:s11], [sflag:$0x5], $0x4000, $0x38;
	[tilespmem:$0x8800] =	vst v63  }
0x52: {  	_ =	swait.ge [sflag:s15], $0x4000  }
0x53: {  	[sflag:s15] =	ssyncset.done $0x0  }
0x54: {  	s18 =	sadd.s32 $0x1, s18;
	[sflag:s15] =	ssyncadd.s32 $0xFFFFC000  }
0x55: {  	[hbm4b:s19+s2] =	stream.linear.scatter [tilespmem:s13], [sflag:$0x6], $0x4000, $0x38;
	[tilespmem:$0x8800] =	vst v63  }
0x56: {  	p0 =	sne.s32 s18, s4;
	_ =	swait.ge [sflag:s16], $0x4000  }
.Ltmp1:
0x57: {  	[sflag:s16] =	ssyncset.done $0x0;
	(pc) =	sbr.rel @p0 .LBB2_1-.Ltmp1, $4  }
0x58: {  	[sflag:s16] =	ssyncadd.s32 $0xFFFFC000  }
0x59: {  	_ =	swait.ge [sflag:s17], $0x4000  }
0x5a: {  	[sflag:s17] =	ssyncset.done $0x0  }
0x5b: {  	[sflag:s17] =	ssyncadd.s32 $0xFFFFC000  }
0x5c: {  	_ =	sfence.sel $0x180000  }
0x5d: {  	[bflag:$0x0] =	sbarrier.arrive $0xFFFF  }
0x5e: {  	p0 =	sne.s32 s1, $0x0;
	_ =	strace $0x90000062  }
0x5f: {  	s0 =	sadd.s32 @!p0 $0x100000, s0;
	[bflag:$0x2] =	sbarrier.arrive $0xFFFF  }
0x60: {  	[sflag:s0] =	ssyncadd.tile.s32 @!p0 $0x1;
	_ =	shalt  }
.Lfunc_end2:
_tile_overlayer_lowered:
.L_overlay_start_2:
0x61: {  	(tag) =	ssettag $0x2  }
0x62: {  	s0 =	rddreg [dreg:$0x0];
	s2 =	stileid.u32  }
0x63: {  	s1 =	rddreg [dreg:$0x1];
	p0 =	sne.s32 s2, $0x0  }
0x64: {  	s3 =	rddreg [dreg:$0x2];
	[bflag:$0x3] =	sbarrier.arrive $0xFFFF;
	s2 =	simm.s32 @!p0 $0x1C07  }
0x65: {  	[timem:s3], [sflag:s2] =	dma.local @!p0 [hbm:s0], s1  }
0x66: {  	s0 =	simm.s32 @!p0 $0x7  }
0x67: {  	_ =	swait.ge @!p0 [sflag:s0], s1  }
0x68: {  	s1 =	ssub.s32 @!p0 $0x0, s1;
	[sflag:s0] =	ssyncset.done @!p0 $0x0  }
0x69: {  	[sflag:s0] =	ssyncadd.s32 @!p0 s1  }
0x6a: {  	[bflag:$0x3] =	sbarrier.arrive $0xFFFF  }
0x6b: {  	_ =	shalt  }

// kernel: kernel.56.cloned.1.call-start
scs
__scs_entry_jumppad:
0x0: {  	(pc) =	sbr.rel $0x88, $3  }
0x1: {  	(tag) =	ssettag $0x0;
	lr =	simm.s32 $0x1  }
0x2: {  	[smem:$0x3F89] =	sst lr;
	_ =	strace $0xD0000000  }
0x3: {  	_ = 	snop  }
0x4: {  	_ = 	snop  }
0x5: {  	_ = 	snop  }
0x6: {  	_ = 	snop  }
0x7: {  	_ = 	snop  }
__scs_overlays_trampoline_lowered:
0x8: {  	[smem:$0x3F98] =	sst s0  }
0x9: {  	[smem:$0x3F99] =	sst s1  }
0xa: {  	[smem:$0x3F9A] =	sst s2  }
0xb: {  	[smem:$0x3F9B] =	sst s3  }
0xc: {  	[smem:$0x3F9C] =	sst s4  }
0xd: {  	[smem:$0x3F9D] =	sst s5  }
0xe: {  	[smem:$0x3F9E] =	sst s6  }
0xf: {  	[smem:$0x3F9F] =	sst s7  }
0x10: {  	[smem:$0x3FA0] =	sst s8  }
0x11: {  	[smem:$0x3FA1] =	sst s9;
	s0 =	simm.s32 @!p0 $0x0  }
0x12: {  	s1 =	sld [smem:$0x3F87];
	s0 =	simm.s32 @p0 $0x1  }
0x13: {  	[smem:$0x3FA2] =	sst s0;
	s0 =	simm.s32 @!p1 $0x0  }
0x14: {  	s2 =	sld [smem:$0x3F86];
	s0 =	simm.s32 @p1 $0x1  }
0x15: {  	[smem:$0x3FA3] =	sst s0;
	s0 =	simm.s32 @!p2 $0x0  }
0x16: {  	s3 =	sld [smem:$0x3FDB];
	s0 =	simm.s32 @p2 $0x1  }
0x17: {  	s4 =	simm.s32 $0x1BF5;
	[smem:$0x3FA5] =	sst s0  }
0x18: {  	s0 =	sld [smem:$0x3F88];
	_ =	swait.ge [sflag:s4], $0x0  }
0x19: {  	s7 =	sld [smem:$0x3F89]  }
0x1a: {  	s8 =	sadd.s32 $0xFFFFE003, lr  }
0x1b: {  	s9 =	sadd.s32 $0xFFFFFEF7, lr;
	s5 =	simm.s32 $0xFFFFFFFF;
	p2 =	slt.u32 s8, $0xFFFFF086  }
0x1c: {  	p1 =	slt.u32 s9, $0xF7A;
	s5 =	simm.s32 @!p2 $0x0  }
0x1d: {  	s5 =	simm.s32 @p1 $0x1;
	p0 =	seq.s32 s7, s2  }
0x1e: {  	s7 =	smul.u32 @!p0 $0xF7A, s2;
	p2 =	seq.s32 @!p0 s5, $0x0  }
0x1f: {  	s9 =	smul.u32 $0xF7A, s1;
	s8 =	simm.s32 @!p0 $0x1BF5;
	p2 =	por !p2, p0  }
0x20: {  	[sflag:s8] =	ssyncset.s32 @!p0 $0xFFFFF086;
	s6 =	sadd.s32 @!p0 s3, s7;
	s7 =	simm.s32 @!p0 $0x108  }
0x21: {  	s3 =	sadd.s32 s3, s9;
	s6 =	sadd.s32 @!p0 $0x88, s6;
	s7 =	simm.s32 @p2 $0x1082  }
0x22: {  	[simem:s7], [sflag:s8] =	dma.local @!p0 [hbm:s6], $0xF7A  }
0x23: {  	s9 =	sor.u32 $0xD0000000, s2;
	s6 =	simm.s32 $0x108;
	_ =	swait.ge @!p0 [sflag:s8], $0x0  }
0x24: {  	s3 =	sadd.s32 $0x88, s3;
	s6 =	simm.s32 @!p1 $0x1082;
	[sflag:s4] =	ssyncset.s32 $0xFFFFF086  }
0x25: {  	[simem:s6], [sflag:s4] =	dma.local [hbm:s3], $0xF7A  }
0x26: {  	[smem:$0x3F89] =	sst s1;
	(tag) =	ssettag s2;
	_ =	strace s9  }
0x27: {  	s1 =	sld [smem:$0x3F99]  }
0x28: {  	s2 =	sld [smem:$0x3F9A]  }
0x29: {  	s4 =	sld [smem:$0x3F9C]  }
0x2a: {  	p0 =	seq.s32 s5, $0x0;
	s5 =	sld [smem:$0x3F9D]  }
0x2b: {  	s6 =	sld [smem:$0x3F9E]  }
0x2c: {  	s7 =	sld [smem:$0x3F9F]  }
0x2d: {  	s3 =	simm.s32 $0x108;
	s8 =	sld [smem:$0x3FA0]  }
0x2e: {  	s3 =	simm.s32 @!p0 $0x1082;
	s9 =	sld [smem:$0x3FA1]  }
0x2f: {  	lr =	sadd.s32 s0, s3;
	s0 =	sld [smem:$0x3F98]  }
0x30: {  	s3 =	sld [smem:$0x3F9B]  }
0x31: {  	[smem:$0x3FA4] =	sst s10  }
0x32: {  	s10 =	sld [smem:$0x3FA2];
	_ =	sdelay $0x3  }
0x33: {  	p0 =	seq.s32 s10, $0x1;
	s10 =	sld [smem:$0x3FA4];
	_ =	sdelay $0x3  }
0x34: {  	[smem:$0x3FA4] =	sst s10  }
0x35: {  	s10 =	sld [smem:$0x3FA3];
	_ =	sdelay $0x3  }
0x36: {  	p1 =	seq.s32 s10, $0x1;
	s10 =	sld [smem:$0x3FA4];
	_ =	sdelay $0x3  }
0x37: {  	[smem:$0x3FA4] =	sst s10  }
0x38: {  	s10 =	sld [smem:$0x3FA5]  }
0x39: {  	_ = 	snop;
	(pc) =	sbr.ind lr, $3  }
0x3a: {  	_ = 	snop  }
0x3b: {  	_ = 	snop  }
0x3c: {  	p2 =	seq.s32 s10, $0x1;
	s10 =	sld [smem:$0x3FA4]  }
0x3d: {  	_ =	shalt  }
0x3e: {  	_ =	shalt  }
0x3f: {  	_ =	shalt  }
0x40: {  	_ =	shalt  }
0x41: {  	_ =	shalt  }
0x42: {  	_ =	shalt  }
0x43: {  	_ =	shalt  }
0x44: {  	_ =	shalt  }
0x45: {  	_ =	shalt  }
0x46: {  	_ =	shalt  }
0x47: {  	_ =	shalt  }
0x48: {  	_ =	shalt  }
0x49: {  	_ =	shalt  }
0x4a: {  	_ =	shalt  }
0x4b: {  	_ =	shalt  }
0x4c: {  	_ =	shalt  }
0x4d: {  	_ =	shalt  }
0x4e: {  	_ =	shalt  }
0x4f: {  	_ =	shalt  }
0x50: {  	_ =	shalt  }
0x51: {  	_ =	shalt  }
0x52: {  	_ =	shalt  }
0x53: {  	_ =	shalt  }
0x54: {  	_ =	shalt  }
0x55: {  	_ =	shalt  }
0x56: {  	_ =	shalt  }
0x57: {  	_ =	shalt  }
0x58: {  	_ =	shalt  }
0x59: {  	_ =	shalt  }
0x5a: {  	_ =	shalt  }
0x5b: {  	_ =	shalt  }
0x5c: {  	_ =	shalt  }
0x5d: {  	_ =	shalt  }
0x5e: {  	_ =	shalt  }
0x5f: {  	_ =	shalt  }
0x60: {  	_ =	shalt  }
0x61: {  	_ =	shalt  }
0x62: {  	_ =	shalt  }
0x63: {  	_ =	shalt  }
0x64: {  	_ =	shalt  }
0x65: {  	_ =	shalt  }
0x66: {  	_ =	shalt  }
0x67: {  	_ =	shalt  }
0x68: {  	_ =	shalt  }
0x69: {  	_ =	shalt  }
0x6a: {  	_ =	shalt  }
0x6b: {  	_ =	shalt  }
0x6c: {  	_ =	shalt  }
0x6d: {  	_ =	shalt  }
0x6e: {  	_ =	shalt  }
0x6f: {  	_ =	shalt  }
0x70: {  	_ =	shalt  }
0x71: {  	_ =	shalt  }
0x72: {  	_ =	shalt  }
0x73: {  	_ =	shalt  }
0x74: {  	_ =	shalt  }
0x75: {  	_ =	shalt  }
0x76: {  	_ =	shalt  }
0x77: {  	_ =	shalt  }
0x78: {  	_ =	shalt  }
0x79: {  	_ =	shalt  }
0x7a: {  	_ =	shalt  }
0x7b: {  	_ =	shalt  }
0x7c: {  	_ =	shalt  }
0x7d: {  	_ =	shalt  }
0x7e: {  	_ =	shalt  }
0x7f: {  	_ =	shalt  }
0x80: {  	_ =	shalt  }
0x81: {  	_ =	shalt  }
0x82: {  	_ =	shalt  }
0x83: {  	_ =	shalt  }
0x84: {  	_ =	shalt  }
0x85: {  	_ =	shalt  }
0x86: {  	_ =	shalt  }
0x87: {  	_ =	shalt  }
.Lfunc_end0:
.L_simem_size_0:
called_computation.9_lowered:
.L_overlay_start_0:
0x88: {  	s2 =	sld [smem:$0x3FD9]  }
0x89: {  	s3 =	sld [smem:$0x3FFE];
	_ =	sdelay $0x1  }
0x8a: {  	s1 =	srdreg.scid  }
0x8b: {  	s0 =	sand.u32 $0x1, s1  }
0x8c: {  	s16 =	sshll.u32 s0, $0xA;
	s2 =	sadd.s32 s3, s2  }
0x8d: {  	s2 =	sadd.s32 s2, s16  }
0x8e: {  	[smem:$0x3FB0] =	sst s2  }
0x8f: {  	_ = 	snop  }
0x90: {  	(tm) =	ssettm $0x1  }
0x91: {  	s17 =	sld [smem:$0x3FFB];
	_ =	sdelay $0x3  }
0x92: {  	_ =	strace s17  }
0x93: {  	s2 =	sld [smem:$0x3FFC];
	_ =	sdelay $0x3  }
0x94: {  	_ =	strace s2  }
0x95: {  	s2 =	sld [smem:$0x3FFD];
	_ =	sdelay $0x3  }
0x96: {  	_ =	strace s2  }
0x97: {  	_ =	strace $0x8FFFFFFF  }
0x98: {  	s18 =	sld [smem:$0x3FDB];
	_ =	sdelay $0x1  }
0x99: {  	s19 =	simm.s32 $_scs_section_size  }
0x9a: {  	s4 =	simm.s32 $_size__tile_overlayer_lowered;
	s5 =	simm.s32 $_tile_overlayer_lowered  }
0x9b: {  	s22 =	simm.s32 $0x1BFF;
	s21 =	sshll.u32 s5, $0x1;
	s2 =	sadd.s32 s19, s18  }
0x9c: {  	s6 =	simm.s32 $0x0;
	s20 =	sshll.u32 s4, $0x1;
	s4 =	sadd.s32 s21, s2  }
0x9d: {  	[timem:s6], [sflag:s22] =	dma.local [hbm:s4], s20  }
0x9e: {  	_ =	swait.ge [sflag:s22], s20  }
0x9f: {  	s3 =	ssub.s32 $0x0, s20;
	[sflag:s22] =	ssyncset.done $0x0  }
0xa0: {  	[sflag:s22] =	ssyncadd.s32 s3;
	_ =	sdelay $0x1  }
0xa1: {  	s23 =	simm.s32 $0x1B8B  }
0xa2: {  	_ =	swait.ge [sflag:s23], $0x1  }
0xa3: {  	[sflag:s23] =	ssyncset.done $0x0  }
0xa4: {  	s25 =	simm.s32 $0x1B8E;
	s24 =	sld [smem:$0x3FFE];
	[sflag:s23] =	ssyncadd.s32 $0xFFFFFFFF  }
0xa5: {  	s26 =	simm.s32 $execute0_lowered;
	[smem:$0x3FD2] =	sst s25  }
0xa6: {  	s4 =	sshll.u32 s26, $0x1;
	_ =	strace $0x8000005E;
	[dreg:$0x1] =	wrdreg $0xFFFFFFFF  }
0xa7: {  	s28 =	simm.s32 $_size_execute0_lowered;
	s2 =	sadd.s32 s2, s4;
	[dreg:$0x0] =	wrdreg $0x0  }
0xa8: {  	s4 =	sshll.u32 s28, $0x1;
	[dreg:$0x2] =	wrdreg s2  }
0xa9: {  	[dreg:$0x3] =	wrdreg s4  }
0xaa: {  	[dreg:$0x4] =	wrdreg $0xC0  }
0xab: {  	_ =	task [dreg:s6], $0x5FFFF  }
0xac: {  	[dreg:$0x1] =	wrdreg $0xFFFFFFFF  }
0xad: {  	[dreg:$0x0] =	wrdreg $0x60  }
0xae: {  	[dreg:$0x2] =	wrdreg s24  }
0xaf: {  	[dreg:$0x3] =	wrdreg $0xA  }
0xb0: {  	_ =	task.clear_ibuf [dreg:s6], $0x4FFFF;
	_ =	strace $0x9000005E  }
0xb1: {  	s29 =	simm.s32 $0xA;
	_ =	strace $0x80000060  }
0xb2: {  	_ =	swait.ge [sflag:s29], $0x1  }
0xb3: {  	[sflag:s29] =	ssyncadd.s32 $0xFFFFFFFF  }
0xb4: {  	_ =	strace $0x90000060  }
0xb5: {  	_ =	sfence  }
0xb6: {  	s30 =	sld [smem:$0x0];
	_ =	sdelay $0x2  }
0xb7: {  	s31 =	sshll.u32 s1, $0xD;
	s1 =	sshrl.u32 s1, $0x2  }
0xb8: {  	s3 =	sand.u32 $0x4000, s31;
	s1 =	sadd.s32 s1, s30  }
0xb9: {  	s0 =	sor.u32 s3, s0;
	s1 =	sshll.u32 s1, $0x11  }
0xba: {  	s0 =	sor.u32 s1, s0  }
0xbb: {  	s0 =	sadd.s32 $0x8F2B, s0  }
0xbc: {  	[sflag:s0] =	ssyncadd.remote.s32 $0x1  }
0xbd: {  	_ =	sfence.sel $0xFFFF  }
0xbe: {  	[dreg:$0x0] =	wrdreg $0xFFFFFFFF;
	(pc) =	sbr.abs _section_cstart, $3  }
0xbf: {  	[dreg:$0x1] =	wrdreg $0xFFFFFFFF  }
0xc0: {  	_ =	task.clear_ibuf [dreg:s6], $0x2FFFF;
	_ =	strace $0x9FFFFFFF  }
0xc1: {  	(tm) =	ssettm $0x7FFFFFFF  }
tec
execute0_lowered:
.L_overlay_start_1:
0x0: {  	(tag) =	ssettag $0x1  }
0x1: {  	s4 =	rddreg [dreg:$0x0]  }
0x2: {  	s0 =	rddreg [dreg:$0x1];
	s2 =	simm.s32 $0x0  }
0x3: {  	s3 =	srdreg.scid;
	s1 =	stileid.u32;
	s13 =	simm.s32 $0x4800  }
0x4: {  	s14 =	simm.s32 $0x3;
	s15 =	simm.s32 $0x4;
	s16 =	simm.s32 $0x5  }
0x5: {  	s17 =	simm.s32 $0x6;
	s18 =	simm.s32 $0x0;
	s6 =	smul.u32 $0x1A000, s1  }
0x6: {  	[smem:$0x7FF] =	sst s2;
	s5 =	sand.u32 $0x1, s3;
	s8 =	smul.u32 $0xD000, s1  }
0x7: {  	s3 =	sadd.s32 $0x1BEA00, s4;
	s9 =	sadd.s32 $0xE1400, s4;
	s11 =	smul.u32 $0x6800, s5  }
0x8: {  	s12 =	sadd.s32 $0x1D7200, s4;
	s7 =	ssub.s32 $0x2, s5;
	s5 =	smul.u32 $0xD000, s5  }
0x9: {  	_ =	strace $0x8000005F;
	s10 =	sshrl.u32 s7, $0x1;
	s6 =	sadd.s32 s6, s12  }
0xa: {  	s26 =	ssub.s32 s7, s10;
	s28 =	sadd.s32 s11, s8;
	s5 =	sadd.s32 s5, s6  }
0xb: {  	s10 =	simm.s32 $0x1;
	s11 =	simm.s32 $0x800;
	s7 =	sor.u32 $0x400, s28  }
0xc: {  	s4 =	smax.u32 s26, $0x1;
	s29 =	sshrl.u32 s28, $0x3;
	s30 =	sshll.u32 s7, $0x1  }
0xd: {  	s6 =	sadd.s32 s29, s9;
	s31 =	sshrl.u32 s7, $0x3;
	s7 =	sadd.s32 s30, s12  }
0xe: {  	s8 =	sadd.s32 s31, s9;
	s9 =	simm.s32 $0x400;
	s12 =	simm.s32 $0x2  }
.LBB2_1:
0xf: {  	s19 =	sadd.s32 $0x0, s6  }
0x10: {  	[tilespmem:s2], [sflag:$0x1] =	stream.linear.gather [hbm4b:s19+s2], $0x400, $0x38;
	[tilespmem:$0x8800] =	vst v63  }
0x11: {  	s31 =	sadd.s32 $0x0, s8  }
0x12: {  	[tilespmem:s9], [sflag:$0x2] =	stream.linear.gather [hbm4b:s31+s2], $0x400, $0x38;
	[tilespmem:$0x8800] =	vst v63  }
0x13: {  	_ =	swait.ge [sflag:s10], $0x400  }
0x14: {  	[sflag:s10] =	ssyncset.done $0x0  }
0x15: {  	[sflag:s10] =	ssyncadd.s32 $0xFFFFFC00  }
0x16: {  	[tilespmem:s11], [sflag:$0x3] =	stream.indirect.gather [hbm4b:s3+s9], $0x10, s2, s9, $0xb8;
	[tilespmem:$0x8800] =	vst v63  }
0x17: {  	_ =	swait.ge [sflag:s12], $0x400  }
0x18: {  	[sflag:s12] =	ssyncset.done $0x0  }
0x19: {  	[sflag:s12] =	ssyncadd.s32 $0xFFFFFC00  }
0x1a: {  	[tilespmem:s13], [sflag:$0x4] =	stream.indirect.gather [hbm4b:s3+s9], $0x10, s9, s9, $0xb8;
	[tilespmem:$0x8800] =	vst v63  }
0x1b: {  	_ =	swait.ge [sflag:s14], $0x4000  }
0x1c: {  	[sflag:s14] =	ssyncset.done $0x0  }
0x1d: {  	[sflag:s14] =	ssyncadd.s32 $0xFFFFC000  }
0x1e: {  	[hbm4b:s5+s2] =	stream.linear.scatter [tilespmem:s11], [sflag:$0x5], $0x4000, $0x38;
	[tilespmem:$0x8800] =	vst v63  }
0x1f: {  	_ =	swait.ge [sflag:s15], $0x4000  }
0x20: {  	[sflag:s15] =	ssyncset.done $0x0  }
0x21: {  	[sflag:s15] =	ssyncadd.s32 $0xFFFFC000  }
0x22: {  	[hbm4b:s7+s2] =	stream.linear.scatter [tilespmem:s13], [sflag:$0x6], $0x4000, $0x38;
	[tilespmem:$0x8800] =	vst v63  }
0x23: {  	_ =	swait.ge [sflag:s16], $0x4000  }
0x24: {  	[sflag:s16] =	ssyncset.done $0x0  }
0x25: {  	[sflag:s16] =	ssyncadd.s32 $0xFFFFC000  }
0x26: {  	s21 =	simm.s32 $0x100;
	s22 =	simm.s32 $0x200;
	_ =	swait.ge [sflag:s17], $0x4000  }
0x27: {  	s20 =	sadd.s32 $0x1000, s5;
	s19 =	sadd.s32 $0x1000, s7;
	[sflag:s17] =	ssyncset.done $0x0  }
.LBB2_2:
0x28: {  	s23 =	sadd.s32 s21, s6  }
0x29: {  	[sflag:s17] =	ssyncadd.s32 $0xFFFFC000;
	s24 =	smov.u32 s22;
	s25 =	sadd.s32 $0x100, s22  }
0x2a: {  	[tilespmem:s2], [sflag:$0x1] =	stream.linear.gather [hbm4b:s23+s2], $0x400, $0x38;
	[tilespmem:$0x8800] =	vst v63  }
0x2b: {  	p0 =	sne.s32 s22, $0xC00;
	s22 =	sadd.s32 s21, s8;
	s21 =	smov.u32 s24  }
0x2c: {  	[tilespmem:s9], [sflag:$0x2] =	stream.linear.gather [hbm4b:s22+s2], $0x400, $0x38;
	[tilespmem:$0x8800] =	vst v63  }
0x2d: {  	_ =	swait.ge [sflag:s10], $0x400  }
0x2e: {  	[sflag:s10] =	ssyncset.done $0x0  }
0x2f: {  	[sflag:s10] =	ssyncadd.s32 $0xFFFFFC00  }
0x30: {  	[tilespmem:s11], [sflag:$0x3] =	stream.indirect.gather [hbm4b:s3+s9], $0x10, s2, s9, $0xb8;
	[tilespmem:$0x8800] =	vst v63  }
0x31: {  	_ =	swait.ge [sflag:s12], $0x400  }
0x32: {  	[sflag:s12] =	ssyncset.done $0x0  }
0x33: {  	[sflag:s12] =	ssyncadd.s32 $0xFFFFFC00  }
0x34: {  	[tilespmem:s13], [sflag:$0x4] =	stream.indirect.gather [hbm4b:s3+s9], $0x10, s9, s9, $0xb8;
	[tilespmem:$0x8800] =	vst v63  }
0x35: {  	_ =	swait.ge [sflag:s14], $0x4000  }
0x36: {  	[sflag:s14] =	ssyncset.done $0x0  }
0x37: {  	[sflag:s14] =	ssyncadd.s32 $0xFFFFC000  }
0x38: {  	[hbm4b:s20+s2] =	stream.linear.scatter [tilespmem:s11], [sflag:$0x5], $0x4000, $0x38;
	[tilespmem:$0x8800] =	vst v63  }
0x39: {  	_ =	swait.ge [sflag:s15], $0x4000  }
0x3a: {  	[sflag:s15] =	ssyncset.done $0x0  }
0x3b: {  	[sflag:s15] =	ssyncadd.s32 $0xFFFFC000  }
0x3c: {  	[hbm4b:s19+s2] =	stream.linear.scatter [tilespmem:s13], [sflag:$0x6], $0x4000, $0x38;
	[tilespmem:$0x8800] =	vst v63  }
.Ltmp0:
0x3d: {  	_ =	swait.ge [sflag:s16], $0x4000;
	(pc) =	sbr.rel @p0 .LBB2_2-.Ltmp0, $4  }
0x3e: {  	[sflag:s16] =	ssyncset.done $0x0  }
0x3f: {  	[sflag:s16] =	ssyncadd.s32 $0xFFFFC000  }
0x40: {  	s22 =	smov.u32 s25;
	_ =	swait.ge [sflag:s17], $0x4000  }
0x41: {  	s20 =	sadd.s32 $0x1000, s20;
	s19 =	sadd.s32 $0x1000, s19;
	[sflag:s17] =	ssyncset.done $0x0  }
0x42: {  	s22 =	sadd.s32 s21, s6;
	[sflag:s17] =	ssyncadd.s32 $0xFFFFC000  }
0x43: {  	[tilespmem:s2], [sflag:$0x1] =	stream.linear.gather [hbm4b:s22+s2], $0x400, $0x38;
	[tilespmem:$0x8800] =	vst v63  }
0x44: {  	s31 =	sadd.s32 s21, s8  }
0x45: {  	[tilespmem:s9], [sflag:$0x2] =	stream.linear.gather [hbm4b:s31+s2], $0x400, $0x38;
	[tilespmem:$0x8800] =	vst v63  }
0x46: {  	_ =	swait.ge [sflag:s10], $0x400  }
0x47: {  	[sflag:s10] =	ssyncset.done $0x0  }
0x48: {  	[sflag:s10] =	ssyncadd.s32 $0xFFFFFC00  }
0x49: {  	[tilespmem:s11], [sflag:$0x3] =	stream.indirect.gather [hbm4b:s3+s9], $0x10, s2, s9, $0xb8;
	[tilespmem:$0x8800] =	vst v63  }
0x4a: {  	_ =	swait.ge [sflag:s12], $0x400  }
0x4b: {  	[sflag:s12] =	ssyncset.done $0x0  }
0x4c: {  	[sflag:s12] =	ssyncadd.s32 $0xFFFFFC00  }
0x4d: {  	[tilespmem:s13], [sflag:$0x4] =	stream.indirect.gather [hbm4b:s3+s9], $0x10, s9, s9, $0xb8;
	[tilespmem:$0x8800] =	vst v63  }
0x4e: {  	_ =	swait.ge [sflag:s14], $0x4000  }
0x4f: {  	[sflag:s14] =	ssyncset.done $0x0  }
0x50: {  	[sflag:s14] =	ssyncadd.s32 $0xFFFFC000  }
0x51: {  	[hbm4b:s20+s2] =	stream.linear.scatter [tilespmem:s11], [sflag:$0x5], $0x4000, $0x38;
	[tilespmem:$0x8800] =	vst v63  }
0x52: {  	_ =	swait.ge [sflag:s15], $0x4000  }
0x53: {  	[sflag:s15] =	ssyncset.done $0x0  }
0x54: {  	s18 =	sadd.s32 $0x1, s18;
	[sflag:s15] =	ssyncadd.s32 $0xFFFFC000  }
0x55: {  	[hbm4b:s19+s2] =	stream.linear.scatter [tilespmem:s13], [sflag:$0x6], $0x4000, $0x38;
	[tilespmem:$0x8800] =	vst v63  }
0x56: {  	p0 =	sne.s32 s18, s4;
	_ =	swait.ge [sflag:s16], $0x4000  }
.Ltmp1:
0x57: {  	[sflag:s16] =	ssyncset.done $0x0;
	(pc) =	sbr.rel @p0 .LBB2_1-.Ltmp1, $4  }
0x58: {  	[sflag:s16] =	ssyncadd.s32 $0xFFFFC000  }
0x59: {  	_ =	swait.ge [sflag:s17], $0x4000  }
0x5a: {  	[sflag:s17] =	ssyncset.done $0x0  }
0x5b: {  	[sflag:s17] =	ssyncadd.s32 $0xFFFFC000  }
0x5c: {  	_ =	sfence.sel $0x180000  }
0x5d: {  	[bflag:$0x0] =	sbarrier.arrive $0xFFFF  }
0x5e: {  	p0 =	sne.s32 s1, $0x0;
	_ =	strace $0x9000005F  }
0x5f: {  	s0 =	sadd.s32 @!p0 $0x100000, s0;
	[bflag:$0x2] =	sbarrier.arrive $0xFFFF  }
0x60: {  	[sflag:s0] =	ssyncadd.tile.s32 @!p0 $0x1;
	_ =	shalt  }
.Lfunc_end2:
_tile_overlayer_lowered:
.L_overlay_start_2:
0x61: {  	(tag) =	ssettag $0x2  }
0x62: {  	s0 =	rddreg [dreg:$0x0];
	s2 =	stileid.u32  }
0x63: {  	s1 =	rddreg [dreg:$0x1];
	p0 =	sne.s32 s2, $0x0  }
0x64: {  	s3 =	rddreg [dreg:$0x2];
	[bflag:$0x3] =	sbarrier.arrive $0xFFFF;
	s2 =	simm.s32 @!p0 $0x1C07  }
0x65: {  	[timem:s3], [sflag:s2] =	dma.local @!p0 [hbm:s0], s1  }
0x66: {  	s0 =	simm.s32 @!p0 $0x7  }
0x67: {  	_ =	swait.ge @!p0 [sflag:s0], s1  }
0x68: {  	s1 =	ssub.s32 @!p0 $0x0, s1;
	[sflag:s0] =	ssyncset.done @!p0 $0x0  }
0x69: {  	[sflag:s0] =	ssyncadd.s32 @!p0 s1  }
0x6a: {  	[bflag:$0x3] =	sbarrier.arrive $0xFFFF  }
0x6b: {  	_ =	shalt  }

// kernel: kernel.59.cloned.1.call-start
scs
__scs_entry_jumppad:
0x0: {  	(pc) =	sbr.rel $0x88, $3  }
0x1: {  	(tag) =	ssettag $0x0;
	lr =	simm.s32 $0x1  }
0x2: {  	[smem:$0x3F89] =	sst lr;
	_ =	strace $0xD0000000  }
0x3: {  	_ = 	snop  }
0x4: {  	_ = 	snop  }
0x5: {  	_ = 	snop  }
0x6: {  	_ = 	snop  }
0x7: {  	_ = 	snop  }
__scs_overlays_trampoline_lowered:
0x8: {  	[smem:$0x3F98] =	sst s0  }
0x9: {  	[smem:$0x3F99] =	sst s1  }
0xa: {  	[smem:$0x3F9A] =	sst s2  }
0xb: {  	[smem:$0x3F9B] =	sst s3  }
0xc: {  	[smem:$0x3F9C] =	sst s4  }
0xd: {  	[smem:$0x3F9D] =	sst s5  }
0xe: {  	[smem:$0x3F9E] =	sst s6  }
0xf: {  	[smem:$0x3F9F] =	sst s7  }
0x10: {  	[smem:$0x3FA0] =	sst s8  }
0x11: {  	[smem:$0x3FA1] =	sst s9;
	s0 =	simm.s32 @!p0 $0x0  }
0x12: {  	s1 =	sld [smem:$0x3F87];
	s0 =	simm.s32 @p0 $0x1  }
0x13: {  	[smem:$0x3FA2] =	sst s0;
	s0 =	simm.s32 @!p1 $0x0  }
0x14: {  	s2 =	sld [smem:$0x3F86];
	s0 =	simm.s32 @p1 $0x1  }
0x15: {  	[smem:$0x3FA3] =	sst s0;
	s0 =	simm.s32 @!p2 $0x0  }
0x16: {  	s3 =	sld [smem:$0x3FDB];
	s0 =	simm.s32 @p2 $0x1  }
0x17: {  	s4 =	simm.s32 $0x1BF5;
	[smem:$0x3FA5] =	sst s0  }
0x18: {  	s0 =	sld [smem:$0x3F88];
	_ =	swait.ge [sflag:s4], $0x0  }
0x19: {  	s7 =	sld [smem:$0x3F89]  }
0x1a: {  	s8 =	sadd.s32 $0xFFFFE003, lr  }
0x1b: {  	s9 =	sadd.s32 $0xFFFFFEF7, lr;
	s5 =	simm.s32 $0xFFFFFFFF;
	p2 =	slt.u32 s8, $0xFFFFF086  }
0x1c: {  	p1 =	slt.u32 s9, $0xF7A;
	s5 =	simm.s32 @!p2 $0x0  }
0x1d: {  	s5 =	simm.s32 @p1 $0x1;
	p0 =	seq.s32 s7, s2  }
0x1e: {  	s7 =	smul.u32 @!p0 $0xF7A, s2;
	p2 =	seq.s32 @!p0 s5, $0x0  }
0x1f: {  	s9 =	smul.u32 $0xF7A, s1;
	s8 =	simm.s32 @!p0 $0x1BF5;
	p2 =	por !p2, p0  }
0x20: {  	[sflag:s8] =	ssyncset.s32 @!p0 $0xFFFFF086;
	s6 =	sadd.s32 @!p0 s3, s7;
	s7 =	simm.s32 @!p0 $0x108  }
0x21: {  	s3 =	sadd.s32 s3, s9;
	s6 =	sadd.s32 @!p0 $0x88, s6;
	s7 =	simm.s32 @p2 $0x1082  }
0x22: {  	[simem:s7], [sflag:s8] =	dma.local @!p0 [hbm:s6], $0xF7A  }
0x23: {  	s9 =	sor.u32 $0xD0000000, s2;
	s6 =	simm.s32 $0x108;
	_ =	swait.ge @!p0 [sflag:s8], $0x0  }
0x24: {  	s3 =	sadd.s32 $0x88, s3;
	s6 =	simm.s32 @!p1 $0x1082;
	[sflag:s4] =	ssyncset.s32 $0xFFFFF086  }
0x25: {  	[simem:s6], [sflag:s4] =	dma.local [hbm:s3], $0xF7A  }
0x26: {  	[smem:$0x3F89] =	sst s1;
	(tag) =	ssettag s2;
	_ =	strace s9  }
0x27: {  	s1 =	sld [smem:$0x3F99]  }
0x28: {  	s2 =	sld [smem:$0x3F9A]  }
0x29: {  	s4 =	sld [smem:$0x3F9C]  }
0x2a: {  	p0 =	seq.s32 s5, $0x0;
	s5 =	sld [smem:$0x3F9D]  }
0x2b: {  	s6 =	sld [smem:$0x3F9E]  }
0x2c: {  	s7 =	sld [smem:$0x3F9F]  }
0x2d: {  	s3 =	simm.s32 $0x108;
	s8 =	sld [smem:$0x3FA0]  }
0x2e: {  	s3 =	simm.s32 @!p0 $0x1082;
	s9 =	sld [smem:$0x3FA1]  }
0x2f: {  	lr =	sadd.s32 s0, s3;
	s0 =	sld [smem:$0x3F98]  }
0x30: {  	s3 =	sld [smem:$0x3F9B]  }
0x31: {  	[smem:$0x3FA4] =	sst s10  }
0x32: {  	s10 =	sld [smem:$0x3FA2];
	_ =	sdelay $0x3  }
0x33: {  	p0 =	seq.s32 s10, $0x1;
	s10 =	sld [smem:$0x3FA4];
	_ =	sdelay $0x3  }
0x34: {  	[smem:$0x3FA4] =	sst s10  }
0x35: {  	s10 =	sld [smem:$0x3FA3];
	_ =	sdelay $0x3  }
0x36: {  	p1 =	seq.s32 s10, $0x1;
	s10 =	sld [smem:$0x3FA4];
	_ =	sdelay $0x3  }
0x37: {  	[smem:$0x3FA4] =	sst s10  }
0x38: {  	s10 =	sld [smem:$0x3FA5]  }
0x39: {  	_ = 	snop;
	(pc) =	sbr.ind lr, $3  }
0x3a: {  	_ = 	snop  }
0x3b: {  	_ = 	snop  }
0x3c: {  	p2 =	seq.s32 s10, $0x1;
	s10 =	sld [smem:$0x3FA4]  }
0x3d: {  	_ =	shalt  }
0x3e: {  	_ =	shalt  }
0x3f: {  	_ =	shalt  }
0x40: {  	_ =	shalt  }
0x41: {  	_ =	shalt  }
0x42: {  	_ =	shalt  }
0x43: {  	_ =	shalt  }
0x44: {  	_ =	shalt  }
0x45: {  	_ =	shalt  }
0x46: {  	_ =	shalt  }
0x47: {  	_ =	shalt  }
0x48: {  	_ =	shalt  }
0x49: {  	_ =	shalt  }
0x4a: {  	_ =	shalt  }
0x4b: {  	_ =	shalt  }
0x4c: {  	_ =	shalt  }
0x4d: {  	_ =	shalt  }
0x4e: {  	_ =	shalt  }
0x4f: {  	_ =	shalt  }
0x50: {  	_ =	shalt  }
0x51: {  	_ =	shalt  }
0x52: {  	_ =	shalt  }
0x53: {  	_ =	shalt  }
0x54: {  	_ =	shalt  }
0x55: {  	_ =	shalt  }
0x56: {  	_ =	shalt  }
0x57: {  	_ =	shalt  }
0x58: {  	_ =	shalt  }
0x59: {  	_ =	shalt  }
0x5a: {  	_ =	shalt  }
0x5b: {  	_ =	shalt  }
0x5c: {  	_ =	shalt  }
0x5d: {  	_ =	shalt  }
0x5e: {  	_ =	shalt  }
0x5f: {  	_ =	shalt  }
0x60: {  	_ =	shalt  }
0x61: {  	_ =	shalt  }
0x62: {  	_ =	shalt  }
0x63: {  	_ =	shalt  }
0x64: {  	_ =	shalt  }
0x65: {  	_ =	shalt  }
0x66: {  	_ =	shalt  }
0x67: {  	_ =	shalt  }
0x68: {  	_ =	shalt  }
0x69: {  	_ =	shalt  }
0x6a: {  	_ =	shalt  }
0x6b: {  	_ =	shalt  }
0x6c: {  	_ =	shalt  }
0x6d: {  	_ =	shalt  }
0x6e: {  	_ =	shalt  }
0x6f: {  	_ =	shalt  }
0x70: {  	_ =	shalt  }
0x71: {  	_ =	shalt  }
0x72: {  	_ =	shalt  }
0x73: {  	_ =	shalt  }
0x74: {  	_ =	shalt  }
0x75: {  	_ =	shalt  }
0x76: {  	_ =	shalt  }
0x77: {  	_ =	shalt  }
0x78: {  	_ =	shalt  }
0x79: {  	_ =	shalt  }
0x7a: {  	_ =	shalt  }
0x7b: {  	_ =	shalt  }
0x7c: {  	_ =	shalt  }
0x7d: {  	_ =	shalt  }
0x7e: {  	_ =	shalt  }
0x7f: {  	_ =	shalt  }
0x80: {  	_ =	shalt  }
0x81: {  	_ =	shalt  }
0x82: {  	_ =	shalt  }
0x83: {  	_ =	shalt  }
0x84: {  	_ =	shalt  }
0x85: {  	_ =	shalt  }
0x86: {  	_ =	shalt  }
0x87: {  	_ =	shalt  }
.Lfunc_end0:
.L_simem_size_0:
called_computation.10_lowered:
.L_overlay_start_0:
0x88: {  	s2 =	sld [smem:$0x3FD9]  }
0x89: {  	s3 =	sld [smem:$0x3FFE];
	_ =	sdelay $0x1  }
0x8a: {  	s1 =	srdreg.scid  }
0x8b: {  	s0 =	sand.u32 $0x1, s1  }
0x8c: {  	s17 =	sshll.u32 s0, $0xA;
	s2 =	sadd.s32 s3, s2  }
0x8d: {  	s2 =	sadd.s32 s2, s17  }
0x8e: {  	[smem:$0x3FB0] =	sst s2  }
0x8f: {  	_ = 	snop  }
0x90: {  	(tm) =	ssettm $0x1  }
0x91: {  	s18 =	sld [smem:$0x3FFB];
	_ =	sdelay $0x3  }
0x92: {  	_ =	strace s18  }
0x93: {  	s2 =	sld [smem:$0x3FFC];
	_ =	sdelay $0x3  }
0x94: {  	_ =	strace s2  }
0x95: {  	s2 =	sld [smem:$0x3FFD];
	_ =	sdelay $0x3  }
0x96: {  	_ =	strace s2  }
0x97: {  	_ =	strace $0x8FFFFFFF  }
0x98: {  	s19 =	sld [smem:$0x3FDB];
	_ =	sdelay $0x1  }
0x99: {  	s20 =	simm.s32 $_scs_section_size  }
0x9a: {  	s4 =	simm.s32 $_size__tile_overlayer_lowered;
	s5 =	simm.s32 $_tile_overlayer_lowered  }
0x9b: {  	s6 =	simm.s32 $0x1BFF;
	s21 =	sshll.u32 s5, $0x1;
	s3 =	sadd.s32 s20, s19  }
0x9c: {  	s22 =	simm.s32 $0x0;
	s4 =	sshll.u32 s4, $0x1;
	s5 =	sadd.s32 s21, s3  }
0x9d: {  	[timem:s22], [sflag:s6] =	dma.local [hbm:s5], s4  }
0x9e: {  	_ =	swait.ge [sflag:s6], s4  }
0x9f: {  	s4 =	ssub.s32 $0x0, s4;
	[sflag:s6] =	ssyncset.done $0x0  }
0xa0: {  	[sflag:s6] =	ssyncadd.s32 s4;
	_ =	sdelay $0x1  }
0xa1: {  	s23 =	simm.s32 $0x1B8B  }
0xa2: {  	_ =	swait.ge [sflag:s23], $0x1  }
0xa3: {  	[sflag:s23] =	ssyncset.done $0x0  }
0xa4: {  	[sflag:s23] =	ssyncadd.s32 $0xFFFFFFFF  }
0xa5: {  	s4 =	sld [smem:$0x0]  }
0xa6: {  	s5 =	sand.u32 $0xFFFFFFFE, s1  }
0xa7: {  	p0 =	sne.s32 s1, s5  }
0xa8: {  	s5 =	sshll.u32 @p0 s5, $0xE  }
0xa9: {  	s5 =	sadd.s32 @p0 $0x11B8D, s5;
	s6 =	sshll.u32 @p0 s4, $0x11  }
0xaa: {  	s5 =	sor.u32 @p0 s6, s5  }
0xab: {  	[sflag:s5] =	ssyncadd.remote.s32 @p0 $0x1;
	_ =	sdelay $0x1  }
0xac: {  	s5 =	simm.s32 @p0 $0x1B8D  }
0xad: {  	_ =	swait.eq @p0 [sflag:s5], $0x1  }
0xae: {  	[sflag:s5] =	ssyncadd.s32 @p0 $0xFFFFFFFF  }
0xaf: {  	s6 =	sshll.u32 @!p0 s1, $0xE  }
0xb0: {  	s6 =	sor.u32 @!p0 $0x4000, s6;
	s5 =	simm.s32 @!p0 $0x1B8D  }
0xb1: {  	s4 =	sshll.u32 @!p0 s4, $0x11;
	s6 =	sadd.s32 @!p0 $0x11B8D, s6;
	_ =	swait.eq @!p0 [sflag:s5], $0x1  }
0xb2: {  	s4 =	sor.u32 @!p0 s4, s6;
	[sflag:s5] =	ssyncadd.s32 @!p0 $0xFFFFFFFF  }
0xb3: {  	s25 =	simm.s32 $0x1B8E;
	s24 =	sld [smem:$0x3FFE];
	[sflag:s4] =	ssyncadd.remote.s32 @!p0 $0x1  }
0xb4: {  	s26 =	simm.s32 $execute0_lowered;
	[smem:$0x3FD2] =	sst s25  }
0xb5: {  	s5 =	sshll.u32 s26, $0x1;
	_ =	strace $0x80000067;
	[dreg:$0x1] =	wrdreg $0xFFFFFFFF  }
0xb6: {  	s28 =	simm.s32 $_size_execute0_lowered;
	s3 =	sadd.s32 s3, s5;
	[dreg:$0x0] =	wrdreg $0x0  }
0xb7: {  	s5 =	sshll.u32 s28, $0x1;
	[dreg:$0x2] =	wrdreg s3  }
0xb8: {  	[dreg:$0x3] =	wrdreg s5  }
0xb9: {  	[dreg:$0x4] =	wrdreg $0xC0  }
0xba: {  	_ =	task [dreg:s22], $0x5FFFF  }
0xbb: {  	[dreg:$0x1] =	wrdreg $0xFFFFFFFF  }
0xbc: {  	[dreg:$0x0] =	wrdreg $0x60  }
0xbd: {  	[dreg:$0x2] =	wrdreg s24  }
0xbe: {  	[dreg:$0x3] =	wrdreg $0x0  }
0xbf: {  	[dreg:$0x4] =	wrdreg $0x9  }
0xc0: {  	_ =	task.clear_ibuf [dreg:s22], $0x5FFFF;
	_ =	strace $0x90000067  }
0xc1: {  	s29 =	simm.s32 $0x9;
	_ =	strace $0x80000069  }
0xc2: {  	_ =	swait.ge [sflag:s29], $0x1  }
0xc3: {  	[sflag:s29] =	ssyncadd.s32 $0xFFFFFFFF  }
0xc4: {  	_ =	strace $0x90000069  }
0xc5: {  	_ =	sfence  }
0xc6: {  	s30 =	sld [smem:$0x0];
	_ =	sdelay $0x2  }
0xc7: {  	s31 =	sshll.u32 s1, $0xD;
	s1 =	sshrl.u32 s1, $0x2  }
0xc8: {  	s4 =	sand.u32 $0x4000, s31;
	s1 =	sadd.s32 s1, s30  }
0xc9: {  	s0 =	sor.u32 s4, s0;
	s1 =	sshll.u32 s1, $0x11  }
0xca: {  	s0 =	sor.u32 s1, s0  }
0xcb: {  	s0 =	sadd.s32 $0x8F2B, s0  }
0xcc: {  	[sflag:s0] =	ssyncadd.remote.s32 $0x1  }
0xcd: {  	_ =	sfence.sel $0xFFFF  }
0xce: {  	[dreg:$0x0] =	wrdreg $0xFFFFFFFF;
	(pc) =	sbr.abs _section_cstart, $3  }
0xcf: {  	[dreg:$0x1] =	wrdreg $0xFFFFFFFF  }
0xd0: {  	_ =	task.clear_ibuf [dreg:s22], $0x2FFFF;
	_ =	strace $0x9FFFFFFF  }
0xd1: {  	(tm) =	ssettm $0x7FFFFFFF  }
tec
execute0_lowered:
.L_overlay_start_1:
0x0: {  	(tag) =	ssettag $0x1  }
0x1: {  	s6 =	rddreg [dreg:$0x0]  }
0x2: {  	s1 =	rddreg [dreg:$0x1]  }
0x3: {  	s0 =	rddreg [dreg:$0x2];
	s3 =	simm.s32 $0x0;
	s2 =	srdreg.scid  }
0x4: {  	[smem:$0x7FF] =	sst s3;
	s7 =	sand.u32 $0x1, s2  }
0x5: {  	s2 =	stileid.u32;
	s4 =	sadd.s32 $0x29B400, s6;
	s15 =	smul.u32 $0x61C0, s7  }
0x6: {  	s5 =	sadd.s32 $0xE1400, s6;
	_ =	strace $0x80000068;
	s8 =	smul.u32 $0x61C, s2  }
0x7: {  	s9 =	smul.u32 $0x61D0, s2;
	s7 =	ssub.s32 $0x2, s7;
	s30 =	sshll.u32 s2, $0x6  }
0x8: {  	s14 =	smul.u32 $0x18700, s2;
	s11 =	sshrl.u32 s7, $0x1;
	s8 =	sadd.s32 s8, s15  }
0x9: {  	s10 =	sshrl.u32 s9, $0x3;
	s11 =	ssub.s32 s7, s11;
	s13 =	sadd.s32 s9, s1  }
0xa: {  	s7 =	sor.u32 $0x1C01, s30;
	s16 =	sadd.s32 $0x61C0, s15;
	s31 =	sshrl.u32 s14, $0x2  }
0xb: {  	s14 =	simm.s32 $0x65D0;
	v0 =	vmov s15;
	s15 =	simm.s32 $0x200;
	s8 =	sshll.u32 s8, $0x1  }
0xc: {  	s10 =	sadd.s32 s10, s6;
	s17 =	sadd.s32 s31, s1;
	v1 =	vmov s16;
	s16 =	simm.s32 $0x63D0  }
0xd: {  	s12 =	sadd.s32 s8, s6;
	s6 =	sadd.s32 $0x5600, s10;
	s8 =	smul.u32 $0xD000, s2  }
0xe: {  	s10 =	smax.u32 s11, $0x1;
	s11 =	sshrl.u32 s13, $0x3;
	s13 =	simm.s32 $0x61D0  }
0xf: {  	s17 =	sshrl.u32 s17, $0x3;
	s9 =	sadd.s32 $0x2A200, s12;
	s12 =	simm.s32 $0x1  }
.LBB2_1:
0x10: {  	[spmem:s11], [sflag:s7] =	dma.local [hbm:s6], $0xC3A  }
0x11: {  	_ =	swait.ge [sflag:s12], $0xC3A  }
0x12: {  	[sflag:s12] =	ssyncset.done $0x0  }
0x13: {  	[sflag:s12] =	ssyncadd.s32 $0xFFFFF3C6  }
0x14: {  	s18 =	simm.s32 $0x0;
	[bflag:$0x0] =	sbarrier.arrive $0xFFFF  }
.LBB2_2:
0x15: {  	s19 =	sshll.u32 s18, $0x9  }
0x16: {  	s19 =	sadd.s32 s8, s19  }
0x17: {  	s20 =	sshrl.u32 s19, $0x3  }
0x18: {  	s21 =	simm.s32 $0x0;
	s20 =	sadd.s32 s5, s20  }
0x19: {  	[tilespmem:s13], [sflag:$0x1] =	stream.linear.gather [hbm4b:s20+s21], $0x200, $0x38;
	[tilespmem:$0x85D0] =	vst v63  }
0x1a: {  	_ =	swait.ge [sflag:s12], $0x200  }
0x1b: {  	s19 =	sshll.u32 s19, $0x1;
	[sflag:s12] =	ssyncset.done $0x0  }
0x1c: {  	s19 =	sadd.s32 s4, s19;
	[sflag:s12] =	ssyncadd.s32 $0xFFFFFE00  }
0x1d: {  	[tilespmem:s14], [sflag:$0x1] =	stream.linear.gather [hbm4b:s19+s21], $0x2000, $0x38;
	[tilespmem:$0x85D0] =	vst v63  }
0x1e: {  	_ =	swait.ge [sflag:s12], $0x2000  }
0x1f: {  	[sflag:s12] =	ssyncset.done $0x0  }
0x20: {  	s19 =	simm.s32 $0x0;
	[sflag:s12] =	ssyncadd.s32 $0xFFFFE000  }
0x21: {  	s20 =	simm.s32 $0x40;
	v2 =	vld [tilespmem:s19+$0x61D0]  }
.LBB2_3:
0x22: {  	_ =	sdelay $0x1  }
0x23: {  	p0 =	sne.s32 s20, $0x7C0  }
.Ltmp0:
0x24: {  	_ = 	snop;
	(pc) =	sbr.rel @p0 .LBB2_3-.Ltmp0, $4  }
0x25: {  	vm0 =	vge.s32 v2, v0;
	vm1 =	vlt.s32 v2, v1  }
0x26: {  	v3 =	vsub.s32 v2, v0;
	vm0 =	vmand vm0, vm1  }
0x27: {  	s21 =	sshra.s32 s20, $0x2;
	v3 =	vnsel vm0, $0x61C0, v3  }
0x28: {  	s20 =	sadd.s32 $0x40, s20;
	v2 =	vld [tilespmem:s21+$0x61D0];
	[tilespmem:s19+$0x63D0] =	vst v3;
	s19 =	smov.u32 s21  }
0x29: {  	_ =	sdelay $0x3  }
0x2a: {  	vm0 =	vge.s32 v2, v0;
	vm1 =	vlt.s32 v2, v1  }
0x2b: {  	s18 =	sadd.s32 $0x1, s18;
	v2 =	vsub.s32 v2, v0;
	vm0 =	vmand vm0, vm1  }
0x2c: {  	p0 =	sne.s32 s18, $0x68;
	v2 =	vnsel vm0, $0x61C0, v2  }
.Ltmp1:
0x2d: {  	[tilespmem:s19+$0x63D0] =	vst v2;
	(pc) =	sbr.rel @p0 .LBB2_2-.Ltmp1, $4  }
0x2e: {  	[spmem:s1] =	stream.indirect.scatter.add.f32 [tilespmem:s14], [sflag:$0x1], $0x10, s16, s15, $0xb8;
	[tilespmem:$0x85D0] =	vst v63  }
0x2f: {  	_ =	swait.ge [sflag:s12], $0x2000  }
0x30: {  	[sflag:s12] =	ssyncset.done $0x0  }
0x31: {  	[sflag:s12] =	ssyncadd.s32 $0xFFFFE000  }
0x32: {  	s3 =	sadd.s32 $0x1, s3  }
0x33: {  	p0 =	sne.s32 s3, s10  }
.Ltmp2:
0x34: {  	[bflag:$0x0] =	sbarrier.arrive $0xFFFF;
	(pc) =	sbr.rel @p0 .LBB2_1-.Ltmp2, $4  }
0x35: {  	[hbm:s9], [sflag:s7] =	dma.local [spmem:s17], $0xC38  }
0x36: {  	_ =	swait.ge [sflag:s12], $0xC38  }
0x37: {  	[sflag:s12] =	ssyncset.done $0x0  }
0x38: {  	[sflag:s12] =	ssyncadd.s32 $0xFFFFF3C8  }
0x39: {  	_ =	sfence.sel $0x180000  }
0x3a: {  	[bflag:$0x0] =	sbarrier.arrive $0xFFFF  }
0x3b: {  	p0 =	sne.s32 s2, $0x0;
	_ =	strace $0x90000068  }
0x3c: {  	s0 =	sadd.s32 @!p0 $0x100000, s0;
	[bflag:$0x2] =	sbarrier.arrive $0xFFFF  }
0x3d: {  	[sflag:s0] =	ssyncadd.tile.s32 @!p0 $0x1;
	_ =	shalt  }
.Lfunc_end2:
_tile_overlayer_lowered:
.L_overlay_start_2:
0x3e: {  	(tag) =	ssettag $0x2  }
0x3f: {  	s0 =	rddreg [dreg:$0x0];
	s2 =	stileid.u32  }
0x40: {  	s1 =	rddreg [dreg:$0x1];
	p0 =	sne.s32 s2, $0x0  }
0x41: {  	s3 =	rddreg [dreg:$0x2];
	[bflag:$0x3] =	sbarrier.arrive $0xFFFF;
	s2 =	simm.s32 @!p0 $0x1C01  }
0x42: {  	[timem:s3], [sflag:s2] =	dma.local @!p0 [hbm:s0], s1  }
0x43: {  	s0 =	simm.s32 @!p0 $0x1  }
0x44: {  	_ =	swait.ge @!p0 [sflag:s0], s1  }
0x45: {  	s1 =	ssub.s32 @!p0 $0x0, s1;
	[sflag:s0] =	ssyncset.done @!p0 $0x0  }
0x46: {  	[sflag:s0] =	ssyncadd.s32 @!p0 s1  }
0x47: {  	[bflag:$0x3] =	sbarrier.arrive $0xFFFF  }
0x48: {  	_ =	shalt  }

// kernel: kernel.62.cloned.1.call-start
scs
__scs_entry_jumppad:
0x0: {  	(pc) =	sbr.rel $0x88, $3  }
0x1: {  	(tag) =	ssettag $0x0;
	lr =	simm.s32 $0x1  }
0x2: {  	[smem:$0x3F89] =	sst lr;
	_ =	strace $0xD0000000  }
0x3: {  	_ = 	snop  }
0x4: {  	_ = 	snop  }
0x5: {  	_ = 	snop  }
0x6: {  	_ = 	snop  }
0x7: {  	_ = 	snop  }
__scs_overlays_trampoline_lowered:
0x8: {  	[smem:$0x3F98] =	sst s0  }
0x9: {  	[smem:$0x3F99] =	sst s1  }
0xa: {  	[smem:$0x3F9A] =	sst s2  }
0xb: {  	[smem:$0x3F9B] =	sst s3  }
0xc: {  	[smem:$0x3F9C] =	sst s4  }
0xd: {  	[smem:$0x3F9D] =	sst s5  }
0xe: {  	[smem:$0x3F9E] =	sst s6  }
0xf: {  	[smem:$0x3F9F] =	sst s7  }
0x10: {  	[smem:$0x3FA0] =	sst s8  }
0x11: {  	[smem:$0x3FA1] =	sst s9;
	s0 =	simm.s32 @!p0 $0x0  }
0x12: {  	s1 =	sld [smem:$0x3F87];
	s0 =	simm.s32 @p0 $0x1  }
0x13: {  	[smem:$0x3FA2] =	sst s0;
	s0 =	simm.s32 @!p1 $0x0  }
0x14: {  	s2 =	sld [smem:$0x3F86];
	s0 =	simm.s32 @p1 $0x1  }
0x15: {  	[smem:$0x3FA3] =	sst s0;
	s0 =	simm.s32 @!p2 $0x0  }
0x16: {  	s3 =	sld [smem:$0x3FDB];
	s0 =	simm.s32 @p2 $0x1  }
0x17: {  	s4 =	simm.s32 $0x1BF5;
	[smem:$0x3FA5] =	sst s0  }
0x18: {  	s0 =	sld [smem:$0x3F88];
	_ =	swait.ge [sflag:s4], $0x0  }
0x19: {  	s7 =	sld [smem:$0x3F89]  }
0x1a: {  	s8 =	sadd.s32 $0xFFFFE003, lr  }
0x1b: {  	s9 =	sadd.s32 $0xFFFFFEF7, lr;
	s5 =	simm.s32 $0xFFFFFFFF;
	p2 =	slt.u32 s8, $0xFFFFF086  }
0x1c: {  	p1 =	slt.u32 s9, $0xF7A;
	s5 =	simm.s32 @!p2 $0x0  }
0x1d: {  	s5 =	simm.s32 @p1 $0x1;
	p0 =	seq.s32 s7, s2  }
0x1e: {  	s7 =	smul.u32 @!p0 $0xF7A, s2;
	p2 =	seq.s32 @!p0 s5, $0x0  }
0x1f: {  	s9 =	smul.u32 $0xF7A, s1;
	s8 =	simm.s32 @!p0 $0x1BF5;
	p2 =	por !p2, p0  }
0x20: {  	[sflag:s8] =	ssyncset.s32 @!p0 $0xFFFFF086;
	s6 =	sadd.s32 @!p0 s3, s7;
	s7 =	simm.s32 @!p0 $0x108  }
0x21: {  	s3 =	sadd.s32 s3, s9;
	s6 =	sadd.s32 @!p0 $0x88, s6;
	s7 =	simm.s32 @p2 $0x1082  }
0x22: {  	[simem:s7], [sflag:s8] =	dma.local @!p0 [hbm:s6], $0xF7A  }
0x23: {  	s9 =	sor.u32 $0xD0000000, s2;
	s6 =	simm.s32 $0x108;
	_ =	swait.ge @!p0 [sflag:s8], $0x0  }
0x24: {  	s3 =	sadd.s32 $0x88, s3;
	s6 =	simm.s32 @!p1 $0x1082;
	[sflag:s4] =	ssyncset.s32 $0xFFFFF086  }
0x25: {  	[simem:s6], [sflag:s4] =	dma.local [hbm:s3], $0xF7A  }
0x26: {  	[smem:$0x3F89] =	sst s1;
	(tag) =	ssettag s2;
	_ =	strace s9  }
0x27: {  	s1 =	sld [smem:$0x3F99]  }
0x28: {  	s2 =	sld [smem:$0x3F9A]  }
0x29: {  	s4 =	sld [smem:$0x3F9C]  }
0x2a: {  	p0 =	seq.s32 s5, $0x0;
	s5 =	sld [smem:$0x3F9D]  }
0x2b: {  	s6 =	sld [smem:$0x3F9E]  }
0x2c: {  	s7 =	sld [smem:$0x3F9F]  }
0x2d: {  	s3 =	simm.s32 $0x108;
	s8 =	sld [smem:$0x3FA0]  }
0x2e: {  	s3 =	simm.s32 @!p0 $0x1082;
	s9 =	sld [smem:$0x3FA1]  }
0x2f: {  	lr =	sadd.s32 s0, s3;
	s0 =	sld [smem:$0x3F98]  }
0x30: {  	s3 =	sld [smem:$0x3F9B]  }
0x31: {  	[smem:$0x3FA4] =	sst s10  }
0x32: {  	s10 =	sld [smem:$0x3FA2];
	_ =	sdelay $0x3  }
0x33: {  	p0 =	seq.s32 s10, $0x1;
	s10 =	sld [smem:$0x3FA4];
	_ =	sdelay $0x3  }
0x34: {  	[smem:$0x3FA4] =	sst s10  }
0x35: {  	s10 =	sld [smem:$0x3FA3];
	_ =	sdelay $0x3  }
0x36: {  	p1 =	seq.s32 s10, $0x1;
	s10 =	sld [smem:$0x3FA4];
	_ =	sdelay $0x3  }
0x37: {  	[smem:$0x3FA4] =	sst s10  }
0x38: {  	s10 =	sld [smem:$0x3FA5]  }
0x39: {  	_ = 	snop;
	(pc) =	sbr.ind lr, $3  }
0x3a: {  	_ = 	snop  }
0x3b: {  	_ = 	snop  }
0x3c: {  	p2 =	seq.s32 s10, $0x1;
	s10 =	sld [smem:$0x3FA4]  }
0x3d: {  	_ =	shalt  }
0x3e: {  	_ =	shalt  }
0x3f: {  	_ =	shalt  }
0x40: {  	_ =	shalt  }
0x41: {  	_ =	shalt  }
0x42: {  	_ =	shalt  }
0x43: {  	_ =	shalt  }
0x44: {  	_ =	shalt  }
0x45: {  	_ =	shalt  }
0x46: {  	_ =	shalt  }
0x47: {  	_ =	shalt  }
0x48: {  	_ =	shalt  }
0x49: {  	_ =	shalt  }
0x4a: {  	_ =	shalt  }
0x4b: {  	_ =	shalt  }
0x4c: {  	_ =	shalt  }
0x4d: {  	_ =	shalt  }
0x4e: {  	_ =	shalt  }
0x4f: {  	_ =	shalt  }
0x50: {  	_ =	shalt  }
0x51: {  	_ =	shalt  }
0x52: {  	_ =	shalt  }
0x53: {  	_ =	shalt  }
0x54: {  	_ =	shalt  }
0x55: {  	_ =	shalt  }
0x56: {  	_ =	shalt  }
0x57: {  	_ =	shalt  }
0x58: {  	_ =	shalt  }
0x59: {  	_ =	shalt  }
0x5a: {  	_ =	shalt  }
0x5b: {  	_ =	shalt  }
0x5c: {  	_ =	shalt  }
0x5d: {  	_ =	shalt  }
0x5e: {  	_ =	shalt  }
0x5f: {  	_ =	shalt  }
0x60: {  	_ =	shalt  }
0x61: {  	_ =	shalt  }
0x62: {  	_ =	shalt  }
0x63: {  	_ =	shalt  }
0x64: {  	_ =	shalt  }
0x65: {  	_ =	shalt  }
0x66: {  	_ =	shalt  }
0x67: {  	_ =	shalt  }
0x68: {  	_ =	shalt  }
0x69: {  	_ =	shalt  }
0x6a: {  	_ =	shalt  }
0x6b: {  	_ =	shalt  }
0x6c: {  	_ =	shalt  }
0x6d: {  	_ =	shalt  }
0x6e: {  	_ =	shalt  }
0x6f: {  	_ =	shalt  }
0x70: {  	_ =	shalt  }
0x71: {  	_ =	shalt  }
0x72: {  	_ =	shalt  }
0x73: {  	_ =	shalt  }
0x74: {  	_ =	shalt  }
0x75: {  	_ =	shalt  }
0x76: {  	_ =	shalt  }
0x77: {  	_ =	shalt  }
0x78: {  	_ =	shalt  }
0x79: {  	_ =	shalt  }
0x7a: {  	_ =	shalt  }
0x7b: {  	_ =	shalt  }
0x7c: {  	_ =	shalt  }
0x7d: {  	_ =	shalt  }
0x7e: {  	_ =	shalt  }
0x7f: {  	_ =	shalt  }
0x80: {  	_ =	shalt  }
0x81: {  	_ =	shalt  }
0x82: {  	_ =	shalt  }
0x83: {  	_ =	shalt  }
0x84: {  	_ =	shalt  }
0x85: {  	_ =	shalt  }
0x86: {  	_ =	shalt  }
0x87: {  	_ =	shalt  }
.Lfunc_end0:
.L_simem_size_0:
called_computation.11_lowered:
.L_overlay_start_0:
0x88: {  	s2 =	sld [smem:$0x3FD9]  }
0x89: {  	s3 =	sld [smem:$0x3FFE];
	_ =	sdelay $0x1  }
0x8a: {  	s1 =	srdreg.scid  }
0x8b: {  	s0 =	sand.u32 $0x1, s1  }
0x8c: {  	s16 =	sshll.u32 s0, $0xA;
	s2 =	sadd.s32 s3, s2  }
0x8d: {  	s2 =	sadd.s32 s2, s16  }
0x8e: {  	[smem:$0x3FB0] =	sst s2  }
0x8f: {  	_ = 	snop  }
0x90: {  	(tm) =	ssettm $0x1  }
0x91: {  	s17 =	sld [smem:$0x3FFB];
	_ =	sdelay $0x3  }
0x92: {  	_ =	strace s17  }
0x93: {  	s2 =	sld [smem:$0x3FFC];
	_ =	sdelay $0x3  }
0x94: {  	_ =	strace s2  }
0x95: {  	s2 =	sld [smem:$0x3FFD];
	_ =	sdelay $0x3  }
0x96: {  	_ =	strace s2  }
0x97: {  	_ =	strace $0x8FFFFFFF  }
0x98: {  	s18 =	sld [smem:$0x3FDB];
	_ =	sdelay $0x1  }
0x99: {  	s19 =	simm.s32 $_scs_section_size  }
0x9a: {  	s4 =	simm.s32 $_size__tile_overlayer_lowered;
	s5 =	simm.s32 $_tile_overlayer_lowered  }
0x9b: {  	s22 =	simm.s32 $0x1BFF;
	s21 =	sshll.u32 s5, $0x1;
	s2 =	sadd.s32 s19, s18  }
0x9c: {  	s6 =	simm.s32 $0x0;
	s20 =	sshll.u32 s4, $0x1;
	s4 =	sadd.s32 s21, s2  }
0x9d: {  	[timem:s6], [sflag:s22] =	dma.local [hbm:s4], s20  }
0x9e: {  	_ =	swait.ge [sflag:s22], s20  }
0x9f: {  	s3 =	ssub.s32 $0x0, s20;
	[sflag:s22] =	ssyncset.done $0x0  }
0xa0: {  	[sflag:s22] =	ssyncadd.s32 s3;
	_ =	sdelay $0x1  }
0xa1: {  	s23 =	simm.s32 $0x1B8B  }
0xa2: {  	_ =	swait.ge [sflag:s23], $0x1  }
0xa3: {  	[sflag:s23] =	ssyncset.done $0x0  }
0xa4: {  	s25 =	simm.s32 $0x1B8E;
	s24 =	sld [smem:$0x3FFE];
	[sflag:s23] =	ssyncadd.s32 $0xFFFFFFFF  }
0xa5: {  	s26 =	simm.s32 $execute0_lowered;
	[smem:$0x3FD2] =	sst s25  }
0xa6: {  	s4 =	sshll.u32 s26, $0x1;
	_ =	strace $0x80000064;
	[dreg:$0x1] =	wrdreg $0xFFFFFFFF  }
0xa7: {  	s28 =	simm.s32 $_size_execute0_lowered;
	s2 =	sadd.s32 s2, s4;
	[dreg:$0x0] =	wrdreg $0x0  }
0xa8: {  	s4 =	sshll.u32 s28, $0x1;
	[dreg:$0x2] =	wrdreg s2  }
0xa9: {  	[dreg:$0x3] =	wrdreg s4  }
0xaa: {  	[dreg:$0x4] =	wrdreg $0xC0  }
0xab: {  	_ =	task [dreg:s6], $0x5FFFF  }
0xac: {  	[dreg:$0x1] =	wrdreg $0xFFFFFFFF  }
0xad: {  	[dreg:$0x0] =	wrdreg $0x60  }
0xae: {  	[dreg:$0x2] =	wrdreg s24  }
0xaf: {  	[dreg:$0x3] =	wrdreg $0x0  }
0xb0: {  	[dreg:$0x4] =	wrdreg $0xA  }
0xb1: {  	_ =	task.clear_ibuf [dreg:s6], $0x5FFFF;
	_ =	strace $0x90000064  }
0xb2: {  	s29 =	simm.s32 $0xA;
	_ =	strace $0x80000066  }
0xb3: {  	_ =	swait.ge [sflag:s29], $0x1  }
0xb4: {  	[sflag:s29] =	ssyncadd.s32 $0xFFFFFFFF  }
0xb5: {  	_ =	strace $0x90000066  }
0xb6: {  	_ =	sfence  }
0xb7: {  	s30 =	sld [smem:$0x0];
	_ =	sdelay $0x2  }
0xb8: {  	s31 =	sshll.u32 s1, $0xD;
	s1 =	sshrl.u32 s1, $0x2  }
0xb9: {  	s3 =	sand.u32 $0x4000, s31;
	s1 =	sadd.s32 s1, s30  }
0xba: {  	s0 =	sor.u32 s3, s0;
	s1 =	sshll.u32 s1, $0x11  }
0xbb: {  	s0 =	sor.u32 s1, s0  }
0xbc: {  	s0 =	sadd.s32 $0x8F2B, s0  }
0xbd: {  	[sflag:s0] =	ssyncadd.remote.s32 $0x1  }
0xbe: {  	_ =	sfence.sel $0xFFFF  }
0xbf: {  	[dreg:$0x0] =	wrdreg $0xFFFFFFFF;
	(pc) =	sbr.abs _section_cstart, $3  }
0xc0: {  	[dreg:$0x1] =	wrdreg $0xFFFFFFFF  }
0xc1: {  	_ =	task.clear_ibuf [dreg:s6], $0x2FFFF;
	_ =	strace $0x9FFFFFFF  }
0xc2: {  	(tm) =	ssettm $0x7FFFFFFF  }
0xc3: {  	_ =	shalt  }
tec
execute0_lowered:
.L_overlay_start_1:
0x0: {  	(tag) =	ssettag $0x1  }
0x1: {  	s6 =	rddreg [dreg:$0x0]  }
0x2: {  	s1 =	rddreg [dreg:$0x1]  }
0x3: {  	s2 =	srdreg.scid;
	s0 =	rddreg [dreg:$0x2]  }
0x4: {  	s3 =	simm.s32 $0x0;
	s7 =	sand.u32 $0x1, s2;
	s2 =	stileid.u32  }
0x5: {  	[smem:$0x7FF] =	sst s3;
	s4 =	sadd.s32 $0xFB400, s6;
	s15 =	smul.u32 $0x61C0, s7  }
0x6: {  	s5 =	sadd.s32 $0xE1400, s6;
	s8 =	smul.u32 $0x61C, s2;
	_ =	strace $0x80000065  }
0x7: {  	s9 =	smul.u32 $0x61D0, s2;
	s7 =	ssub.s32 $0x2, s7;
	s30 =	sshll.u32 s2, $0x6  }
0x8: {  	s14 =	smul.u32 $0x18700, s2;
	s11 =	sshrl.u32 s7, $0x1;
	s8 =	sadd.s32 s8, s15  }
0x9: {  	s10 =	sshrl.u32 s9, $0x3;
	s11 =	ssub.s32 s7, s11;
	s13 =	sadd.s32 s9, s1  }
0xa: {  	s7 =	sor.u32 $0x1C01, s30;
	s16 =	sadd.s32 $0x61C0, s15;
	s31 =	sshrl.u32 s14, $0x2  }
0xb: {  	s14 =	simm.s32 $0x65D0;
	v0 =	vmov s15;
	s15 =	simm.s32 $0x200;
	s8 =	sshll.u32 s8, $0x1  }
0xc: {  	s10 =	sadd.s32 s10, s6;
	s17 =	sadd.s32 s31, s1;
	v1 =	vmov s16;
	s16 =	simm.s32 $0x63D0  }
0xd: {  	s12 =	sadd.s32 s8, s6;
	s6 =	sadd.s32 $0x5600, s10;
	s8 =	smul.u32 $0xD000, s2  }
0xe: {  	s10 =	smax.u32 s11, $0x1;
	s11 =	sshrl.u32 s13, $0x3;
	s13 =	simm.s32 $0x61D0  }
0xf: {  	s17 =	sshrl.u32 s17, $0x3;
	s9 =	sadd.s32 $0x11A00, s12;
	s12 =	simm.s32 $0x1  }
.LBB2_1:
0x10: {  	[spmem:s11], [sflag:s7] =	dma.local [hbm:s6], $0xC3A  }
0x11: {  	_ =	swait.ge [sflag:s12], $0xC3A  }
0x12: {  	[sflag:s12] =	ssyncset.done $0x0  }
0x13: {  	[sflag:s12] =	ssyncadd.s32 $0xFFFFF3C6  }
0x14: {  	s18 =	simm.s32 $0x0;
	[bflag:$0x0] =	sbarrier.arrive $0xFFFF  }
.LBB2_2:
0x15: {  	s19 =	sshll.u32 s18, $0x9  }
0x16: {  	s19 =	sadd.s32 s8, s19  }
0x17: {  	s20 =	sshrl.u32 s19, $0x3  }
0x18: {  	s21 =	simm.s32 $0x0;
	s20 =	sadd.s32 s5, s20  }
0x19: {  	[tilespmem:s13], [sflag:$0x1] =	stream.linear.gather [hbm4b:s20+s21], $0x200, $0x38;
	[tilespmem:$0x85D0] =	vst v63  }
0x1a: {  	_ =	swait.ge [sflag:s12], $0x200  }
0x1b: {  	s19 =	sshll.u32 s19, $0x1;
	[sflag:s12] =	ssyncset.done $0x0  }
0x1c: {  	s19 =	sadd.s32 s4, s19;
	[sflag:s12] =	ssyncadd.s32 $0xFFFFFE00  }
0x1d: {  	[tilespmem:s14], [sflag:$0x1] =	stream.linear.gather [hbm4b:s19+s21], $0x2000, $0x38;
	[tilespmem:$0x85D0] =	vst v63  }
0x1e: {  	_ =	swait.ge [sflag:s12], $0x2000  }
0x1f: {  	[sflag:s12] =	ssyncset.done $0x0  }
0x20: {  	s19 =	simm.s32 $0x0;
	[sflag:s12] =	ssyncadd.s32 $0xFFFFE000  }
0x21: {  	s20 =	simm.s32 $0x40;
	v2 =	vld [tilespmem:s19+$0x61D0]  }
.LBB2_3:
0x22: {  	_ =	sdelay $0x1  }
0x23: {  	p0 =	sne.s32 s20, $0x7C0  }
.Ltmp0:
0x24: {  	_ = 	snop;
	(pc) =	sbr.rel @p0 .LBB2_3-.Ltmp0, $4  }
0x25: {  	vm0 =	vge.s32 v2, v0;
	vm1 =	vlt.s32 v2, v1  }
0x26: {  	v3 =	vsub.s32 v2, v0;
	vm0 =	vmand vm0, vm1  }
0x27: {  	s21 =	sshra.s32 s20, $0x2;
	v3 =	vnsel vm0, $0x61C0, v3  }
0x28: {  	s20 =	sadd.s32 $0x40, s20;
	v2 =	vld [tilespmem:s21+$0x61D0];
	[tilespmem:s19+$0x63D0] =	vst v3;
	s19 =	smov.u32 s21  }
0x29: {  	_ =	sdelay $0x3  }
0x2a: {  	vm0 =	vge.s32 v2, v0;
	vm1 =	vlt.s32 v2, v1  }
0x2b: {  	s18 =	sadd.s32 $0x1, s18;
	v2 =	vsub.s32 v2, v0;
	vm0 =	vmand vm0, vm1  }
0x2c: {  	p0 =	sne.s32 s18, $0x68;
	v2 =	vnsel vm0, $0x61C0, v2  }
.Ltmp1:
0x2d: {  	[tilespmem:s19+$0x63D0] =	vst v2;
	(pc) =	sbr.rel @p0 .LBB2_2-.Ltmp1, $4  }
0x2e: {  	[spmem:s1] =	stream.indirect.scatter.add.f32 [tilespmem:s14], [sflag:$0x1], $0x10, s16, s15, $0xb8;
	[tilespmem:$0x85D0] =	vst v63  }
0x2f: {  	_ =	swait.ge [sflag:s12], $0x2000  }
0x30: {  	[sflag:s12] =	ssyncset.done $0x0  }
0x31: {  	[sflag:s12] =	ssyncadd.s32 $0xFFFFE000  }
0x32: {  	s3 =	sadd.s32 $0x1, s3  }
0x33: {  	p0 =	sne.s32 s3, s10  }
.Ltmp2:
0x34: {  	[bflag:$0x0] =	sbarrier.arrive $0xFFFF;
	(pc) =	sbr.rel @p0 .LBB2_1-.Ltmp2, $4  }
0x35: {  	[hbm:s9], [sflag:s7] =	dma.local [spmem:s17], $0xC38  }
0x36: {  	_ =	swait.ge [sflag:s12], $0xC38  }
0x37: {  	[sflag:s12] =	ssyncset.done $0x0  }
0x38: {  	[sflag:s12] =	ssyncadd.s32 $0xFFFFF3C8  }
0x39: {  	_ =	sfence.sel $0x180000  }
0x3a: {  	[bflag:$0x0] =	sbarrier.arrive $0xFFFF  }
0x3b: {  	p0 =	sne.s32 s2, $0x0;
	_ =	strace $0x90000065  }
0x3c: {  	s0 =	sadd.s32 @!p0 $0x100000, s0;
	[bflag:$0x2] =	sbarrier.arrive $0xFFFF  }
0x3d: {  	[sflag:s0] =	ssyncadd.tile.s32 @!p0 $0x1;
	_ =	shalt  }
.Lfunc_end2:
_tile_overlayer_lowered:
.L_overlay_start_2:
0x3e: {  	(tag) =	ssettag $0x2  }
0x3f: {  	s0 =	rddreg [dreg:$0x0];
	s2 =	stileid.u32  }
0x40: {  	s1 =	rddreg [dreg:$0x1];
	p0 =	sne.s32 s2, $0x0  }
0x41: {  	s3 =	rddreg [dreg:$0x2];
	[bflag:$0x3] =	sbarrier.arrive $0xFFFF;
	s2 =	simm.s32 @!p0 $0x1C01  }
0x42: {  	[timem:s3], [sflag:s2] =	dma.local @!p0 [hbm:s0], s1  }
0x43: {  	s0 =	simm.s32 @!p0 $0x1  }
0x44: {  	_ =	swait.ge @!p0 [sflag:s0], s1  }
0x45: {  	s1 =	ssub.s32 @!p0 $0x0, s1;
	[sflag:s0] =	ssyncset.done @!p0 $0x0  }
0x46: {  	[sflag:s0] =	ssyncadd.s32 @!p0 s1  }
0x47: {  	[bflag:$0x3] =	sbarrier.arrive $0xFFFF  }
0x48: {  	_ =	shalt  }

</sc_bundles>
